<compile_context>
chip_gen: v7x
topology: tpu7x:2x2x1
jax: 0.10.2.dev20260603
libtpu: 0.0.44.dev20260713+nightly
codegen_flags: <defaults>
</compile_context>

<pallas_src>
import math

import jax
import jax.numpy as jnp
from jax.experimental import pallas as pl
from jax.experimental.pallas import tpu as pltpu
from jax.experimental.pallas import tpu_sc as plsc
from jax import lax
import functools

_B, _N, _H, _L, _K = 8, 100, 128, 2, 10
_TI = 20
_NT = _N // _TI
_R = _TI * _N
_F32 = jnp.float32

_SCP = 112
_NV = _SCP // 16
_ROWS = 1024
_NW = 32
_RPW = _ROWS // _NW


def _lane_min(x, buf):
    for k in (8, 4, 2, 1):
        buf[pl.ds(0, 16)] = x
        buf[pl.ds(16, 16)] = x
        x = jnp.minimum(x, buf[pl.ds(k, 16)])
    return x


def _body(dist_hbm, adj_hbm, msk_hbm, work, adjbuf, mskbuf, rotbuf, sem):
    wid = lax.axis_index("s") * 2 + lax.axis_index("c")
    base = wid * _RPW
    zeros16 = jnp.zeros((16,), jnp.float32)
    ones16 = jnp.ones((16,), jnp.float32)
    neg16 = jnp.full((16,), -1.0, jnp.float32)
    inf16 = jnp.full((16,), jnp.inf, jnp.float32)
    big16f = jnp.full((16,), 1e9, jnp.float32)
    iota16 = lax.iota(jnp.int32, 16)
    iotas = [iota16.astype(jnp.float32) + jnp.float32(j * 16)
             for j in range(_NV)]

    pltpu.sync_copy(dist_hbm.at[pl.ds(base, _RPW)], work)

    def row_body(r, carry):
        rowid = base + r
        vs = [work[r, pl.ds(j * 16, 16)] for j in range(_NV)]
        avs = [zeros16] * _NV
        mvs = [zeros16] * _NV
        for t in range(_K + 1):
            m = vs[0]
            for j in range(1, _NV):
                m = jnp.minimum(m, vs[j])
            m = _lane_min(m, rotbuf)
            idxf = big16f
            for j in range(_NV):
                idxf = jnp.minimum(idxf, jnp.where(vs[j] == m, iotas[j],
                                                   big16f))
            idxf = _lane_min(idxf, rotbuf)
            for j in range(_NV):
                hit = iotas[j] == idxf
                avs[j] = jnp.where(hit, ones16, avs[j])
                if t >= 1:
                    mvs[j] = jnp.where(hit, ones16, mvs[j])
                vs[j] = jnp.where(hit, inf16, vs[j])
        diag = rowid - (rowid // _N) * _N
        diagv = lax.broadcast_in_dim(diag.astype(jnp.float32), (16,), ())
        for j in range(_NV):
            avs[j] = jnp.where(iotas[j] == diagv, neg16, avs[j])
            adjbuf[r, pl.ds(j * 16, 16)] = avs[j]
            mskbuf[r, pl.ds(j * 16, 16)] = mvs[j]
        return carry

    lax.fori_loop(0, _RPW, row_body, 0)
    pltpu.sync_copy(adjbuf, adj_hbm.at[pl.ds(base, _RPW)])
    pltpu.sync_copy(mskbuf, msk_hbm.at[pl.ds(base, _RPW)])


def sc_topk_adj(distp):
    mesh = plsc.VectorSubcoreMesh(core_axis_name="c", subcore_axis_name="s")
    k = functools.partial(
        pl.kernel, mesh=mesh,
        out_type=[jax.ShapeDtypeStruct((_ROWS, _SCP), jnp.float32),
                  jax.ShapeDtypeStruct((_ROWS, _SCP), jnp.float32)],
        scratch_types=[pltpu.VMEM((_RPW, _SCP), jnp.float32),
                       pltpu.VMEM((_RPW, _SCP), jnp.float32),
                       pltpu.VMEM((_RPW, _SCP), jnp.float32),
                       pltpu.VMEM((32,), jnp.float32),
                       pltpu.SemaphoreType.DMA],
    )(_body)
    return k(distp)




def _dgt(x, w):
    return jax.lax.dot_general(x, w, (((1,), (1,)), ((), ())),
                               preferred_element_type=_F32)


def _ln(x, g, b):
    m = jnp.mean(x, axis=-1, keepdims=True)
    d = x - m
    v = jnp.mean(d * d, axis=-1, keepdims=True)
    return d / jnp.sqrt(v + 1e-5) * g + b


def _ln_mxu(x, g, b):
    j = jnp.full((_H, _H), 1.0 / _H, _F32)
    m = jnp.dot(x, j, preferred_element_type=_F32)
    s2 = jnp.dot(x * x, j, preferred_element_type=_F32)
    return (x - m) * jax.lax.rsqrt(s2 - m * m + 1e-5) * g + b


def _fused_kernel(dist_ref, adjin_ref, mskin_ref, coor_ref, info_ref,
                  w1_ref, w2_ref, w3_ref, wi_ref,
                  wq0_ref, wk0_ref, wna0_ref, wv0_ref, wnc0_ref, wvn0_ref,
                  we20_ref, we30_ref,
                  wq1_ref, wk1_ref, wna1_ref, wv1_ref, wnc1_ref, wvn1_ref,
                  we21_ref, we31_ref,
                  wie_ref,
                  wea10_ref, wea0_ref, wec0_ref, wve0_ref,
                  wea11_ref, wea1_ref, wec1_ref, wve1_ref,
                  nvec_ref, evec_ref,
                  hn_ref, out_ref,
                  adj_scr, e2a_scr, e3a_scr, e2b_scr, e3b_scr):
    t = pl.program_id(1)

    @pl.when(t == 0)
    def _prep():
        adj_scr[...] = adjin_ref[0][:, :_N]
        msk = mskin_ref[0][:, :_N]

        coor = coor_ref[0]
        info = info_ref[0]
        x0 = jnp.maximum(_dgt(coor, w1_ref[...]) + nvec_ref[0], 0.0)
        xi = jnp.maximum(
            jnp.concatenate([_dgt(coor, w2_ref[...]),
                             _dgt(info, w3_ref[...])], axis=-1)
            + nvec_ref[1], 0.0)
        rid = jax.lax.broadcasted_iota(jnp.int32, (_N, _H), 0)
        x = jnp.where(rid == 0, x0, xi)
        h = _dgt(x, wi_ref[...]) + nvec_ref[2]
        mats = ((wq0_ref, wk0_ref, wna0_ref, wv0_ref, wnc0_ref, wvn0_ref,
                 we20_ref, we30_ref),
                (wq1_ref, wk1_ref, wna1_ref, wv1_ref, wnc1_ref, wvn1_ref,
                 we21_ref, we31_ref))
        e2scrs = (e2a_scr, e2b_scr)
        e3scrs = (e3a_scr, e3b_scr)
        for l in range(_L):
            wq, wk, wna, wv, wnc, wvn, we2, we3 = mats[l]
            vb = 3 + 12 * l
            q = _dgt(h, wq[...]) + nvec_ref[vb + 0]
            k_ = _dgt(h, wk[...]) + nvec_ref[vb + 1]
            s = _dgt(q, k_) * (1.0 / math.sqrt(_H))
            s = jnp.where(msk > 0.5, s, _F32(-1e30))
            smax = jnp.max(s, axis=-1, keepdims=True)
            e = jnp.exp(s - smax)
            att = e / jnp.sum(e, axis=-1, keepdims=True)
            wnav = jnp.dot(wna[...], wv[...], preferred_element_type=_F32)
            vprime = _dgt(h, wnav)
            battn = _dgt(nvec_ref[vb + 2], wna[...]) + nvec_ref[vb + 3]
            hagg = h + jnp.maximum(
                jnp.dot(att, vprime, preferred_element_type=_F32) + battn,
                0.0)
            hagg = _ln(hagg, nvec_ref[vb + 4], nvec_ref[vb + 5])
            wcn = jnp.dot(wvn[:, :_H], wnc[...], preferred_element_type=_F32)
            bcn = _dgt(nvec_ref[vb + 6], wvn[:, :_H]) + nvec_ref[vb + 7]
            hcom = hagg + jnp.maximum(
                _dgt(h, wcn) + _dgt(hagg, wvn[:, _H:]) + bcn, 0.0)
            hn_next = _ln(hcom, nvec_ref[vb + 8], nvec_ref[vb + 9])
            e2scrs[l][...] = _dgt(h, we2[...]) + nvec_ref[vb + 10]
            e3scrs[l][...] = _dgt(h, we3[...]) + nvec_ref[vb + 11]
            h = hn_next
        hn_ref[0] = h

    rows = pl.ds(t * _TI, _TI)
    d3 = dist_ref[0, rows, :][:, :, None]
    a3 = adj_scr[rows, :][:, :, None]
    u = evec_ref[0][None]
    z = evec_ref[1][None]
    bb = evec_ref[2][None]
    y = jnp.maximum(d3 * u + a3 * z + bb, 0.0).reshape(_R, _H)
    he = _dgt(y, wie_ref[...]) + evec_ref[3]
    emats = ((wea10_ref, wea0_ref, wec0_ref, wve0_ref),
             (wea11_ref, wea1_ref, wec1_ref, wve1_ref))
    e2scrs = (e2a_scr, e2b_scr)
    e3scrs = (e3a_scr, e3b_scr)
    for l in range(_L):
        wea1, wea, wec, wve = emats[l]
        vb = 4 + 7 * l
        e1 = _dgt(he, wea1[...])
        e2 = e2scrs[l][rows, :]
        e3 = e3scrs[l][...]
        s = (e1.reshape(_TI, _N, _H) + e2[:, None, :]
             + e3[None, :, :]).reshape(_R, _H)
        tt = jnp.maximum(_dgt(s, wea[...]) + evec_ref[vb + 0], 0.0)
        hagg = _ln_mxu(he + tt, evec_ref[vb + 1], evec_ref[vb + 2])
        wce = jnp.dot(wve[:, :_H], wec[...], preferred_element_type=_F32)
        bce = _dgt(evec_ref[vb + 3], wve[:, :_H]) + evec_ref[vb + 4]
        hcom = hagg + jnp.maximum(
            _dgt(he, wce) + _dgt(hagg, wve[:, _H:]) + bce, 0.0)
        he = _ln_mxu(hcom, evec_ref[vb + 5], evec_ref[vb + 6])
    out_ref[0] = he.reshape(_TI, _N, _H)


def _run(params, n_coor, n_info, dist):
    p = params
    lp0, lp1 = p["layers"]
    half = _H // 2
    zeros_h = jnp.zeros((half,), _F32)

    nvecs = [p["W1"]["b"],
             jnp.concatenate([p["W2"]["b"], p["W3"]["b"]]),
             p["init_n"]["b"]]
    nmats = [p["W1"]["w"], p["W2"]["w"], p["W3"]["w"], p["init_n"]["w"]]
    for lp in (lp0, lp1):
        nmats += [lp["attn_q"]["w"], lp["attn_k"]["w"],
                  lp["W_node_agg"]["w"], lp["attn_v"]["w"],
                  lp["V_node_com"]["w"], lp["V_node"]["w"],
                  lp["W_edge_agg_2"]["w"], lp["W_edge_agg_3"]["w"]]
        nvecs += [lp["attn_q"]["b"], lp["attn_k"]["b"],
                  lp["attn_v"]["b"], lp["W_node_agg"]["b"],
                  lp["ln_na"]["g"], lp["ln_na"]["b"],
                  lp["V_node_com"]["b"], lp["V_node"]["b"],
                  lp["ln_nc"]["g"], lp["ln_nc"]["b"],
                  lp["W_edge_agg_2"]["b"] + lp["W_edge_agg_1"]["b"],
                  lp["W_edge_agg_3"]["b"]]
    nvecs = jnp.stack(nvecs)[:, None, :]

    evecs = [jnp.concatenate([p["W4"]["w"][:, 0], zeros_h]),
             jnp.concatenate([zeros_h, p["W5"]["w"][:, 0]]),
             jnp.concatenate([p["W4"]["b"], p["W5"]["b"]]),
             p["init_e"]["b"]]
    emats = [p["init_e"]["w"]]
    for lp in (lp0, lp1):
        emats += [lp["W_edge_agg_1"]["w"], lp["W_edge_agg"]["w"],
                  lp["V_edge_com"]["w"], lp["V_edge"]["w"]]
        evecs += [lp["W_edge_agg"]["b"],
                  lp["ln_ea"]["g"], lp["ln_ea"]["b"],
                  lp["V_edge_com"]["b"], lp["V_edge"]["b"],
                  lp["ln_ec"]["g"], lp["ln_ec"]["b"]]
    evecs = jnp.stack(evecs)[:, None, :]

    distp = jnp.pad(dist.reshape(_B * _N, _N), ((0, 224), (0, 12)),
                    constant_values=jnp.inf)
    adj_r, msk_r = sc_topk_adj(distp)
    adj_sc = adj_r[:_B * _N].reshape(_B, _N, 112)
    msk_sc = msk_r[:_B * _N].reshape(_B, _N, 112)
    mspec = [pl.BlockSpec(m.shape, lambda b, t: (0, 0))
             for m in nmats + emats]
    hn, he = pl.pallas_call(
        _fused_kernel,
        grid=(_B, _NT),
        in_specs=[
            pl.BlockSpec((1, _N, _N), lambda b, t: (b, 0, 0)),
            pl.BlockSpec((1, _N, 112), lambda b, t: (b, 0, 0)),
            pl.BlockSpec((1, _N, 112), lambda b, t: (b, 0, 0)),
            pl.BlockSpec((1, _N, 2), lambda b, t: (b, 0, 0)),
            pl.BlockSpec((1, _N, 3), lambda b, t: (b, 0, 0)),
            *mspec,
            pl.BlockSpec(nvecs.shape, lambda b, t: (0, 0, 0)),
            pl.BlockSpec(evecs.shape, lambda b, t: (0, 0, 0)),
        ],
        out_specs=[
            pl.BlockSpec((1, _N, _H), lambda b, t: (b, 0, 0)),
            pl.BlockSpec((1, _TI, _N, _H), lambda b, t: (b, t, 0, 0)),
        ],
        out_shape=[
            jax.ShapeDtypeStruct((_B, _N, _H), _F32),
            jax.ShapeDtypeStruct((_B, _N, _N, _H), _F32),
        ],
        scratch_shapes=[
            pltpu.VMEM((_N, _N), _F32),
            pltpu.VMEM((_N, _H), _F32), pltpu.VMEM((_N, _H), _F32),
            pltpu.VMEM((_N, _H), _F32), pltpu.VMEM((_N, _H), _F32),
        ],
    )(dist, adj_sc, msk_sc, n_coor, n_info, *nmats, *emats, nvecs, evecs)

    return hn, he


def kernel(params, n_coor, n_info, dist):
    return _run(params, n_coor, n_info, dist)

# --- scband reference (transcript-rebuilt; emitter-appended) ---
"""Pipeline reference for scband-gcn-32650341384774 (READ-ONLY COPY).

The authoritative reference and input builder live on the scoring server;
editing this copy changes nothing except your own understanding.
"""

import jax, jax.numpy as jnp
import numpy as np

B, N, H, L, K, NODE_INFO_DIM = 8, 100, 128, 2, 10, 3

def _lin_p(key, din, dout):
    return {"w": jax.random.normal(key, (dout, din), jnp.float32) * 0.02,
            "b": jnp.zeros((dout,), jnp.float32)}

def _ln_p():
    return {"g": jnp.ones((H,), jnp.float32), "b": jnp.zeros((H,), jnp.float32)}

def lin(p, x):
    return x @ p["w"].T + p["b"]

def ln(p, x):
    m = x.mean(axis=-1, keepdims=True)
    v = jnp.var(x, axis=-1, keepdims=True)
    return (x - m) / jnp.sqrt(v + 1e-5) * p["g"] + p["b"]

def make_params(key):
    keys = jax.random.split(key, 7 + L * 13)
    it = iter(range(len(keys)))
    nk = lambda: keys[next(it)]
    p = {"W1": _lin_p(nk(), 2, H), "W2": _lin_p(nk(), 2, H // 2),
         "W3": _lin_p(nk(), NODE_INFO_DIM, H // 2), "W4": _lin_p(nk(), 1, H // 2),
         "W5": _lin_p(nk(), 1, H // 2), "init_n": _lin_p(nk(), H, H),
         "init_e": _lin_p(nk(), H, H), "layers": []}
    for _ in range(L):
        p["layers"].append({
            "W_node_agg": _lin_p(nk(), H, H), "V_node_com": _lin_p(nk(), H, H),
            "V_node": _lin_p(nk(), 2 * H, H), "attn_q": _lin_p(nk(), H, H),
            "attn_k": _lin_p(nk(), H, H), "attn_v": _lin_p(nk(), H, H),
            "ln_na": _ln_p(), "ln_nc": _ln_p(),
            "W_edge_agg": _lin_p(nk(), H, H), "W_edge_agg_1": _lin_p(nk(), H, H),
            "W_edge_agg_2": _lin_p(nk(), H, H), "W_edge_agg_3": _lin_p(nk(), H, H),
            "V_edge_com": _lin_p(nk(), H, H), "V_edge": _lin_p(nk(), 2 * H, H),
            "ln_ea": _ln_p(), "ln_ec": _ln_p()})
    return p

def attn_enc(p, h_n, h_nb):
    q = lin(p["attn_q"], h_n)
    k = lin(p["attn_k"], h_nb)
    v = lin(p["attn_v"], h_nb)
    scores = jnp.einsum("bnd,bnkd->bnk", q, k) / jnp.sqrt(jnp.float32(H))
    a = jax.nn.softmax(scores, axis=-1)
    return jnp.einsum("bnk,bnkd->bnd", a, v)

def gcn_layer(p, h_n, h_e, neighbor):
    h_nb = jax.vmap(lambda hn, nb: hn[nb])(h_n, neighbor)
    h_agg = attn_enc(p, h_n, h_nb)
    h_agg = h_n + jax.nn.relu(lin(p["W_node_agg"], h_agg))
    h_agg = ln(p["ln_na"], h_agg)
    h_com = jnp.concatenate([lin(p["V_node_com"], h_n), h_agg], axis=-1)
    h_com = h_agg + jax.nn.relu(lin(p["V_node"], h_com))
    h_n_next = ln(p["ln_nc"], h_com)
    e1 = lin(p["W_edge_agg_1"], h_e)
    e2 = lin(p["W_edge_agg_2"], h_n)[:, :, None, :]
    e3 = lin(p["W_edge_agg_3"], h_n)[:, None, :, :]
    h_e_agg = e1 + e2 + e3
    h_e_agg = h_e + jax.nn.relu(lin(p["W_edge_agg"], h_e_agg))
    h_e_agg = ln(p["ln_ea"], h_e_agg)
    h_e_com = jnp.concatenate([lin(p["V_edge_com"], h_e), h_e_agg], axis=-1)
    h_e_com = h_e_agg + jax.nn.relu(lin(p["V_edge"], h_e_com))
    h_e_next = ln(p["ln_ec"], h_e_com)
    return h_n_next, h_e_next

def get_adjacency(dist_b):
    _, idx = jax.lax.top_k(-dist_b, K + 1)
    rows = jnp.broadcast_to(jnp.arange(N)[:, None], idx.shape)
    adj = jnp.zeros_like(dist_b).at[rows, idx].set(1.0)
    adj = adj.at[jnp.arange(N), jnp.arange(N)].set(-1.0)
    return adj

def forward(params, n_coor, n_info, dist):
    x0 = jax.nn.relu(lin(params["W1"], n_coor[:, :1, :]))
    xi = jax.nn.relu(jnp.concatenate([lin(params["W2"], n_coor[:, 1:, :]),
                                      lin(params["W3"], n_info[:, 1:, :])], axis=-1))
    x = jnp.concatenate([x0, xi], axis=1)
    adj = jax.vmap(get_adjacency)(dist)
    y = jax.nn.relu(jnp.concatenate([lin(params["W4"], dist[..., None]),
                                     lin(params["W5"], adj[..., None])], axis=-1))
    h_n = lin(params["init_n"], x)
    h_e = lin(params["init_e"], y)
    _, nbidx = jax.lax.top_k(-dist, K + 1)
    neighbor = nbidx[:, :, 1:]
    for lp in params["layers"]:
        h_n, h_e = gcn_layer(lp, h_n, h_e, neighbor)
    return h_n, h_e

def setup_inputs(seed: int = 0):
    key = jax.random.key(seed)
    k1, k2, k3, k4 = jax.random.split(key, 4)
    return {"params": make_params(k1),
            "n_coor": jax.random.normal(k2, (B, N, 2), jnp.float32),
            "n_info": jax.random.normal(k3, (B, N, NODE_INFO_DIM), jnp.float32),
            "dist": jax.random.uniform(k4, (B, N, N), jnp.float32)}

def reference(params, n_coor, n_info, dist):
    return forward(params, n_coor, n_info, dist)

if __name__ == "__main__":
    import jax
    _d = setup_inputs()
    print(jax.jit(kernel)(*tuple(_d.values())))

</pallas_src>

<mosaic_0001>
#map = affine_map<(d0, d1) -> (0, 0)>
module attributes {stable_mosaic.version = 14 : i64} {
  func.func @_body(%arg0: i32, %arg1: i32, %arg2: memref<1024x112xf32, #tpu.memory_space<hbm>>, %arg3: memref<1024x112xf32, #tpu.memory_space<hbm>>, %arg4: memref<1024x112xf32, #tpu.memory_space<hbm>>, %arg5: memref<32x112xf32, #tpu.memory_space<vmem>>, %arg6: memref<32x112xf32, #tpu.memory_space<vmem>>, %arg7: memref<32x112xf32, #tpu.memory_space<vmem>>, %arg8: memref<32xf32, #tpu.memory_space<vmem>>, %arg9: memref<!tpu.dma_semaphore, #tpu.memory_space<semaphore_mem>>) attributes {dimension_semantics = [#tpu.dimension_semantics<core_parallel>, #tpu.dimension_semantics<subcore_parallel>], iteration_bounds = array<i64: 2, 16>, scalar_prefetch = 0 : i64, scratch_operands = 5 : i64, tpu.core_type = #tpu.core_type<sc_vector_subcore>, window_params = [{transform_indices = #map}, {transform_indices = #map}, {transform_indices = #map}]} {
    %mul3A = arith.constant 2 : i32
    %mul3A_0 = arith.muli %arg1, %mul3A : i32
    %add3A = arith.addi %mul3A_0, %arg0 : i32
    %mul3A_1 = arith.constant 32 : i32
    %mul3A_2 = arith.muli %add3A, %mul3A_1 : i32
    %broadcast_in_dim3A = arith.constant 0.000000e+00 : f32
    %broadcast_in_dim3A_3 = vector.broadcast %broadcast_in_dim3A : f32 to vector<16xf32>
    %broadcast_in_dim3A_4 = arith.constant 1.000000e+00 : f32
    %broadcast_in_dim3A_5 = vector.broadcast %broadcast_in_dim3A_4 : f32 to vector<16xf32>
    %broadcast_in_dim3A_6 = arith.constant -1.000000e+00 : f32
    %broadcast_in_dim3A_7 = vector.broadcast %broadcast_in_dim3A_6 : f32 to vector<16xf32>
    %broadcast_in_dim3A_8 = arith.constant 0x7F800000 : f32
    %broadcast_in_dim3A_9 = vector.broadcast %broadcast_in_dim3A_8 : f32 to vector<16xf32>
    %broadcast_in_dim3A_10 = arith.constant 1.000000e+09 : f32
    %broadcast_in_dim3A_11 = vector.broadcast %broadcast_in_dim3A_10 : f32 to vector<16xf32>
    %iota3A = tpu.iota {dimensions = array<i32: 0>} : vector<16xi32>
    %convert_element_type3A = arith.sitofp %iota3A : vector<16xi32> to vector<16xf32>
    %add3A_12 = arith.constant 0.000000e+00 : f32
    %add3A_13 = vector.broadcast %add3A_12 : f32 to vector<16xf32>
    %add3A_14 = arith.addf %convert_element_type3A, %add3A_13 : vector<16xf32>
    %convert_element_type3A_15 = arith.sitofp %iota3A : vector<16xi32> to vector<16xf32>
    %add3A_16 = arith.constant 1.600000e+01 : f32
    %add3A_17 = vector.broadcast %add3A_16 : f32 to vector<16xf32>
    %add3A_18 = arith.addf %convert_element_type3A_15, %add3A_17 : vector<16xf32>
    %convert_element_type3A_19 = arith.sitofp %iota3A : vector<16xi32> to vector<16xf32>
    %add3A_20 = arith.constant 3.200000e+01 : f32
    %add3A_21 = vector.broadcast %add3A_20 : f32 to vector<16xf32>
    %add3A_22 = arith.addf %convert_element_type3A_19, %add3A_21 : vector<16xf32>
    %convert_element_type3A_23 = arith.sitofp %iota3A : vector<16xi32> to vector<16xf32>
    %add3A_24 = arith.constant 4.800000e+01 : f32
    %add3A_25 = vector.broadcast %add3A_24 : f32 to vector<16xf32>
    %add3A_26 = arith.addf %convert_element_type3A_23, %add3A_25 : vector<16xf32>
    %convert_element_type3A_27 = arith.sitofp %iota3A : vector<16xi32> to vector<16xf32>
    %add3A_28 = arith.constant 6.400000e+01 : f32
    %add3A_29 = vector.broadcast %add3A_28 : f32 to vector<16xf32>
    %add3A_30 = arith.addf %convert_element_type3A_27, %add3A_29 : vector<16xf32>
    %convert_element_type3A_31 = arith.sitofp %iota3A : vector<16xi32> to vector<16xf32>
    %add3A_32 = arith.constant 8.000000e+01 : f32
    %add3A_33 = vector.broadcast %add3A_32 : f32 to vector<16xf32>
    %add3A_34 = arith.addf %convert_element_type3A_31, %add3A_33 : vector<16xf32>
    %convert_element_type3A_35 = arith.sitofp %iota3A : vector<16xi32> to vector<16xf32>
    %add3A_36 = arith.constant 9.600000e+01 : f32
    %add3A_37 = vector.broadcast %add3A_36 : f32 to vector<16xf32>
    %add3A_38 = arith.addf %convert_element_type3A_35, %add3A_37 : vector<16xf32>
    "tpu.region"() ({
      %run_scoped3A = tpu.sem_alloc : memref<!tpu.dma_semaphore, #tpu.memory_space<semaphore_mem>>
      %dma_start3A = arith.constant 0 : i32
      %dma_start3A_44 = tpu.memref_slice %arg2[%mul3A_2, %dma_start3A] : memref<1024x112xf32, #tpu.memory_space<hbm>> -> memref<32x112xf32, #tpu.memory_space<hbm>>
      %dma_start3A_45 = arith.constant 0 : i32
      %dma_start3A_46 = tpu.memref_slice %arg2[%mul3A_2, %dma_start3A_45] : memref<1024x112xf32, #tpu.memory_space<hbm>> -> memref<32x112xf32, #tpu.memory_space<hbm>>
      tpu.enqueue_dma source(%dma_start3A_46 : memref<32x112xf32, #tpu.memory_space<hbm>>) target(%arg5 : memref<32x112xf32, #tpu.memory_space<vmem>>) target_semaphore(%run_scoped3A : memref<!tpu.dma_semaphore, #tpu.memory_space<semaphore_mem>>)
      %dma_wait3A = arith.constant 0 : i32
      %dma_wait3A_47 = tpu.memref_slice %arg2[%mul3A_2, %dma_wait3A] : memref<1024x112xf32, #tpu.memory_space<hbm>> -> memref<32x112xf32, #tpu.memory_space<hbm>>
      %dma_wait3A_48 = arith.constant 0 : i32
      %dma_wait3A_49 = tpu.memref_slice %arg2[%mul3A_2, %dma_wait3A_48] : memref<1024x112xf32, #tpu.memory_space<hbm>> -> memref<32x112xf32, #tpu.memory_space<hbm>>
      tpu.wait_dma2 semaphore(%run_scoped3A : memref<!tpu.dma_semaphore, #tpu.memory_space<semaphore_mem>>) src(%dma_wait3A_49 : memref<32x112xf32, #tpu.memory_space<hbm>>) dst(%arg5 : memref<32x112xf32, #tpu.memory_space<vmem>>)
      tpu.yield
    }) : () -> ()
    %scan3A = arith.constant 0 : i32
    %scan3A_39 = arith.constant 0 : i32
    %scan3A_40 = arith.constant 32 : i32
    %scan3A_41 = arith.addi %scan3A_39, %scan3A_40 : i32
    %scan3A_42 = arith.constant 1 : i32
    scf.for %scan3A_44 = %scan3A_39 to %scan3A_41 step %scan3A_42  : i32 {
      %add3A_45 = arith.addi %mul3A_2, %scan3A_44 : i32
      %get3A = arith.index_cast %scan3A_44 : i32 to index
      %get3A_46 = arith.constant 0 : index
      %get3A_47 = tpu.vector_load %arg5[%get3A, %get3A_46] {strides = array<i32>} : memref<32x112xf32, #tpu.memory_space<vmem>>, vector<1x16xf32>,
      %get3A_48 = vector.shape_cast %get3A_47 : vector<1x16xf32> to vector<16xf32>
      %get3A_49 = arith.index_cast %scan3A_44 : i32 to index
      %get3A_50 = arith.constant 16 : index
      %get3A_51 = tpu.vector_load %arg5[%get3A_49, %get3A_50] {strides = array<i32>} : memref<32x112xf32, #tpu.memory_space<vmem>>, vector<1x16xf32>,
      %get3A_52 = vector.shape_cast %get3A_51 : vector<1x16xf32> to vector<16xf32>
      %get3A_53 = arith.index_cast %scan3A_44 : i32 to index
      %get3A_54 = arith.constant 32 : index
      %get3A_55 = tpu.vector_load %arg5[%get3A_53, %get3A_54] {strides = array<i32>} : memref<32x112xf32, #tpu.memory_space<vmem>>, vector<1x16xf32>,
      %get3A_56 = vector.shape_cast %get3A_55 : vector<1x16xf32> to vector<16xf32>
      %get3A_57 = arith.index_cast %scan3A_44 : i32 to index
      %get3A_58 = arith.constant 48 : index
      %get3A_59 = tpu.vector_load %arg5[%get3A_57, %get3A_58] {strides = array<i32>} : memref<32x112xf32, #tpu.memory_space<vmem>>, vector<1x16xf32>,
      %get3A_60 = vector.shape_cast %get3A_59 : vector<1x16xf32> to vector<16xf32>
      %get3A_61 = arith.index_cast %scan3A_44 : i32 to index
      %get3A_62 = arith.constant 64 : index
      %get3A_63 = tpu.vector_load %arg5[%get3A_61, %get3A_62] {strides = array<i32>} : memref<32x112xf32, #tpu.memory_space<vmem>>, vector<1x16xf32>,
      %get3A_64 = vector.shape_cast %get3A_63 : vector<1x16xf32> to vector<16xf32>
      %get3A_65 = arith.index_cast %scan3A_44 : i32 to index
      %get3A_66 = arith.constant 80 : index
      %get3A_67 = tpu.vector_load %arg5[%get3A_65, %get3A_66] {strides = array<i32>} : memref<32x112xf32, #tpu.memory_space<vmem>>, vector<1x16xf32>,
      %get3A_68 = vector.shape_cast %get3A_67 : vector<1x16xf32> to vector<16xf32>
      %get3A_69 = arith.index_cast %scan3A_44 : i32 to index
      %get3A_70 = arith.constant 96 : index
      %get3A_71 = tpu.vector_load %arg5[%get3A_69, %get3A_70] {strides = array<i32>} : memref<32x112xf32, #tpu.memory_space<vmem>>, vector<1x16xf32>,
      %get3A_72 = vector.shape_cast %get3A_71 : vector<1x16xf32> to vector<16xf32>
      %min3A = arith.minimumf %get3A_48, %get3A_52 : vector<16xf32>
      %min3A_73 = arith.minimumf %min3A, %get3A_56 : vector<16xf32>
      %min3A_74 = arith.minimumf %min3A_73, %get3A_60 : vector<16xf32>
      %min3A_75 = arith.minimumf %min3A_74, %get3A_64 : vector<16xf32>
      %min3A_76 = arith.minimumf %min3A_75, %get3A_68 : vector<16xf32>
      %min3A_77 = arith.minimumf %min3A_76, %get3A_72 : vector<16xf32>
      %swap3A = arith.constant 0 : index
      %swap3A_78 = tpu.vector_load %arg8[%swap3A] {strides = array<i32>} : memref<32xf32, #tpu.memory_space<vmem>>, vector<16xf32>,
      %swap3A_79 = vector.shape_cast %swap3A_78 : vector<16xf32> to vector<16xf32>
      %swap3A_80 = vector.shape_cast %min3A_77 : vector<16xf32> to vector<16xf32>
      tpu.vector_store %arg8[%swap3A], %swap3A_80 {strides = array<i32>} : memref<32xf32, #tpu.memory_space<vmem>>, vector<16xf32>,
      %swap3A_81 = arith.constant 16 : index
      %swap3A_82 = tpu.vector_load %arg8[%swap3A_81] {strides = array<i32>} : memref<32xf32, #tpu.memory_space<vmem>>, vector<16xf32>,
      %swap3A_83 = vector.shape_cast %swap3A_82 : vector<16xf32> to vector<16xf32>
      %swap3A_84 = vector.shape_cast %min3A_77 : vector<16xf32> to vector<16xf32>
      tpu.vector_store %arg8[%swap3A_81], %swap3A_84 {strides = array<i32>} : memref<32xf32, #tpu.memory_space<vmem>>, vector<16xf32>,
      %get3A_85 = arith.constant 8 : index
      %get3A_86 = tpu.vector_load %arg8[%get3A_85] {strides = array<i32>} : memref<32xf32, #tpu.memory_space<vmem>>, vector<16xf32>,
      %get3A_87 = vector.shape_cast %get3A_86 : vector<16xf32> to vector<16xf32>
      %min3A_88 = arith.minimumf %min3A_77, %get3A_87 : vector<16xf32>
      %swap3A_89 = arith.constant 0 : index
      %swap3A_90 = tpu.vector_load %arg8[%swap3A_89] {strides = array<i32>} : memref<32xf32, #tpu.memory_space<vmem>>, vector<16xf32>,
      %swap3A_91 = vector.shape_cast %swap3A_90 : vector<16xf32> to vector<16xf32>
      %swap3A_92 = vector.shape_cast %min3A_88 : vector<16xf32> to vector<16xf32>
      tpu.vector_store %arg8[%swap3A_89], %swap3A_92 {strides = array<i32>} : memref<32xf32, #tpu.memory_space<vmem>>, vector<16xf32>,
      %swap3A_93 = arith.constant 16 : index
      %swap3A_94 = tpu.vector_load %arg8[%swap3A_93] {strides = array<i32>} : memref<32xf32, #tpu.memory_space<vmem>>, vector<16xf32>,
      %swap3A_95 = vector.shape_cast %swap3A_94 : vector<16xf32> to vector<16xf32>
      %swap3A_96 = vector.shape_cast %min3A_88 : vector<16xf32> to vector<16xf32>
      tpu.vector_store %arg8[%swap3A_93], %swap3A_96 {strides = array<i32>} : memref<32xf32, #tpu.memory_space<vmem>>, vector<16xf32>,
      %get3A_97 = arith.constant 4 : index
      %get3A_98 = tpu.vector_load %arg8[%get3A_97] {strides = array<i32>} : memref<32xf32, #tpu.memory_space<vmem>>, vector<16xf32>,
      %get3A_99 = vector.shape_cast %get3A_98 : vector<16xf32> to vector<16xf32>
      %min3A_100 = arith.minimumf %min3A_88, %get3A_99 : vector<16xf32>
      %swap3A_101 = arith.constant 0 : index
      %swap3A_102 = tpu.vector_load %arg8[%swap3A_101] {strides = array<i32>} : memref<32xf32, #tpu.memory_space<vmem>>, vector<16xf32>,
      %swap3A_103 = vector.shape_cast %swap3A_102 : vector<16xf32> to vector<16xf32>
      %swap3A_104 = vector.shape_cast %min3A_100 : vector<16xf32> to vector<16xf32>
      tpu.vector_store %arg8[%swap3A_101], %swap3A_104 {strides = array<i32>} : memref<32xf32, #tpu.memory_space<vmem>>, vector<16xf32>,
      %swap3A_105 = arith.constant 16 : index
      %swap3A_106 = tpu.vector_load %arg8[%swap3A_105] {strides = array<i32>} : memref<32xf32, #tpu.memory_space<vmem>>, vector<16xf32>,
      %swap3A_107 = vector.shape_cast %swap3A_106 : vector<16xf32> to vector<16xf32>
      %swap3A_108 = vector.shape_cast %min3A_100 : vector<16xf32> to vector<16xf32>
      tpu.vector_store %arg8[%swap3A_105], %swap3A_108 {strides = array<i32>} : memref<32xf32, #tpu.memory_space<vmem>>, vector<16xf32>,
      %get3A_109 = arith.constant 2 : index
      %get3A_110 = tpu.vector_load %arg8[%get3A_109] {strides = array<i32>} : memref<32xf32, #tpu.memory_space<vmem>>, vector<16xf32>,
      %get3A_111 = vector.shape_cast %get3A_110 : vector<16xf32> to vector<16xf32>
      %min3A_112 = arith.minimumf %min3A_100, %get3A_111 : vector<16xf32>
      %swap3A_113 = arith.constant 0 : index
      %swap3A_114 = tpu.vector_load %arg8[%swap3A_113] {strides = array<i32>} : memref<32xf32, #tpu.memory_space<vmem>>, vector<16xf32>,
      %swap3A_115 = vector.shape_cast %swap3A_114 : vector<16xf32> to vector<16xf32>
      %swap3A_116 = vector.shape_cast %min3A_112 : vector<16xf32> to vector<16xf32>
      tpu.vector_store %arg8[%swap3A_113], %swap3A_116 {strides = array<i32>} : memref<32xf32, #tpu.memory_space<vmem>>, vector<16xf32>,
      %swap3A_117 = arith.constant 16 : index
      %swap3A_118 = tpu.vector_load %arg8[%swap3A_117] {strides = array<i32>} : memref<32xf32, #tpu.memory_space<vmem>>, vector<16xf32>,
      %swap3A_119 = vector.shape_cast %swap3A_118 : vector<16xf32> to vector<16xf32>
      %swap3A_120 = vector.shape_cast %min3A_112 : vector<16xf32> to vector<16xf32>
      tpu.vector_store %arg8[%swap3A_117], %swap3A_120 {strides = array<i32>} : memref<32xf32, #tpu.memory_space<vmem>>, vector<16xf32>,
      %get3A_121 = arith.constant 1 : index
      %get3A_122 = tpu.vector_load %arg8[%get3A_121] {strides = array<i32>} : memref<32xf32, #tpu.memory_space<vmem>>, vector<16xf32>,
      %get3A_123 = vector.shape_cast %get3A_122 : vector<16xf32> to vector<16xf32>
      %min3A_124 = arith.minimumf %min3A_112, %get3A_123 : vector<16xf32>
      %eq3A = arith.cmpf oeq, %get3A_48, %min3A_124 : vector<16xf32>
      %select_n3A = arith.select %eq3A, %add3A_14, %broadcast_in_dim3A_11 : vector<16xi1>, vector<16xf32>
      %min3A_125 = arith.minimumf %broadcast_in_dim3A_11, %select_n3A : vector<16xf32>
      %eq3A_126 = arith.cmpf oeq, %get3A_52, %min3A_124 : vector<16xf32>
      %select_n3A_127 = arith.select %eq3A_126, %add3A_18, %broadcast_in_dim3A_11 : vector<16xi1>, vector<16xf32>
      %min3A_128 = arith.minimumf %min3A_125, %select_n3A_127 : vector<16xf32>
      %eq3A_129 = arith.cmpf oeq, %get3A_56, %min3A_124 : vector<16xf32>
      %select_n3A_130 = arith.select %eq3A_129, %add3A_22, %broadcast_in_dim3A_11 : vector<16xi1>, vector<16xf32>
      %min3A_131 = arith.minimumf %min3A_128, %select_n3A_130 : vector<16xf32>
      %eq3A_132 = arith.cmpf oeq, %get3A_60, %min3A_124 : vector<16xf32>
      %select_n3A_133 = arith.select %eq3A_132, %add3A_26, %broadcast_in_dim3A_11 : vector<16xi1>, vector<16xf32>
      %min3A_134 = arith.minimumf %min3A_131, %select_n3A_133 : vector<16xf32>
      %eq3A_135 = arith.cmpf oeq, %get3A_64, %min3A_124 : vector<16xf32>
      %select_n3A_136 = arith.select %eq3A_135, %add3A_30, %broadcast_in_dim3A_11 : vector<16xi1>, vector<16xf32>
      %min3A_137 = arith.minimumf %min3A_134, %select_n3A_136 : vector<16xf32>
      %eq3A_138 = arith.cmpf oeq, %get3A_68, %min3A_124 : vector<16xf32>
      %select_n3A_139 = arith.select %eq3A_138, %add3A_34, %broadcast_in_dim3A_11 : vector<16xi1>, vector<16xf32>
      %min3A_140 = arith.minimumf %min3A_137, %select_n3A_139 : vector<16xf32>
      %eq3A_141 = arith.cmpf oeq, %get3A_72, %min3A_124 : vector<16xf32>
      %select_n3A_142 = arith.select %eq3A_141, %add3A_38, %broadcast_in_dim3A_11 : vector<16xi1>, vector<16xf32>
      %min3A_143 = arith.minimumf %min3A_140, %select_n3A_142 : vector<16xf32>
      %swap3A_144 = arith.constant 0 : index
      %swap3A_145 = tpu.vector_load %arg8[%swap3A_144] {strides = array<i32>} : memref<32xf32, #tpu.memory_space<vmem>>, vector<16xf32>,
      %swap3A_146 = vector.shape_cast %swap3A_145 : vector<16xf32> to vector<16xf32>
      %swap3A_147 = vector.shape_cast %min3A_143 : vector<16xf32> to vector<16xf32>
      tpu.vector_store %arg8[%swap3A_144], %swap3A_147 {strides = array<i32>} : memref<32xf32, #tpu.memory_space<vmem>>, vector<16xf32>,
      %swap3A_148 = arith.constant 16 : index
      %swap3A_149 = tpu.vector_load %arg8[%swap3A_148] {strides = array<i32>} : memref<32xf32, #tpu.memory_space<vmem>>, vector<16xf32>,
      %swap3A_150 = vector.shape_cast %swap3A_149 : vector<16xf32> to vector<16xf32>
      %swap3A_151 = vector.shape_cast %min3A_143 : vector<16xf32> to vector<16xf32>
      tpu.vector_store %arg8[%swap3A_148], %swap3A_151 {strides = array<i32>} : memref<32xf32, #tpu.memory_space<vmem>>, vector<16xf32>,
      %get3A_152 = arith.constant 8 : index
      %get3A_153 = tpu.vector_load %arg8[%get3A_152] {strides = array<i32>} : memref<32xf32, #tpu.memory_space<vmem>>, vector<16xf32>,
      %get3A_154 = vector.shape_cast %get3A_153 : vector<16xf32> to vector<16xf32>
      %min3A_155 = arith.minimumf %min3A_143, %get3A_154 : vector<16xf32>
      %swap3A_156 = arith.constant 0 : index
      %swap3A_157 = tpu.vector_load %arg8[%swap3A_156] {strides = array<i32>} : memref<32xf32, #tpu.memory_space<vmem>>, vector<16xf32>,
      %swap3A_158 = vector.shape_cast %swap3A_157 : vector<16xf32> to vector<16xf32>
      %swap3A_159 = vector.shape_cast %min3A_155 : vector<16xf32> to vector<16xf32>
      tpu.vector_store %arg8[%swap3A_156], %swap3A_159 {strides = array<i32>} : memref<32xf32, #tpu.memory_space<vmem>>, vector<16xf32>,
      %swap3A_160 = arith.constant 16 : index
      %swap3A_161 = tpu.vector_load %arg8[%swap3A_160] {strides = array<i32>} : memref<32xf32, #tpu.memory_space<vmem>>, vector<16xf32>,
      %swap3A_162 = vector.shape_cast %swap3A_161 : vector<16xf32> to vector<16xf32>
      %swap3A_163 = vector.shape_cast %min3A_155 : vector<16xf32> to vector<16xf32>
      tpu.vector_store %arg8[%swap3A_160], %swap3A_163 {strides = array<i32>} : memref<32xf32, #tpu.memory_space<vmem>>, vector<16xf32>,
      %get3A_164 = arith.constant 4 : index
      %get3A_165 = tpu.vector_load %arg8[%get3A_164] {strides = array<i32>} : memref<32xf32, #tpu.memory_space<vmem>>, vector<16xf32>,
      %get3A_166 = vector.shape_cast %get3A_165 : vector<16xf32> to vector<16xf32>
      %min3A_167 = arith.minimumf %min3A_155, %get3A_166 : vector<16xf32>
      %swap3A_168 = arith.constant 0 : index
      %swap3A_169 = tpu.vector_load %arg8[%swap3A_168] {strides = array<i32>} : memref<32xf32, #tpu.memory_space<vmem>>, vector<16xf32>,
      %swap3A_170 = vector.shape_cast %swap3A_169 : vector<16xf32> to vector<16xf32>
      %swap3A_171 = vector.shape_cast %min3A_167 : vector<16xf32> to vector<16xf32>
      tpu.vector_store %arg8[%swap3A_168], %swap3A_171 {strides = array<i32>} : memref<32xf32, #tpu.memory_space<vmem>>, vector<16xf32>,
      %swap3A_172 = arith.constant 16 : index
      %swap3A_173 = tpu.vector_load %arg8[%swap3A_172] {strides = array<i32>} : memref<32xf32, #tpu.memory_space<vmem>>, vector<16xf32>,
      %swap3A_174 = vector.shape_cast %swap3A_173 : vector<16xf32> to vector<16xf32>
      %swap3A_175 = vector.shape_cast %min3A_167 : vector<16xf32> to vector<16xf32>
      tpu.vector_store %arg8[%swap3A_172], %swap3A_175 {strides = array<i32>} : memref<32xf32, #tpu.memory_space<vmem>>, vector<16xf32>,
      %get3A_176 = arith.constant 2 : index
      %get3A_177 = tpu.vector_load %arg8[%get3A_176] {strides = array<i32>} : memref<32xf32, #tpu.memory_space<vmem>>, vector<16xf32>,
      %get3A_178 = vector.shape_cast %get3A_177 : vector<16xf32> to vector<16xf32>
      %min3A_179 = arith.minimumf %min3A_167, %get3A_178 : vector<16xf32>
      %swap3A_180 = arith.constant 0 : index
      %swap3A_181 = tpu.vector_load %arg8[%swap3A_180] {strides = array<i32>} : memref<32xf32, #tpu.memory_space<vmem>>, vector<16xf32>,
      %swap3A_182 = vector.shape_cast %swap3A_181 : vector<16xf32> to vector<16xf32>
      %swap3A_183 = vector.shape_cast %min3A_179 : vector<16xf32> to vector<16xf32>
      tpu.vector_store %arg8[%swap3A_180], %swap3A_183 {strides = array<i32>} : memref<32xf32, #tpu.memory_space<vmem>>, vector<16xf32>,
      %swap3A_184 = arith.constant 16 : index
      %swap3A_185 = tpu.vector_load %arg8[%swap3A_184] {strides = array<i32>} : memref<32xf32, #tpu.memory_space<vmem>>, vector<16xf32>,
      %swap3A_186 = vector.shape_cast %swap3A_185 : vector<16xf32> to vector<16xf32>
      %swap3A_187 = vector.shape_cast %min3A_179 : vector<16xf32> to vector<16xf32>
      tpu.vector_store %arg8[%swap3A_184], %swap3A_187 {strides = array<i32>} : memref<32xf32, #tpu.memory_space<vmem>>, vector<16xf32>,
      %get3A_188 = arith.constant 1 : index
      %get3A_189 = tpu.vector_load %arg8[%get3A_188] {strides = array<i32>} : memref<32xf32, #tpu.memory_space<vmem>>, vector<16xf32>,
      %get3A_190 = vector.shape_cast %get3A_189 : vector<16xf32> to vector<16xf32>
      %min3A_191 = arith.minimumf %min3A_179, %get3A_190 : vector<16xf32>
      %eq3A_192 = arith.cmpf oeq, %add3A_14, %min3A_191 : vector<16xf32>
      %select_n3A_193 = arith.select %eq3A_192, %broadcast_in_dim3A_5, %broadcast_in_dim3A_3 : vector<16xi1>, vector<16xf32>
      %select_n3A_194 = arith.select %eq3A_192, %broadcast_in_dim3A_9, %get3A_48 : vector<16xi1>, vector<16xf32>
      %eq3A_195 = arith.cmpf oeq, %add3A_18, %min3A_191 : vector<16xf32>
      %select_n3A_196 = arith.select %eq3A_195, %broadcast_in_dim3A_5, %broadcast_in_dim3A_3 : vector<16xi1>, vector<16xf32>
      %select_n3A_197 = arith.select %eq3A_195, %broadcast_in_dim3A_9, %get3A_52 : vector<16xi1>, vector<16xf32>
      %eq3A_198 = arith.cmpf oeq, %add3A_22, %min3A_191 : vector<16xf32>
      %select_n3A_199 = arith.select %eq3A_198, %broadcast_in_dim3A_5, %broadcast_in_dim3A_3 : vector<16xi1>, vector<16xf32>
      %select_n3A_200 = arith.select %eq3A_198, %broadcast_in_dim3A_9, %get3A_56 : vector<16xi1>, vector<16xf32>
      %eq3A_201 = arith.cmpf oeq, %add3A_26, %min3A_191 : vector<16xf32>
      %select_n3A_202 = arith.select %eq3A_201, %broadcast_in_dim3A_5, %broadcast_in_dim3A_3 : vector<16xi1>, vector<16xf32>
      %select_n3A_203 = arith.select %eq3A_201, %broadcast_in_dim3A_9, %get3A_60 : vector<16xi1>, vector<16xf32>
      %eq3A_204 = arith.cmpf oeq, %add3A_30, %min3A_191 : vector<16xf32>
      %select_n3A_205 = arith.select %eq3A_204, %broadcast_in_dim3A_5, %broadcast_in_dim3A_3 : vector<16xi1>, vector<16xf32>
      %select_n3A_206 = arith.select %eq3A_204, %broadcast_in_dim3A_9, %get3A_64 : vector<16xi1>, vector<16xf32>
      %eq3A_207 = arith.cmpf oeq, %add3A_34, %min3A_191 : vector<16xf32>
      %select_n3A_208 = arith.select %eq3A_207, %broadcast_in_dim3A_5, %broadcast_in_dim3A_3 : vector<16xi1>, vector<16xf32>
      %select_n3A_209 = arith.select %eq3A_207, %broadcast_in_dim3A_9, %get3A_68 : vector<16xi1>, vector<16xf32>
      %eq3A_210 = arith.cmpf oeq, %add3A_38, %min3A_191 : vector<16xf32>
      %select_n3A_211 = arith.select %eq3A_210, %broadcast_in_dim3A_5, %broadcast_in_dim3A_3 : vector<16xi1>, vector<16xf32>
      %select_n3A_212 = arith.select %eq3A_210, %broadcast_in_dim3A_9, %get3A_72 : vector<16xi1>, vector<16xf32>
      %min3A_213 = arith.minimumf %select_n3A_194, %select_n3A_197 : vector<16xf32>
      %min3A_214 = arith.minimumf %min3A_213, %select_n3A_200 : vector<16xf32>
      %min3A_215 = arith.minimumf %min3A_214, %select_n3A_203 : vector<16xf32>
      %min3A_216 = arith.minimumf %min3A_215, %select_n3A_206 : vector<16xf32>
      %min3A_217 = arith.minimumf %min3A_216, %select_n3A_209 : vector<16xf32>
      %min3A_218 = arith.minimumf %min3A_217, %select_n3A_212 : vector<16xf32>
      %swap3A_219 = arith.constant 0 : index
      %swap3A_220 = tpu.vector_load %arg8[%swap3A_219] {strides = array<i32>} : memref<32xf32, #tpu.memory_space<vmem>>, vector<16xf32>,
      %swap3A_221 = vector.shape_cast %swap3A_220 : vector<16xf32> to vector<16xf32>
      %swap3A_222 = vector.shape_cast %min3A_218 : vector<16xf32> to vector<16xf32>
      tpu.vector_store %arg8[%swap3A_219], %swap3A_222 {strides = array<i32>} : memref<32xf32, #tpu.memory_space<vmem>>, vector<16xf32>,
      %swap3A_223 = arith.constant 16 : index
      %swap3A_224 = tpu.vector_load %arg8[%swap3A_223] {strides = array<i32>} : memref<32xf32, #tpu.memory_space<vmem>>, vector<16xf32>,
      %swap3A_225 = vector.shape_cast %swap3A_224 : vector<16xf32> to vector<16xf32>
      %swap3A_226 = vector.shape_cast %min3A_218 : vector<16xf32> to vector<16xf32>
      tpu.vector_store %arg8[%swap3A_223], %swap3A_226 {strides = array<i32>} : memref<32xf32, #tpu.memory_space<vmem>>, vector<16xf32>,
      %get3A_227 = arith.constant 8 : index
      %get3A_228 = tpu.vector_load %arg8[%get3A_227] {strides = array<i32>} : memref<32xf32, #tpu.memory_space<vmem>>, vector<16xf32>,
      %get3A_229 = vector.shape_cast %get3A_228 : vector<16xf32> to vector<16xf32>
      %min3A_230 = arith.minimumf %min3A_218, %get3A_229 : vector<16xf32>
      %swap3A_231 = arith.constant 0 : index
      %swap3A_232 = tpu.vector_load %arg8[%swap3A_231] {strides = array<i32>} : memref<32xf32, #tpu.memory_space<vmem>>, vector<16xf32>,
      %swap3A_233 = vector.shape_cast %swap3A_232 : vector<16xf32> to vector<16xf32>
      %swap3A_234 = vector.shape_cast %min3A_230 : vector<16xf32> to vector<16xf32>
      tpu.vector_store %arg8[%swap3A_231], %swap3A_234 {strides = array<i32>} : memref<32xf32, #tpu.memory_space<vmem>>, vector<16xf32>,
      %swap3A_235 = arith.constant 16 : index
      %swap3A_236 = tpu.vector_load %arg8[%swap3A_235] {strides = array<i32>} : memref<32xf32, #tpu.memory_space<vmem>>, vector<16xf32>,
      %swap3A_237 = vector.shape_cast %swap3A_236 : vector<16xf32> to vector<16xf32>
      %swap3A_238 = vector.shape_cast %min3A_230 : vector<16xf32> to vector<16xf32>
      tpu.vector_store %arg8[%swap3A_235], %swap3A_238 {strides = array<i32>} : memref<32xf32, #tpu.memory_space<vmem>>, vector<16xf32>,
      %get3A_239 = arith.constant 4 : index
      %get3A_240 = tpu.vector_load %arg8[%get3A_239] {strides = array<i32>} : memref<32xf32, #tpu.memory_space<vmem>>, vector<16xf32>,
      %get3A_241 = vector.shape_cast %get3A_240 : vector<16xf32> to vector<16xf32>
      %min3A_242 = arith.minimumf %min3A_230, %get3A_241 : vector<16xf32>
      %swap3A_243 = arith.constant 0 : index
      %swap3A_244 = tpu.vector_load %arg8[%swap3A_243] {strides = array<i32>} : memref<32xf32, #tpu.memory_space<vmem>>, vector<16xf32>,
      %swap3A_245 = vector.shape_cast %swap3A_244 : vector<16xf32> to vector<16xf32>
      %swap3A_246 = vector.shape_cast %min3A_242 : vector<16xf32> to vector<16xf32>
      tpu.vector_store %arg8[%swap3A_243], %swap3A_246 {strides = array<i32>} : memref<32xf32, #tpu.memory_space<vmem>>, vector<16xf32>,
      %swap3A_247 = arith.constant 16 : index
      %swap3A_248 = tpu.vector_load %arg8[%swap3A_247] {strides = array<i32>} : memref<32xf32, #tpu.memory_space<vmem>>, vector<16xf32>,
      %swap3A_249 = vector.shape_cast %swap3A_248 : vector<16xf32> to vector<16xf32>
      %swap3A_250 = vector.shape_cast %min3A_242 : vector<16xf32> to vector<16xf32>
      tpu.vector_store %arg8[%swap3A_247], %swap3A_250 {strides = array<i32>} : memref<32xf32, #tpu.memory_space<vmem>>, vector<16xf32>,
      %get3A_251 = arith.constant 2 : index
      %get3A_252 = tpu.vector_load %arg8[%get3A_251] {strides = array<i32>} : memref<32xf32, #tpu.memory_space<vmem>>, vector<16xf32>,
      %get3A_253 = vector.shape_cast %get3A_252 : vector<16xf32> to vector<16xf32>
      %min3A_254 = arith.minimumf %min3A_242, %get3A_253 : vector<16xf32>
      %swap3A_255 = arith.constant 0 : index
      %swap3A_256 = tpu.vector_load %arg8[%swap3A_255] {strides = array<i32>} : memref<32xf32, #tpu.memory_space<vmem>>, vector<16xf32>,
      %swap3A_257 = vector.shape_cast %swap3A_256 : vector<16xf32> to vector<16xf32>
      %swap3A_258 = vector.shape_cast %min3A_254 : vector<16xf32> to vector<16xf32>
      tpu.vector_store %arg8[%swap3A_255], %swap3A_258 {strides = array<i32>} : memref<32xf32, #tpu.memory_space<vmem>>, vector<16xf32>,
      %swap3A_259 = arith.constant 16 : index
      %swap3A_260 = tpu.vector_load %arg8[%swap3A_259] {strides = array<i32>} : memref<32xf32, #tpu.memory_space<vmem>>, vector<16xf32>,
      %swap3A_261 = vector.shape_cast %swap3A_260 : vector<16xf32> to vector<16xf32>
      %swap3A_262 = vector.shape_cast %min3A_254 : vector<16xf32> to vector<16xf32>
      tpu.vector_store %arg8[%swap3A_259], %swap3A_262 {strides = array<i32>} : memref<32xf32, #tpu.memory_space<vmem>>, vector<16xf32>,
      %get3A_263 = arith.constant 1 : index
      %get3A_264 = tpu.vector_load %arg8[%get3A_263] {strides = array<i32>} : memref<32xf32, #tpu.memory_space<vmem>>, vector<16xf32>,
      %get3A_265 = vector.shape_cast %get3A_264 : vector<16xf32> to vector<16xf32>
      %min3A_266 = arith.minimumf %min3A_254, %get3A_265 : vector<16xf32>
      %eq3A_267 = arith.cmpf oeq, %select_n3A_194, %min3A_266 : vector<16xf32>
      %select_n3A_268 = arith.select %eq3A_267, %add3A_14, %broadcast_in_dim3A_11 : vector<16xi1>, vector<16xf32>
      %min3A_269 = arith.minimumf %broadcast_in_dim3A_11, %select_n3A_268 : vector<16xf32>
      %eq3A_270 = arith.cmpf oeq, %select_n3A_197, %min3A_266 : vector<16xf32>
      %select_n3A_271 = arith.select %eq3A_270, %add3A_18, %broadcast_in_dim3A_11 : vector<16xi1>, vector<16xf32>
      %min3A_272 = arith.minimumf %min3A_269, %select_n3A_271 : vector<16xf32>
      %eq3A_273 = arith.cmpf oeq, %select_n3A_200, %min3A_266 : vector<16xf32>
      %select_n3A_274 = arith.select %eq3A_273, %add3A_22, %broadcast_in_dim3A_11 : vector<16xi1>, vector<16xf32>
      %min3A_275 = arith.minimumf %min3A_272, %select_n3A_274 : vector<16xf32>
      %eq3A_276 = arith.cmpf oeq, %select_n3A_203, %min3A_266 : vector<16xf32>
      %select_n3A_277 = arith.select %eq3A_276, %add3A_26, %broadcast_in_dim3A_11 : vector<16xi1>, vector<16xf32>
      %min3A_278 = arith.minimumf %min3A_275, %select_n3A_277 : vector<16xf32>
      %eq3A_279 = arith.cmpf oeq, %select_n3A_206, %min3A_266 : vector<16xf32>
      %select_n3A_280 = arith.select %eq3A_279, %add3A_30, %broadcast_in_dim3A_11 : vector<16xi1>, vector<16xf32>
      %min3A_281 = arith.minimumf %min3A_278, %select_n3A_280 : vector<16xf32>
      %eq3A_282 = arith.cmpf oeq, %select_n3A_209, %min3A_266 : vector<16xf32>
      %select_n3A_283 = arith.select %eq3A_282, %add3A_34, %broadcast_in_dim3A_11 : vector<16xi1>, vector<16xf32>
      %min3A_284 = arith.minimumf %min3A_281, %select_n3A_283 : vector<16xf32>
      %eq3A_285 = arith.cmpf oeq, %select_n3A_212, %min3A_266 : vector<16xf32>
      %select_n3A_286 = arith.select %eq3A_285, %add3A_38, %broadcast_in_dim3A_11 : vector<16xi1>, vector<16xf32>
      %min3A_287 = arith.minimumf %min3A_284, %select_n3A_286 : vector<16xf32>
      %swap3A_288 = arith.constant 0 : index
      %swap3A_289 = tpu.vector_load %arg8[%swap3A_288] {strides = array<i32>} : memref<32xf32, #tpu.memory_space<vmem>>, vector<16xf32>,
      %swap3A_290 = vector.shape_cast %swap3A_289 : vector<16xf32> to vector<16xf32>
      %swap3A_291 = vector.shape_cast %min3A_287 : vector<16xf32> to vector<16xf32>
      tpu.vector_store %arg8[%swap3A_288], %swap3A_291 {strides = array<i32>} : memref<32xf32, #tpu.memory_space<vmem>>, vector<16xf32>,
      %swap3A_292 = arith.constant 16 : index
      %swap3A_293 = tpu.vector_load %arg8[%swap3A_292] {strides = array<i32>} : memref<32xf32, #tpu.memory_space<vmem>>, vector<16xf32>,
      %swap3A_294 = vector.shape_cast %swap3A_293 : vector<16xf32> to vector<16xf32>
      %swap3A_295 = vector.shape_cast %min3A_287 : vector<16xf32> to vector<16xf32>
      tpu.vector_store %arg8[%swap3A_292], %swap3A_295 {strides = array<i32>} : memref<32xf32, #tpu.memory_space<vmem>>, vector<16xf32>,
      %get3A_296 = arith.constant 8 : index
      %get3A_297 = tpu.vector_load %arg8[%get3A_296] {strides = array<i32>} : memref<32xf32, #tpu.memory_space<vmem>>, vector<16xf32>,
      %get3A_298 = vector.shape_cast %get3A_297 : vector<16xf32> to vector<16xf32>
      %min3A_299 = arith.minimumf %min3A_287, %get3A_298 : vector<16xf32>
      %swap3A_300 = arith.constant 0 : index
      %swap3A_301 = tpu.vector_load %arg8[%swap3A_300] {strides = array<i32>} : memref<32xf32, #tpu.memory_space<vmem>>, vector<16xf32>,
      %swap3A_302 = vector.shape_cast %swap3A_301 : vector<16xf32> to vector<16xf32>
      %swap3A_303 = vector.shape_cast %min3A_299 : vector<16xf32> to vector<16xf32>
      tpu.vector_store %arg8[%swap3A_300], %swap3A_303 {strides = array<i32>} : memref<32xf32, #tpu.memory_space<vmem>>, vector<16xf32>,
      %swap3A_304 = arith.constant 16 : index
      %swap3A_305 = tpu.vector_load %arg8[%swap3A_304] {strides = array<i32>} : memref<32xf32, #tpu.memory_space<vmem>>, vector<16xf32>,
      %swap3A_306 = vector.shape_cast %swap3A_305 : vector<16xf32> to vector<16xf32>
      %swap3A_307 = vector.shape_cast %min3A_299 : vector<16xf32> to vector<16xf32>
      tpu.vector_store %arg8[%swap3A_304], %swap3A_307 {strides = array<i32>} : memref<32xf32, #tpu.memory_space<vmem>>, vector<16xf32>,
      %get3A_308 = arith.constant 4 : index
      %get3A_309 = tpu.vector_load %arg8[%get3A_308] {strides = array<i32>} : memref<32xf32, #tpu.memory_space<vmem>>, vector<16xf32>,
      %get3A_310 = vector.shape_cast %get3A_309 : vector<16xf32> to vector<16xf32>
      %min3A_311 = arith.minimumf %min3A_299, %get3A_310 : vector<16xf32>
      %swap3A_312 = arith.constant 0 : index
      %swap3A_313 = tpu.vector_load %arg8[%swap3A_312] {strides = array<i32>} : memref<32xf32, #tpu.memory_space<vmem>>, vector<16xf32>,
      %swap3A_314 = vector.shape_cast %swap3A_313 : vector<16xf32> to vector<16xf32>
      %swap3A_315 = vector.shape_cast %min3A_311 : vector<16xf32> to vector<16xf32>
      tpu.vector_store %arg8[%swap3A_312], %swap3A_315 {strides = array<i32>} : memref<32xf32, #tpu.memory_space<vmem>>, vector<16xf32>,
      %swap3A_316 = arith.constant 16 : index
      %swap3A_317 = tpu.vector_load %arg8[%swap3A_316] {strides = array<i32>} : memref<32xf32, #tpu.memory_space<vmem>>, vector<16xf32>,
      %swap3A_318 = vector.shape_cast %swap3A_317 : vector<16xf32> to vector<16xf32>
      %swap3A_319 = vector.shape_cast %min3A_311 : vector<16xf32> to vector<16xf32>
      tpu.vector_store %arg8[%swap3A_316], %swap3A_319 {strides = array<i32>} : memref<32xf32, #tpu.memory_space<vmem>>, vector<16xf32>,
      %get3A_320 = arith.constant 2 : index
      %get3A_321 = tpu.vector_load %arg8[%get3A_320] {strides = array<i32>} : memref<32xf32, #tpu.memory_space<vmem>>, vector<16xf32>,
      %get3A_322 = vector.shape_cast %get3A_321 : vector<16xf32> to vector<16xf32>
      %min3A_323 = arith.minimumf %min3A_311, %get3A_322 : vector<16xf32>
      %swap3A_324 = arith.constant 0 : index
      %swap3A_325 = tpu.vector_load %arg8[%swap3A_324] {strides = array<i32>} : memref<32xf32, #tpu.memory_space<vmem>>, vector<16xf32>,
      %swap3A_326 = vector.shape_cast %swap3A_325 : vector<16xf32> to vector<16xf32>
      %swap3A_327 = vector.shape_cast %min3A_323 : vector<16xf32> to vector<16xf32>
      tpu.vector_store %arg8[%swap3A_324], %swap3A_327 {strides = array<i32>} : memref<32xf32, #tpu.memory_space<vmem>>, vector<16xf32>,
      %swap3A_328 = arith.constant 16 : index
      %swap3A_329 = tpu.vector_load %arg8[%swap3A_328] {strides = array<i32>} : memref<32xf32, #tpu.memory_space<vmem>>, vector<16xf32>,
      %swap3A_330 = vector.shape_cast %swap3A_329 : vector<16xf32> to vector<16xf32>
      %swap3A_331 = vector.shape_cast %min3A_323 : vector<16xf32> to vector<16xf32>
      tpu.vector_store %arg8[%swap3A_328], %swap3A_331 {strides = array<i32>} : memref<32xf32, #tpu.memory_space<vmem>>, vector<16xf32>,
      %get3A_332 = arith.constant 1 : index
      %get3A_333 = tpu.vector_load %arg8[%get3A_332] {strides = array<i32>} : memref<32xf32, #tpu.memory_space<vmem>>, vector<16xf32>,
      %get3A_334 = vector.shape_cast %get3A_333 : vector<16xf32> to vector<16xf32>
      %min3A_335 = arith.minimumf %min3A_323, %get3A_334 : vector<16xf32>
      %eq3A_336 = arith.cmpf oeq, %add3A_14, %min3A_335 : vector<16xf32>
      %select_n3A_337 = arith.select %eq3A_336, %broadcast_in_dim3A_5, %select_n3A_193 : vector<16xi1>, vector<16xf32>
      %select_n3A_338 = arith.select %eq3A_336, %broadcast_in_dim3A_5, %broadcast_in_dim3A_3 : vector<16xi1>, vector<16xf32>
      %select_n3A_339 = arith.select %eq3A_336, %broadcast_in_dim3A_9, %select_n3A_194 : vector<16xi1>, vector<16xf32>
      %eq3A_340 = arith.cmpf oeq, %add3A_18, %min3A_335 : vector<16xf32>
      %select_n3A_341 = arith.select %eq3A_340, %broadcast_in_dim3A_5, %select_n3A_196 : vector<16xi1>, vector<16xf32>
      %select_n3A_342 = arith.select %eq3A_340, %broadcast_in_dim3A_5, %broadcast_in_dim3A_3 : vector<16xi1>, vector<16xf32>
      %select_n3A_343 = arith.select %eq3A_340, %broadcast_in_dim3A_9, %select_n3A_197 : vector<16xi1>, vector<16xf32>
      %eq3A_344 = arith.cmpf oeq, %add3A_22, %min3A_335 : vector<16xf32>
      %select_n3A_345 = arith.select %eq3A_344, %broadcast_in_dim3A_5, %select_n3A_199 : vector<16xi1>, vector<16xf32>
      %select_n3A_346 = arith.select %eq3A_344, %broadcast_in_dim3A_5, %broadcast_in_dim3A_3 : vector<16xi1>, vector<16xf32>
      %select_n3A_347 = arith.select %eq3A_344, %broadcast_in_dim3A_9, %select_n3A_200 : vector<16xi1>, vector<16xf32>
      %eq3A_348 = arith.cmpf oeq, %add3A_26, %min3A_335 : vector<16xf32>
      %select_n3A_349 = arith.select %eq3A_348, %broadcast_in_dim3A_5, %select_n3A_202 : vector<16xi1>, vector<16xf32>
      %select_n3A_350 = arith.select %eq3A_348, %broadcast_in_dim3A_5, %broadcast_in_dim3A_3 : vector<16xi1>, vector<16xf32>
      %select_n3A_351 = arith.select %eq3A_348, %broadcast_in_dim3A_9, %select_n3A_203 : vector<16xi1>, vector<16xf32>
      %eq3A_352 = arith.cmpf oeq, %add3A_30, %min3A_335 : vector<16xf32>
      %select_n3A_353 = arith.select %eq3A_352, %broadcast_in_dim3A_5, %select_n3A_205 : vector<16xi1>, vector<16xf32>
      %select_n3A_354 = arith.select %eq3A_352, %broadcast_in_dim3A_5, %broadcast_in_dim3A_3 : vector<16xi1>, vector<16xf32>
      %select_n3A_355 = arith.select %eq3A_352, %broadcast_in_dim3A_9, %select_n3A_206 : vector<16xi1>, vector<16xf32>
      %eq3A_356 = arith.cmpf oeq, %add3A_34, %min3A_335 : vector<16xf32>
      %select_n3A_357 = arith.select %eq3A_356, %broadcast_in_dim3A_5, %select_n3A_208 : vector<16xi1>, vector<16xf32>
      %select_n3A_358 = arith.select %eq3A_356, %broadcast_in_dim3A_5, %broadcast_in_dim3A_3 : vector<16xi1>, vector<16xf32>
      %select_n3A_359 = arith.select %eq3A_356, %broadcast_in_dim3A_9, %select_n3A_209 : vector<16xi1>, vector<16xf32>
      %eq3A_360 = arith.cmpf oeq, %add3A_38, %min3A_335 : vector<16xf32>
      %select_n3A_361 = arith.select %eq3A_360, %broadcast_in_dim3A_5, %select_n3A_211 : vector<16xi1>, vector<16xf32>
      %select_n3A_362 = arith.select %eq3A_360, %broadcast_in_dim3A_5, %broadcast_in_dim3A_3 : vector<16xi1>, vector<16xf32>
      %select_n3A_363 = arith.select %eq3A_360, %broadcast_in_dim3A_9, %select_n3A_212 : vector<16xi1>, vector<16xf32>
      %min3A_364 = arith.minimumf %select_n3A_339, %select_n3A_343 : vector<16xf32>
      %min3A_365 = arith.minimumf %min3A_364, %select_n3A_347 : vector<16xf32>
      %min3A_366 = arith.minimumf %min3A_365, %select_n3A_351 : vector<16xf32>
      %min3A_367 = arith.minimumf %min3A_366, %select_n3A_355 : vector<16xf32>
      %min3A_368 = arith.minimumf %min3A_367, %select_n3A_359 : vector<16xf32>
      %min3A_369 = arith.minimumf %min3A_368, %select_n3A_363 : vector<16xf32>
      %swap3A_370 = arith.constant 0 : index
      %swap3A_371 = tpu.vector_load %arg8[%swap3A_370] {strides = array<i32>} : memref<32xf32, #tpu.memory_space<vmem>>, vector<16xf32>,
      %swap3A_372 = vector.shape_cast %swap3A_371 : vector<16xf32> to vector<16xf32>
      %swap3A_373 = vector.shape_cast %min3A_369 : vector<16xf32> to vector<16xf32>
      tpu.vector_store %arg8[%swap3A_370], %swap3A_373 {strides = array<i32>} : memref<32xf32, #tpu.memory_space<vmem>>, vector<16xf32>,
      %swap3A_374 = arith.constant 16 : index
      %swap3A_375 = tpu.vector_load %arg8[%swap3A_374] {strides = array<i32>} : memref<32xf32, #tpu.memory_space<vmem>>, vector<16xf32>,
      %swap3A_376 = vector.shape_cast %swap3A_375 : vector<16xf32> to vector<16xf32>
      %swap3A_377 = vector.shape_cast %min3A_369 : vector<16xf32> to vector<16xf32>
      tpu.vector_store %arg8[%swap3A_374], %swap3A_377 {strides = array<i32>} : memref<32xf32, #tpu.memory_space<vmem>>, vector<16xf32>,
      %get3A_378 = arith.constant 8 : index
      %get3A_379 = tpu.vector_load %arg8[%get3A_378] {strides = array<i32>} : memref<32xf32, #tpu.memory_space<vmem>>, vector<16xf32>,
      %get3A_380 = vector.shape_cast %get3A_379 : vector<16xf32> to vector<16xf32>
      %min3A_381 = arith.minimumf %min3A_369, %get3A_380 : vector<16xf32>
      %swap3A_382 = arith.constant 0 : index
      %swap3A_383 = tpu.vector_load %arg8[%swap3A_382] {strides = array<i32>} : memref<32xf32, #tpu.memory_space<vmem>>, vector<16xf32>,
      %swap3A_384 = vector.shape_cast %swap3A_383 : vector<16xf32> to vector<16xf32>
      %swap3A_385 = vector.shape_cast %min3A_381 : vector<16xf32> to vector<16xf32>
      tpu.vector_store %arg8[%swap3A_382], %swap3A_385 {strides = array<i32>} : memref<32xf32, #tpu.memory_space<vmem>>, vector<16xf32>,
      %swap3A_386 = arith.constant 16 : index
      %swap3A_387 = tpu.vector_load %arg8[%swap3A_386] {strides = array<i32>} : memref<32xf32, #tpu.memory_space<vmem>>, vector<16xf32>,
      %swap3A_388 = vector.shape_cast %swap3A_387 : vector<16xf32> to vector<16xf32>
      %swap3A_389 = vector.shape_cast %min3A_381 : vector<16xf32> to vector<16xf32>
      tpu.vector_store %arg8[%swap3A_386], %swap3A_389 {strides = array<i32>} : memref<32xf32, #tpu.memory_space<vmem>>, vector<16xf32>,
      %get3A_390 = arith.constant 4 : index
      %get3A_391 = tpu.vector_load %arg8[%get3A_390] {strides = array<i32>} : memref<32xf32, #tpu.memory_space<vmem>>, vector<16xf32>,
      %get3A_392 = vector.shape_cast %get3A_391 : vector<16xf32> to vector<16xf32>
      %min3A_393 = arith.minimumf %min3A_381, %get3A_392 : vector<16xf32>
      %swap3A_394 = arith.constant 0 : index
      %swap3A_395 = tpu.vector_load %arg8[%swap3A_394] {strides = array<i32>} : memref<32xf32, #tpu.memory_space<vmem>>, vector<16xf32>,
      %swap3A_396 = vector.shape_cast %swap3A_395 : vector<16xf32> to vector<16xf32>
      %swap3A_397 = vector.shape_cast %min3A_393 : vector<16xf32> to vector<16xf32>
      tpu.vector_store %arg8[%swap3A_394], %swap3A_397 {strides = array<i32>} : memref<32xf32, #tpu.memory_space<vmem>>, vector<16xf32>,
      %swap3A_398 = arith.constant 16 : index
      %swap3A_399 = tpu.vector_load %arg8[%swap3A_398] {strides = array<i32>} : memref<32xf32, #tpu.memory_space<vmem>>, vector<16xf32>,
      %swap3A_400 = vector.shape_cast %swap3A_399 : vector<16xf32> to vector<16xf32>
      %swap3A_401 = vector.shape_cast %min3A_393 : vector<16xf32> to vector<16xf32>
      tpu.vector_store %arg8[%swap3A_398], %swap3A_401 {strides = array<i32>} : memref<32xf32, #tpu.memory_space<vmem>>, vector<16xf32>,
      %get3A_402 = arith.constant 2 : index
      %get3A_403 = tpu.vector_load %arg8[%get3A_402] {strides = array<i32>} : memref<32xf32, #tpu.memory_space<vmem>>, vector<16xf32>,
      %get3A_404 = vector.shape_cast %get3A_403 : vector<16xf32> to vector<16xf32>
      %min3A_405 = arith.minimumf %min3A_393, %get3A_404 : vector<16xf32>
      %swap3A_406 = arith.constant 0 : index
      %swap3A_407 = tpu.vector_load %arg8[%swap3A_406] {strides = array<i32>} : memref<32xf32, #tpu.memory_space<vmem>>, vector<16xf32>,
      %swap3A_408 = vector.shape_cast %swap3A_407 : vector<16xf32> to vector<16xf32>
      %swap3A_409 = vector.shape_cast %min3A_405 : vector<16xf32> to vector<16xf32>
      tpu.vector_store %arg8[%swap3A_406], %swap3A_409 {strides = array<i32>} : memref<32xf32, #tpu.memory_space<vmem>>, vector<16xf32>,
      %swap3A_410 = arith.constant 16 : index
      %swap3A_411 = tpu.vector_load %arg8[%swap3A_410] {strides = array<i32>} : memref<32xf32, #tpu.memory_space<vmem>>, vector<16xf32>,
      %swap3A_412 = vector.shape_cast %swap3A_411 : vector<16xf32> to vector<16xf32>
      %swap3A_413 = vector.shape_cast %min3A_405 : vector<16xf32> to vector<16xf32>
      tpu.vector_store %arg8[%swap3A_410], %swap3A_413 {strides = array<i32>} : memref<32xf32, #tpu.memory_space<vmem>>, vector<16xf32>,
      %get3A_414 = arith.constant 1 : index
      %get3A_415 = tpu.vector_load %arg8[%get3A_414] {strides = array<i32>} : memref<32xf32, #tpu.memory_space<vmem>>, vector<16xf32>,
      %get3A_416 = vector.shape_cast %get3A_415 : vector<16xf32> to vector<16xf32>
      %min3A_417 = arith.minimumf %min3A_405, %get3A_416 : vector<16xf32>
      %eq3A_418 = arith.cmpf oeq, %select_n3A_339, %min3A_417 : vector<16xf32>
      %select_n3A_419 = arith.select %eq3A_418, %add3A_14, %broadcast_in_dim3A_11 : vector<16xi1>, vector<16xf32>
      %min3A_420 = arith.minimumf %broadcast_in_dim3A_11, %select_n3A_419 : vector<16xf32>
      %eq3A_421 = arith.cmpf oeq, %select_n3A_343, %min3A_417 : vector<16xf32>
      %select_n3A_422 = arith.select %eq3A_421, %add3A_18, %broadcast_in_dim3A_11 : vector<16xi1>, vector<16xf32>
      %min3A_423 = arith.minimumf %min3A_420, %select_n3A_422 : vector<16xf32>
      %eq3A_424 = arith.cmpf oeq, %select_n3A_347, %min3A_417 : vector<16xf32>
      %select_n3A_425 = arith.select %eq3A_424, %add3A_22, %broadcast_in_dim3A_11 : vector<16xi1>, vector<16xf32>
      %min3A_426 = arith.minimumf %min3A_423, %select_n3A_425 : vector<16xf32>
      %eq3A_427 = arith.cmpf oeq, %select_n3A_351, %min3A_417 : vector<16xf32>
      %select_n3A_428 = arith.select %eq3A_427, %add3A_26, %broadcast_in_dim3A_11 : vector<16xi1>, vector<16xf32>
      %min3A_429 = arith.minimumf %min3A_426, %select_n3A_428 : vector<16xf32>
      %eq3A_430 = arith.cmpf oeq, %select_n3A_355, %min3A_417 : vector<16xf32>
      %select_n3A_431 = arith.select %eq3A_430, %add3A_30, %broadcast_in_dim3A_11 : vector<16xi1>, vector<16xf32>
      %min3A_432 = arith.minimumf %min3A_429, %select_n3A_431 : vector<16xf32>
      %eq3A_433 = arith.cmpf oeq, %select_n3A_359, %min3A_417 : vector<16xf32>
      %select_n3A_434 = arith.select %eq3A_433, %add3A_34, %broadcast_in_dim3A_11 : vector<16xi1>, vector<16xf32>
      %min3A_435 = arith.minimumf %min3A_432, %select_n3A_434 : vector<16xf32>
      %eq3A_436 = arith.cmpf oeq, %select_n3A_363, %min3A_417 : vector<16xf32>
      %select_n3A_437 = arith.select %eq3A_436, %add3A_38, %broadcast_in_dim3A_11 : vector<16xi1>, vector<16xf32>
      %min3A_438 = arith.minimumf %min3A_435, %select_n3A_437 : vector<16xf32>
      %swap3A_439 = arith.constant 0 : index
      %swap3A_440 = tpu.vector_load %arg8[%swap3A_439] {strides = array<i32>} : memref<32xf32, #tpu.memory_space<vmem>>, vector<16xf32>,
      %swap3A_441 = vector.shape_cast %swap3A_440 : vector<16xf32> to vector<16xf32>
      %swap3A_442 = vector.shape_cast %min3A_438 : vector<16xf32> to vector<16xf32>
      tpu.vector_store %arg8[%swap3A_439], %swap3A_442 {strides = array<i32>} : memref<32xf32, #tpu.memory_space<vmem>>, vector<16xf32>,
      %swap3A_443 = arith.constant 16 : index
      %swap3A_444 = tpu.vector_load %arg8[%swap3A_443] {strides = array<i32>} : memref<32xf32, #tpu.memory_space<vmem>>, vector<16xf32>,
      %swap3A_445 = vector.shape_cast %swap3A_444 : vector<16xf32> to vector<16xf32>
      %swap3A_446 = vector.shape_cast %min3A_438 : vector<16xf32> to vector<16xf32>
      tpu.vector_store %arg8[%swap3A_443], %swap3A_446 {strides = array<i32>} : memref<32xf32, #tpu.memory_space<vmem>>, vector<16xf32>,
      %get3A_447 = arith.constant 8 : index
      %get3A_448 = tpu.vector_load %arg8[%get3A_447] {strides = array<i32>} : memref<32xf32, #tpu.memory_space<vmem>>, vector<16xf32>,
      %get3A_449 = vector.shape_cast %get3A_448 : vector<16xf32> to vector<16xf32>
      %min3A_450 = arith.minimumf %min3A_438, %get3A_449 : vector<16xf32>
      %swap3A_451 = arith.constant 0 : index
      %swap3A_452 = tpu.vector_load %arg8[%swap3A_451] {strides = array<i32>} : memref<32xf32, #tpu.memory_space<vmem>>, vector<16xf32>,
      %swap3A_453 = vector.shape_cast %swap3A_452 : vector<16xf32> to vector<16xf32>
      %swap3A_454 = vector.shape_cast %min3A_450 : vector<16xf32> to vector<16xf32>
      tpu.vector_store %arg8[%swap3A_451], %swap3A_454 {strides = array<i32>} : memref<32xf32, #tpu.memory_space<vmem>>, vector<16xf32>,
      %swap3A_455 = arith.constant 16 : index
      %swap3A_456 = tpu.vector_load %arg8[%swap3A_455] {strides = array<i32>} : memref<32xf32, #tpu.memory_space<vmem>>, vector<16xf32>,
      %swap3A_457 = vector.shape_cast %swap3A_456 : vector<16xf32> to vector<16xf32>
      %swap3A_458 = vector.shape_cast %min3A_450 : vector<16xf32> to vector<16xf32>
      tpu.vector_store %arg8[%swap3A_455], %swap3A_458 {strides = array<i32>} : memref<32xf32, #tpu.memory_space<vmem>>, vector<16xf32>,
      %get3A_459 = arith.constant 4 : index
      %get3A_460 = tpu.vector_load %arg8[%get3A_459] {strides = array<i32>} : memref<32xf32, #tpu.memory_space<vmem>>, vector<16xf32>,
      %get3A_461 = vector.shape_cast %get3A_460 : vector<16xf32> to vector<16xf32>
      %min3A_462 = arith.minimumf %min3A_450, %get3A_461 : vector<16xf32>
      %swap3A_463 = arith.constant 0 : index
      %swap3A_464 = tpu.vector_load %arg8[%swap3A_463] {strides = array<i32>} : memref<32xf32, #tpu.memory_space<vmem>>, vector<16xf32>,
      %swap3A_465 = vector.shape_cast %swap3A_464 : vector<16xf32> to vector<16xf32>
      %swap3A_466 = vector.shape_cast %min3A_462 : vector<16xf32> to vector<16xf32>
      tpu.vector_store %arg8[%swap3A_463], %swap3A_466 {strides = array<i32>} : memref<32xf32, #tpu.memory_space<vmem>>, vector<16xf32>,
      %swap3A_467 = arith.constant 16 : index
      %swap3A_468 = tpu.vector_load %arg8[%swap3A_467] {strides = array<i32>} : memref<32xf32, #tpu.memory_space<vmem>>, vector<16xf32>,
      %swap3A_469 = vector.shape_cast %swap3A_468 : vector<16xf32> to vector<16xf32>
      %swap3A_470 = vector.shape_cast %min3A_462 : vector<16xf32> to vector<16xf32>
      tpu.vector_store %arg8[%swap3A_467], %swap3A_470 {strides = array<i32>} : memref<32xf32, #tpu.memory_space<vmem>>, vector<16xf32>,
      %get3A_471 = arith.constant 2 : index
      %get3A_472 = tpu.vector_load %arg8[%get3A_471] {strides = array<i32>} : memref<32xf32, #tpu.memory_space<vmem>>, vector<16xf32>,
      %get3A_473 = vector.shape_cast %get3A_472 : vector<16xf32> to vector<16xf32>
      %min3A_474 = arith.minimumf %min3A_462, %get3A_473 : vector<16xf32>
      %swap3A_475 = arith.constant 0 : index
      %swap3A_476 = tpu.vector_load %arg8[%swap3A_475] {strides = array<i32>} : memref<32xf32, #tpu.memory_space<vmem>>, vector<16xf32>,
      %swap3A_477 = vector.shape_cast %swap3A_476 : vector<16xf32> to vector<16xf32>
      %swap3A_478 = vector.shape_cast %min3A_474 : vector<16xf32> to vector<16xf32>
      tpu.vector_store %arg8[%swap3A_475], %swap3A_478 {strides = array<i32>} : memref<32xf32, #tpu.memory_space<vmem>>, vector<16xf32>,
      %swap3A_479 = arith.constant 16 : index
      %swap3A_480 = tpu.vector_load %arg8[%swap3A_479] {strides = array<i32>} : memref<32xf32, #tpu.memory_space<vmem>>, vector<16xf32>,
      %swap3A_481 = vector.shape_cast %swap3A_480 : vector<16xf32> to vector<16xf32>
      %swap3A_482 = vector.shape_cast %min3A_474 : vector<16xf32> to vector<16xf32>
      tpu.vector_store %arg8[%swap3A_479], %swap3A_482 {strides = array<i32>} : memref<32xf32, #tpu.memory_space<vmem>>, vector<16xf32>,
      %get3A_483 = arith.constant 1 : index
      %get3A_484 = tpu.vector_load %arg8[%get3A_483] {strides = array<i32>} : memref<32xf32, #tpu.memory_space<vmem>>, vector<16xf32>,
      %get3A_485 = vector.shape_cast %get3A_484 : vector<16xf32> to vector<16xf32>
      %min3A_486 = arith.minimumf %min3A_474, %get3A_485 : vector<16xf32>
      %eq3A_487 = arith.cmpf oeq, %add3A_14, %min3A_486 : vector<16xf32>
      %select_n3A_488 = arith.select %eq3A_487, %broadcast_in_dim3A_5, %select_n3A_337 : vector<16xi1>, vector<16xf32>
      %select_n3A_489 = arith.select %eq3A_487, %broadcast_in_dim3A_5, %select_n3A_338 : vector<16xi1>, vector<16xf32>
      %select_n3A_490 = arith.select %eq3A_487, %broadcast_in_dim3A_9, %select_n3A_339 : vector<16xi1>, vector<16xf32>
      %eq3A_491 = arith.cmpf oeq, %add3A_18, %min3A_486 : vector<16xf32>
      %select_n3A_492 = arith.select %eq3A_491, %broadcast_in_dim3A_5, %select_n3A_341 : vector<16xi1>, vector<16xf32>
      %select_n3A_493 = arith.select %eq3A_491, %broadcast_in_dim3A_5, %select_n3A_342 : vector<16xi1>, vector<16xf32>
      %select_n3A_494 = arith.select %eq3A_491, %broadcast_in_dim3A_9, %select_n3A_343 : vector<16xi1>, vector<16xf32>
      %eq3A_495 = arith.cmpf oeq, %add3A_22, %min3A_486 : vector<16xf32>
      %select_n3A_496 = arith.select %eq3A_495, %broadcast_in_dim3A_5, %select_n3A_345 : vector<16xi1>, vector<16xf32>
      %select_n3A_497 = arith.select %eq3A_495, %broadcast_in_dim3A_5, %select_n3A_346 : vector<16xi1>, vector<16xf32>
      %select_n3A_498 = arith.select %eq3A_495, %broadcast_in_dim3A_9, %select_n3A_347 : vector<16xi1>, vector<16xf32>
      %eq3A_499 = arith.cmpf oeq, %add3A_26, %min3A_486 : vector<16xf32>
      %select_n3A_500 = arith.select %eq3A_499, %broadcast_in_dim3A_5, %select_n3A_349 : vector<16xi1>, vector<16xf32>
      %select_n3A_501 = arith.select %eq3A_499, %broadcast_in_dim3A_5, %select_n3A_350 : vector<16xi1>, vector<16xf32>
      %select_n3A_502 = arith.select %eq3A_499, %broadcast_in_dim3A_9, %select_n3A_351 : vector<16xi1>, vector<16xf32>
      %eq3A_503 = arith.cmpf oeq, %add3A_30, %min3A_486 : vector<16xf32>
      %select_n3A_504 = arith.select %eq3A_503, %broadcast_in_dim3A_5, %select_n3A_353 : vector<16xi1>, vector<16xf32>
      %select_n3A_505 = arith.select %eq3A_503, %broadcast_in_dim3A_5, %select_n3A_354 : vector<16xi1>, vector<16xf32>
      %select_n3A_506 = arith.select %eq3A_503, %broadcast_in_dim3A_9, %select_n3A_355 : vector<16xi1>, vector<16xf32>
      %eq3A_507 = arith.cmpf oeq, %add3A_34, %min3A_486 : vector<16xf32>
      %select_n3A_508 = arith.select %eq3A_507, %broadcast_in_dim3A_5, %select_n3A_357 : vector<16xi1>, vector<16xf32>
      %select_n3A_509 = arith.select %eq3A_507, %broadcast_in_dim3A_5, %select_n3A_358 : vector<16xi1>, vector<16xf32>
      %select_n3A_510 = arith.select %eq3A_507, %broadcast_in_dim3A_9, %select_n3A_359 : vector<16xi1>, vector<16xf32>
      %eq3A_511 = arith.cmpf oeq, %add3A_38, %min3A_486 : vector<16xf32>
      %select_n3A_512 = arith.select %eq3A_511, %broadcast_in_dim3A_5, %select_n3A_361 : vector<16xi1>, vector<16xf32>
      %select_n3A_513 = arith.select %eq3A_511, %broadcast_in_dim3A_5, %select_n3A_362 : vector<16xi1>, vector<16xf32>
      %select_n3A_514 = arith.select %eq3A_511, %broadcast_in_dim3A_9, %select_n3A_363 : vector<16xi1>, vector<16xf32>
      %min3A_515 = arith.minimumf %select_n3A_490, %select_n3A_494 : vector<16xf32>
      %min3A_516 = arith.minimumf %min3A_515, %select_n3A_498 : vector<16xf32>
      %min3A_517 = arith.minimumf %min3A_516, %select_n3A_502 : vector<16xf32>
      %min3A_518 = arith.minimumf %min3A_517, %select_n3A_506 : vector<16xf32>
      %min3A_519 = arith.minimumf %min3A_518, %select_n3A_510 : vector<16xf32>
      %min3A_520 = arith.minimumf %min3A_519, %select_n3A_514 : vector<16xf32>
      %swap3A_521 = arith.constant 0 : index
      %swap3A_522 = tpu.vector_load %arg8[%swap3A_521] {strides = array<i32>} : memref<32xf32, #tpu.memory_space<vmem>>, vector<16xf32>,
      %swap3A_523 = vector.shape_cast %swap3A_522 : vector<16xf32> to vector<16xf32>
      %swap3A_524 = vector.shape_cast %min3A_520 : vector<16xf32> to vector<16xf32>
      tpu.vector_store %arg8[%swap3A_521], %swap3A_524 {strides = array<i32>} : memref<32xf32, #tpu.memory_space<vmem>>, vector<16xf32>,
      %swap3A_525 = arith.constant 16 : index
      %swap3A_526 = tpu.vector_load %arg8[%swap3A_525] {strides = array<i32>} : memref<32xf32, #tpu.memory_space<vmem>>, vector<16xf32>,
      %swap3A_527 = vector.shape_cast %swap3A_526 : vector<16xf32> to vector<16xf32>
      %swap3A_528 = vector.shape_cast %min3A_520 : vector<16xf32> to vector<16xf32>
      tpu.vector_store %arg8[%swap3A_525], %swap3A_528 {strides = array<i32>} : memref<32xf32, #tpu.memory_space<vmem>>, vector<16xf32>,
      %get3A_529 = arith.constant 8 : index
      %get3A_530 = tpu.vector_load %arg8[%get3A_529] {strides = array<i32>} : memref<32xf32, #tpu.memory_space<vmem>>, vector<16xf32>,
      %get3A_531 = vector.shape_cast %get3A_530 : vector<16xf32> to vector<16xf32>
      %min3A_532 = arith.minimumf %min3A_520, %get3A_531 : vector<16xf32>
      %swap3A_533 = arith.constant 0 : index
      %swap3A_534 = tpu.vector_load %arg8[%swap3A_533] {strides = array<i32>} : memref<32xf32, #tpu.memory_space<vmem>>, vector<16xf32>,
      %swap3A_535 = vector.shape_cast %swap3A_534 : vector<16xf32> to vector<16xf32>
      %swap3A_536 = vector.shape_cast %min3A_532 : vector<16xf32> to vector<16xf32>
      tpu.vector_store %arg8[%swap3A_533], %swap3A_536 {strides = array<i32>} : memref<32xf32, #tpu.memory_space<vmem>>, vector<16xf32>,
      %swap3A_537 = arith.constant 16 : index
      %swap3A_538 = tpu.vector_load %arg8[%swap3A_537] {strides = array<i32>} : memref<32xf32, #tpu.memory_space<vmem>>, vector<16xf32>,
      %swap3A_539 = vector.shape_cast %swap3A_538 : vector<16xf32> to vector<16xf32>
      %swap3A_540 = vector.shape_cast %min3A_532 : vector<16xf32> to vector<16xf32>
      tpu.vector_store %arg8[%swap3A_537], %swap3A_540 {strides = array<i32>} : memref<32xf32, #tpu.memory_space<vmem>>, vector<16xf32>,
      %get3A_541 = arith.constant 4 : index
      %get3A_542 = tpu.vector_load %arg8[%get3A_541] {strides = array<i32>} : memref<32xf32, #tpu.memory_space<vmem>>, vector<16xf32>,
      %get3A_543 = vector.shape_cast %get3A_542 : vector<16xf32> to vector<16xf32>
      %min3A_544 = arith.minimumf %min3A_532, %get3A_543 : vector<16xf32>
      %swap3A_545 = arith.constant 0 : index
      %swap3A_546 = tpu.vector_load %arg8[%swap3A_545] {strides = array<i32>} : memref<32xf32, #tpu.memory_space<vmem>>, vector<16xf32>,
      %swap3A_547 = vector.shape_cast %swap3A_546 : vector<16xf32> to vector<16xf32>
      %swap3A_548 = vector.shape_cast %min3A_544 : vector<16xf32> to vector<16xf32>
      tpu.vector_store %arg8[%swap3A_545], %swap3A_548 {strides = array<i32>} : memref<32xf32, #tpu.memory_space<vmem>>, vector<16xf32>,
      %swap3A_549 = arith.constant 16 : index
      %swap3A_550 = tpu.vector_load %arg8[%swap3A_549] {strides = array<i32>} : memref<32xf32, #tpu.memory_space<vmem>>, vector<16xf32>,
      %swap3A_551 = vector.shape_cast %swap3A_550 : vector<16xf32> to vector<16xf32>
      %swap3A_552 = vector.shape_cast %min3A_544 : vector<16xf32> to vector<16xf32>
      tpu.vector_store %arg8[%swap3A_549], %swap3A_552 {strides = array<i32>} : memref<32xf32, #tpu.memory_space<vmem>>, vector<16xf32>,
      %get3A_553 = arith.constant 2 : index
      %get3A_554 = tpu.vector_load %arg8[%get3A_553] {strides = array<i32>} : memref<32xf32, #tpu.memory_space<vmem>>, vector<16xf32>,
      %get3A_555 = vector.shape_cast %get3A_554 : vector<16xf32> to vector<16xf32>
      %min3A_556 = arith.minimumf %min3A_544, %get3A_555 : vector<16xf32>
      %swap3A_557 = arith.constant 0 : index
      %swap3A_558 = tpu.vector_load %arg8[%swap3A_557] {strides = array<i32>} : memref<32xf32, #tpu.memory_space<vmem>>, vector<16xf32>,
      %swap3A_559 = vector.shape_cast %swap3A_558 : vector<16xf32> to vector<16xf32>
      %swap3A_560 = vector.shape_cast %min3A_556 : vector<16xf32> to vector<16xf32>
      tpu.vector_store %arg8[%swap3A_557], %swap3A_560 {strides = array<i32>} : memref<32xf32, #tpu.memory_space<vmem>>, vector<16xf32>,
      %swap3A_561 = arith.constant 16 : index
      %swap3A_562 = tpu.vector_load %arg8[%swap3A_561] {strides = array<i32>} : memref<32xf32, #tpu.memory_space<vmem>>, vector<16xf32>,
      %swap3A_563 = vector.shape_cast %swap3A_562 : vector<16xf32> to vector<16xf32>
      %swap3A_564 = vector.shape_cast %min3A_556 : vector<16xf32> to vector<16xf32>
      tpu.vector_store %arg8[%swap3A_561], %swap3A_564 {strides = array<i32>} : memref<32xf32, #tpu.memory_space<vmem>>, vector<16xf32>,
      %get3A_565 = arith.constant 1 : index
      %get3A_566 = tpu.vector_load %arg8[%get3A_565] {strides = array<i32>} : memref<32xf32, #tpu.memory_space<vmem>>, vector<16xf32>,
      %get3A_567 = vector.shape_cast %get3A_566 : vector<16xf32> to vector<16xf32>
      %min3A_568 = arith.minimumf %min3A_556, %get3A_567 : vector<16xf32>
      %eq3A_569 = arith.cmpf oeq, %select_n3A_490, %min3A_568 : vector<16xf32>
      %select_n3A_570 = arith.select %eq3A_569, %add3A_14, %broadcast_in_dim3A_11 : vector<16xi1>, vector<16xf32>
      %min3A_571 = arith.minimumf %broadcast_in_dim3A_11, %select_n3A_570 : vector<16xf32>
      %eq3A_572 = arith.cmpf oeq, %select_n3A_494, %min3A_568 : vector<16xf32>
      %select_n3A_573 = arith.select %eq3A_572, %add3A_18, %broadcast_in_dim3A_11 : vector<16xi1>, vector<16xf32>
      %min3A_574 = arith.minimumf %min3A_571, %select_n3A_573 : vector<16xf32>
      %eq3A_575 = arith.cmpf oeq, %select_n3A_498, %min3A_568 : vector<16xf32>
      %select_n3A_576 = arith.select %eq3A_575, %add3A_22, %broadcast_in_dim3A_11 : vector<16xi1>, vector<16xf32>
      %min3A_577 = arith.minimumf %min3A_574, %select_n3A_576 : vector<16xf32>
      %eq3A_578 = arith.cmpf oeq, %select_n3A_502, %min3A_568 : vector<16xf32>
      %select_n3A_579 = arith.select %eq3A_578, %add3A_26, %broadcast_in_dim3A_11 : vector<16xi1>, vector<16xf32>
      %min3A_580 = arith.minimumf %min3A_577, %select_n3A_579 : vector<16xf32>
      %eq3A_581 = arith.cmpf oeq, %select_n3A_506, %min3A_568 : vector<16xf32>
      %select_n3A_582 = arith.select %eq3A_581, %add3A_30, %broadcast_in_dim3A_11 : vector<16xi1>, vector<16xf32>
      %min3A_583 = arith.minimumf %min3A_580, %select_n3A_582 : vector<16xf32>
      %eq3A_584 = arith.cmpf oeq, %select_n3A_510, %min3A_568 : vector<16xf32>
      %select_n3A_585 = arith.select %eq3A_584, %add3A_34, %broadcast_in_dim3A_11 : vector<16xi1>, vector<16xf32>
      %min3A_586 = arith.minimumf %min3A_583, %select_n3A_585 : vector<16xf32>
      %eq3A_587 = arith.cmpf oeq, %select_n3A_514, %min3A_568 : vector<16xf32>
      %select_n3A_588 = arith.select %eq3A_587, %add3A_38, %broadcast_in_dim3A_11 : vector<16xi1>, vector<16xf32>
      %min3A_589 = arith.minimumf %min3A_586, %select_n3A_588 : vector<16xf32>
      %swap3A_590 = arith.constant 0 : index
      %swap3A_591 = tpu.vector_load %arg8[%swap3A_590] {strides = array<i32>} : memref<32xf32, #tpu.memory_space<vmem>>, vector<16xf32>,
      %swap3A_592 = vector.shape_cast %swap3A_591 : vector<16xf32> to vector<16xf32>
      %swap3A_593 = vector.shape_cast %min3A_589 : vector<16xf32> to vector<16xf32>
      tpu.vector_store %arg8[%swap3A_590], %swap3A_593 {strides = array<i32>} : memref<32xf32, #tpu.memory_space<vmem>>, vector<16xf32>,
      %swap3A_594 = arith.constant 16 : index
      %swap3A_595 = tpu.vector_load %arg8[%swap3A_594] {strides = array<i32>} : memref<32xf32, #tpu.memory_space<vmem>>, vector<16xf32>,
      %swap3A_596 = vector.shape_cast %swap3A_595 : vector<16xf32> to vector<16xf32>
      %swap3A_597 = vector.shape_cast %min3A_589 : vector<16xf32> to vector<16xf32>
      tpu.vector_store %arg8[%swap3A_594], %swap3A_597 {strides = array<i32>} : memref<32xf32, #tpu.memory_space<vmem>>, vector<16xf32>,
      %get3A_598 = arith.constant 8 : index
      %get3A_599 = tpu.vector_load %arg8[%get3A_598] {strides = array<i32>} : memref<32xf32, #tpu.memory_space<vmem>>, vector<16xf32>,
      %get3A_600 = vector.shape_cast %get3A_599 : vector<16xf32> to vector<16xf32>
      %min3A_601 = arith.minimumf %min3A_589, %get3A_600 : vector<16xf32>
      %swap3A_602 = arith.constant 0 : index
      %swap3A_603 = tpu.vector_load %arg8[%swap3A_602] {strides = array<i32>} : memref<32xf32, #tpu.memory_space<vmem>>, vector<16xf32>,
      %swap3A_604 = vector.shape_cast %swap3A_603 : vector<16xf32> to vector<16xf32>
      %swap3A_605 = vector.shape_cast %min3A_601 : vector<16xf32> to vector<16xf32>
      tpu.vector_store %arg8[%swap3A_602], %swap3A_605 {strides = array<i32>} : memref<32xf32, #tpu.memory_space<vmem>>, vector<16xf32>,
      %swap3A_606 = arith.constant 16 : index
      %swap3A_607 = tpu.vector_load %arg8[%swap3A_606] {strides = array<i32>} : memref<32xf32, #tpu.memory_space<vmem>>, vector<16xf32>,
      %swap3A_608 = vector.shape_cast %swap3A_607 : vector<16xf32> to vector<16xf32>
      %swap3A_609 = vector.shape_cast %min3A_601 : vector<16xf32> to vector<16xf32>
      tpu.vector_store %arg8[%swap3A_606], %swap3A_609 {strides = array<i32>} : memref<32xf32, #tpu.memory_space<vmem>>, vector<16xf32>,
      %get3A_610 = arith.constant 4 : index
      %get3A_611 = tpu.vector_load %arg8[%get3A_610] {strides = array<i32>} : memref<32xf32, #tpu.memory_space<vmem>>, vector<16xf32>,
      %get3A_612 = vector.shape_cast %get3A_611 : vector<16xf32> to vector<16xf32>
      %min3A_613 = arith.minimumf %min3A_601, %get3A_612 : vector<16xf32>
      %swap3A_614 = arith.constant 0 : index
      %swap3A_615 = tpu.vector_load %arg8[%swap3A_614] {strides = array<i32>} : memref<32xf32, #tpu.memory_space<vmem>>, vector<16xf32>,
      %swap3A_616 = vector.shape_cast %swap3A_615 : vector<16xf32> to vector<16xf32>
      %swap3A_617 = vector.shape_cast %min3A_613 : vector<16xf32> to vector<16xf32>
      tpu.vector_store %arg8[%swap3A_614], %swap3A_617 {strides = array<i32>} : memref<32xf32, #tpu.memory_space<vmem>>, vector<16xf32>,
      %swap3A_618 = arith.constant 16 : index
      %swap3A_619 = tpu.vector_load %arg8[%swap3A_618] {strides = array<i32>} : memref<32xf32, #tpu.memory_space<vmem>>, vector<16xf32>,
      %swap3A_620 = vector.shape_cast %swap3A_619 : vector<16xf32> to vector<16xf32>
      %swap3A_621 = vector.shape_cast %min3A_613 : vector<16xf32> to vector<16xf32>
      tpu.vector_store %arg8[%swap3A_618], %swap3A_621 {strides = array<i32>} : memref<32xf32, #tpu.memory_space<vmem>>, vector<16xf32>,
      %get3A_622 = arith.constant 2 : index
      %get3A_623 = tpu.vector_load %arg8[%get3A_622] {strides = array<i32>} : memref<32xf32, #tpu.memory_space<vmem>>, vector<16xf32>,
      %get3A_624 = vector.shape_cast %get3A_623 : vector<16xf32> to vector<16xf32>
      %min3A_625 = arith.minimumf %min3A_613, %get3A_624 : vector<16xf32>
      %swap3A_626 = arith.constant 0 : index
      %swap3A_627 = tpu.vector_load %arg8[%swap3A_626] {strides = array<i32>} : memref<32xf32, #tpu.memory_space<vmem>>, vector<16xf32>,
      %swap3A_628 = vector.shape_cast %swap3A_627 : vector<16xf32> to vector<16xf32>
      %swap3A_629 = vector.shape_cast %min3A_625 : vector<16xf32> to vector<16xf32>
      tpu.vector_store %arg8[%swap3A_626], %swap3A_629 {strides = array<i32>} : memref<32xf32, #tpu.memory_space<vmem>>, vector<16xf32>,
      %swap3A_630 = arith.constant 16 : index
      %swap3A_631 = tpu.vector_load %arg8[%swap3A_630] {strides = array<i32>} : memref<32xf32, #tpu.memory_space<vmem>>, vector<16xf32>,
      %swap3A_632 = vector.shape_cast %swap3A_631 : vector<16xf32> to vector<16xf32>
      %swap3A_633 = vector.shape_cast %min3A_625 : vector<16xf32> to vector<16xf32>
      tpu.vector_store %arg8[%swap3A_630], %swap3A_633 {strides = array<i32>} : memref<32xf32, #tpu.memory_space<vmem>>, vector<16xf32>,
      %get3A_634 = arith.constant 1 : index
      %get3A_635 = tpu.vector_load %arg8[%get3A_634] {strides = array<i32>} : memref<32xf32, #tpu.memory_space<vmem>>, vector<16xf32>,
      %get3A_636 = vector.shape_cast %get3A_635 : vector<16xf32> to vector<16xf32>
      %min3A_637 = arith.minimumf %min3A_625, %get3A_636 : vector<16xf32>
      %eq3A_638 = arith.cmpf oeq, %add3A_14, %min3A_637 : vector<16xf32>
      %select_n3A_639 = arith.select %eq3A_638, %broadcast_in_dim3A_5, %select_n3A_488 : vector<16xi1>, vector<16xf32>
      %select_n3A_640 = arith.select %eq3A_638, %broadcast_in_dim3A_5, %select_n3A_489 : vector<16xi1>, vector<16xf32>
      %select_n3A_641 = arith.select %eq3A_638, %broadcast_in_dim3A_9, %select_n3A_490 : vector<16xi1>, vector<16xf32>
      %eq3A_642 = arith.cmpf oeq, %add3A_18, %min3A_637 : vector<16xf32>
      %select_n3A_643 = arith.select %eq3A_642, %broadcast_in_dim3A_5, %select_n3A_492 : vector<16xi1>, vector<16xf32>
      %select_n3A_644 = arith.select %eq3A_642, %broadcast_in_dim3A_5, %select_n3A_493 : vector<16xi1>, vector<16xf32>
      %select_n3A_645 = arith.select %eq3A_642, %broadcast_in_dim3A_9, %select_n3A_494 : vector<16xi1>, vector<16xf32>
      %eq3A_646 = arith.cmpf oeq, %add3A_22, %min3A_637 : vector<16xf32>
      %select_n3A_647 = arith.select %eq3A_646, %broadcast_in_dim3A_5, %select_n3A_496 : vector<16xi1>, vector<16xf32>
      %select_n3A_648 = arith.select %eq3A_646, %broadcast_in_dim3A_5, %select_n3A_497 : vector<16xi1>, vector<16xf32>
      %select_n3A_649 = arith.select %eq3A_646, %broadcast_in_dim3A_9, %select_n3A_498 : vector<16xi1>, vector<16xf32>
      %eq3A_650 = arith.cmpf oeq, %add3A_26, %min3A_637 : vector<16xf32>
      %select_n3A_651 = arith.select %eq3A_650, %broadcast_in_dim3A_5, %select_n3A_500 : vector<16xi1>, vector<16xf32>
      %select_n3A_652 = arith.select %eq3A_650, %broadcast_in_dim3A_5, %select_n3A_501 : vector<16xi1>, vector<16xf32>
      %select_n3A_653 = arith.select %eq3A_650, %broadcast_in_dim3A_9, %select_n3A_502 : vector<16xi1>, vector<16xf32>
      %eq3A_654 = arith.cmpf oeq, %add3A_30, %min3A_637 : vector<16xf32>
      %select_n3A_655 = arith.select %eq3A_654, %broadcast_in_dim3A_5, %select_n3A_504 : vector<16xi1>, vector<16xf32>
      %select_n3A_656 = arith.select %eq3A_654, %broadcast_in_dim3A_5, %select_n3A_505 : vector<16xi1>, vector<16xf32>
      %select_n3A_657 = arith.select %eq3A_654, %broadcast_in_dim3A_9, %select_n3A_506 : vector<16xi1>, vector<16xf32>
      %eq3A_658 = arith.cmpf oeq, %add3A_34, %min3A_637 : vector<16xf32>
      %select_n3A_659 = arith.select %eq3A_658, %broadcast_in_dim3A_5, %select_n3A_508 : vector<16xi1>, vector<16xf32>
      %select_n3A_660 = arith.select %eq3A_658, %broadcast_in_dim3A_5, %select_n3A_509 : vector<16xi1>, vector<16xf32>
      %select_n3A_661 = arith.select %eq3A_658, %broadcast_in_dim3A_9, %select_n3A_510 : vector<16xi1>, vector<16xf32>
      %eq3A_662 = arith.cmpf oeq, %add3A_38, %min3A_637 : vector<16xf32>
      %select_n3A_663 = arith.select %eq3A_662, %broadcast_in_dim3A_5, %select_n3A_512 : vector<16xi1>, vector<16xf32>
      %select_n3A_664 = arith.select %eq3A_662, %broadcast_in_dim3A_5, %select_n3A_513 : vector<16xi1>, vector<16xf32>
      %select_n3A_665 = arith.select %eq3A_662, %broadcast_in_dim3A_9, %select_n3A_514 : vector<16xi1>, vector<16xf32>
      %min3A_666 = arith.minimumf %select_n3A_641, %select_n3A_645 : vector<16xf32>
      %min3A_667 = arith.minimumf %min3A_666, %select_n3A_649 : vector<16xf32>
      %min3A_668 = arith.minimumf %min3A_667, %select_n3A_653 : vector<16xf32>
      %min3A_669 = arith.minimumf %min3A_668, %select_n3A_657 : vector<16xf32>
      %min3A_670 = arith.minimumf %min3A_669, %select_n3A_661 : vector<16xf32>
      %min3A_671 = arith.minimumf %min3A_670, %select_n3A_665 : vector<16xf32>
      %swap3A_672 = arith.constant 0 : index
      %swap3A_673 = tpu.vector_load %arg8[%swap3A_672] {strides = array<i32>} : memref<32xf32, #tpu.memory_space<vmem>>, vector<16xf32>,
      %swap3A_674 = vector.shape_cast %swap3A_673 : vector<16xf32> to vector<16xf32>
      %swap3A_675 = vector.shape_cast %min3A_671 : vector<16xf32> to vector<16xf32>
      tpu.vector_store %arg8[%swap3A_672], %swap3A_675 {strides = array<i32>} : memref<32xf32, #tpu.memory_space<vmem>>, vector<16xf32>,
      %swap3A_676 = arith.constant 16 : index
      %swap3A_677 = tpu.vector_load %arg8[%swap3A_676] {strides = array<i32>} : memref<32xf32, #tpu.memory_space<vmem>>, vector<16xf32>,
      %swap3A_678 = vector.shape_cast %swap3A_677 : vector<16xf32> to vector<16xf32>
      %swap3A_679 = vector.shape_cast %min3A_671 : vector<16xf32> to vector<16xf32>
      tpu.vector_store %arg8[%swap3A_676], %swap3A_679 {strides = array<i32>} : memref<32xf32, #tpu.memory_space<vmem>>, vector<16xf32>,
      %get3A_680 = arith.constant 8 : index
      %get3A_681 = tpu.vector_load %arg8[%get3A_680] {strides = array<i32>} : memref<32xf32, #tpu.memory_space<vmem>>, vector<16xf32>,
      %get3A_682 = vector.shape_cast %get3A_681 : vector<16xf32> to vector<16xf32>
      %min3A_683 = arith.minimumf %min3A_671, %get3A_682 : vector<16xf32>
      %swap3A_684 = arith.constant 0 : index
      %swap3A_685 = tpu.vector_load %arg8[%swap3A_684] {strides = array<i32>} : memref<32xf32, #tpu.memory_space<vmem>>, vector<16xf32>,
      %swap3A_686 = vector.shape_cast %swap3A_685 : vector<16xf32> to vector<16xf32>
      %swap3A_687 = vector.shape_cast %min3A_683 : vector<16xf32> to vector<16xf32>
      tpu.vector_store %arg8[%swap3A_684], %swap3A_687 {strides = array<i32>} : memref<32xf32, #tpu.memory_space<vmem>>, vector<16xf32>,
      %swap3A_688 = arith.constant 16 : index
      %swap3A_689 = tpu.vector_load %arg8[%swap3A_688] {strides = array<i32>} : memref<32xf32, #tpu.memory_space<vmem>>, vector<16xf32>,
      %swap3A_690 = vector.shape_cast %swap3A_689 : vector<16xf32> to vector<16xf32>
      %swap3A_691 = vector.shape_cast %min3A_683 : vector<16xf32> to vector<16xf32>
      tpu.vector_store %arg8[%swap3A_688], %swap3A_691 {strides = array<i32>} : memref<32xf32, #tpu.memory_space<vmem>>, vector<16xf32>,
      %get3A_692 = arith.constant 4 : index
      %get3A_693 = tpu.vector_load %arg8[%get3A_692] {strides = array<i32>} : memref<32xf32, #tpu.memory_space<vmem>>, vector<16xf32>,
      %get3A_694 = vector.shape_cast %get3A_693 : vector<16xf32> to vector<16xf32>
      %min3A_695 = arith.minimumf %min3A_683, %get3A_694 : vector<16xf32>
      %swap3A_696 = arith.constant 0 : index
      %swap3A_697 = tpu.vector_load %arg8[%swap3A_696] {strides = array<i32>} : memref<32xf32, #tpu.memory_space<vmem>>, vector<16xf32>,
      %swap3A_698 = vector.shape_cast %swap3A_697 : vector<16xf32> to vector<16xf32>
      %swap3A_699 = vector.shape_cast %min3A_695 : vector<16xf32> to vector<16xf32>
      tpu.vector_store %arg8[%swap3A_696], %swap3A_699 {strides = array<i32>} : memref<32xf32, #tpu.memory_space<vmem>>, vector<16xf32>,
      %swap3A_700 = arith.constant 16 : index
      %swap3A_701 = tpu.vector_load %arg8[%swap3A_700] {strides = array<i32>} : memref<32xf32, #tpu.memory_space<vmem>>, vector<16xf32>,
      %swap3A_702 = vector.shape_cast %swap3A_701 : vector<16xf32> to vector<16xf32>
      %swap3A_703 = vector.shape_cast %min3A_695 : vector<16xf32> to vector<16xf32>
      tpu.vector_store %arg8[%swap3A_700], %swap3A_703 {strides = array<i32>} : memref<32xf32, #tpu.memory_space<vmem>>, vector<16xf32>,
      %get3A_704 = arith.constant 2 : index
      %get3A_705 = tpu.vector_load %arg8[%get3A_704] {strides = array<i32>} : memref<32xf32, #tpu.memory_space<vmem>>, vector<16xf32>,
      %get3A_706 = vector.shape_cast %get3A_705 : vector<16xf32> to vector<16xf32>
      %min3A_707 = arith.minimumf %min3A_695, %get3A_706 : vector<16xf32>
      %swap3A_708 = arith.constant 0 : index
      %swap3A_709 = tpu.vector_load %arg8[%swap3A_708] {strides = array<i32>} : memref<32xf32, #tpu.memory_space<vmem>>, vector<16xf32>,
      %swap3A_710 = vector.shape_cast %swap3A_709 : vector<16xf32> to vector<16xf32>
      %swap3A_711 = vector.shape_cast %min3A_707 : vector<16xf32> to vector<16xf32>
      tpu.vector_store %arg8[%swap3A_708], %swap3A_711 {strides = array<i32>} : memref<32xf32, #tpu.memory_space<vmem>>, vector<16xf32>,
      %swap3A_712 = arith.constant 16 : index
      %swap3A_713 = tpu.vector_load %arg8[%swap3A_712] {strides = array<i32>} : memref<32xf32, #tpu.memory_space<vmem>>, vector<16xf32>,
      %swap3A_714 = vector.shape_cast %swap3A_713 : vector<16xf32> to vector<16xf32>
      %swap3A_715 = vector.shape_cast %min3A_707 : vector<16xf32> to vector<16xf32>
      tpu.vector_store %arg8[%swap3A_712], %swap3A_715 {strides = array<i32>} : memref<32xf32, #tpu.memory_space<vmem>>, vector<16xf32>,
      %get3A_716 = arith.constant 1 : index
      %get3A_717 = tpu.vector_load %arg8[%get3A_716] {strides = array<i32>} : memref<32xf32, #tpu.memory_space<vmem>>, vector<16xf32>,
      %get3A_718 = vector.shape_cast %get3A_717 : vector<16xf32> to vector<16xf32>
      %min3A_719 = arith.minimumf %min3A_707, %get3A_718 : vector<16xf32>
      %eq3A_720 = arith.cmpf oeq, %select_n3A_641, %min3A_719 : vector<16xf32>
      %select_n3A_721 = arith.select %eq3A_720, %add3A_14, %broadcast_in_dim3A_11 : vector<16xi1>, vector<16xf32>
      %min3A_722 = arith.minimumf %broadcast_in_dim3A_11, %select_n3A_721 : vector<16xf32>
      %eq3A_723 = arith.cmpf oeq, %select_n3A_645, %min3A_719 : vector<16xf32>
      %select_n3A_724 = arith.select %eq3A_723, %add3A_18, %broadcast_in_dim3A_11 : vector<16xi1>, vector<16xf32>
      %min3A_725 = arith.minimumf %min3A_722, %select_n3A_724 : vector<16xf32>
      %eq3A_726 = arith.cmpf oeq, %select_n3A_649, %min3A_719 : vector<16xf32>
      %select_n3A_727 = arith.select %eq3A_726, %add3A_22, %broadcast_in_dim3A_11 : vector<16xi1>, vector<16xf32>
      %min3A_728 = arith.minimumf %min3A_725, %select_n3A_727 : vector<16xf32>
      %eq3A_729 = arith.cmpf oeq, %select_n3A_653, %min3A_719 : vector<16xf32>
      %select_n3A_730 = arith.select %eq3A_729, %add3A_26, %broadcast_in_dim3A_11 : vector<16xi1>, vector<16xf32>
      %min3A_731 = arith.minimumf %min3A_728, %select_n3A_730 : vector<16xf32>
      %eq3A_732 = arith.cmpf oeq, %select_n3A_657, %min3A_719 : vector<16xf32>
      %select_n3A_733 = arith.select %eq3A_732, %add3A_30, %broadcast_in_dim3A_11 : vector<16xi1>, vector<16xf32>
      %min3A_734 = arith.minimumf %min3A_731, %select_n3A_733 : vector<16xf32>
      %eq3A_735 = arith.cmpf oeq, %select_n3A_661, %min3A_719 : vector<16xf32>
      %select_n3A_736 = arith.select %eq3A_735, %add3A_34, %broadcast_in_dim3A_11 : vector<16xi1>, vector<16xf32>
      %min3A_737 = arith.minimumf %min3A_734, %select_n3A_736 : vector<16xf32>
      %eq3A_738 = arith.cmpf oeq, %select_n3A_665, %min3A_719 : vector<16xf32>
      %select_n3A_739 = arith.select %eq3A_738, %add3A_38, %broadcast_in_dim3A_11 : vector<16xi1>, vector<16xf32>
      %min3A_740 = arith.minimumf %min3A_737, %select_n3A_739 : vector<16xf32>
      %swap3A_741 = arith.constant 0 : index
      %swap3A_742 = tpu.vector_load %arg8[%swap3A_741] {strides = array<i32>} : memref<32xf32, #tpu.memory_space<vmem>>, vector<16xf32>,
      %swap3A_743 = vector.shape_cast %swap3A_742 : vector<16xf32> to vector<16xf32>
      %swap3A_744 = vector.shape_cast %min3A_740 : vector<16xf32> to vector<16xf32>
      tpu.vector_store %arg8[%swap3A_741], %swap3A_744 {strides = array<i32>} : memref<32xf32, #tpu.memory_space<vmem>>, vector<16xf32>,
      %swap3A_745 = arith.constant 16 : index
      %swap3A_746 = tpu.vector_load %arg8[%swap3A_745] {strides = array<i32>} : memref<32xf32, #tpu.memory_space<vmem>>, vector<16xf32>,
      %swap3A_747 = vector.shape_cast %swap3A_746 : vector<16xf32> to vector<16xf32>
      %swap3A_748 = vector.shape_cast %min3A_740 : vector<16xf32> to vector<16xf32>
      tpu.vector_store %arg8[%swap3A_745], %swap3A_748 {strides = array<i32>} : memref<32xf32, #tpu.memory_space<vmem>>, vector<16xf32>,
      %get3A_749 = arith.constant 8 : index
      %get3A_750 = tpu.vector_load %arg8[%get3A_749] {strides = array<i32>} : memref<32xf32, #tpu.memory_space<vmem>>, vector<16xf32>,
      %get3A_751 = vector.shape_cast %get3A_750 : vector<16xf32> to vector<16xf32>
      %min3A_752 = arith.minimumf %min3A_740, %get3A_751 : vector<16xf32>
      %swap3A_753 = arith.constant 0 : index
      %swap3A_754 = tpu.vector_load %arg8[%swap3A_753] {strides = array<i32>} : memref<32xf32, #tpu.memory_space<vmem>>, vector<16xf32>,
      %swap3A_755 = vector.shape_cast %swap3A_754 : vector<16xf32> to vector<16xf32>
      %swap3A_756 = vector.shape_cast %min3A_752 : vector<16xf32> to vector<16xf32>
      tpu.vector_store %arg8[%swap3A_753], %swap3A_756 {strides = array<i32>} : memref<32xf32, #tpu.memory_space<vmem>>, vector<16xf32>,
      %swap3A_757 = arith.constant 16 : index
      %swap3A_758 = tpu.vector_load %arg8[%swap3A_757] {strides = array<i32>} : memref<32xf32, #tpu.memory_space<vmem>>, vector<16xf32>,
      %swap3A_759 = vector.shape_cast %swap3A_758 : vector<16xf32> to vector<16xf32>
      %swap3A_760 = vector.shape_cast %min3A_752 : vector<16xf32> to vector<16xf32>
      tpu.vector_store %arg8[%swap3A_757], %swap3A_760 {strides = array<i32>} : memref<32xf32, #tpu.memory_space<vmem>>, vector<16xf32>,
      %get3A_761 = arith.constant 4 : index
      %get3A_762 = tpu.vector_load %arg8[%get3A_761] {strides = array<i32>} : memref<32xf32, #tpu.memory_space<vmem>>, vector<16xf32>,
      %get3A_763 = vector.shape_cast %get3A_762 : vector<16xf32> to vector<16xf32>
      %min3A_764 = arith.minimumf %min3A_752, %get3A_763 : vector<16xf32>
      %swap3A_765 = arith.constant 0 : index
      %swap3A_766 = tpu.vector_load %arg8[%swap3A_765] {strides = array<i32>} : memref<32xf32, #tpu.memory_space<vmem>>, vector<16xf32>,
      %swap3A_767 = vector.shape_cast %swap3A_766 : vector<16xf32> to vector<16xf32>
      %swap3A_768 = vector.shape_cast %min3A_764 : vector<16xf32> to vector<16xf32>
      tpu.vector_store %arg8[%swap3A_765], %swap3A_768 {strides = array<i32>} : memref<32xf32, #tpu.memory_space<vmem>>, vector<16xf32>,
      %swap3A_769 = arith.constant 16 : index
      %swap3A_770 = tpu.vector_load %arg8[%swap3A_769] {strides = array<i32>} : memref<32xf32, #tpu.memory_space<vmem>>, vector<16xf32>,
      %swap3A_771 = vector.shape_cast %swap3A_770 : vector<16xf32> to vector<16xf32>
      %swap3A_772 = vector.shape_cast %min3A_764 : vector<16xf32> to vector<16xf32>
      tpu.vector_store %arg8[%swap3A_769], %swap3A_772 {strides = array<i32>} : memref<32xf32, #tpu.memory_space<vmem>>, vector<16xf32>,
      %get3A_773 = arith.constant 2 : index
      %get3A_774 = tpu.vector_load %arg8[%get3A_773] {strides = array<i32>} : memref<32xf32, #tpu.memory_space<vmem>>, vector<16xf32>,
      %get3A_775 = vector.shape_cast %get3A_774 : vector<16xf32> to vector<16xf32>
      %min3A_776 = arith.minimumf %min3A_764, %get3A_775 : vector<16xf32>
      %swap3A_777 = arith.constant 0 : index
      %swap3A_778 = tpu.vector_load %arg8[%swap3A_777] {strides = array<i32>} : memref<32xf32, #tpu.memory_space<vmem>>, vector<16xf32>,
      %swap3A_779 = vector.shape_cast %swap3A_778 : vector<16xf32> to vector<16xf32>
      %swap3A_780 = vector.shape_cast %min3A_776 : vector<16xf32> to vector<16xf32>
      tpu.vector_store %arg8[%swap3A_777], %swap3A_780 {strides = array<i32>} : memref<32xf32, #tpu.memory_space<vmem>>, vector<16xf32>,
      %swap3A_781 = arith.constant 16 : index
      %swap3A_782 = tpu.vector_load %arg8[%swap3A_781] {strides = array<i32>} : memref<32xf32, #tpu.memory_space<vmem>>, vector<16xf32>,
      %swap3A_783 = vector.shape_cast %swap3A_782 : vector<16xf32> to vector<16xf32>
      %swap3A_784 = vector.shape_cast %min3A_776 : vector<16xf32> to vector<16xf32>
      tpu.vector_store %arg8[%swap3A_781], %swap3A_784 {strides = array<i32>} : memref<32xf32, #tpu.memory_space<vmem>>, vector<16xf32>,
      %get3A_785 = arith.constant 1 : index
      %get3A_786 = tpu.vector_load %arg8[%get3A_785] {strides = array<i32>} : memref<32xf32, #tpu.memory_space<vmem>>, vector<16xf32>,
      %get3A_787 = vector.shape_cast %get3A_786 : vector<16xf32> to vector<16xf32>
      %min3A_788 = arith.minimumf %min3A_776, %get3A_787 : vector<16xf32>
      %eq3A_789 = arith.cmpf oeq, %add3A_14, %min3A_788 : vector<16xf32>
      %select_n3A_790 = arith.select %eq3A_789, %broadcast_in_dim3A_5, %select_n3A_639 : vector<16xi1>, vector<16xf32>
      %select_n3A_791 = arith.select %eq3A_789, %broadcast_in_dim3A_5, %select_n3A_640 : vector<16xi1>, vector<16xf32>
      %select_n3A_792 = arith.select %eq3A_789, %broadcast_in_dim3A_9, %select_n3A_641 : vector<16xi1>, vector<16xf32>
      %eq3A_793 = arith.cmpf oeq, %add3A_18, %min3A_788 : vector<16xf32>
      %select_n3A_794 = arith.select %eq3A_793, %broadcast_in_dim3A_5, %select_n3A_643 : vector<16xi1>, vector<16xf32>
      %select_n3A_795 = arith.select %eq3A_793, %broadcast_in_dim3A_5, %select_n3A_644 : vector<16xi1>, vector<16xf32>
      %select_n3A_796 = arith.select %eq3A_793, %broadcast_in_dim3A_9, %select_n3A_645 : vector<16xi1>, vector<16xf32>
      %eq3A_797 = arith.cmpf oeq, %add3A_22, %min3A_788 : vector<16xf32>
      %select_n3A_798 = arith.select %eq3A_797, %broadcast_in_dim3A_5, %select_n3A_647 : vector<16xi1>, vector<16xf32>
      %select_n3A_799 = arith.select %eq3A_797, %broadcast_in_dim3A_5, %select_n3A_648 : vector<16xi1>, vector<16xf32>
      %select_n3A_800 = arith.select %eq3A_797, %broadcast_in_dim3A_9, %select_n3A_649 : vector<16xi1>, vector<16xf32>
      %eq3A_801 = arith.cmpf oeq, %add3A_26, %min3A_788 : vector<16xf32>
      %select_n3A_802 = arith.select %eq3A_801, %broadcast_in_dim3A_5, %select_n3A_651 : vector<16xi1>, vector<16xf32>
      %select_n3A_803 = arith.select %eq3A_801, %broadcast_in_dim3A_5, %select_n3A_652 : vector<16xi1>, vector<16xf32>
      %select_n3A_804 = arith.select %eq3A_801, %broadcast_in_dim3A_9, %select_n3A_653 : vector<16xi1>, vector<16xf32>
      %eq3A_805 = arith.cmpf oeq, %add3A_30, %min3A_788 : vector<16xf32>
      %select_n3A_806 = arith.select %eq3A_805, %broadcast_in_dim3A_5, %select_n3A_655 : vector<16xi1>, vector<16xf32>
      %select_n3A_807 = arith.select %eq3A_805, %broadcast_in_dim3A_5, %select_n3A_656 : vector<16xi1>, vector<16xf32>
      %select_n3A_808 = arith.select %eq3A_805, %broadcast_in_dim3A_9, %select_n3A_657 : vector<16xi1>, vector<16xf32>
      %eq3A_809 = arith.cmpf oeq, %add3A_34, %min3A_788 : vector<16xf32>
      %select_n3A_810 = arith.select %eq3A_809, %broadcast_in_dim3A_5, %select_n3A_659 : vector<16xi1>, vector<16xf32>
      %select_n3A_811 = arith.select %eq3A_809, %broadcast_in_dim3A_5, %select_n3A_660 : vector<16xi1>, vector<16xf32>
      %select_n3A_812 = arith.select %eq3A_809, %broadcast_in_dim3A_9, %select_n3A_661 : vector<16xi1>, vector<16xf32>
      %eq3A_813 = arith.cmpf oeq, %add3A_38, %min3A_788 : vector<16xf32>
      %select_n3A_814 = arith.select %eq3A_813, %broadcast_in_dim3A_5, %select_n3A_663 : vector<16xi1>, vector<16xf32>
      %select_n3A_815 = arith.select %eq3A_813, %broadcast_in_dim3A_5, %select_n3A_664 : vector<16xi1>, vector<16xf32>
      %select_n3A_816 = arith.select %eq3A_813, %broadcast_in_dim3A_9, %select_n3A_665 : vector<16xi1>, vector<16xf32>
      %min3A_817 = arith.minimumf %select_n3A_792, %select_n3A_796 : vector<16xf32>
      %min3A_818 = arith.minimumf %min3A_817, %select_n3A_800 : vector<16xf32>
      %min3A_819 = arith.minimumf %min3A_818, %select_n3A_804 : vector<16xf32>
      %min3A_820 = arith.minimumf %min3A_819, %select_n3A_808 : vector<16xf32>
      %min3A_821 = arith.minimumf %min3A_820, %select_n3A_812 : vector<16xf32>
      %min3A_822 = arith.minimumf %min3A_821, %select_n3A_816 : vector<16xf32>
      %swap3A_823 = arith.constant 0 : index
      %swap3A_824 = tpu.vector_load %arg8[%swap3A_823] {strides = array<i32>} : memref<32xf32, #tpu.memory_space<vmem>>, vector<16xf32>,
      %swap3A_825 = vector.shape_cast %swap3A_824 : vector<16xf32> to vector<16xf32>
      %swap3A_826 = vector.shape_cast %min3A_822 : vector<16xf32> to vector<16xf32>
      tpu.vector_store %arg8[%swap3A_823], %swap3A_826 {strides = array<i32>} : memref<32xf32, #tpu.memory_space<vmem>>, vector<16xf32>,
      %swap3A_827 = arith.constant 16 : index
      %swap3A_828 = tpu.vector_load %arg8[%swap3A_827] {strides = array<i32>} : memref<32xf32, #tpu.memory_space<vmem>>, vector<16xf32>,
      %swap3A_829 = vector.shape_cast %swap3A_828 : vector<16xf32> to vector<16xf32>
      %swap3A_830 = vector.shape_cast %min3A_822 : vector<16xf32> to vector<16xf32>
      tpu.vector_store %arg8[%swap3A_827], %swap3A_830 {strides = array<i32>} : memref<32xf32, #tpu.memory_space<vmem>>, vector<16xf32>,
      %get3A_831 = arith.constant 8 : index
      %get3A_832 = tpu.vector_load %arg8[%get3A_831] {strides = array<i32>} : memref<32xf32, #tpu.memory_space<vmem>>, vector<16xf32>,
      %get3A_833 = vector.shape_cast %get3A_832 : vector<16xf32> to vector<16xf32>
      %min3A_834 = arith.minimumf %min3A_822, %get3A_833 : vector<16xf32>
      %swap3A_835 = arith.constant 0 : index
      %swap3A_836 = tpu.vector_load %arg8[%swap3A_835] {strides = array<i32>} : memref<32xf32, #tpu.memory_space<vmem>>, vector<16xf32>,
      %swap3A_837 = vector.shape_cast %swap3A_836 : vector<16xf32> to vector<16xf32>
      %swap3A_838 = vector.shape_cast %min3A_834 : vector<16xf32> to vector<16xf32>
      tpu.vector_store %arg8[%swap3A_835], %swap3A_838 {strides = array<i32>} : memref<32xf32, #tpu.memory_space<vmem>>, vector<16xf32>,
      %swap3A_839 = arith.constant 16 : index
      %swap3A_840 = tpu.vector_load %arg8[%swap3A_839] {strides = array<i32>} : memref<32xf32, #tpu.memory_space<vmem>>, vector<16xf32>,
      %swap3A_841 = vector.shape_cast %swap3A_840 : vector<16xf32> to vector<16xf32>
      %swap3A_842 = vector.shape_cast %min3A_834 : vector<16xf32> to vector<16xf32>
      tpu.vector_store %arg8[%swap3A_839], %swap3A_842 {strides = array<i32>} : memref<32xf32, #tpu.memory_space<vmem>>, vector<16xf32>,
      %get3A_843 = arith.constant 4 : index
      %get3A_844 = tpu.vector_load %arg8[%get3A_843] {strides = array<i32>} : memref<32xf32, #tpu.memory_space<vmem>>, vector<16xf32>,
      %get3A_845 = vector.shape_cast %get3A_844 : vector<16xf32> to vector<16xf32>
      %min3A_846 = arith.minimumf %min3A_834, %get3A_845 : vector<16xf32>
      %swap3A_847 = arith.constant 0 : index
      %swap3A_848 = tpu.vector_load %arg8[%swap3A_847] {strides = array<i32>} : memref<32xf32, #tpu.memory_space<vmem>>, vector<16xf32>,
      %swap3A_849 = vector.shape_cast %swap3A_848 : vector<16xf32> to vector<16xf32>
      %swap3A_850 = vector.shape_cast %min3A_846 : vector<16xf32> to vector<16xf32>
      tpu.vector_store %arg8[%swap3A_847], %swap3A_850 {strides = array<i32>} : memref<32xf32, #tpu.memory_space<vmem>>, vector<16xf32>,
      %swap3A_851 = arith.constant 16 : index
      %swap3A_852 = tpu.vector_load %arg8[%swap3A_851] {strides = array<i32>} : memref<32xf32, #tpu.memory_space<vmem>>, vector<16xf32>,
      %swap3A_853 = vector.shape_cast %swap3A_852 : vector<16xf32> to vector<16xf32>
      %swap3A_854 = vector.shape_cast %min3A_846 : vector<16xf32> to vector<16xf32>
      tpu.vector_store %arg8[%swap3A_851], %swap3A_854 {strides = array<i32>} : memref<32xf32, #tpu.memory_space<vmem>>, vector<16xf32>,
      %get3A_855 = arith.constant 2 : index
      %get3A_856 = tpu.vector_load %arg8[%get3A_855] {strides = array<i32>} : memref<32xf32, #tpu.memory_space<vmem>>, vector<16xf32>,
      %get3A_857 = vector.shape_cast %get3A_856 : vector<16xf32> to vector<16xf32>
      %min3A_858 = arith.minimumf %min3A_846, %get3A_857 : vector<16xf32>
      %swap3A_859 = arith.constant 0 : index
      %swap3A_860 = tpu.vector_load %arg8[%swap3A_859] {strides = array<i32>} : memref<32xf32, #tpu.memory_space<vmem>>, vector<16xf32>,
      %swap3A_861 = vector.shape_cast %swap3A_860 : vector<16xf32> to vector<16xf32>
      %swap3A_862 = vector.shape_cast %min3A_858 : vector<16xf32> to vector<16xf32>
      tpu.vector_store %arg8[%swap3A_859], %swap3A_862 {strides = array<i32>} : memref<32xf32, #tpu.memory_space<vmem>>, vector<16xf32>,
      %swap3A_863 = arith.constant 16 : index
      %swap3A_864 = tpu.vector_load %arg8[%swap3A_863] {strides = array<i32>} : memref<32xf32, #tpu.memory_space<vmem>>, vector<16xf32>,
      %swap3A_865 = vector.shape_cast %swap3A_864 : vector<16xf32> to vector<16xf32>
      %swap3A_866 = vector.shape_cast %min3A_858 : vector<16xf32> to vector<16xf32>
      tpu.vector_store %arg8[%swap3A_863], %swap3A_866 {strides = array<i32>} : memref<32xf32, #tpu.memory_space<vmem>>, vector<16xf32>,
      %get3A_867 = arith.constant 1 : index
      %get3A_868 = tpu.vector_load %arg8[%get3A_867] {strides = array<i32>} : memref<32xf32, #tpu.memory_space<vmem>>, vector<16xf32>,
      %get3A_869 = vector.shape_cast %get3A_868 : vector<16xf32> to vector<16xf32>
      %min3A_870 = arith.minimumf %min3A_858, %get3A_869 : vector<16xf32>
      %eq3A_871 = arith.cmpf oeq, %select_n3A_792, %min3A_870 : vector<16xf32>
      %select_n3A_872 = arith.select %eq3A_871, %add3A_14, %broadcast_in_dim3A_11 : vector<16xi1>, vector<16xf32>
      %min3A_873 = arith.minimumf %broadcast_in_dim3A_11, %select_n3A_872 : vector<16xf32>
      %eq3A_874 = arith.cmpf oeq, %select_n3A_796, %min3A_870 : vector<16xf32>
      %select_n3A_875 = arith.select %eq3A_874, %add3A_18, %broadcast_in_dim3A_11 : vector<16xi1>, vector<16xf32>
      %min3A_876 = arith.minimumf %min3A_873, %select_n3A_875 : vector<16xf32>
      %eq3A_877 = arith.cmpf oeq, %select_n3A_800, %min3A_870 : vector<16xf32>
      %select_n3A_878 = arith.select %eq3A_877, %add3A_22, %broadcast_in_dim3A_11 : vector<16xi1>, vector<16xf32>
      %min3A_879 = arith.minimumf %min3A_876, %select_n3A_878 : vector<16xf32>
      %eq3A_880 = arith.cmpf oeq, %select_n3A_804, %min3A_870 : vector<16xf32>
      %select_n3A_881 = arith.select %eq3A_880, %add3A_26, %broadcast_in_dim3A_11 : vector<16xi1>, vector<16xf32>
      %min3A_882 = arith.minimumf %min3A_879, %select_n3A_881 : vector<16xf32>
      %eq3A_883 = arith.cmpf oeq, %select_n3A_808, %min3A_870 : vector<16xf32>
      %select_n3A_884 = arith.select %eq3A_883, %add3A_30, %broadcast_in_dim3A_11 : vector<16xi1>, vector<16xf32>
      %min3A_885 = arith.minimumf %min3A_882, %select_n3A_884 : vector<16xf32>
      %eq3A_886 = arith.cmpf oeq, %select_n3A_812, %min3A_870 : vector<16xf32>
      %select_n3A_887 = arith.select %eq3A_886, %add3A_34, %broadcast_in_dim3A_11 : vector<16xi1>, vector<16xf32>
      %min3A_888 = arith.minimumf %min3A_885, %select_n3A_887 : vector<16xf32>
      %eq3A_889 = arith.cmpf oeq, %select_n3A_816, %min3A_870 : vector<16xf32>
      %select_n3A_890 = arith.select %eq3A_889, %add3A_38, %broadcast_in_dim3A_11 : vector<16xi1>, vector<16xf32>
      %min3A_891 = arith.minimumf %min3A_888, %select_n3A_890 : vector<16xf32>
      %swap3A_892 = arith.constant 0 : index
      %swap3A_893 = tpu.vector_load %arg8[%swap3A_892] {strides = array<i32>} : memref<32xf32, #tpu.memory_space<vmem>>, vector<16xf32>,
      %swap3A_894 = vector.shape_cast %swap3A_893 : vector<16xf32> to vector<16xf32>
      %swap3A_895 = vector.shape_cast %min3A_891 : vector<16xf32> to vector<16xf32>
      tpu.vector_store %arg8[%swap3A_892], %swap3A_895 {strides = array<i32>} : memref<32xf32, #tpu.memory_space<vmem>>, vector<16xf32>,
      %swap3A_896 = arith.constant 16 : index
      %swap3A_897 = tpu.vector_load %arg8[%swap3A_896] {strides = array<i32>} : memref<32xf32, #tpu.memory_space<vmem>>, vector<16xf32>,
      %swap3A_898 = vector.shape_cast %swap3A_897 : vector<16xf32> to vector<16xf32>
      %swap3A_899 = vector.shape_cast %min3A_891 : vector<16xf32> to vector<16xf32>
      tpu.vector_store %arg8[%swap3A_896], %swap3A_899 {strides = array<i32>} : memref<32xf32, #tpu.memory_space<vmem>>, vector<16xf32>,
      %get3A_900 = arith.constant 8 : index
      %get3A_901 = tpu.vector_load %arg8[%get3A_900] {strides = array<i32>} : memref<32xf32, #tpu.memory_space<vmem>>, vector<16xf32>,
      %get3A_902 = vector.shape_cast %get3A_901 : vector<16xf32> to vector<16xf32>
      %min3A_903 = arith.minimumf %min3A_891, %get3A_902 : vector<16xf32>
      %swap3A_904 = arith.constant 0 : index
      %swap3A_905 = tpu.vector_load %arg8[%swap3A_904] {strides = array<i32>} : memref<32xf32, #tpu.memory_space<vmem>>, vector<16xf32>,
      %swap3A_906 = vector.shape_cast %swap3A_905 : vector<16xf32> to vector<16xf32>
      %swap3A_907 = vector.shape_cast %min3A_903 : vector<16xf32> to vector<16xf32>
      tpu.vector_store %arg8[%swap3A_904], %swap3A_907 {strides = array<i32>} : memref<32xf32, #tpu.memory_space<vmem>>, vector<16xf32>,
      %swap3A_908 = arith.constant 16 : index
      %swap3A_909 = tpu.vector_load %arg8[%swap3A_908] {strides = array<i32>} : memref<32xf32, #tpu.memory_space<vmem>>, vector<16xf32>,
      %swap3A_910 = vector.shape_cast %swap3A_909 : vector<16xf32> to vector<16xf32>
      %swap3A_911 = vector.shape_cast %min3A_903 : vector<16xf32> to vector<16xf32>
      tpu.vector_store %arg8[%swap3A_908], %swap3A_911 {strides = array<i32>} : memref<32xf32, #tpu.memory_space<vmem>>, vector<16xf32>,
      %get3A_912 = arith.constant 4 : index
      %get3A_913 = tpu.vector_load %arg8[%get3A_912] {strides = array<i32>} : memref<32xf32, #tpu.memory_space<vmem>>, vector<16xf32>,
      %get3A_914 = vector.shape_cast %get3A_913 : vector<16xf32> to vector<16xf32>
      %min3A_915 = arith.minimumf %min3A_903, %get3A_914 : vector<16xf32>
      %swap3A_916 = arith.constant 0 : index
      %swap3A_917 = tpu.vector_load %arg8[%swap3A_916] {strides = array<i32>} : memref<32xf32, #tpu.memory_space<vmem>>, vector<16xf32>,
      %swap3A_918 = vector.shape_cast %swap3A_917 : vector<16xf32> to vector<16xf32>
      %swap3A_919 = vector.shape_cast %min3A_915 : vector<16xf32> to vector<16xf32>
      tpu.vector_store %arg8[%swap3A_916], %swap3A_919 {strides = array<i32>} : memref<32xf32, #tpu.memory_space<vmem>>, vector<16xf32>,
      %swap3A_920 = arith.constant 16 : index
      %swap3A_921 = tpu.vector_load %arg8[%swap3A_920] {strides = array<i32>} : memref<32xf32, #tpu.memory_space<vmem>>, vector<16xf32>,
      %swap3A_922 = vector.shape_cast %swap3A_921 : vector<16xf32> to vector<16xf32>
      %swap3A_923 = vector.shape_cast %min3A_915 : vector<16xf32> to vector<16xf32>
      tpu.vector_store %arg8[%swap3A_920], %swap3A_923 {strides = array<i32>} : memref<32xf32, #tpu.memory_space<vmem>>, vector<16xf32>,
      %get3A_924 = arith.constant 2 : index
      %get3A_925 = tpu.vector_load %arg8[%get3A_924] {strides = array<i32>} : memref<32xf32, #tpu.memory_space<vmem>>, vector<16xf32>,
      %get3A_926 = vector.shape_cast %get3A_925 : vector<16xf32> to vector<16xf32>
      %min3A_927 = arith.minimumf %min3A_915, %get3A_926 : vector<16xf32>
      %swap3A_928 = arith.constant 0 : index
      %swap3A_929 = tpu.vector_load %arg8[%swap3A_928] {strides = array<i32>} : memref<32xf32, #tpu.memory_space<vmem>>, vector<16xf32>,
      %swap3A_930 = vector.shape_cast %swap3A_929 : vector<16xf32> to vector<16xf32>
      %swap3A_931 = vector.shape_cast %min3A_927 : vector<16xf32> to vector<16xf32>
      tpu.vector_store %arg8[%swap3A_928], %swap3A_931 {strides = array<i32>} : memref<32xf32, #tpu.memory_space<vmem>>, vector<16xf32>,
      %swap3A_932 = arith.constant 16 : index
      %swap3A_933 = tpu.vector_load %arg8[%swap3A_932] {strides = array<i32>} : memref<32xf32, #tpu.memory_space<vmem>>, vector<16xf32>,
      %swap3A_934 = vector.shape_cast %swap3A_933 : vector<16xf32> to vector<16xf32>
      %swap3A_935 = vector.shape_cast %min3A_927 : vector<16xf32> to vector<16xf32>
      tpu.vector_store %arg8[%swap3A_932], %swap3A_935 {strides = array<i32>} : memref<32xf32, #tpu.memory_space<vmem>>, vector<16xf32>,
      %get3A_936 = arith.constant 1 : index
      %get3A_937 = tpu.vector_load %arg8[%get3A_936] {strides = array<i32>} : memref<32xf32, #tpu.memory_space<vmem>>, vector<16xf32>,
      %get3A_938 = vector.shape_cast %get3A_937 : vector<16xf32> to vector<16xf32>
      %min3A_939 = arith.minimumf %min3A_927, %get3A_938 : vector<16xf32>
      %eq3A_940 = arith.cmpf oeq, %add3A_14, %min3A_939 : vector<16xf32>
      %select_n3A_941 = arith.select %eq3A_940, %broadcast_in_dim3A_5, %select_n3A_790 : vector<16xi1>, vector<16xf32>
      %select_n3A_942 = arith.select %eq3A_940, %broadcast_in_dim3A_5, %select_n3A_791 : vector<16xi1>, vector<16xf32>
      %select_n3A_943 = arith.select %eq3A_940, %broadcast_in_dim3A_9, %select_n3A_792 : vector<16xi1>, vector<16xf32>
      %eq3A_944 = arith.cmpf oeq, %add3A_18, %min3A_939 : vector<16xf32>
      %select_n3A_945 = arith.select %eq3A_944, %broadcast_in_dim3A_5, %select_n3A_794 : vector<16xi1>, vector<16xf32>
      %select_n3A_946 = arith.select %eq3A_944, %broadcast_in_dim3A_5, %select_n3A_795 : vector<16xi1>, vector<16xf32>
      %select_n3A_947 = arith.select %eq3A_944, %broadcast_in_dim3A_9, %select_n3A_796 : vector<16xi1>, vector<16xf32>
      %eq3A_948 = arith.cmpf oeq, %add3A_22, %min3A_939 : vector<16xf32>
      %select_n3A_949 = arith.select %eq3A_948, %broadcast_in_dim3A_5, %select_n3A_798 : vector<16xi1>, vector<16xf32>
      %select_n3A_950 = arith.select %eq3A_948, %broadcast_in_dim3A_5, %select_n3A_799 : vector<16xi1>, vector<16xf32>
      %select_n3A_951 = arith.select %eq3A_948, %broadcast_in_dim3A_9, %select_n3A_800 : vector<16xi1>, vector<16xf32>
      %eq3A_952 = arith.cmpf oeq, %add3A_26, %min3A_939 : vector<16xf32>
      %select_n3A_953 = arith.select %eq3A_952, %broadcast_in_dim3A_5, %select_n3A_802 : vector<16xi1>, vector<16xf32>
      %select_n3A_954 = arith.select %eq3A_952, %broadcast_in_dim3A_5, %select_n3A_803 : vector<16xi1>, vector<16xf32>
      %select_n3A_955 = arith.select %eq3A_952, %broadcast_in_dim3A_9, %select_n3A_804 : vector<16xi1>, vector<16xf32>
      %eq3A_956 = arith.cmpf oeq, %add3A_30, %min3A_939 : vector<16xf32>
      %select_n3A_957 = arith.select %eq3A_956, %broadcast_in_dim3A_5, %select_n3A_806 : vector<16xi1>, vector<16xf32>
      %select_n3A_958 = arith.select %eq3A_956, %broadcast_in_dim3A_5, %select_n3A_807 : vector<16xi1>, vector<16xf32>
      %select_n3A_959 = arith.select %eq3A_956, %broadcast_in_dim3A_9, %select_n3A_808 : vector<16xi1>, vector<16xf32>
      %eq3A_960 = arith.cmpf oeq, %add3A_34, %min3A_939 : vector<16xf32>
      %select_n3A_961 = arith.select %eq3A_960, %broadcast_in_dim3A_5, %select_n3A_810 : vector<16xi1>, vector<16xf32>
      %select_n3A_962 = arith.select %eq3A_960, %broadcast_in_dim3A_5, %select_n3A_811 : vector<16xi1>, vector<16xf32>
      %select_n3A_963 = arith.select %eq3A_960, %broadcast_in_dim3A_9, %select_n3A_812 : vector<16xi1>, vector<16xf32>
      %eq3A_964 = arith.cmpf oeq, %add3A_38, %min3A_939 : vector<16xf32>
      %select_n3A_965 = arith.select %eq3A_964, %broadcast_in_dim3A_5, %select_n3A_814 : vector<16xi1>, vector<16xf32>
      %select_n3A_966 = arith.select %eq3A_964, %broadcast_in_dim3A_5, %select_n3A_815 : vector<16xi1>, vector<16xf32>
      %select_n3A_967 = arith.select %eq3A_964, %broadcast_in_dim3A_9, %select_n3A_816 : vector<16xi1>, vector<16xf32>
      %min3A_968 = arith.minimumf %select_n3A_943, %select_n3A_947 : vector<16xf32>
      %min3A_969 = arith.minimumf %min3A_968, %select_n3A_951 : vector<16xf32>
      %min3A_970 = arith.minimumf %min3A_969, %select_n3A_955 : vector<16xf32>
      %min3A_971 = arith.minimumf %min3A_970, %select_n3A_959 : vector<16xf32>
      %min3A_972 = arith.minimumf %min3A_971, %select_n3A_963 : vector<16xf32>
      %min3A_973 = arith.minimumf %min3A_972, %select_n3A_967 : vector<16xf32>
      %swap3A_974 = arith.constant 0 : index
      %swap3A_975 = tpu.vector_load %arg8[%swap3A_974] {strides = array<i32>} : memref<32xf32, #tpu.memory_space<vmem>>, vector<16xf32>,
      %swap3A_976 = vector.shape_cast %swap3A_975 : vector<16xf32> to vector<16xf32>
      %swap3A_977 = vector.shape_cast %min3A_973 : vector<16xf32> to vector<16xf32>
      tpu.vector_store %arg8[%swap3A_974], %swap3A_977 {strides = array<i32>} : memref<32xf32, #tpu.memory_space<vmem>>, vector<16xf32>,
      %swap3A_978 = arith.constant 16 : index
      %swap3A_979 = tpu.vector_load %arg8[%swap3A_978] {strides = array<i32>} : memref<32xf32, #tpu.memory_space<vmem>>, vector<16xf32>,
      %swap3A_980 = vector.shape_cast %swap3A_979 : vector<16xf32> to vector<16xf32>
      %swap3A_981 = vector.shape_cast %min3A_973 : vector<16xf32> to vector<16xf32>
      tpu.vector_store %arg8[%swap3A_978], %swap3A_981 {strides = array<i32>} : memref<32xf32, #tpu.memory_space<vmem>>, vector<16xf32>,
      %get3A_982 = arith.constant 8 : index
      %get3A_983 = tpu.vector_load %arg8[%get3A_982] {strides = array<i32>} : memref<32xf32, #tpu.memory_space<vmem>>, vector<16xf32>,
      %get3A_984 = vector.shape_cast %get3A_983 : vector<16xf32> to vector<16xf32>
      %min3A_985 = arith.minimumf %min3A_973, %get3A_984 : vector<16xf32>
      %swap3A_986 = arith.constant 0 : index
      %swap3A_987 = tpu.vector_load %arg8[%swap3A_986] {strides = array<i32>} : memref<32xf32, #tpu.memory_space<vmem>>, vector<16xf32>,
      %swap3A_988 = vector.shape_cast %swap3A_987 : vector<16xf32> to vector<16xf32>
      %swap3A_989 = vector.shape_cast %min3A_985 : vector<16xf32> to vector<16xf32>
      tpu.vector_store %arg8[%swap3A_986], %swap3A_989 {strides = array<i32>} : memref<32xf32, #tpu.memory_space<vmem>>, vector<16xf32>,
      %swap3A_990 = arith.constant 16 : index
      %swap3A_991 = tpu.vector_load %arg8[%swap3A_990] {strides = array<i32>} : memref<32xf32, #tpu.memory_space<vmem>>, vector<16xf32>,
      %swap3A_992 = vector.shape_cast %swap3A_991 : vector<16xf32> to vector<16xf32>
      %swap3A_993 = vector.shape_cast %min3A_985 : vector<16xf32> to vector<16xf32>
      tpu.vector_store %arg8[%swap3A_990], %swap3A_993 {strides = array<i32>} : memref<32xf32, #tpu.memory_space<vmem>>, vector<16xf32>,
      %get3A_994 = arith.constant 4 : index
      %get3A_995 = tpu.vector_load %arg8[%get3A_994] {strides = array<i32>} : memref<32xf32, #tpu.memory_space<vmem>>, vector<16xf32>,
      %get3A_996 = vector.shape_cast %get3A_995 : vector<16xf32> to vector<16xf32>
      %min3A_997 = arith.minimumf %min3A_985, %get3A_996 : vector<16xf32>
      %swap3A_998 = arith.constant 0 : index
      %swap3A_999 = tpu.vector_load %arg8[%swap3A_998] {strides = array<i32>} : memref<32xf32, #tpu.memory_space<vmem>>, vector<16xf32>,
      %swap3A_1000 = vector.shape_cast %swap3A_999 : vector<16xf32> to vector<16xf32>
      %swap3A_1001 = vector.shape_cast %min3A_997 : vector<16xf32> to vector<16xf32>
      tpu.vector_store %arg8[%swap3A_998], %swap3A_1001 {strides = array<i32>} : memref<32xf32, #tpu.memory_space<vmem>>, vector<16xf32>,
      %swap3A_1002 = arith.constant 16 : index
      %swap3A_1003 = tpu.vector_load %arg8[%swap3A_1002] {strides = array<i32>} : memref<32xf32, #tpu.memory_space<vmem>>, vector<16xf32>,
      %swap3A_1004 = vector.shape_cast %swap3A_1003 : vector<16xf32> to vector<16xf32>
      %swap3A_1005 = vector.shape_cast %min3A_997 : vector<16xf32> to vector<16xf32>
      tpu.vector_store %arg8[%swap3A_1002], %swap3A_1005 {strides = array<i32>} : memref<32xf32, #tpu.memory_space<vmem>>, vector<16xf32>,
      %get3A_1006 = arith.constant 2 : index
      %get3A_1007 = tpu.vector_load %arg8[%get3A_1006] {strides = array<i32>} : memref<32xf32, #tpu.memory_space<vmem>>, vector<16xf32>,
      %get3A_1008 = vector.shape_cast %get3A_1007 : vector<16xf32> to vector<16xf32>
      %min3A_1009 = arith.minimumf %min3A_997, %get3A_1008 : vector<16xf32>
      %swap3A_1010 = arith.constant 0 : index
      %swap3A_1011 = tpu.vector_load %arg8[%swap3A_1010] {strides = array<i32>} : memref<32xf32, #tpu.memory_space<vmem>>, vector<16xf32>,
      %swap3A_1012 = vector.shape_cast %swap3A_1011 : vector<16xf32> to vector<16xf32>
      %swap3A_1013 = vector.shape_cast %min3A_1009 : vector<16xf32> to vector<16xf32>
      tpu.vector_store %arg8[%swap3A_1010], %swap3A_1013 {strides = array<i32>} : memref<32xf32, #tpu.memory_space<vmem>>, vector<16xf32>,
      %swap3A_1014 = arith.constant 16 : index
      %swap3A_1015 = tpu.vector_load %arg8[%swap3A_1014] {strides = array<i32>} : memref<32xf32, #tpu.memory_space<vmem>>, vector<16xf32>,
      %swap3A_1016 = vector.shape_cast %swap3A_1015 : vector<16xf32> to vector<16xf32>
      %swap3A_1017 = vector.shape_cast %min3A_1009 : vector<16xf32> to vector<16xf32>
      tpu.vector_store %arg8[%swap3A_1014], %swap3A_1017 {strides = array<i32>} : memref<32xf32, #tpu.memory_space<vmem>>, vector<16xf32>,
      %get3A_1018 = arith.constant 1 : index
      %get3A_1019 = tpu.vector_load %arg8[%get3A_1018] {strides = array<i32>} : memref<32xf32, #tpu.memory_space<vmem>>, vector<16xf32>,
      %get3A_1020 = vector.shape_cast %get3A_1019 : vector<16xf32> to vector<16xf32>
      %min3A_1021 = arith.minimumf %min3A_1009, %get3A_1020 : vector<16xf32>
      %eq3A_1022 = arith.cmpf oeq, %select_n3A_943, %min3A_1021 : vector<16xf32>
      %select_n3A_1023 = arith.select %eq3A_1022, %add3A_14, %broadcast_in_dim3A_11 : vector<16xi1>, vector<16xf32>
      %min3A_1024 = arith.minimumf %broadcast_in_dim3A_11, %select_n3A_1023 : vector<16xf32>
      %eq3A_1025 = arith.cmpf oeq, %select_n3A_947, %min3A_1021 : vector<16xf32>
      %select_n3A_1026 = arith.select %eq3A_1025, %add3A_18, %broadcast_in_dim3A_11 : vector<16xi1>, vector<16xf32>
      %min3A_1027 = arith.minimumf %min3A_1024, %select_n3A_1026 : vector<16xf32>
      %eq3A_1028 = arith.cmpf oeq, %select_n3A_951, %min3A_1021 : vector<16xf32>
      %select_n3A_1029 = arith.select %eq3A_1028, %add3A_22, %broadcast_in_dim3A_11 : vector<16xi1>, vector<16xf32>
      %min3A_1030 = arith.minimumf %min3A_1027, %select_n3A_1029 : vector<16xf32>
      %eq3A_1031 = arith.cmpf oeq, %select_n3A_955, %min3A_1021 : vector<16xf32>
      %select_n3A_1032 = arith.select %eq3A_1031, %add3A_26, %broadcast_in_dim3A_11 : vector<16xi1>, vector<16xf32>
      %min3A_1033 = arith.minimumf %min3A_1030, %select_n3A_1032 : vector<16xf32>
      %eq3A_1034 = arith.cmpf oeq, %select_n3A_959, %min3A_1021 : vector<16xf32>
      %select_n3A_1035 = arith.select %eq3A_1034, %add3A_30, %broadcast_in_dim3A_11 : vector<16xi1>, vector<16xf32>
      %min3A_1036 = arith.minimumf %min3A_1033, %select_n3A_1035 : vector<16xf32>
      %eq3A_1037 = arith.cmpf oeq, %select_n3A_963, %min3A_1021 : vector<16xf32>
      %select_n3A_1038 = arith.select %eq3A_1037, %add3A_34, %broadcast_in_dim3A_11 : vector<16xi1>, vector<16xf32>
      %min3A_1039 = arith.minimumf %min3A_1036, %select_n3A_1038 : vector<16xf32>
      %eq3A_1040 = arith.cmpf oeq, %select_n3A_967, %min3A_1021 : vector<16xf32>
      %select_n3A_1041 = arith.select %eq3A_1040, %add3A_38, %broadcast_in_dim3A_11 : vector<16xi1>, vector<16xf32>
      %min3A_1042 = arith.minimumf %min3A_1039, %select_n3A_1041 : vector<16xf32>
      %swap3A_1043 = arith.constant 0 : index
      %swap3A_1044 = tpu.vector_load %arg8[%swap3A_1043] {strides = array<i32>} : memref<32xf32, #tpu.memory_space<vmem>>, vector<16xf32>,
      %swap3A_1045 = vector.shape_cast %swap3A_1044 : vector<16xf32> to vector<16xf32>
      %swap3A_1046 = vector.shape_cast %min3A_1042 : vector<16xf32> to vector<16xf32>
      tpu.vector_store %arg8[%swap3A_1043], %swap3A_1046 {strides = array<i32>} : memref<32xf32, #tpu.memory_space<vmem>>, vector<16xf32>,
      %swap3A_1047 = arith.constant 16 : index
      %swap3A_1048 = tpu.vector_load %arg8[%swap3A_1047] {strides = array<i32>} : memref<32xf32, #tpu.memory_space<vmem>>, vector<16xf32>,
      %swap3A_1049 = vector.shape_cast %swap3A_1048 : vector<16xf32> to vector<16xf32>
      %swap3A_1050 = vector.shape_cast %min3A_1042 : vector<16xf32> to vector<16xf32>
      tpu.vector_store %arg8[%swap3A_1047], %swap3A_1050 {strides = array<i32>} : memref<32xf32, #tpu.memory_space<vmem>>, vector<16xf32>,
      %get3A_1051 = arith.constant 8 : index
      %get3A_1052 = tpu.vector_load %arg8[%get3A_1051] {strides = array<i32>} : memref<32xf32, #tpu.memory_space<vmem>>, vector<16xf32>,
      %get3A_1053 = vector.shape_cast %get3A_1052 : vector<16xf32> to vector<16xf32>
      %min3A_1054 = arith.minimumf %min3A_1042, %get3A_1053 : vector<16xf32>
      %swap3A_1055 = arith.constant 0 : index
      %swap3A_1056 = tpu.vector_load %arg8[%swap3A_1055] {strides = array<i32>} : memref<32xf32, #tpu.memory_space<vmem>>, vector<16xf32>,
      %swap3A_1057 = vector.shape_cast %swap3A_1056 : vector<16xf32> to vector<16xf32>
      %swap3A_1058 = vector.shape_cast %min3A_1054 : vector<16xf32> to vector<16xf32>
      tpu.vector_store %arg8[%swap3A_1055], %swap3A_1058 {strides = array<i32>} : memref<32xf32, #tpu.memory_space<vmem>>, vector<16xf32>,
      %swap3A_1059 = arith.constant 16 : index
      %swap3A_1060 = tpu.vector_load %arg8[%swap3A_1059] {strides = array<i32>} : memref<32xf32, #tpu.memory_space<vmem>>, vector<16xf32>,
      %swap3A_1061 = vector.shape_cast %swap3A_1060 : vector<16xf32> to vector<16xf32>
      %swap3A_1062 = vector.shape_cast %min3A_1054 : vector<16xf32> to vector<16xf32>
      tpu.vector_store %arg8[%swap3A_1059], %swap3A_1062 {strides = array<i32>} : memref<32xf32, #tpu.memory_space<vmem>>, vector<16xf32>,
      %get3A_1063 = arith.constant 4 : index
      %get3A_1064 = tpu.vector_load %arg8[%get3A_1063] {strides = array<i32>} : memref<32xf32, #tpu.memory_space<vmem>>, vector<16xf32>,
      %get3A_1065 = vector.shape_cast %get3A_1064 : vector<16xf32> to vector<16xf32>
      %min3A_1066 = arith.minimumf %min3A_1054, %get3A_1065 : vector<16xf32>
      %swap3A_1067 = arith.constant 0 : index
      %swap3A_1068 = tpu.vector_load %arg8[%swap3A_1067] {strides = array<i32>} : memref<32xf32, #tpu.memory_space<vmem>>, vector<16xf32>,
      %swap3A_1069 = vector.shape_cast %swap3A_1068 : vector<16xf32> to vector<16xf32>
      %swap3A_1070 = vector.shape_cast %min3A_1066 : vector<16xf32> to vector<16xf32>
      tpu.vector_store %arg8[%swap3A_1067], %swap3A_1070 {strides = array<i32>} : memref<32xf32, #tpu.memory_space<vmem>>, vector<16xf32>,
      %swap3A_1071 = arith.constant 16 : index
      %swap3A_1072 = tpu.vector_load %arg8[%swap3A_1071] {strides = array<i32>} : memref<32xf32, #tpu.memory_space<vmem>>, vector<16xf32>,
      %swap3A_1073 = vector.shape_cast %swap3A_1072 : vector<16xf32> to vector<16xf32>
      %swap3A_1074 = vector.shape_cast %min3A_1066 : vector<16xf32> to vector<16xf32>
      tpu.vector_store %arg8[%swap3A_1071], %swap3A_1074 {strides = array<i32>} : memref<32xf32, #tpu.memory_space<vmem>>, vector<16xf32>,
      %get3A_1075 = arith.constant 2 : index
      %get3A_1076 = tpu.vector_load %arg8[%get3A_1075] {strides = array<i32>} : memref<32xf32, #tpu.memory_space<vmem>>, vector<16xf32>,
      %get3A_1077 = vector.shape_cast %get3A_1076 : vector<16xf32> to vector<16xf32>
      %min3A_1078 = arith.minimumf %min3A_1066, %get3A_1077 : vector<16xf32>
      %swap3A_1079 = arith.constant 0 : index
      %swap3A_1080 = tpu.vector_load %arg8[%swap3A_1079] {strides = array<i32>} : memref<32xf32, #tpu.memory_space<vmem>>, vector<16xf32>,
      %swap3A_1081 = vector.shape_cast %swap3A_1080 : vector<16xf32> to vector<16xf32>
      %swap3A_1082 = vector.shape_cast %min3A_1078 : vector<16xf32> to vector<16xf32>
      tpu.vector_store %arg8[%swap3A_1079], %swap3A_1082 {strides = array<i32>} : memref<32xf32, #tpu.memory_space<vmem>>, vector<16xf32>,
      %swap3A_1083 = arith.constant 16 : index
      %swap3A_1084 = tpu.vector_load %arg8[%swap3A_1083] {strides = array<i32>} : memref<32xf32, #tpu.memory_space<vmem>>, vector<16xf32>,
      %swap3A_1085 = vector.shape_cast %swap3A_1084 : vector<16xf32> to vector<16xf32>
      %swap3A_1086 = vector.shape_cast %min3A_1078 : vector<16xf32> to vector<16xf32>
      tpu.vector_store %arg8[%swap3A_1083], %swap3A_1086 {strides = array<i32>} : memref<32xf32, #tpu.memory_space<vmem>>, vector<16xf32>,
      %get3A_1087 = arith.constant 1 : index
      %get3A_1088 = tpu.vector_load %arg8[%get3A_1087] {strides = array<i32>} : memref<32xf32, #tpu.memory_space<vmem>>, vector<16xf32>,
      %get3A_1089 = vector.shape_cast %get3A_1088 : vector<16xf32> to vector<16xf32>
      %min3A_1090 = arith.minimumf %min3A_1078, %get3A_1089 : vector<16xf32>
      %eq3A_1091 = arith.cmpf oeq, %add3A_14, %min3A_1090 : vector<16xf32>
      %select_n3A_1092 = arith.select %eq3A_1091, %broadcast_in_dim3A_5, %select_n3A_941 : vector<16xi1>, vector<16xf32>
      %select_n3A_1093 = arith.select %eq3A_1091, %broadcast_in_dim3A_5, %select_n3A_942 : vector<16xi1>, vector<16xf32>
      %select_n3A_1094 = arith.select %eq3A_1091, %broadcast_in_dim3A_9, %select_n3A_943 : vector<16xi1>, vector<16xf32>
      %eq3A_1095 = arith.cmpf oeq, %add3A_18, %min3A_1090 : vector<16xf32>
      %select_n3A_1096 = arith.select %eq3A_1095, %broadcast_in_dim3A_5, %select_n3A_945 : vector<16xi1>, vector<16xf32>
      %select_n3A_1097 = arith.select %eq3A_1095, %broadcast_in_dim3A_5, %select_n3A_946 : vector<16xi1>, vector<16xf32>
      %select_n3A_1098 = arith.select %eq3A_1095, %broadcast_in_dim3A_9, %select_n3A_947 : vector<16xi1>, vector<16xf32>
      %eq3A_1099 = arith.cmpf oeq, %add3A_22, %min3A_1090 : vector<16xf32>
      %select_n3A_1100 = arith.select %eq3A_1099, %broadcast_in_dim3A_5, %select_n3A_949 : vector<16xi1>, vector<16xf32>
      %select_n3A_1101 = arith.select %eq3A_1099, %broadcast_in_dim3A_5, %select_n3A_950 : vector<16xi1>, vector<16xf32>
      %select_n3A_1102 = arith.select %eq3A_1099, %broadcast_in_dim3A_9, %select_n3A_951 : vector<16xi1>, vector<16xf32>
      %eq3A_1103 = arith.cmpf oeq, %add3A_26, %min3A_1090 : vector<16xf32>
      %select_n3A_1104 = arith.select %eq3A_1103, %broadcast_in_dim3A_5, %select_n3A_953 : vector<16xi1>, vector<16xf32>
      %select_n3A_1105 = arith.select %eq3A_1103, %broadcast_in_dim3A_5, %select_n3A_954 : vector<16xi1>, vector<16xf32>
      %select_n3A_1106 = arith.select %eq3A_1103, %broadcast_in_dim3A_9, %select_n3A_955 : vector<16xi1>, vector<16xf32>
      %eq3A_1107 = arith.cmpf oeq, %add3A_30, %min3A_1090 : vector<16xf32>
      %select_n3A_1108 = arith.select %eq3A_1107, %broadcast_in_dim3A_5, %select_n3A_957 : vector<16xi1>, vector<16xf32>
      %select_n3A_1109 = arith.select %eq3A_1107, %broadcast_in_dim3A_5, %select_n3A_958 : vector<16xi1>, vector<16xf32>
      %select_n3A_1110 = arith.select %eq3A_1107, %broadcast_in_dim3A_9, %select_n3A_959 : vector<16xi1>, vector<16xf32>
      %eq3A_1111 = arith.cmpf oeq, %add3A_34, %min3A_1090 : vector<16xf32>
      %select_n3A_1112 = arith.select %eq3A_1111, %broadcast_in_dim3A_5, %select_n3A_961 : vector<16xi1>, vector<16xf32>
      %select_n3A_1113 = arith.select %eq3A_1111, %broadcast_in_dim3A_5, %select_n3A_962 : vector<16xi1>, vector<16xf32>
      %select_n3A_1114 = arith.select %eq3A_1111, %broadcast_in_dim3A_9, %select_n3A_963 : vector<16xi1>, vector<16xf32>
      %eq3A_1115 = arith.cmpf oeq, %add3A_38, %min3A_1090 : vector<16xf32>
      %select_n3A_1116 = arith.select %eq3A_1115, %broadcast_in_dim3A_5, %select_n3A_965 : vector<16xi1>, vector<16xf32>
      %select_n3A_1117 = arith.select %eq3A_1115, %broadcast_in_dim3A_5, %select_n3A_966 : vector<16xi1>, vector<16xf32>
      %select_n3A_1118 = arith.select %eq3A_1115, %broadcast_in_dim3A_9, %select_n3A_967 : vector<16xi1>, vector<16xf32>
      %min3A_1119 = arith.minimumf %select_n3A_1094, %select_n3A_1098 : vector<16xf32>
      %min3A_1120 = arith.minimumf %min3A_1119, %select_n3A_1102 : vector<16xf32>
      %min3A_1121 = arith.minimumf %min3A_1120, %select_n3A_1106 : vector<16xf32>
      %min3A_1122 = arith.minimumf %min3A_1121, %select_n3A_1110 : vector<16xf32>
      %min3A_1123 = arith.minimumf %min3A_1122, %select_n3A_1114 : vector<16xf32>
      %min3A_1124 = arith.minimumf %min3A_1123, %select_n3A_1118 : vector<16xf32>
      %swap3A_1125 = arith.constant 0 : index
      %swap3A_1126 = tpu.vector_load %arg8[%swap3A_1125] {strides = array<i32>} : memref<32xf32, #tpu.memory_space<vmem>>, vector<16xf32>,
      %swap3A_1127 = vector.shape_cast %swap3A_1126 : vector<16xf32> to vector<16xf32>
      %swap3A_1128 = vector.shape_cast %min3A_1124 : vector<16xf32> to vector<16xf32>
      tpu.vector_store %arg8[%swap3A_1125], %swap3A_1128 {strides = array<i32>} : memref<32xf32, #tpu.memory_space<vmem>>, vector<16xf32>,
      %swap3A_1129 = arith.constant 16 : index
      %swap3A_1130 = tpu.vector_load %arg8[%swap3A_1129] {strides = array<i32>} : memref<32xf32, #tpu.memory_space<vmem>>, vector<16xf32>,
      %swap3A_1131 = vector.shape_cast %swap3A_1130 : vector<16xf32> to vector<16xf32>
      %swap3A_1132 = vector.shape_cast %min3A_1124 : vector<16xf32> to vector<16xf32>
      tpu.vector_store %arg8[%swap3A_1129], %swap3A_1132 {strides = array<i32>} : memref<32xf32, #tpu.memory_space<vmem>>, vector<16xf32>,
      %get3A_1133 = arith.constant 8 : index
      %get3A_1134 = tpu.vector_load %arg8[%get3A_1133] {strides = array<i32>} : memref<32xf32, #tpu.memory_space<vmem>>, vector<16xf32>,
      %get3A_1135 = vector.shape_cast %get3A_1134 : vector<16xf32> to vector<16xf32>
      %min3A_1136 = arith.minimumf %min3A_1124, %get3A_1135 : vector<16xf32>
      %swap3A_1137 = arith.constant 0 : index
      %swap3A_1138 = tpu.vector_load %arg8[%swap3A_1137] {strides = array<i32>} : memref<32xf32, #tpu.memory_space<vmem>>, vector<16xf32>,
      %swap3A_1139 = vector.shape_cast %swap3A_1138 : vector<16xf32> to vector<16xf32>
      %swap3A_1140 = vector.shape_cast %min3A_1136 : vector<16xf32> to vector<16xf32>
      tpu.vector_store %arg8[%swap3A_1137], %swap3A_1140 {strides = array<i32>} : memref<32xf32, #tpu.memory_space<vmem>>, vector<16xf32>,
      %swap3A_1141 = arith.constant 16 : index
      %swap3A_1142 = tpu.vector_load %arg8[%swap3A_1141] {strides = array<i32>} : memref<32xf32, #tpu.memory_space<vmem>>, vector<16xf32>,
      %swap3A_1143 = vector.shape_cast %swap3A_1142 : vector<16xf32> to vector<16xf32>
      %swap3A_1144 = vector.shape_cast %min3A_1136 : vector<16xf32> to vector<16xf32>
      tpu.vector_store %arg8[%swap3A_1141], %swap3A_1144 {strides = array<i32>} : memref<32xf32, #tpu.memory_space<vmem>>, vector<16xf32>,
      %get3A_1145 = arith.constant 4 : index
      %get3A_1146 = tpu.vector_load %arg8[%get3A_1145] {strides = array<i32>} : memref<32xf32, #tpu.memory_space<vmem>>, vector<16xf32>,
      %get3A_1147 = vector.shape_cast %get3A_1146 : vector<16xf32> to vector<16xf32>
      %min3A_1148 = arith.minimumf %min3A_1136, %get3A_1147 : vector<16xf32>
      %swap3A_1149 = arith.constant 0 : index
      %swap3A_1150 = tpu.vector_load %arg8[%swap3A_1149] {strides = array<i32>} : memref<32xf32, #tpu.memory_space<vmem>>, vector<16xf32>,
      %swap3A_1151 = vector.shape_cast %swap3A_1150 : vector<16xf32> to vector<16xf32>
      %swap3A_1152 = vector.shape_cast %min3A_1148 : vector<16xf32> to vector<16xf32>
      tpu.vector_store %arg8[%swap3A_1149], %swap3A_1152 {strides = array<i32>} : memref<32xf32, #tpu.memory_space<vmem>>, vector<16xf32>,
      %swap3A_1153 = arith.constant 16 : index
      %swap3A_1154 = tpu.vector_load %arg8[%swap3A_1153] {strides = array<i32>} : memref<32xf32, #tpu.memory_space<vmem>>, vector<16xf32>,
      %swap3A_1155 = vector.shape_cast %swap3A_1154 : vector<16xf32> to vector<16xf32>
      %swap3A_1156 = vector.shape_cast %min3A_1148 : vector<16xf32> to vector<16xf32>
      tpu.vector_store %arg8[%swap3A_1153], %swap3A_1156 {strides = array<i32>} : memref<32xf32, #tpu.memory_space<vmem>>, vector<16xf32>,
      %get3A_1157 = arith.constant 2 : index
      %get3A_1158 = tpu.vector_load %arg8[%get3A_1157] {strides = array<i32>} : memref<32xf32, #tpu.memory_space<vmem>>, vector<16xf32>,
      %get3A_1159 = vector.shape_cast %get3A_1158 : vector<16xf32> to vector<16xf32>
      %min3A_1160 = arith.minimumf %min3A_1148, %get3A_1159 : vector<16xf32>
      %swap3A_1161 = arith.constant 0 : index
      %swap3A_1162 = tpu.vector_load %arg8[%swap3A_1161] {strides = array<i32>} : memref<32xf32, #tpu.memory_space<vmem>>, vector<16xf32>,
      %swap3A_1163 = vector.shape_cast %swap3A_1162 : vector<16xf32> to vector<16xf32>
      %swap3A_1164 = vector.shape_cast %min3A_1160 : vector<16xf32> to vector<16xf32>
      tpu.vector_store %arg8[%swap3A_1161], %swap3A_1164 {strides = array<i32>} : memref<32xf32, #tpu.memory_space<vmem>>, vector<16xf32>,
      %swap3A_1165 = arith.constant 16 : index
      %swap3A_1166 = tpu.vector_load %arg8[%swap3A_1165] {strides = array<i32>} : memref<32xf32, #tpu.memory_space<vmem>>, vector<16xf32>,
      %swap3A_1167 = vector.shape_cast %swap3A_1166 : vector<16xf32> to vector<16xf32>
      %swap3A_1168 = vector.shape_cast %min3A_1160 : vector<16xf32> to vector<16xf32>
      tpu.vector_store %arg8[%swap3A_1165], %swap3A_1168 {strides = array<i32>} : memref<32xf32, #tpu.memory_space<vmem>>, vector<16xf32>,
      %get3A_1169 = arith.constant 1 : index
      %get3A_1170 = tpu.vector_load %arg8[%get3A_1169] {strides = array<i32>} : memref<32xf32, #tpu.memory_space<vmem>>, vector<16xf32>,
      %get3A_1171 = vector.shape_cast %get3A_1170 : vector<16xf32> to vector<16xf32>
      %min3A_1172 = arith.minimumf %min3A_1160, %get3A_1171 : vector<16xf32>
      %eq3A_1173 = arith.cmpf oeq, %select_n3A_1094, %min3A_1172 : vector<16xf32>
      %select_n3A_1174 = arith.select %eq3A_1173, %add3A_14, %broadcast_in_dim3A_11 : vector<16xi1>, vector<16xf32>
      %min3A_1175 = arith.minimumf %broadcast_in_dim3A_11, %select_n3A_1174 : vector<16xf32>
      %eq3A_1176 = arith.cmpf oeq, %select_n3A_1098, %min3A_1172 : vector<16xf32>
      %select_n3A_1177 = arith.select %eq3A_1176, %add3A_18, %broadcast_in_dim3A_11 : vector<16xi1>, vector<16xf32>
      %min3A_1178 = arith.minimumf %min3A_1175, %select_n3A_1177 : vector<16xf32>
      %eq3A_1179 = arith.cmpf oeq, %select_n3A_1102, %min3A_1172 : vector<16xf32>
      %select_n3A_1180 = arith.select %eq3A_1179, %add3A_22, %broadcast_in_dim3A_11 : vector<16xi1>, vector<16xf32>
      %min3A_1181 = arith.minimumf %min3A_1178, %select_n3A_1180 : vector<16xf32>
      %eq3A_1182 = arith.cmpf oeq, %select_n3A_1106, %min3A_1172 : vector<16xf32>
      %select_n3A_1183 = arith.select %eq3A_1182, %add3A_26, %broadcast_in_dim3A_11 : vector<16xi1>, vector<16xf32>
      %min3A_1184 = arith.minimumf %min3A_1181, %select_n3A_1183 : vector<16xf32>
      %eq3A_1185 = arith.cmpf oeq, %select_n3A_1110, %min3A_1172 : vector<16xf32>
      %select_n3A_1186 = arith.select %eq3A_1185, %add3A_30, %broadcast_in_dim3A_11 : vector<16xi1>, vector<16xf32>
      %min3A_1187 = arith.minimumf %min3A_1184, %select_n3A_1186 : vector<16xf32>
      %eq3A_1188 = arith.cmpf oeq, %select_n3A_1114, %min3A_1172 : vector<16xf32>
      %select_n3A_1189 = arith.select %eq3A_1188, %add3A_34, %broadcast_in_dim3A_11 : vector<16xi1>, vector<16xf32>
      %min3A_1190 = arith.minimumf %min3A_1187, %select_n3A_1189 : vector<16xf32>
      %eq3A_1191 = arith.cmpf oeq, %select_n3A_1118, %min3A_1172 : vector<16xf32>
      %select_n3A_1192 = arith.select %eq3A_1191, %add3A_38, %broadcast_in_dim3A_11 : vector<16xi1>, vector<16xf32>
      %min3A_1193 = arith.minimumf %min3A_1190, %select_n3A_1192 : vector<16xf32>
      %swap3A_1194 = arith.constant 0 : index
      %swap3A_1195 = tpu.vector_load %arg8[%swap3A_1194] {strides = array<i32>} : memref<32xf32, #tpu.memory_space<vmem>>, vector<16xf32>,
      %swap3A_1196 = vector.shape_cast %swap3A_1195 : vector<16xf32> to vector<16xf32>
      %swap3A_1197 = vector.shape_cast %min3A_1193 : vector<16xf32> to vector<16xf32>
      tpu.vector_store %arg8[%swap3A_1194], %swap3A_1197 {strides = array<i32>} : memref<32xf32, #tpu.memory_space<vmem>>, vector<16xf32>,
      %swap3A_1198 = arith.constant 16 : index
      %swap3A_1199 = tpu.vector_load %arg8[%swap3A_1198] {strides = array<i32>} : memref<32xf32, #tpu.memory_space<vmem>>, vector<16xf32>,
      %swap3A_1200 = vector.shape_cast %swap3A_1199 : vector<16xf32> to vector<16xf32>
      %swap3A_1201 = vector.shape_cast %min3A_1193 : vector<16xf32> to vector<16xf32>
      tpu.vector_store %arg8[%swap3A_1198], %swap3A_1201 {strides = array<i32>} : memref<32xf32, #tpu.memory_space<vmem>>, vector<16xf32>,
      %get3A_1202 = arith.constant 8 : index
      %get3A_1203 = tpu.vector_load %arg8[%get3A_1202] {strides = array<i32>} : memref<32xf32, #tpu.memory_space<vmem>>, vector<16xf32>,
      %get3A_1204 = vector.shape_cast %get3A_1203 : vector<16xf32> to vector<16xf32>
      %min3A_1205 = arith.minimumf %min3A_1193, %get3A_1204 : vector<16xf32>
      %swap3A_1206 = arith.constant 0 : index
      %swap3A_1207 = tpu.vector_load %arg8[%swap3A_1206] {strides = array<i32>} : memref<32xf32, #tpu.memory_space<vmem>>, vector<16xf32>,
      %swap3A_1208 = vector.shape_cast %swap3A_1207 : vector<16xf32> to vector<16xf32>
      %swap3A_1209 = vector.shape_cast %min3A_1205 : vector<16xf32> to vector<16xf32>
      tpu.vector_store %arg8[%swap3A_1206], %swap3A_1209 {strides = array<i32>} : memref<32xf32, #tpu.memory_space<vmem>>, vector<16xf32>,
      %swap3A_1210 = arith.constant 16 : index
      %swap3A_1211 = tpu.vector_load %arg8[%swap3A_1210] {strides = array<i32>} : memref<32xf32, #tpu.memory_space<vmem>>, vector<16xf32>,
      %swap3A_1212 = vector.shape_cast %swap3A_1211 : vector<16xf32> to vector<16xf32>
      %swap3A_1213 = vector.shape_cast %min3A_1205 : vector<16xf32> to vector<16xf32>
      tpu.vector_store %arg8[%swap3A_1210], %swap3A_1213 {strides = array<i32>} : memref<32xf32, #tpu.memory_space<vmem>>, vector<16xf32>,
      %get3A_1214 = arith.constant 4 : index
      %get3A_1215 = tpu.vector_load %arg8[%get3A_1214] {strides = array<i32>} : memref<32xf32, #tpu.memory_space<vmem>>, vector<16xf32>,
      %get3A_1216 = vector.shape_cast %get3A_1215 : vector<16xf32> to vector<16xf32>
      %min3A_1217 = arith.minimumf %min3A_1205, %get3A_1216 : vector<16xf32>
      %swap3A_1218 = arith.constant 0 : index
      %swap3A_1219 = tpu.vector_load %arg8[%swap3A_1218] {strides = array<i32>} : memref<32xf32, #tpu.memory_space<vmem>>, vector<16xf32>,
      %swap3A_1220 = vector.shape_cast %swap3A_1219 : vector<16xf32> to vector<16xf32>
      %swap3A_1221 = vector.shape_cast %min3A_1217 : vector<16xf32> to vector<16xf32>
      tpu.vector_store %arg8[%swap3A_1218], %swap3A_1221 {strides = array<i32>} : memref<32xf32, #tpu.memory_space<vmem>>, vector<16xf32>,
      %swap3A_1222 = arith.constant 16 : index
      %swap3A_1223 = tpu.vector_load %arg8[%swap3A_1222] {strides = array<i32>} : memref<32xf32, #tpu.memory_space<vmem>>, vector<16xf32>,
      %swap3A_1224 = vector.shape_cast %swap3A_1223 : vector<16xf32> to vector<16xf32>
      %swap3A_1225 = vector.shape_cast %min3A_1217 : vector<16xf32> to vector<16xf32>
      tpu.vector_store %arg8[%swap3A_1222], %swap3A_1225 {strides = array<i32>} : memref<32xf32, #tpu.memory_space<vmem>>, vector<16xf32>,
      %get3A_1226 = arith.constant 2 : index
      %get3A_1227 = tpu.vector_load %arg8[%get3A_1226] {strides = array<i32>} : memref<32xf32, #tpu.memory_space<vmem>>, vector<16xf32>,
      %get3A_1228 = vector.shape_cast %get3A_1227 : vector<16xf32> to vector<16xf32>
      %min3A_1229 = arith.minimumf %min3A_1217, %get3A_1228 : vector<16xf32>
      %swap3A_1230 = arith.constant 0 : index
      %swap3A_1231 = tpu.vector_load %arg8[%swap3A_1230] {strides = array<i32>} : memref<32xf32, #tpu.memory_space<vmem>>, vector<16xf32>,
      %swap3A_1232 = vector.shape_cast %swap3A_1231 : vector<16xf32> to vector<16xf32>
      %swap3A_1233 = vector.shape_cast %min3A_1229 : vector<16xf32> to vector<16xf32>
      tpu.vector_store %arg8[%swap3A_1230], %swap3A_1233 {strides = array<i32>} : memref<32xf32, #tpu.memory_space<vmem>>, vector<16xf32>,
      %swap3A_1234 = arith.constant 16 : index
      %swap3A_1235 = tpu.vector_load %arg8[%swap3A_1234] {strides = array<i32>} : memref<32xf32, #tpu.memory_space<vmem>>, vector<16xf32>,
      %swap3A_1236 = vector.shape_cast %swap3A_1235 : vector<16xf32> to vector<16xf32>
      %swap3A_1237 = vector.shape_cast %min3A_1229 : vector<16xf32> to vector<16xf32>
      tpu.vector_store %arg8[%swap3A_1234], %swap3A_1237 {strides = array<i32>} : memref<32xf32, #tpu.memory_space<vmem>>, vector<16xf32>,
      %get3A_1238 = arith.constant 1 : index
      %get3A_1239 = tpu.vector_load %arg8[%get3A_1238] {strides = array<i32>} : memref<32xf32, #tpu.memory_space<vmem>>, vector<16xf32>,
      %get3A_1240 = vector.shape_cast %get3A_1239 : vector<16xf32> to vector<16xf32>
      %min3A_1241 = arith.minimumf %min3A_1229, %get3A_1240 : vector<16xf32>
      %eq3A_1242 = arith.cmpf oeq, %add3A_14, %min3A_1241 : vector<16xf32>
      %select_n3A_1243 = arith.select %eq3A_1242, %broadcast_in_dim3A_5, %select_n3A_1092 : vector<16xi1>, vector<16xf32>
      %select_n3A_1244 = arith.select %eq3A_1242, %broadcast_in_dim3A_5, %select_n3A_1093 : vector<16xi1>, vector<16xf32>
      %select_n3A_1245 = arith.select %eq3A_1242, %broadcast_in_dim3A_9, %select_n3A_1094 : vector<16xi1>, vector<16xf32>
      %eq3A_1246 = arith.cmpf oeq, %add3A_18, %min3A_1241 : vector<16xf32>
      %select_n3A_1247 = arith.select %eq3A_1246, %broadcast_in_dim3A_5, %select_n3A_1096 : vector<16xi1>, vector<16xf32>
      %select_n3A_1248 = arith.select %eq3A_1246, %broadcast_in_dim3A_5, %select_n3A_1097 : vector<16xi1>, vector<16xf32>
      %select_n3A_1249 = arith.select %eq3A_1246, %broadcast_in_dim3A_9, %select_n3A_1098 : vector<16xi1>, vector<16xf32>
      %eq3A_1250 = arith.cmpf oeq, %add3A_22, %min3A_1241 : vector<16xf32>
      %select_n3A_1251 = arith.select %eq3A_1250, %broadcast_in_dim3A_5, %select_n3A_1100 : vector<16xi1>, vector<16xf32>
      %select_n3A_1252 = arith.select %eq3A_1250, %broadcast_in_dim3A_5, %select_n3A_1101 : vector<16xi1>, vector<16xf32>
      %select_n3A_1253 = arith.select %eq3A_1250, %broadcast_in_dim3A_9, %select_n3A_1102 : vector<16xi1>, vector<16xf32>
      %eq3A_1254 = arith.cmpf oeq, %add3A_26, %min3A_1241 : vector<16xf32>
      %select_n3A_1255 = arith.select %eq3A_1254, %broadcast_in_dim3A_5, %select_n3A_1104 : vector<16xi1>, vector<16xf32>
      %select_n3A_1256 = arith.select %eq3A_1254, %broadcast_in_dim3A_5, %select_n3A_1105 : vector<16xi1>, vector<16xf32>
      %select_n3A_1257 = arith.select %eq3A_1254, %broadcast_in_dim3A_9, %select_n3A_1106 : vector<16xi1>, vector<16xf32>
      %eq3A_1258 = arith.cmpf oeq, %add3A_30, %min3A_1241 : vector<16xf32>
      %select_n3A_1259 = arith.select %eq3A_1258, %broadcast_in_dim3A_5, %select_n3A_1108 : vector<16xi1>, vector<16xf32>
      %select_n3A_1260 = arith.select %eq3A_1258, %broadcast_in_dim3A_5, %select_n3A_1109 : vector<16xi1>, vector<16xf32>
      %select_n3A_1261 = arith.select %eq3A_1258, %broadcast_in_dim3A_9, %select_n3A_1110 : vector<16xi1>, vector<16xf32>
      %eq3A_1262 = arith.cmpf oeq, %add3A_34, %min3A_1241 : vector<16xf32>
      %select_n3A_1263 = arith.select %eq3A_1262, %broadcast_in_dim3A_5, %select_n3A_1112 : vector<16xi1>, vector<16xf32>
      %select_n3A_1264 = arith.select %eq3A_1262, %broadcast_in_dim3A_5, %select_n3A_1113 : vector<16xi1>, vector<16xf32>
      %select_n3A_1265 = arith.select %eq3A_1262, %broadcast_in_dim3A_9, %select_n3A_1114 : vector<16xi1>, vector<16xf32>
      %eq3A_1266 = arith.cmpf oeq, %add3A_38, %min3A_1241 : vector<16xf32>
      %select_n3A_1267 = arith.select %eq3A_1266, %broadcast_in_dim3A_5, %select_n3A_1116 : vector<16xi1>, vector<16xf32>
      %select_n3A_1268 = arith.select %eq3A_1266, %broadcast_in_dim3A_5, %select_n3A_1117 : vector<16xi1>, vector<16xf32>
      %select_n3A_1269 = arith.select %eq3A_1266, %broadcast_in_dim3A_9, %select_n3A_1118 : vector<16xi1>, vector<16xf32>
      %min3A_1270 = arith.minimumf %select_n3A_1245, %select_n3A_1249 : vector<16xf32>
      %min3A_1271 = arith.minimumf %min3A_1270, %select_n3A_1253 : vector<16xf32>
      %min3A_1272 = arith.minimumf %min3A_1271, %select_n3A_1257 : vector<16xf32>
      %min3A_1273 = arith.minimumf %min3A_1272, %select_n3A_1261 : vector<16xf32>
      %min3A_1274 = arith.minimumf %min3A_1273, %select_n3A_1265 : vector<16xf32>
      %min3A_1275 = arith.minimumf %min3A_1274, %select_n3A_1269 : vector<16xf32>
      %swap3A_1276 = arith.constant 0 : index
      %swap3A_1277 = tpu.vector_load %arg8[%swap3A_1276] {strides = array<i32>} : memref<32xf32, #tpu.memory_space<vmem>>, vector<16xf32>,
      %swap3A_1278 = vector.shape_cast %swap3A_1277 : vector<16xf32> to vector<16xf32>
      %swap3A_1279 = vector.shape_cast %min3A_1275 : vector<16xf32> to vector<16xf32>
      tpu.vector_store %arg8[%swap3A_1276], %swap3A_1279 {strides = array<i32>} : memref<32xf32, #tpu.memory_space<vmem>>, vector<16xf32>,
      %swap3A_1280 = arith.constant 16 : index
      %swap3A_1281 = tpu.vector_load %arg8[%swap3A_1280] {strides = array<i32>} : memref<32xf32, #tpu.memory_space<vmem>>, vector<16xf32>,
      %swap3A_1282 = vector.shape_cast %swap3A_1281 : vector<16xf32> to vector<16xf32>
      %swap3A_1283 = vector.shape_cast %min3A_1275 : vector<16xf32> to vector<16xf32>
      tpu.vector_store %arg8[%swap3A_1280], %swap3A_1283 {strides = array<i32>} : memref<32xf32, #tpu.memory_space<vmem>>, vector<16xf32>,
      %get3A_1284 = arith.constant 8 : index
      %get3A_1285 = tpu.vector_load %arg8[%get3A_1284] {strides = array<i32>} : memref<32xf32, #tpu.memory_space<vmem>>, vector<16xf32>,
      %get3A_1286 = vector.shape_cast %get3A_1285 : vector<16xf32> to vector<16xf32>
      %min3A_1287 = arith.minimumf %min3A_1275, %get3A_1286 : vector<16xf32>
      %swap3A_1288 = arith.constant 0 : index
      %swap3A_1289 = tpu.vector_load %arg8[%swap3A_1288] {strides = array<i32>} : memref<32xf32, #tpu.memory_space<vmem>>, vector<16xf32>,
      %swap3A_1290 = vector.shape_cast %swap3A_1289 : vector<16xf32> to vector<16xf32>
      %swap3A_1291 = vector.shape_cast %min3A_1287 : vector<16xf32> to vector<16xf32>
      tpu.vector_store %arg8[%swap3A_1288], %swap3A_1291 {strides = array<i32>} : memref<32xf32, #tpu.memory_space<vmem>>, vector<16xf32>,
      %swap3A_1292 = arith.constant 16 : index
      %swap3A_1293 = tpu.vector_load %arg8[%swap3A_1292] {strides = array<i32>} : memref<32xf32, #tpu.memory_space<vmem>>, vector<16xf32>,
      %swap3A_1294 = vector.shape_cast %swap3A_1293 : vector<16xf32> to vector<16xf32>
      %swap3A_1295 = vector.shape_cast %min3A_1287 : vector<16xf32> to vector<16xf32>
      tpu.vector_store %arg8[%swap3A_1292], %swap3A_1295 {strides = array<i32>} : memref<32xf32, #tpu.memory_space<vmem>>, vector<16xf32>,
      %get3A_1296 = arith.constant 4 : index
      %get3A_1297 = tpu.vector_load %arg8[%get3A_1296] {strides = array<i32>} : memref<32xf32, #tpu.memory_space<vmem>>, vector<16xf32>,
      %get3A_1298 = vector.shape_cast %get3A_1297 : vector<16xf32> to vector<16xf32>
      %min3A_1299 = arith.minimumf %min3A_1287, %get3A_1298 : vector<16xf32>
      %swap3A_1300 = arith.constant 0 : index
      %swap3A_1301 = tpu.vector_load %arg8[%swap3A_1300] {strides = array<i32>} : memref<32xf32, #tpu.memory_space<vmem>>, vector<16xf32>,
      %swap3A_1302 = vector.shape_cast %swap3A_1301 : vector<16xf32> to vector<16xf32>
      %swap3A_1303 = vector.shape_cast %min3A_1299 : vector<16xf32> to vector<16xf32>
      tpu.vector_store %arg8[%swap3A_1300], %swap3A_1303 {strides = array<i32>} : memref<32xf32, #tpu.memory_space<vmem>>, vector<16xf32>,
      %swap3A_1304 = arith.constant 16 : index
      %swap3A_1305 = tpu.vector_load %arg8[%swap3A_1304] {strides = array<i32>} : memref<32xf32, #tpu.memory_space<vmem>>, vector<16xf32>,
      %swap3A_1306 = vector.shape_cast %swap3A_1305 : vector<16xf32> to vector<16xf32>
      %swap3A_1307 = vector.shape_cast %min3A_1299 : vector<16xf32> to vector<16xf32>
      tpu.vector_store %arg8[%swap3A_1304], %swap3A_1307 {strides = array<i32>} : memref<32xf32, #tpu.memory_space<vmem>>, vector<16xf32>,
      %get3A_1308 = arith.constant 2 : index
      %get3A_1309 = tpu.vector_load %arg8[%get3A_1308] {strides = array<i32>} : memref<32xf32, #tpu.memory_space<vmem>>, vector<16xf32>,
      %get3A_1310 = vector.shape_cast %get3A_1309 : vector<16xf32> to vector<16xf32>
      %min3A_1311 = arith.minimumf %min3A_1299, %get3A_1310 : vector<16xf32>
      %swap3A_1312 = arith.constant 0 : index
      %swap3A_1313 = tpu.vector_load %arg8[%swap3A_1312] {strides = array<i32>} : memref<32xf32, #tpu.memory_space<vmem>>, vector<16xf32>,
      %swap3A_1314 = vector.shape_cast %swap3A_1313 : vector<16xf32> to vector<16xf32>
      %swap3A_1315 = vector.shape_cast %min3A_1311 : vector<16xf32> to vector<16xf32>
      tpu.vector_store %arg8[%swap3A_1312], %swap3A_1315 {strides = array<i32>} : memref<32xf32, #tpu.memory_space<vmem>>, vector<16xf32>,
      %swap3A_1316 = arith.constant 16 : index
      %swap3A_1317 = tpu.vector_load %arg8[%swap3A_1316] {strides = array<i32>} : memref<32xf32, #tpu.memory_space<vmem>>, vector<16xf32>,
      %swap3A_1318 = vector.shape_cast %swap3A_1317 : vector<16xf32> to vector<16xf32>
      %swap3A_1319 = vector.shape_cast %min3A_1311 : vector<16xf32> to vector<16xf32>
      tpu.vector_store %arg8[%swap3A_1316], %swap3A_1319 {strides = array<i32>} : memref<32xf32, #tpu.memory_space<vmem>>, vector<16xf32>,
      %get3A_1320 = arith.constant 1 : index
      %get3A_1321 = tpu.vector_load %arg8[%get3A_1320] {strides = array<i32>} : memref<32xf32, #tpu.memory_space<vmem>>, vector<16xf32>,
      %get3A_1322 = vector.shape_cast %get3A_1321 : vector<16xf32> to vector<16xf32>
      %min3A_1323 = arith.minimumf %min3A_1311, %get3A_1322 : vector<16xf32>
      %eq3A_1324 = arith.cmpf oeq, %select_n3A_1245, %min3A_1323 : vector<16xf32>
      %select_n3A_1325 = arith.select %eq3A_1324, %add3A_14, %broadcast_in_dim3A_11 : vector<16xi1>, vector<16xf32>
      %min3A_1326 = arith.minimumf %broadcast_in_dim3A_11, %select_n3A_1325 : vector<16xf32>
      %eq3A_1327 = arith.cmpf oeq, %select_n3A_1249, %min3A_1323 : vector<16xf32>
      %select_n3A_1328 = arith.select %eq3A_1327, %add3A_18, %broadcast_in_dim3A_11 : vector<16xi1>, vector<16xf32>
      %min3A_1329 = arith.minimumf %min3A_1326, %select_n3A_1328 : vector<16xf32>
      %eq3A_1330 = arith.cmpf oeq, %select_n3A_1253, %min3A_1323 : vector<16xf32>
      %select_n3A_1331 = arith.select %eq3A_1330, %add3A_22, %broadcast_in_dim3A_11 : vector<16xi1>, vector<16xf32>
      %min3A_1332 = arith.minimumf %min3A_1329, %select_n3A_1331 : vector<16xf32>
      %eq3A_1333 = arith.cmpf oeq, %select_n3A_1257, %min3A_1323 : vector<16xf32>
      %select_n3A_1334 = arith.select %eq3A_1333, %add3A_26, %broadcast_in_dim3A_11 : vector<16xi1>, vector<16xf32>
      %min3A_1335 = arith.minimumf %min3A_1332, %select_n3A_1334 : vector<16xf32>
      %eq3A_1336 = arith.cmpf oeq, %select_n3A_1261, %min3A_1323 : vector<16xf32>
      %select_n3A_1337 = arith.select %eq3A_1336, %add3A_30, %broadcast_in_dim3A_11 : vector<16xi1>, vector<16xf32>
      %min3A_1338 = arith.minimumf %min3A_1335, %select_n3A_1337 : vector<16xf32>
      %eq3A_1339 = arith.cmpf oeq, %select_n3A_1265, %min3A_1323 : vector<16xf32>
      %select_n3A_1340 = arith.select %eq3A_1339, %add3A_34, %broadcast_in_dim3A_11 : vector<16xi1>, vector<16xf32>
      %min3A_1341 = arith.minimumf %min3A_1338, %select_n3A_1340 : vector<16xf32>
      %eq3A_1342 = arith.cmpf oeq, %select_n3A_1269, %min3A_1323 : vector<16xf32>
      %select_n3A_1343 = arith.select %eq3A_1342, %add3A_38, %broadcast_in_dim3A_11 : vector<16xi1>, vector<16xf32>
      %min3A_1344 = arith.minimumf %min3A_1341, %select_n3A_1343 : vector<16xf32>
      %swap3A_1345 = arith.constant 0 : index
      %swap3A_1346 = tpu.vector_load %arg8[%swap3A_1345] {strides = array<i32>} : memref<32xf32, #tpu.memory_space<vmem>>, vector<16xf32>,
      %swap3A_1347 = vector.shape_cast %swap3A_1346 : vector<16xf32> to vector<16xf32>
      %swap3A_1348 = vector.shape_cast %min3A_1344 : vector<16xf32> to vector<16xf32>
      tpu.vector_store %arg8[%swap3A_1345], %swap3A_1348 {strides = array<i32>} : memref<32xf32, #tpu.memory_space<vmem>>, vector<16xf32>,
      %swap3A_1349 = arith.constant 16 : index
      %swap3A_1350 = tpu.vector_load %arg8[%swap3A_1349] {strides = array<i32>} : memref<32xf32, #tpu.memory_space<vmem>>, vector<16xf32>,
      %swap3A_1351 = vector.shape_cast %swap3A_1350 : vector<16xf32> to vector<16xf32>
      %swap3A_1352 = vector.shape_cast %min3A_1344 : vector<16xf32> to vector<16xf32>
      tpu.vector_store %arg8[%swap3A_1349], %swap3A_1352 {strides = array<i32>} : memref<32xf32, #tpu.memory_space<vmem>>, vector<16xf32>,
      %get3A_1353 = arith.constant 8 : index
      %get3A_1354 = tpu.vector_load %arg8[%get3A_1353] {strides = array<i32>} : memref<32xf32, #tpu.memory_space<vmem>>, vector<16xf32>,
      %get3A_1355 = vector.shape_cast %get3A_1354 : vector<16xf32> to vector<16xf32>
      %min3A_1356 = arith.minimumf %min3A_1344, %get3A_1355 : vector<16xf32>
      %swap3A_1357 = arith.constant 0 : index
      %swap3A_1358 = tpu.vector_load %arg8[%swap3A_1357] {strides = array<i32>} : memref<32xf32, #tpu.memory_space<vmem>>, vector<16xf32>,
      %swap3A_1359 = vector.shape_cast %swap3A_1358 : vector<16xf32> to vector<16xf32>
      %swap3A_1360 = vector.shape_cast %min3A_1356 : vector<16xf32> to vector<16xf32>
      tpu.vector_store %arg8[%swap3A_1357], %swap3A_1360 {strides = array<i32>} : memref<32xf32, #tpu.memory_space<vmem>>, vector<16xf32>,
      %swap3A_1361 = arith.constant 16 : index
      %swap3A_1362 = tpu.vector_load %arg8[%swap3A_1361] {strides = array<i32>} : memref<32xf32, #tpu.memory_space<vmem>>, vector<16xf32>,
      %swap3A_1363 = vector.shape_cast %swap3A_1362 : vector<16xf32> to vector<16xf32>
      %swap3A_1364 = vector.shape_cast %min3A_1356 : vector<16xf32> to vector<16xf32>
      tpu.vector_store %arg8[%swap3A_1361], %swap3A_1364 {strides = array<i32>} : memref<32xf32, #tpu.memory_space<vmem>>, vector<16xf32>,
      %get3A_1365 = arith.constant 4 : index
      %get3A_1366 = tpu.vector_load %arg8[%get3A_1365] {strides = array<i32>} : memref<32xf32, #tpu.memory_space<vmem>>, vector<16xf32>,
      %get3A_1367 = vector.shape_cast %get3A_1366 : vector<16xf32> to vector<16xf32>
      %min3A_1368 = arith.minimumf %min3A_1356, %get3A_1367 : vector<16xf32>
      %swap3A_1369 = arith.constant 0 : index
      %swap3A_1370 = tpu.vector_load %arg8[%swap3A_1369] {strides = array<i32>} : memref<32xf32, #tpu.memory_space<vmem>>, vector<16xf32>,
      %swap3A_1371 = vector.shape_cast %swap3A_1370 : vector<16xf32> to vector<16xf32>
      %swap3A_1372 = vector.shape_cast %min3A_1368 : vector<16xf32> to vector<16xf32>
      tpu.vector_store %arg8[%swap3A_1369], %swap3A_1372 {strides = array<i32>} : memref<32xf32, #tpu.memory_space<vmem>>, vector<16xf32>,
      %swap3A_1373 = arith.constant 16 : index
      %swap3A_1374 = tpu.vector_load %arg8[%swap3A_1373] {strides = array<i32>} : memref<32xf32, #tpu.memory_space<vmem>>, vector<16xf32>,
      %swap3A_1375 = vector.shape_cast %swap3A_1374 : vector<16xf32> to vector<16xf32>
      %swap3A_1376 = vector.shape_cast %min3A_1368 : vector<16xf32> to vector<16xf32>
      tpu.vector_store %arg8[%swap3A_1373], %swap3A_1376 {strides = array<i32>} : memref<32xf32, #tpu.memory_space<vmem>>, vector<16xf32>,
      %get3A_1377 = arith.constant 2 : index
      %get3A_1378 = tpu.vector_load %arg8[%get3A_1377] {strides = array<i32>} : memref<32xf32, #tpu.memory_space<vmem>>, vector<16xf32>,
      %get3A_1379 = vector.shape_cast %get3A_1378 : vector<16xf32> to vector<16xf32>
      %min3A_1380 = arith.minimumf %min3A_1368, %get3A_1379 : vector<16xf32>
      %swap3A_1381 = arith.constant 0 : index
      %swap3A_1382 = tpu.vector_load %arg8[%swap3A_1381] {strides = array<i32>} : memref<32xf32, #tpu.memory_space<vmem>>, vector<16xf32>,
      %swap3A_1383 = vector.shape_cast %swap3A_1382 : vector<16xf32> to vector<16xf32>
      %swap3A_1384 = vector.shape_cast %min3A_1380 : vector<16xf32> to vector<16xf32>
      tpu.vector_store %arg8[%swap3A_1381], %swap3A_1384 {strides = array<i32>} : memref<32xf32, #tpu.memory_space<vmem>>, vector<16xf32>,
      %swap3A_1385 = arith.constant 16 : index
      %swap3A_1386 = tpu.vector_load %arg8[%swap3A_1385] {strides = array<i32>} : memref<32xf32, #tpu.memory_space<vmem>>, vector<16xf32>,
      %swap3A_1387 = vector.shape_cast %swap3A_1386 : vector<16xf32> to vector<16xf32>
      %swap3A_1388 = vector.shape_cast %min3A_1380 : vector<16xf32> to vector<16xf32>
      tpu.vector_store %arg8[%swap3A_1385], %swap3A_1388 {strides = array<i32>} : memref<32xf32, #tpu.memory_space<vmem>>, vector<16xf32>,
      %get3A_1389 = arith.constant 1 : index
      %get3A_1390 = tpu.vector_load %arg8[%get3A_1389] {strides = array<i32>} : memref<32xf32, #tpu.memory_space<vmem>>, vector<16xf32>,
      %get3A_1391 = vector.shape_cast %get3A_1390 : vector<16xf32> to vector<16xf32>
      %min3A_1392 = arith.minimumf %min3A_1380, %get3A_1391 : vector<16xf32>
      %eq3A_1393 = arith.cmpf oeq, %add3A_14, %min3A_1392 : vector<16xf32>
      %select_n3A_1394 = arith.select %eq3A_1393, %broadcast_in_dim3A_5, %select_n3A_1243 : vector<16xi1>, vector<16xf32>
      %select_n3A_1395 = arith.select %eq3A_1393, %broadcast_in_dim3A_5, %select_n3A_1244 : vector<16xi1>, vector<16xf32>
      %select_n3A_1396 = arith.select %eq3A_1393, %broadcast_in_dim3A_9, %select_n3A_1245 : vector<16xi1>, vector<16xf32>
      %eq3A_1397 = arith.cmpf oeq, %add3A_18, %min3A_1392 : vector<16xf32>
      %select_n3A_1398 = arith.select %eq3A_1397, %broadcast_in_dim3A_5, %select_n3A_1247 : vector<16xi1>, vector<16xf32>
      %select_n3A_1399 = arith.select %eq3A_1397, %broadcast_in_dim3A_5, %select_n3A_1248 : vector<16xi1>, vector<16xf32>
      %select_n3A_1400 = arith.select %eq3A_1397, %broadcast_in_dim3A_9, %select_n3A_1249 : vector<16xi1>, vector<16xf32>
      %eq3A_1401 = arith.cmpf oeq, %add3A_22, %min3A_1392 : vector<16xf32>
      %select_n3A_1402 = arith.select %eq3A_1401, %broadcast_in_dim3A_5, %select_n3A_1251 : vector<16xi1>, vector<16xf32>
      %select_n3A_1403 = arith.select %eq3A_1401, %broadcast_in_dim3A_5, %select_n3A_1252 : vector<16xi1>, vector<16xf32>
      %select_n3A_1404 = arith.select %eq3A_1401, %broadcast_in_dim3A_9, %select_n3A_1253 : vector<16xi1>, vector<16xf32>
      %eq3A_1405 = arith.cmpf oeq, %add3A_26, %min3A_1392 : vector<16xf32>
      %select_n3A_1406 = arith.select %eq3A_1405, %broadcast_in_dim3A_5, %select_n3A_1255 : vector<16xi1>, vector<16xf32>
      %select_n3A_1407 = arith.select %eq3A_1405, %broadcast_in_dim3A_5, %select_n3A_1256 : vector<16xi1>, vector<16xf32>
      %select_n3A_1408 = arith.select %eq3A_1405, %broadcast_in_dim3A_9, %select_n3A_1257 : vector<16xi1>, vector<16xf32>
      %eq3A_1409 = arith.cmpf oeq, %add3A_30, %min3A_1392 : vector<16xf32>
      %select_n3A_1410 = arith.select %eq3A_1409, %broadcast_in_dim3A_5, %select_n3A_1259 : vector<16xi1>, vector<16xf32>
      %select_n3A_1411 = arith.select %eq3A_1409, %broadcast_in_dim3A_5, %select_n3A_1260 : vector<16xi1>, vector<16xf32>
      %select_n3A_1412 = arith.select %eq3A_1409, %broadcast_in_dim3A_9, %select_n3A_1261 : vector<16xi1>, vector<16xf32>
      %eq3A_1413 = arith.cmpf oeq, %add3A_34, %min3A_1392 : vector<16xf32>
      %select_n3A_1414 = arith.select %eq3A_1413, %broadcast_in_dim3A_5, %select_n3A_1263 : vector<16xi1>, vector<16xf32>
      %select_n3A_1415 = arith.select %eq3A_1413, %broadcast_in_dim3A_5, %select_n3A_1264 : vector<16xi1>, vector<16xf32>
      %select_n3A_1416 = arith.select %eq3A_1413, %broadcast_in_dim3A_9, %select_n3A_1265 : vector<16xi1>, vector<16xf32>
      %eq3A_1417 = arith.cmpf oeq, %add3A_38, %min3A_1392 : vector<16xf32>
      %select_n3A_1418 = arith.select %eq3A_1417, %broadcast_in_dim3A_5, %select_n3A_1267 : vector<16xi1>, vector<16xf32>
      %select_n3A_1419 = arith.select %eq3A_1417, %broadcast_in_dim3A_5, %select_n3A_1268 : vector<16xi1>, vector<16xf32>
      %select_n3A_1420 = arith.select %eq3A_1417, %broadcast_in_dim3A_9, %select_n3A_1269 : vector<16xi1>, vector<16xf32>
      %min3A_1421 = arith.minimumf %select_n3A_1396, %select_n3A_1400 : vector<16xf32>
      %min3A_1422 = arith.minimumf %min3A_1421, %select_n3A_1404 : vector<16xf32>
      %min3A_1423 = arith.minimumf %min3A_1422, %select_n3A_1408 : vector<16xf32>
      %min3A_1424 = arith.minimumf %min3A_1423, %select_n3A_1412 : vector<16xf32>
      %min3A_1425 = arith.minimumf %min3A_1424, %select_n3A_1416 : vector<16xf32>
      %min3A_1426 = arith.minimumf %min3A_1425, %select_n3A_1420 : vector<16xf32>
      %swap3A_1427 = arith.constant 0 : index
      %swap3A_1428 = tpu.vector_load %arg8[%swap3A_1427] {strides = array<i32>} : memref<32xf32, #tpu.memory_space<vmem>>, vector<16xf32>,
      %swap3A_1429 = vector.shape_cast %swap3A_1428 : vector<16xf32> to vector<16xf32>
      %swap3A_1430 = vector.shape_cast %min3A_1426 : vector<16xf32> to vector<16xf32>
      tpu.vector_store %arg8[%swap3A_1427], %swap3A_1430 {strides = array<i32>} : memref<32xf32, #tpu.memory_space<vmem>>, vector<16xf32>,
      %swap3A_1431 = arith.constant 16 : index
      %swap3A_1432 = tpu.vector_load %arg8[%swap3A_1431] {strides = array<i32>} : memref<32xf32, #tpu.memory_space<vmem>>, vector<16xf32>,
      %swap3A_1433 = vector.shape_cast %swap3A_1432 : vector<16xf32> to vector<16xf32>
      %swap3A_1434 = vector.shape_cast %min3A_1426 : vector<16xf32> to vector<16xf32>
      tpu.vector_store %arg8[%swap3A_1431], %swap3A_1434 {strides = array<i32>} : memref<32xf32, #tpu.memory_space<vmem>>, vector<16xf32>,
      %get3A_1435 = arith.constant 8 : index
      %get3A_1436 = tpu.vector_load %arg8[%get3A_1435] {strides = array<i32>} : memref<32xf32, #tpu.memory_space<vmem>>, vector<16xf32>,
      %get3A_1437 = vector.shape_cast %get3A_1436 : vector<16xf32> to vector<16xf32>
      %min3A_1438 = arith.minimumf %min3A_1426, %get3A_1437 : vector<16xf32>
      %swap3A_1439 = arith.constant 0 : index
      %swap3A_1440 = tpu.vector_load %arg8[%swap3A_1439] {strides = array<i32>} : memref<32xf32, #tpu.memory_space<vmem>>, vector<16xf32>,
      %swap3A_1441 = vector.shape_cast %swap3A_1440 : vector<16xf32> to vector<16xf32>
      %swap3A_1442 = vector.shape_cast %min3A_1438 : vector<16xf32> to vector<16xf32>
      tpu.vector_store %arg8[%swap3A_1439], %swap3A_1442 {strides = array<i32>} : memref<32xf32, #tpu.memory_space<vmem>>, vector<16xf32>,
      %swap3A_1443 = arith.constant 16 : index
      %swap3A_1444 = tpu.vector_load %arg8[%swap3A_1443] {strides = array<i32>} : memref<32xf32, #tpu.memory_space<vmem>>, vector<16xf32>,
      %swap3A_1445 = vector.shape_cast %swap3A_1444 : vector<16xf32> to vector<16xf32>
      %swap3A_1446 = vector.shape_cast %min3A_1438 : vector<16xf32> to vector<16xf32>
      tpu.vector_store %arg8[%swap3A_1443], %swap3A_1446 {strides = array<i32>} : memref<32xf32, #tpu.memory_space<vmem>>, vector<16xf32>,
      %get3A_1447 = arith.constant 4 : index
      %get3A_1448 = tpu.vector_load %arg8[%get3A_1447] {strides = array<i32>} : memref<32xf32, #tpu.memory_space<vmem>>, vector<16xf32>,
      %get3A_1449 = vector.shape_cast %get3A_1448 : vector<16xf32> to vector<16xf32>
      %min3A_1450 = arith.minimumf %min3A_1438, %get3A_1449 : vector<16xf32>
      %swap3A_1451 = arith.constant 0 : index
      %swap3A_1452 = tpu.vector_load %arg8[%swap3A_1451] {strides = array<i32>} : memref<32xf32, #tpu.memory_space<vmem>>, vector<16xf32>,
      %swap3A_1453 = vector.shape_cast %swap3A_1452 : vector<16xf32> to vector<16xf32>
      %swap3A_1454 = vector.shape_cast %min3A_1450 : vector<16xf32> to vector<16xf32>
      tpu.vector_store %arg8[%swap3A_1451], %swap3A_1454 {strides = array<i32>} : memref<32xf32, #tpu.memory_space<vmem>>, vector<16xf32>,
      %swap3A_1455 = arith.constant 16 : index
      %swap3A_1456 = tpu.vector_load %arg8[%swap3A_1455] {strides = array<i32>} : memref<32xf32, #tpu.memory_space<vmem>>, vector<16xf32>,
      %swap3A_1457 = vector.shape_cast %swap3A_1456 : vector<16xf32> to vector<16xf32>
      %swap3A_1458 = vector.shape_cast %min3A_1450 : vector<16xf32> to vector<16xf32>
      tpu.vector_store %arg8[%swap3A_1455], %swap3A_1458 {strides = array<i32>} : memref<32xf32, #tpu.memory_space<vmem>>, vector<16xf32>,
      %get3A_1459 = arith.constant 2 : index
      %get3A_1460 = tpu.vector_load %arg8[%get3A_1459] {strides = array<i32>} : memref<32xf32, #tpu.memory_space<vmem>>, vector<16xf32>,
      %get3A_1461 = vector.shape_cast %get3A_1460 : vector<16xf32> to vector<16xf32>
      %min3A_1462 = arith.minimumf %min3A_1450, %get3A_1461 : vector<16xf32>
      %swap3A_1463 = arith.constant 0 : index
      %swap3A_1464 = tpu.vector_load %arg8[%swap3A_1463] {strides = array<i32>} : memref<32xf32, #tpu.memory_space<vmem>>, vector<16xf32>,
      %swap3A_1465 = vector.shape_cast %swap3A_1464 : vector<16xf32> to vector<16xf32>
      %swap3A_1466 = vector.shape_cast %min3A_1462 : vector<16xf32> to vector<16xf32>
      tpu.vector_store %arg8[%swap3A_1463], %swap3A_1466 {strides = array<i32>} : memref<32xf32, #tpu.memory_space<vmem>>, vector<16xf32>,
      %swap3A_1467 = arith.constant 16 : index
      %swap3A_1468 = tpu.vector_load %arg8[%swap3A_1467] {strides = array<i32>} : memref<32xf32, #tpu.memory_space<vmem>>, vector<16xf32>,
      %swap3A_1469 = vector.shape_cast %swap3A_1468 : vector<16xf32> to vector<16xf32>
      %swap3A_1470 = vector.shape_cast %min3A_1462 : vector<16xf32> to vector<16xf32>
      tpu.vector_store %arg8[%swap3A_1467], %swap3A_1470 {strides = array<i32>} : memref<32xf32, #tpu.memory_space<vmem>>, vector<16xf32>,
      %get3A_1471 = arith.constant 1 : index
      %get3A_1472 = tpu.vector_load %arg8[%get3A_1471] {strides = array<i32>} : memref<32xf32, #tpu.memory_space<vmem>>, vector<16xf32>,
      %get3A_1473 = vector.shape_cast %get3A_1472 : vector<16xf32> to vector<16xf32>
      %min3A_1474 = arith.minimumf %min3A_1462, %get3A_1473 : vector<16xf32>
      %eq3A_1475 = arith.cmpf oeq, %select_n3A_1396, %min3A_1474 : vector<16xf32>
      %select_n3A_1476 = arith.select %eq3A_1475, %add3A_14, %broadcast_in_dim3A_11 : vector<16xi1>, vector<16xf32>
      %min3A_1477 = arith.minimumf %broadcast_in_dim3A_11, %select_n3A_1476 : vector<16xf32>
      %eq3A_1478 = arith.cmpf oeq, %select_n3A_1400, %min3A_1474 : vector<16xf32>
      %select_n3A_1479 = arith.select %eq3A_1478, %add3A_18, %broadcast_in_dim3A_11 : vector<16xi1>, vector<16xf32>
      %min3A_1480 = arith.minimumf %min3A_1477, %select_n3A_1479 : vector<16xf32>
      %eq3A_1481 = arith.cmpf oeq, %select_n3A_1404, %min3A_1474 : vector<16xf32>
      %select_n3A_1482 = arith.select %eq3A_1481, %add3A_22, %broadcast_in_dim3A_11 : vector<16xi1>, vector<16xf32>
      %min3A_1483 = arith.minimumf %min3A_1480, %select_n3A_1482 : vector<16xf32>
      %eq3A_1484 = arith.cmpf oeq, %select_n3A_1408, %min3A_1474 : vector<16xf32>
      %select_n3A_1485 = arith.select %eq3A_1484, %add3A_26, %broadcast_in_dim3A_11 : vector<16xi1>, vector<16xf32>
      %min3A_1486 = arith.minimumf %min3A_1483, %select_n3A_1485 : vector<16xf32>
      %eq3A_1487 = arith.cmpf oeq, %select_n3A_1412, %min3A_1474 : vector<16xf32>
      %select_n3A_1488 = arith.select %eq3A_1487, %add3A_30, %broadcast_in_dim3A_11 : vector<16xi1>, vector<16xf32>
      %min3A_1489 = arith.minimumf %min3A_1486, %select_n3A_1488 : vector<16xf32>
      %eq3A_1490 = arith.cmpf oeq, %select_n3A_1416, %min3A_1474 : vector<16xf32>
      %select_n3A_1491 = arith.select %eq3A_1490, %add3A_34, %broadcast_in_dim3A_11 : vector<16xi1>, vector<16xf32>
      %min3A_1492 = arith.minimumf %min3A_1489, %select_n3A_1491 : vector<16xf32>
      %eq3A_1493 = arith.cmpf oeq, %select_n3A_1420, %min3A_1474 : vector<16xf32>
      %select_n3A_1494 = arith.select %eq3A_1493, %add3A_38, %broadcast_in_dim3A_11 : vector<16xi1>, vector<16xf32>
      %min3A_1495 = arith.minimumf %min3A_1492, %select_n3A_1494 : vector<16xf32>
      %swap3A_1496 = arith.constant 0 : index
      %swap3A_1497 = tpu.vector_load %arg8[%swap3A_1496] {strides = array<i32>} : memref<32xf32, #tpu.memory_space<vmem>>, vector<16xf32>,
      %swap3A_1498 = vector.shape_cast %swap3A_1497 : vector<16xf32> to vector<16xf32>
      %swap3A_1499 = vector.shape_cast %min3A_1495 : vector<16xf32> to vector<16xf32>
      tpu.vector_store %arg8[%swap3A_1496], %swap3A_1499 {strides = array<i32>} : memref<32xf32, #tpu.memory_space<vmem>>, vector<16xf32>,
      %swap3A_1500 = arith.constant 16 : index
      %swap3A_1501 = tpu.vector_load %arg8[%swap3A_1500] {strides = array<i32>} : memref<32xf32, #tpu.memory_space<vmem>>, vector<16xf32>,
      %swap3A_1502 = vector.shape_cast %swap3A_1501 : vector<16xf32> to vector<16xf32>
      %swap3A_1503 = vector.shape_cast %min3A_1495 : vector<16xf32> to vector<16xf32>
      tpu.vector_store %arg8[%swap3A_1500], %swap3A_1503 {strides = array<i32>} : memref<32xf32, #tpu.memory_space<vmem>>, vector<16xf32>,
      %get3A_1504 = arith.constant 8 : index
      %get3A_1505 = tpu.vector_load %arg8[%get3A_1504] {strides = array<i32>} : memref<32xf32, #tpu.memory_space<vmem>>, vector<16xf32>,
      %get3A_1506 = vector.shape_cast %get3A_1505 : vector<16xf32> to vector<16xf32>
      %min3A_1507 = arith.minimumf %min3A_1495, %get3A_1506 : vector<16xf32>
      %swap3A_1508 = arith.constant 0 : index
      %swap3A_1509 = tpu.vector_load %arg8[%swap3A_1508] {strides = array<i32>} : memref<32xf32, #tpu.memory_space<vmem>>, vector<16xf32>,
      %swap3A_1510 = vector.shape_cast %swap3A_1509 : vector<16xf32> to vector<16xf32>
      %swap3A_1511 = vector.shape_cast %min3A_1507 : vector<16xf32> to vector<16xf32>
      tpu.vector_store %arg8[%swap3A_1508], %swap3A_1511 {strides = array<i32>} : memref<32xf32, #tpu.memory_space<vmem>>, vector<16xf32>,
      %swap3A_1512 = arith.constant 16 : index
      %swap3A_1513 = tpu.vector_load %arg8[%swap3A_1512] {strides = array<i32>} : memref<32xf32, #tpu.memory_space<vmem>>, vector<16xf32>,
      %swap3A_1514 = vector.shape_cast %swap3A_1513 : vector<16xf32> to vector<16xf32>
      %swap3A_1515 = vector.shape_cast %min3A_1507 : vector<16xf32> to vector<16xf32>
      tpu.vector_store %arg8[%swap3A_1512], %swap3A_1515 {strides = array<i32>} : memref<32xf32, #tpu.memory_space<vmem>>, vector<16xf32>,
      %get3A_1516 = arith.constant 4 : index
      %get3A_1517 = tpu.vector_load %arg8[%get3A_1516] {strides = array<i32>} : memref<32xf32, #tpu.memory_space<vmem>>, vector<16xf32>,
      %get3A_1518 = vector.shape_cast %get3A_1517 : vector<16xf32> to vector<16xf32>
      %min3A_1519 = arith.minimumf %min3A_1507, %get3A_1518 : vector<16xf32>
      %swap3A_1520 = arith.constant 0 : index
      %swap3A_1521 = tpu.vector_load %arg8[%swap3A_1520] {strides = array<i32>} : memref<32xf32, #tpu.memory_space<vmem>>, vector<16xf32>,
      %swap3A_1522 = vector.shape_cast %swap3A_1521 : vector<16xf32> to vector<16xf32>
      %swap3A_1523 = vector.shape_cast %min3A_1519 : vector<16xf32> to vector<16xf32>
      tpu.vector_store %arg8[%swap3A_1520], %swap3A_1523 {strides = array<i32>} : memref<32xf32, #tpu.memory_space<vmem>>, vector<16xf32>,
      %swap3A_1524 = arith.constant 16 : index
      %swap3A_1525 = tpu.vector_load %arg8[%swap3A_1524] {strides = array<i32>} : memref<32xf32, #tpu.memory_space<vmem>>, vector<16xf32>,
      %swap3A_1526 = vector.shape_cast %swap3A_1525 : vector<16xf32> to vector<16xf32>
      %swap3A_1527 = vector.shape_cast %min3A_1519 : vector<16xf32> to vector<16xf32>
      tpu.vector_store %arg8[%swap3A_1524], %swap3A_1527 {strides = array<i32>} : memref<32xf32, #tpu.memory_space<vmem>>, vector<16xf32>,
      %get3A_1528 = arith.constant 2 : index
      %get3A_1529 = tpu.vector_load %arg8[%get3A_1528] {strides = array<i32>} : memref<32xf32, #tpu.memory_space<vmem>>, vector<16xf32>,
      %get3A_1530 = vector.shape_cast %get3A_1529 : vector<16xf32> to vector<16xf32>
      %min3A_1531 = arith.minimumf %min3A_1519, %get3A_1530 : vector<16xf32>
      %swap3A_1532 = arith.constant 0 : index
      %swap3A_1533 = tpu.vector_load %arg8[%swap3A_1532] {strides = array<i32>} : memref<32xf32, #tpu.memory_space<vmem>>, vector<16xf32>,
      %swap3A_1534 = vector.shape_cast %swap3A_1533 : vector<16xf32> to vector<16xf32>
      %swap3A_1535 = vector.shape_cast %min3A_1531 : vector<16xf32> to vector<16xf32>
      tpu.vector_store %arg8[%swap3A_1532], %swap3A_1535 {strides = array<i32>} : memref<32xf32, #tpu.memory_space<vmem>>, vector<16xf32>,
      %swap3A_1536 = arith.constant 16 : index
      %swap3A_1537 = tpu.vector_load %arg8[%swap3A_1536] {strides = array<i32>} : memref<32xf32, #tpu.memory_space<vmem>>, vector<16xf32>,
      %swap3A_1538 = vector.shape_cast %swap3A_1537 : vector<16xf32> to vector<16xf32>
      %swap3A_1539 = vector.shape_cast %min3A_1531 : vector<16xf32> to vector<16xf32>
      tpu.vector_store %arg8[%swap3A_1536], %swap3A_1539 {strides = array<i32>} : memref<32xf32, #tpu.memory_space<vmem>>, vector<16xf32>,
      %get3A_1540 = arith.constant 1 : index
      %get3A_1541 = tpu.vector_load %arg8[%get3A_1540] {strides = array<i32>} : memref<32xf32, #tpu.memory_space<vmem>>, vector<16xf32>,
      %get3A_1542 = vector.shape_cast %get3A_1541 : vector<16xf32> to vector<16xf32>
      %min3A_1543 = arith.minimumf %min3A_1531, %get3A_1542 : vector<16xf32>
      %eq3A_1544 = arith.cmpf oeq, %add3A_14, %min3A_1543 : vector<16xf32>
      %select_n3A_1545 = arith.select %eq3A_1544, %broadcast_in_dim3A_5, %select_n3A_1394 : vector<16xi1>, vector<16xf32>
      %select_n3A_1546 = arith.select %eq3A_1544, %broadcast_in_dim3A_5, %select_n3A_1395 : vector<16xi1>, vector<16xf32>
      %select_n3A_1547 = arith.select %eq3A_1544, %broadcast_in_dim3A_9, %select_n3A_1396 : vector<16xi1>, vector<16xf32>
      %eq3A_1548 = arith.cmpf oeq, %add3A_18, %min3A_1543 : vector<16xf32>
      %select_n3A_1549 = arith.select %eq3A_1548, %broadcast_in_dim3A_5, %select_n3A_1398 : vector<16xi1>, vector<16xf32>
      %select_n3A_1550 = arith.select %eq3A_1548, %broadcast_in_dim3A_5, %select_n3A_1399 : vector<16xi1>, vector<16xf32>
      %select_n3A_1551 = arith.select %eq3A_1548, %broadcast_in_dim3A_9, %select_n3A_1400 : vector<16xi1>, vector<16xf32>
      %eq3A_1552 = arith.cmpf oeq, %add3A_22, %min3A_1543 : vector<16xf32>
      %select_n3A_1553 = arith.select %eq3A_1552, %broadcast_in_dim3A_5, %select_n3A_1402 : vector<16xi1>, vector<16xf32>
      %select_n3A_1554 = arith.select %eq3A_1552, %broadcast_in_dim3A_5, %select_n3A_1403 : vector<16xi1>, vector<16xf32>
      %select_n3A_1555 = arith.select %eq3A_1552, %broadcast_in_dim3A_9, %select_n3A_1404 : vector<16xi1>, vector<16xf32>
      %eq3A_1556 = arith.cmpf oeq, %add3A_26, %min3A_1543 : vector<16xf32>
      %select_n3A_1557 = arith.select %eq3A_1556, %broadcast_in_dim3A_5, %select_n3A_1406 : vector<16xi1>, vector<16xf32>
      %select_n3A_1558 = arith.select %eq3A_1556, %broadcast_in_dim3A_5, %select_n3A_1407 : vector<16xi1>, vector<16xf32>
      %select_n3A_1559 = arith.select %eq3A_1556, %broadcast_in_dim3A_9, %select_n3A_1408 : vector<16xi1>, vector<16xf32>
      %eq3A_1560 = arith.cmpf oeq, %add3A_30, %min3A_1543 : vector<16xf32>
      %select_n3A_1561 = arith.select %eq3A_1560, %broadcast_in_dim3A_5, %select_n3A_1410 : vector<16xi1>, vector<16xf32>
      %select_n3A_1562 = arith.select %eq3A_1560, %broadcast_in_dim3A_5, %select_n3A_1411 : vector<16xi1>, vector<16xf32>
      %select_n3A_1563 = arith.select %eq3A_1560, %broadcast_in_dim3A_9, %select_n3A_1412 : vector<16xi1>, vector<16xf32>
      %eq3A_1564 = arith.cmpf oeq, %add3A_34, %min3A_1543 : vector<16xf32>
      %select_n3A_1565 = arith.select %eq3A_1564, %broadcast_in_dim3A_5, %select_n3A_1414 : vector<16xi1>, vector<16xf32>
      %select_n3A_1566 = arith.select %eq3A_1564, %broadcast_in_dim3A_5, %select_n3A_1415 : vector<16xi1>, vector<16xf32>
      %select_n3A_1567 = arith.select %eq3A_1564, %broadcast_in_dim3A_9, %select_n3A_1416 : vector<16xi1>, vector<16xf32>
      %eq3A_1568 = arith.cmpf oeq, %add3A_38, %min3A_1543 : vector<16xf32>
      %select_n3A_1569 = arith.select %eq3A_1568, %broadcast_in_dim3A_5, %select_n3A_1418 : vector<16xi1>, vector<16xf32>
      %select_n3A_1570 = arith.select %eq3A_1568, %broadcast_in_dim3A_5, %select_n3A_1419 : vector<16xi1>, vector<16xf32>
      %select_n3A_1571 = arith.select %eq3A_1568, %broadcast_in_dim3A_9, %select_n3A_1420 : vector<16xi1>, vector<16xf32>
      %min3A_1572 = arith.minimumf %select_n3A_1547, %select_n3A_1551 : vector<16xf32>
      %min3A_1573 = arith.minimumf %min3A_1572, %select_n3A_1555 : vector<16xf32>
      %min3A_1574 = arith.minimumf %min3A_1573, %select_n3A_1559 : vector<16xf32>
      %min3A_1575 = arith.minimumf %min3A_1574, %select_n3A_1563 : vector<16xf32>
      %min3A_1576 = arith.minimumf %min3A_1575, %select_n3A_1567 : vector<16xf32>
      %min3A_1577 = arith.minimumf %min3A_1576, %select_n3A_1571 : vector<16xf32>
      %swap3A_1578 = arith.constant 0 : index
      %swap3A_1579 = tpu.vector_load %arg8[%swap3A_1578] {strides = array<i32>} : memref<32xf32, #tpu.memory_space<vmem>>, vector<16xf32>,
      %swap3A_1580 = vector.shape_cast %swap3A_1579 : vector<16xf32> to vector<16xf32>
      %swap3A_1581 = vector.shape_cast %min3A_1577 : vector<16xf32> to vector<16xf32>
      tpu.vector_store %arg8[%swap3A_1578], %swap3A_1581 {strides = array<i32>} : memref<32xf32, #tpu.memory_space<vmem>>, vector<16xf32>,
      %swap3A_1582 = arith.constant 16 : index
      %swap3A_1583 = tpu.vector_load %arg8[%swap3A_1582] {strides = array<i32>} : memref<32xf32, #tpu.memory_space<vmem>>, vector<16xf32>,
      %swap3A_1584 = vector.shape_cast %swap3A_1583 : vector<16xf32> to vector<16xf32>
      %swap3A_1585 = vector.shape_cast %min3A_1577 : vector<16xf32> to vector<16xf32>
      tpu.vector_store %arg8[%swap3A_1582], %swap3A_1585 {strides = array<i32>} : memref<32xf32, #tpu.memory_space<vmem>>, vector<16xf32>,
      %get3A_1586 = arith.constant 8 : index
      %get3A_1587 = tpu.vector_load %arg8[%get3A_1586] {strides = array<i32>} : memref<32xf32, #tpu.memory_space<vmem>>, vector<16xf32>,
      %get3A_1588 = vector.shape_cast %get3A_1587 : vector<16xf32> to vector<16xf32>
      %min3A_1589 = arith.minimumf %min3A_1577, %get3A_1588 : vector<16xf32>
      %swap3A_1590 = arith.constant 0 : index
      %swap3A_1591 = tpu.vector_load %arg8[%swap3A_1590] {strides = array<i32>} : memref<32xf32, #tpu.memory_space<vmem>>, vector<16xf32>,
      %swap3A_1592 = vector.shape_cast %swap3A_1591 : vector<16xf32> to vector<16xf32>
      %swap3A_1593 = vector.shape_cast %min3A_1589 : vector<16xf32> to vector<16xf32>
      tpu.vector_store %arg8[%swap3A_1590], %swap3A_1593 {strides = array<i32>} : memref<32xf32, #tpu.memory_space<vmem>>, vector<16xf32>,
      %swap3A_1594 = arith.constant 16 : index
      %swap3A_1595 = tpu.vector_load %arg8[%swap3A_1594] {strides = array<i32>} : memref<32xf32, #tpu.memory_space<vmem>>, vector<16xf32>,
      %swap3A_1596 = vector.shape_cast %swap3A_1595 : vector<16xf32> to vector<16xf32>
      %swap3A_1597 = vector.shape_cast %min3A_1589 : vector<16xf32> to vector<16xf32>
      tpu.vector_store %arg8[%swap3A_1594], %swap3A_1597 {strides = array<i32>} : memref<32xf32, #tpu.memory_space<vmem>>, vector<16xf32>,
      %get3A_1598 = arith.constant 4 : index
      %get3A_1599 = tpu.vector_load %arg8[%get3A_1598] {strides = array<i32>} : memref<32xf32, #tpu.memory_space<vmem>>, vector<16xf32>,
      %get3A_1600 = vector.shape_cast %get3A_1599 : vector<16xf32> to vector<16xf32>
      %min3A_1601 = arith.minimumf %min3A_1589, %get3A_1600 : vector<16xf32>
      %swap3A_1602 = arith.constant 0 : index
      %swap3A_1603 = tpu.vector_load %arg8[%swap3A_1602] {strides = array<i32>} : memref<32xf32, #tpu.memory_space<vmem>>, vector<16xf32>,
      %swap3A_1604 = vector.shape_cast %swap3A_1603 : vector<16xf32> to vector<16xf32>
      %swap3A_1605 = vector.shape_cast %min3A_1601 : vector<16xf32> to vector<16xf32>
      tpu.vector_store %arg8[%swap3A_1602], %swap3A_1605 {strides = array<i32>} : memref<32xf32, #tpu.memory_space<vmem>>, vector<16xf32>,
      %swap3A_1606 = arith.constant 16 : index
      %swap3A_1607 = tpu.vector_load %arg8[%swap3A_1606] {strides = array<i32>} : memref<32xf32, #tpu.memory_space<vmem>>, vector<16xf32>,
      %swap3A_1608 = vector.shape_cast %swap3A_1607 : vector<16xf32> to vector<16xf32>
      %swap3A_1609 = vector.shape_cast %min3A_1601 : vector<16xf32> to vector<16xf32>
      tpu.vector_store %arg8[%swap3A_1606], %swap3A_1609 {strides = array<i32>} : memref<32xf32, #tpu.memory_space<vmem>>, vector<16xf32>,
      %get3A_1610 = arith.constant 2 : index
      %get3A_1611 = tpu.vector_load %arg8[%get3A_1610] {strides = array<i32>} : memref<32xf32, #tpu.memory_space<vmem>>, vector<16xf32>,
      %get3A_1612 = vector.shape_cast %get3A_1611 : vector<16xf32> to vector<16xf32>
      %min3A_1613 = arith.minimumf %min3A_1601, %get3A_1612 : vector<16xf32>
      %swap3A_1614 = arith.constant 0 : index
      %swap3A_1615 = tpu.vector_load %arg8[%swap3A_1614] {strides = array<i32>} : memref<32xf32, #tpu.memory_space<vmem>>, vector<16xf32>,
      %swap3A_1616 = vector.shape_cast %swap3A_1615 : vector<16xf32> to vector<16xf32>
      %swap3A_1617 = vector.shape_cast %min3A_1613 : vector<16xf32> to vector<16xf32>
      tpu.vector_store %arg8[%swap3A_1614], %swap3A_1617 {strides = array<i32>} : memref<32xf32, #tpu.memory_space<vmem>>, vector<16xf32>,
      %swap3A_1618 = arith.constant 16 : index
      %swap3A_1619 = tpu.vector_load %arg8[%swap3A_1618] {strides = array<i32>} : memref<32xf32, #tpu.memory_space<vmem>>, vector<16xf32>,
      %swap3A_1620 = vector.shape_cast %swap3A_1619 : vector<16xf32> to vector<16xf32>
      %swap3A_1621 = vector.shape_cast %min3A_1613 : vector<16xf32> to vector<16xf32>
      tpu.vector_store %arg8[%swap3A_1618], %swap3A_1621 {strides = array<i32>} : memref<32xf32, #tpu.memory_space<vmem>>, vector<16xf32>,
      %get3A_1622 = arith.constant 1 : index
      %get3A_1623 = tpu.vector_load %arg8[%get3A_1622] {strides = array<i32>} : memref<32xf32, #tpu.memory_space<vmem>>, vector<16xf32>,
      %get3A_1624 = vector.shape_cast %get3A_1623 : vector<16xf32> to vector<16xf32>
      %min3A_1625 = arith.minimumf %min3A_1613, %get3A_1624 : vector<16xf32>
      %eq3A_1626 = arith.cmpf oeq, %select_n3A_1547, %min3A_1625 : vector<16xf32>
      %select_n3A_1627 = arith.select %eq3A_1626, %add3A_14, %broadcast_in_dim3A_11 : vector<16xi1>, vector<16xf32>
      %min3A_1628 = arith.minimumf %broadcast_in_dim3A_11, %select_n3A_1627 : vector<16xf32>
      %eq3A_1629 = arith.cmpf oeq, %select_n3A_1551, %min3A_1625 : vector<16xf32>
      %select_n3A_1630 = arith.select %eq3A_1629, %add3A_18, %broadcast_in_dim3A_11 : vector<16xi1>, vector<16xf32>
      %min3A_1631 = arith.minimumf %min3A_1628, %select_n3A_1630 : vector<16xf32>
      %eq3A_1632 = arith.cmpf oeq, %select_n3A_1555, %min3A_1625 : vector<16xf32>
      %select_n3A_1633 = arith.select %eq3A_1632, %add3A_22, %broadcast_in_dim3A_11 : vector<16xi1>, vector<16xf32>
      %min3A_1634 = arith.minimumf %min3A_1631, %select_n3A_1633 : vector<16xf32>
      %eq3A_1635 = arith.cmpf oeq, %select_n3A_1559, %min3A_1625 : vector<16xf32>
      %select_n3A_1636 = arith.select %eq3A_1635, %add3A_26, %broadcast_in_dim3A_11 : vector<16xi1>, vector<16xf32>
      %min3A_1637 = arith.minimumf %min3A_1634, %select_n3A_1636 : vector<16xf32>
      %eq3A_1638 = arith.cmpf oeq, %select_n3A_1563, %min3A_1625 : vector<16xf32>
      %select_n3A_1639 = arith.select %eq3A_1638, %add3A_30, %broadcast_in_dim3A_11 : vector<16xi1>, vector<16xf32>
      %min3A_1640 = arith.minimumf %min3A_1637, %select_n3A_1639 : vector<16xf32>
      %eq3A_1641 = arith.cmpf oeq, %select_n3A_1567, %min3A_1625 : vector<16xf32>
      %select_n3A_1642 = arith.select %eq3A_1641, %add3A_34, %broadcast_in_dim3A_11 : vector<16xi1>, vector<16xf32>
      %min3A_1643 = arith.minimumf %min3A_1640, %select_n3A_1642 : vector<16xf32>
      %eq3A_1644 = arith.cmpf oeq, %select_n3A_1571, %min3A_1625 : vector<16xf32>
      %select_n3A_1645 = arith.select %eq3A_1644, %add3A_38, %broadcast_in_dim3A_11 : vector<16xi1>, vector<16xf32>
      %min3A_1646 = arith.minimumf %min3A_1643, %select_n3A_1645 : vector<16xf32>
      %swap3A_1647 = arith.constant 0 : index
      %swap3A_1648 = tpu.vector_load %arg8[%swap3A_1647] {strides = array<i32>} : memref<32xf32, #tpu.memory_space<vmem>>, vector<16xf32>,
      %swap3A_1649 = vector.shape_cast %swap3A_1648 : vector<16xf32> to vector<16xf32>
      %swap3A_1650 = vector.shape_cast %min3A_1646 : vector<16xf32> to vector<16xf32>
      tpu.vector_store %arg8[%swap3A_1647], %swap3A_1650 {strides = array<i32>} : memref<32xf32, #tpu.memory_space<vmem>>, vector<16xf32>,
      %swap3A_1651 = arith.constant 16 : index
      %swap3A_1652 = tpu.vector_load %arg8[%swap3A_1651] {strides = array<i32>} : memref<32xf32, #tpu.memory_space<vmem>>, vector<16xf32>,
      %swap3A_1653 = vector.shape_cast %swap3A_1652 : vector<16xf32> to vector<16xf32>
      %swap3A_1654 = vector.shape_cast %min3A_1646 : vector<16xf32> to vector<16xf32>
      tpu.vector_store %arg8[%swap3A_1651], %swap3A_1654 {strides = array<i32>} : memref<32xf32, #tpu.memory_space<vmem>>, vector<16xf32>,
      %get3A_1655 = arith.constant 8 : index
      %get3A_1656 = tpu.vector_load %arg8[%get3A_1655] {strides = array<i32>} : memref<32xf32, #tpu.memory_space<vmem>>, vector<16xf32>,
      %get3A_1657 = vector.shape_cast %get3A_1656 : vector<16xf32> to vector<16xf32>
      %min3A_1658 = arith.minimumf %min3A_1646, %get3A_1657 : vector<16xf32>
      %swap3A_1659 = arith.constant 0 : index
      %swap3A_1660 = tpu.vector_load %arg8[%swap3A_1659] {strides = array<i32>} : memref<32xf32, #tpu.memory_space<vmem>>, vector<16xf32>,
      %swap3A_1661 = vector.shape_cast %swap3A_1660 : vector<16xf32> to vector<16xf32>
      %swap3A_1662 = vector.shape_cast %min3A_1658 : vector<16xf32> to vector<16xf32>
      tpu.vector_store %arg8[%swap3A_1659], %swap3A_1662 {strides = array<i32>} : memref<32xf32, #tpu.memory_space<vmem>>, vector<16xf32>,
      %swap3A_1663 = arith.constant 16 : index
      %swap3A_1664 = tpu.vector_load %arg8[%swap3A_1663] {strides = array<i32>} : memref<32xf32, #tpu.memory_space<vmem>>, vector<16xf32>,
      %swap3A_1665 = vector.shape_cast %swap3A_1664 : vector<16xf32> to vector<16xf32>
      %swap3A_1666 = vector.shape_cast %min3A_1658 : vector<16xf32> to vector<16xf32>
      tpu.vector_store %arg8[%swap3A_1663], %swap3A_1666 {strides = array<i32>} : memref<32xf32, #tpu.memory_space<vmem>>, vector<16xf32>,
      %get3A_1667 = arith.constant 4 : index
      %get3A_1668 = tpu.vector_load %arg8[%get3A_1667] {strides = array<i32>} : memref<32xf32, #tpu.memory_space<vmem>>, vector<16xf32>,
      %get3A_1669 = vector.shape_cast %get3A_1668 : vector<16xf32> to vector<16xf32>
      %min3A_1670 = arith.minimumf %min3A_1658, %get3A_1669 : vector<16xf32>
      %swap3A_1671 = arith.constant 0 : index
      %swap3A_1672 = tpu.vector_load %arg8[%swap3A_1671] {strides = array<i32>} : memref<32xf32, #tpu.memory_space<vmem>>, vector<16xf32>,
      %swap3A_1673 = vector.shape_cast %swap3A_1672 : vector<16xf32> to vector<16xf32>
      %swap3A_1674 = vector.shape_cast %min3A_1670 : vector<16xf32> to vector<16xf32>
      tpu.vector_store %arg8[%swap3A_1671], %swap3A_1674 {strides = array<i32>} : memref<32xf32, #tpu.memory_space<vmem>>, vector<16xf32>,
      %swap3A_1675 = arith.constant 16 : index
      %swap3A_1676 = tpu.vector_load %arg8[%swap3A_1675] {strides = array<i32>} : memref<32xf32, #tpu.memory_space<vmem>>, vector<16xf32>,
      %swap3A_1677 = vector.shape_cast %swap3A_1676 : vector<16xf32> to vector<16xf32>
      %swap3A_1678 = vector.shape_cast %min3A_1670 : vector<16xf32> to vector<16xf32>
      tpu.vector_store %arg8[%swap3A_1675], %swap3A_1678 {strides = array<i32>} : memref<32xf32, #tpu.memory_space<vmem>>, vector<16xf32>,
      %get3A_1679 = arith.constant 2 : index
      %get3A_1680 = tpu.vector_load %arg8[%get3A_1679] {strides = array<i32>} : memref<32xf32, #tpu.memory_space<vmem>>, vector<16xf32>,
      %get3A_1681 = vector.shape_cast %get3A_1680 : vector<16xf32> to vector<16xf32>
      %min3A_1682 = arith.minimumf %min3A_1670, %get3A_1681 : vector<16xf32>
      %swap3A_1683 = arith.constant 0 : index
      %swap3A_1684 = tpu.vector_load %arg8[%swap3A_1683] {strides = array<i32>} : memref<32xf32, #tpu.memory_space<vmem>>, vector<16xf32>,
      %swap3A_1685 = vector.shape_cast %swap3A_1684 : vector<16xf32> to vector<16xf32>
      %swap3A_1686 = vector.shape_cast %min3A_1682 : vector<16xf32> to vector<16xf32>
      tpu.vector_store %arg8[%swap3A_1683], %swap3A_1686 {strides = array<i32>} : memref<32xf32, #tpu.memory_space<vmem>>, vector<16xf32>,
      %swap3A_1687 = arith.constant 16 : index
      %swap3A_1688 = tpu.vector_load %arg8[%swap3A_1687] {strides = array<i32>} : memref<32xf32, #tpu.memory_space<vmem>>, vector<16xf32>,
      %swap3A_1689 = vector.shape_cast %swap3A_1688 : vector<16xf32> to vector<16xf32>
      %swap3A_1690 = vector.shape_cast %min3A_1682 : vector<16xf32> to vector<16xf32>
      tpu.vector_store %arg8[%swap3A_1687], %swap3A_1690 {strides = array<i32>} : memref<32xf32, #tpu.memory_space<vmem>>, vector<16xf32>,
      %get3A_1691 = arith.constant 1 : index
      %get3A_1692 = tpu.vector_load %arg8[%get3A_1691] {strides = array<i32>} : memref<32xf32, #tpu.memory_space<vmem>>, vector<16xf32>,
      %get3A_1693 = vector.shape_cast %get3A_1692 : vector<16xf32> to vector<16xf32>
      %min3A_1694 = arith.minimumf %min3A_1682, %get3A_1693 : vector<16xf32>
      %eq3A_1695 = arith.cmpf oeq, %add3A_14, %min3A_1694 : vector<16xf32>
      %select_n3A_1696 = arith.select %eq3A_1695, %broadcast_in_dim3A_5, %select_n3A_1545 : vector<16xi1>, vector<16xf32>
      %select_n3A_1697 = arith.select %eq3A_1695, %broadcast_in_dim3A_5, %select_n3A_1546 : vector<16xi1>, vector<16xf32>
      %select_n3A_1698 = arith.select %eq3A_1695, %broadcast_in_dim3A_9, %select_n3A_1547 : vector<16xi1>, vector<16xf32>
      %eq3A_1699 = arith.cmpf oeq, %add3A_18, %min3A_1694 : vector<16xf32>
      %select_n3A_1700 = arith.select %eq3A_1699, %broadcast_in_dim3A_5, %select_n3A_1549 : vector<16xi1>, vector<16xf32>
      %select_n3A_1701 = arith.select %eq3A_1699, %broadcast_in_dim3A_5, %select_n3A_1550 : vector<16xi1>, vector<16xf32>
      %select_n3A_1702 = arith.select %eq3A_1699, %broadcast_in_dim3A_9, %select_n3A_1551 : vector<16xi1>, vector<16xf32>
      %eq3A_1703 = arith.cmpf oeq, %add3A_22, %min3A_1694 : vector<16xf32>
      %select_n3A_1704 = arith.select %eq3A_1703, %broadcast_in_dim3A_5, %select_n3A_1553 : vector<16xi1>, vector<16xf32>
      %select_n3A_1705 = arith.select %eq3A_1703, %broadcast_in_dim3A_5, %select_n3A_1554 : vector<16xi1>, vector<16xf32>
      %select_n3A_1706 = arith.select %eq3A_1703, %broadcast_in_dim3A_9, %select_n3A_1555 : vector<16xi1>, vector<16xf32>
      %eq3A_1707 = arith.cmpf oeq, %add3A_26, %min3A_1694 : vector<16xf32>
      %select_n3A_1708 = arith.select %eq3A_1707, %broadcast_in_dim3A_5, %select_n3A_1557 : vector<16xi1>, vector<16xf32>
      %select_n3A_1709 = arith.select %eq3A_1707, %broadcast_in_dim3A_5, %select_n3A_1558 : vector<16xi1>, vector<16xf32>
      %select_n3A_1710 = arith.select %eq3A_1707, %broadcast_in_dim3A_9, %select_n3A_1559 : vector<16xi1>, vector<16xf32>
      %eq3A_1711 = arith.cmpf oeq, %add3A_30, %min3A_1694 : vector<16xf32>
      %select_n3A_1712 = arith.select %eq3A_1711, %broadcast_in_dim3A_5, %select_n3A_1561 : vector<16xi1>, vector<16xf32>
      %select_n3A_1713 = arith.select %eq3A_1711, %broadcast_in_dim3A_5, %select_n3A_1562 : vector<16xi1>, vector<16xf32>
      %select_n3A_1714 = arith.select %eq3A_1711, %broadcast_in_dim3A_9, %select_n3A_1563 : vector<16xi1>, vector<16xf32>
      %eq3A_1715 = arith.cmpf oeq, %add3A_34, %min3A_1694 : vector<16xf32>
      %select_n3A_1716 = arith.select %eq3A_1715, %broadcast_in_dim3A_5, %select_n3A_1565 : vector<16xi1>, vector<16xf32>
      %select_n3A_1717 = arith.select %eq3A_1715, %broadcast_in_dim3A_5, %select_n3A_1566 : vector<16xi1>, vector<16xf32>
      %select_n3A_1718 = arith.select %eq3A_1715, %broadcast_in_dim3A_9, %select_n3A_1567 : vector<16xi1>, vector<16xf32>
      %eq3A_1719 = arith.cmpf oeq, %add3A_38, %min3A_1694 : vector<16xf32>
      %select_n3A_1720 = arith.select %eq3A_1719, %broadcast_in_dim3A_5, %select_n3A_1569 : vector<16xi1>, vector<16xf32>
      %select_n3A_1721 = arith.select %eq3A_1719, %broadcast_in_dim3A_5, %select_n3A_1570 : vector<16xi1>, vector<16xf32>
      %select_n3A_1722 = arith.select %eq3A_1719, %broadcast_in_dim3A_9, %select_n3A_1571 : vector<16xi1>, vector<16xf32>
      %jit3A = arith.constant 100 : i32
      %div3A = arith.divsi %add3A_45, %jit3A : i32
      %sign3A = arith.constant 0 : i32
      %sign3A_1723 = arith.cmpi sgt, %add3A_45, %sign3A : i32
      %sign3A_1724 = arith.extui %sign3A_1723 : i1 to i32
      %sign3A_1725 = arith.constant 0 : i32
      %sign3A_1726 = arith.cmpi slt, %add3A_45, %sign3A_1725 : i32
      %sign3A_1727 = arith.extui %sign3A_1726 : i1 to i32
      %sign3A_1728 = arith.subi %sign3A_1724, %sign3A_1727 : i32
      %sign3A_1729 = arith.constant 0 : i32
      %sign3A_1730 = arith.cmpi sgt, %jit3A, %sign3A_1729 : i32
      %sign3A_1731 = arith.extui %sign3A_1730 : i1 to i32
      %sign3A_1732 = arith.constant 0 : i32
      %sign3A_1733 = arith.cmpi slt, %jit3A, %sign3A_1732 : i32
      %sign3A_1734 = arith.extui %sign3A_1733 : i1 to i32
      %sign3A_1735 = arith.subi %sign3A_1731, %sign3A_1734 : i32
      %ne3A = arith.cmpi ne, %sign3A_1728, %sign3A_1735 : i32
      %rem3A = arith.remsi %add3A_45, %jit3A : i32
      %ne3A_1736 = arith.constant 0 : i32
      %ne3A_1737 = arith.cmpi ne, %rem3A, %ne3A_1736 : i32
      %and3A = arith.andi %ne3A, %ne3A_1737 : i1
      %sub3A = arith.constant 1 : i32
      %sub3A_1738 = arith.subi %div3A, %sub3A : i32
      %select_n3A_1739 = arith.select %and3A, %sub3A_1738, %div3A : i32
      %mul3A_1740 = arith.constant 100 : i32
      %mul3A_1741 = arith.muli %select_n3A_1739, %mul3A_1740 : i32
      %sub3A_1742 = arith.subi %add3A_45, %mul3A_1741 : i32
      %convert_element_type3A_1743 = arith.sitofp %sub3A_1742 : i32 to f32
      %broadcast_in_dim3A_1744 = vector.broadcast %convert_element_type3A_1743 : f32 to vector<16xf32>
      %eq3A_1745 = arith.cmpf oeq, %add3A_14, %broadcast_in_dim3A_1744 : vector<16xf32>
      %select_n3A_1746 = arith.select %eq3A_1745, %broadcast_in_dim3A_7, %select_n3A_1696 : vector<16xi1>, vector<16xf32>
      %swap3A_1747 = arith.index_cast %scan3A_44 : i32 to index
      %swap3A_1748 = arith.constant 0 : index
      %swap3A_1749 = tpu.vector_load %arg6[%swap3A_1747, %swap3A_1748] {strides = array<i32>} : memref<32x112xf32, #tpu.memory_space<vmem>>, vector<1x16xf32>,
      %swap3A_1750 = vector.shape_cast %swap3A_1749 : vector<1x16xf32> to vector<16xf32>
      %swap3A_1751 = vector.shape_cast %select_n3A_1746 : vector<16xf32> to vector<1x16xf32>
      tpu.vector_store %arg6[%swap3A_1747, %swap3A_1748], %swap3A_1751 {strides = array<i32>} : memref<32x112xf32, #tpu.memory_space<vmem>>, vector<1x16xf32>,
      %swap3A_1752 = arith.index_cast %scan3A_44 : i32 to index
      %swap3A_1753 = arith.constant 0 : index
      %swap3A_1754 = tpu.vector_load %arg7[%swap3A_1752, %swap3A_1753] {strides = array<i32>} : memref<32x112xf32, #tpu.memory_space<vmem>>, vector<1x16xf32>,
      %swap3A_1755 = vector.shape_cast %swap3A_1754 : vector<1x16xf32> to vector<16xf32>
      %swap3A_1756 = vector.shape_cast %select_n3A_1697 : vector<16xf32> to vector<1x16xf32>
      tpu.vector_store %arg7[%swap3A_1752, %swap3A_1753], %swap3A_1756 {strides = array<i32>} : memref<32x112xf32, #tpu.memory_space<vmem>>, vector<1x16xf32>,
      %eq3A_1757 = arith.cmpf oeq, %add3A_18, %broadcast_in_dim3A_1744 : vector<16xf32>
      %select_n3A_1758 = arith.select %eq3A_1757, %broadcast_in_dim3A_7, %select_n3A_1700 : vector<16xi1>, vector<16xf32>
      %swap3A_1759 = arith.index_cast %scan3A_44 : i32 to index
      %swap3A_1760 = arith.constant 16 : index
      %swap3A_1761 = tpu.vector_load %arg6[%swap3A_1759, %swap3A_1760] {strides = array<i32>} : memref<32x112xf32, #tpu.memory_space<vmem>>, vector<1x16xf32>,
      %swap3A_1762 = vector.shape_cast %swap3A_1761 : vector<1x16xf32> to vector<16xf32>
      %swap3A_1763 = vector.shape_cast %select_n3A_1758 : vector<16xf32> to vector<1x16xf32>
      tpu.vector_store %arg6[%swap3A_1759, %swap3A_1760], %swap3A_1763 {strides = array<i32>} : memref<32x112xf32, #tpu.memory_space<vmem>>, vector<1x16xf32>,
      %swap3A_1764 = arith.index_cast %scan3A_44 : i32 to index
      %swap3A_1765 = arith.constant 16 : index
      %swap3A_1766 = tpu.vector_load %arg7[%swap3A_1764, %swap3A_1765] {strides = array<i32>} : memref<32x112xf32, #tpu.memory_space<vmem>>, vector<1x16xf32>,
      %swap3A_1767 = vector.shape_cast %swap3A_1766 : vector<1x16xf32> to vector<16xf32>
      %swap3A_1768 = vector.shape_cast %select_n3A_1701 : vector<16xf32> to vector<1x16xf32>
      tpu.vector_store %arg7[%swap3A_1764, %swap3A_1765], %swap3A_1768 {strides = array<i32>} : memref<32x112xf32, #tpu.memory_space<vmem>>, vector<1x16xf32>,
      %eq3A_1769 = arith.cmpf oeq, %add3A_22, %broadcast_in_dim3A_1744 : vector<16xf32>
      %select_n3A_1770 = arith.select %eq3A_1769, %broadcast_in_dim3A_7, %select_n3A_1704 : vector<16xi1>, vector<16xf32>
      %swap3A_1771 = arith.index_cast %scan3A_44 : i32 to index
      %swap3A_1772 = arith.constant 32 : index
      %swap3A_1773 = tpu.vector_load %arg6[%swap3A_1771, %swap3A_1772] {strides = array<i32>} : memref<32x112xf32, #tpu.memory_space<vmem>>, vector<1x16xf32>,
      %swap3A_1774 = vector.shape_cast %swap3A_1773 : vector<1x16xf32> to vector<16xf32>
      %swap3A_1775 = vector.shape_cast %select_n3A_1770 : vector<16xf32> to vector<1x16xf32>
      tpu.vector_store %arg6[%swap3A_1771, %swap3A_1772], %swap3A_1775 {strides = array<i32>} : memref<32x112xf32, #tpu.memory_space<vmem>>, vector<1x16xf32>,
      %swap3A_1776 = arith.index_cast %scan3A_44 : i32 to index
      %swap3A_1777 = arith.constant 32 : index
      %swap3A_1778 = tpu.vector_load %arg7[%swap3A_1776, %swap3A_1777] {strides = array<i32>} : memref<32x112xf32, #tpu.memory_space<vmem>>, vector<1x16xf32>,
      %swap3A_1779 = vector.shape_cast %swap3A_1778 : vector<1x16xf32> to vector<16xf32>
      %swap3A_1780 = vector.shape_cast %select_n3A_1705 : vector<16xf32> to vector<1x16xf32>
      tpu.vector_store %arg7[%swap3A_1776, %swap3A_1777], %swap3A_1780 {strides = array<i32>} : memref<32x112xf32, #tpu.memory_space<vmem>>, vector<1x16xf32>,
      %eq3A_1781 = arith.cmpf oeq, %add3A_26, %broadcast_in_dim3A_1744 : vector<16xf32>
      %select_n3A_1782 = arith.select %eq3A_1781, %broadcast_in_dim3A_7, %select_n3A_1708 : vector<16xi1>, vector<16xf32>
      %swap3A_1783 = arith.index_cast %scan3A_44 : i32 to index
      %swap3A_1784 = arith.constant 48 : index
      %swap3A_1785 = tpu.vector_load %arg6[%swap3A_1783, %swap3A_1784] {strides = array<i32>} : memref<32x112xf32, #tpu.memory_space<vmem>>, vector<1x16xf32>,
      %swap3A_1786 = vector.shape_cast %swap3A_1785 : vector<1x16xf32> to vector<16xf32>
      %swap3A_1787 = vector.shape_cast %select_n3A_1782 : vector<16xf32> to vector<1x16xf32>
      tpu.vector_store %arg6[%swap3A_1783, %swap3A_1784], %swap3A_1787 {strides = array<i32>} : memref<32x112xf32, #tpu.memory_space<vmem>>, vector<1x16xf32>,
      %swap3A_1788 = arith.index_cast %scan3A_44 : i32 to index
      %swap3A_1789 = arith.constant 48 : index
      %swap3A_1790 = tpu.vector_load %arg7[%swap3A_1788, %swap3A_1789] {strides = array<i32>} : memref<32x112xf32, #tpu.memory_space<vmem>>, vector<1x16xf32>,
      %swap3A_1791 = vector.shape_cast %swap3A_1790 : vector<1x16xf32> to vector<16xf32>
      %swap3A_1792 = vector.shape_cast %select_n3A_1709 : vector<16xf32> to vector<1x16xf32>
      tpu.vector_store %arg7[%swap3A_1788, %swap3A_1789], %swap3A_1792 {strides = array<i32>} : memref<32x112xf32, #tpu.memory_space<vmem>>, vector<1x16xf32>,
      %eq3A_1793 = arith.cmpf oeq, %add3A_30, %broadcast_in_dim3A_1744 : vector<16xf32>
      %select_n3A_1794 = arith.select %eq3A_1793, %broadcast_in_dim3A_7, %select_n3A_1712 : vector<16xi1>, vector<16xf32>
      %swap3A_1795 = arith.index_cast %scan3A_44 : i32 to index
      %swap3A_1796 = arith.constant 64 : index
      %swap3A_1797 = tpu.vector_load %arg6[%swap3A_1795, %swap3A_1796] {strides = array<i32>} : memref<32x112xf32, #tpu.memory_space<vmem>>, vector<1x16xf32>,
      %swap3A_1798 = vector.shape_cast %swap3A_1797 : vector<1x16xf32> to vector<16xf32>
      %swap3A_1799 = vector.shape_cast %select_n3A_1794 : vector<16xf32> to vector<1x16xf32>
      tpu.vector_store %arg6[%swap3A_1795, %swap3A_1796], %swap3A_1799 {strides = array<i32>} : memref<32x112xf32, #tpu.memory_space<vmem>>, vector<1x16xf32>,
      %swap3A_1800 = arith.index_cast %scan3A_44 : i32 to index
      %swap3A_1801 = arith.constant 64 : index
      %swap3A_1802 = tpu.vector_load %arg7[%swap3A_1800, %swap3A_1801] {strides = array<i32>} : memref<32x112xf32, #tpu.memory_space<vmem>>, vector<1x16xf32>,
      %swap3A_1803 = vector.shape_cast %swap3A_1802 : vector<1x16xf32> to vector<16xf32>
      %swap3A_1804 = vector.shape_cast %select_n3A_1713 : vector<16xf32> to vector<1x16xf32>
      tpu.vector_store %arg7[%swap3A_1800, %swap3A_1801], %swap3A_1804 {strides = array<i32>} : memref<32x112xf32, #tpu.memory_space<vmem>>, vector<1x16xf32>,
      %eq3A_1805 = arith.cmpf oeq, %add3A_34, %broadcast_in_dim3A_1744 : vector<16xf32>
      %select_n3A_1806 = arith.select %eq3A_1805, %broadcast_in_dim3A_7, %select_n3A_1716 : vector<16xi1>, vector<16xf32>
      %swap3A_1807 = arith.index_cast %scan3A_44 : i32 to index
      %swap3A_1808 = arith.constant 80 : index
      %swap3A_1809 = tpu.vector_load %arg6[%swap3A_1807, %swap3A_1808] {strides = array<i32>} : memref<32x112xf32, #tpu.memory_space<vmem>>, vector<1x16xf32>,
      %swap3A_1810 = vector.shape_cast %swap3A_1809 : vector<1x16xf32> to vector<16xf32>
      %swap3A_1811 = vector.shape_cast %select_n3A_1806 : vector<16xf32> to vector<1x16xf32>
      tpu.vector_store %arg6[%swap3A_1807, %swap3A_1808], %swap3A_1811 {strides = array<i32>} : memref<32x112xf32, #tpu.memory_space<vmem>>, vector<1x16xf32>,
      %swap3A_1812 = arith.index_cast %scan3A_44 : i32 to index
      %swap3A_1813 = arith.constant 80 : index
      %swap3A_1814 = tpu.vector_load %arg7[%swap3A_1812, %swap3A_1813] {strides = array<i32>} : memref<32x112xf32, #tpu.memory_space<vmem>>, vector<1x16xf32>,
      %swap3A_1815 = vector.shape_cast %swap3A_1814 : vector<1x16xf32> to vector<16xf32>
      %swap3A_1816 = vector.shape_cast %select_n3A_1717 : vector<16xf32> to vector<1x16xf32>
      tpu.vector_store %arg7[%swap3A_1812, %swap3A_1813], %swap3A_1816 {strides = array<i32>} : memref<32x112xf32, #tpu.memory_space<vmem>>, vector<1x16xf32>,
      %eq3A_1817 = arith.cmpf oeq, %add3A_38, %broadcast_in_dim3A_1744 : vector<16xf32>
      %select_n3A_1818 = arith.select %eq3A_1817, %broadcast_in_dim3A_7, %select_n3A_1720 : vector<16xi1>, vector<16xf32>
      %swap3A_1819 = arith.index_cast %scan3A_44 : i32 to index
      %swap3A_1820 = arith.constant 96 : index
      %swap3A_1821 = tpu.vector_load %arg6[%swap3A_1819, %swap3A_1820] {strides = array<i32>} : memref<32x112xf32, #tpu.memory_space<vmem>>, vector<1x16xf32>,
      %swap3A_1822 = vector.shape_cast %swap3A_1821 : vector<1x16xf32> to vector<16xf32>
      %swap3A_1823 = vector.shape_cast %select_n3A_1818 : vector<16xf32> to vector<1x16xf32>
      tpu.vector_store %arg6[%swap3A_1819, %swap3A_1820], %swap3A_1823 {strides = array<i32>} : memref<32x112xf32, #tpu.memory_space<vmem>>, vector<1x16xf32>,
      %swap3A_1824 = arith.index_cast %scan3A_44 : i32 to index
      %swap3A_1825 = arith.constant 96 : index
      %swap3A_1826 = tpu.vector_load %arg7[%swap3A_1824, %swap3A_1825] {strides = array<i32>} : memref<32x112xf32, #tpu.memory_space<vmem>>, vector<1x16xf32>,
      %swap3A_1827 = vector.shape_cast %swap3A_1826 : vector<1x16xf32> to vector<16xf32>
      %swap3A_1828 = vector.shape_cast %select_n3A_1721 : vector<16xf32> to vector<1x16xf32>
      tpu.vector_store %arg7[%swap3A_1824, %swap3A_1825], %swap3A_1828 {strides = array<i32>} : memref<32x112xf32, #tpu.memory_space<vmem>>, vector<1x16xf32>,
    }
    %scan3A_43 = arith.constant 32 : i32
    "tpu.region"() ({
      %run_scoped3A = tpu.sem_alloc : memref<!tpu.dma_semaphore, #tpu.memory_space<semaphore_mem>>
      %dma_start3A = arith.constant 0 : i32
      %dma_start3A_44 = tpu.memref_slice %arg3[%mul3A_2, %dma_start3A] : memref<1024x112xf32, #tpu.memory_space<hbm>> -> memref<32x112xf32, #tpu.memory_space<hbm>>
      %dma_start3A_45 = arith.constant 0 : i32
      %dma_start3A_46 = tpu.memref_slice %arg3[%mul3A_2, %dma_start3A_45] : memref<1024x112xf32, #tpu.memory_space<hbm>> -> memref<32x112xf32, #tpu.memory_space<hbm>>
      tpu.enqueue_dma source(%arg6 : memref<32x112xf32, #tpu.memory_space<vmem>>) target(%dma_start3A_46 : memref<32x112xf32, #tpu.memory_space<hbm>>) target_semaphore(%run_scoped3A : memref<!tpu.dma_semaphore, #tpu.memory_space<semaphore_mem>>)
      %dma_wait3A = arith.constant 0 : i32
      %dma_wait3A_47 = tpu.memref_slice %arg3[%mul3A_2, %dma_wait3A] : memref<1024x112xf32, #tpu.memory_space<hbm>> -> memref<32x112xf32, #tpu.memory_space<hbm>>
      %dma_wait3A_48 = arith.constant 0 : i32
      %dma_wait3A_49 = tpu.memref_slice %arg3[%mul3A_2, %dma_wait3A_48] : memref<1024x112xf32, #tpu.memory_space<hbm>> -> memref<32x112xf32, #tpu.memory_space<hbm>>
      tpu.wait_dma2 semaphore(%run_scoped3A : memref<!tpu.dma_semaphore, #tpu.memory_space<semaphore_mem>>) src(%arg6 : memref<32x112xf32, #tpu.memory_space<vmem>>) dst(%dma_wait3A_49 : memref<32x112xf32, #tpu.memory_space<hbm>>)
      tpu.yield
    }) : () -> ()
    "tpu.region"() ({
      %run_scoped3A = tpu.sem_alloc : memref<!tpu.dma_semaphore, #tpu.memory_space<semaphore_mem>>
      %dma_start3A = arith.constant 0 : i32
      %dma_start3A_44 = tpu.memref_slice %arg4[%mul3A_2, %dma_start3A] : memref<1024x112xf32, #tpu.memory_space<hbm>> -> memref<32x112xf32, #tpu.memory_space<hbm>>
      %dma_start3A_45 = arith.constant 0 : i32
      %dma_start3A_46 = tpu.memref_slice %arg4[%mul3A_2, %dma_start3A_45] : memref<1024x112xf32, #tpu.memory_space<hbm>> -> memref<32x112xf32, #tpu.memory_space<hbm>>
      tpu.enqueue_dma source(%arg7 : memref<32x112xf32, #tpu.memory_space<vmem>>) target(%dma_start3A_46 : memref<32x112xf32, #tpu.memory_space<hbm>>) target_semaphore(%run_scoped3A : memref<!tpu.dma_semaphore, #tpu.memory_space<semaphore_mem>>)
      %dma_wait3A = arith.constant 0 : i32
      %dma_wait3A_47 = tpu.memref_slice %arg4[%mul3A_2, %dma_wait3A] : memref<1024x112xf32, #tpu.memory_space<hbm>> -> memref<32x112xf32, #tpu.memory_space<hbm>>
      %dma_wait3A_48 = arith.constant 0 : i32
      %dma_wait3A_49 = tpu.memref_slice %arg4[%mul3A_2, %dma_wait3A_48] : memref<1024x112xf32, #tpu.memory_space<hbm>> -> memref<32x112xf32, #tpu.memory_space<hbm>>
      tpu.wait_dma2 semaphore(%run_scoped3A : memref<!tpu.dma_semaphore, #tpu.memory_space<semaphore_mem>>) src(%arg7 : memref<32x112xf32, #tpu.memory_space<vmem>>) dst(%dma_wait3A_49 : memref<32x112xf32, #tpu.memory_space<hbm>>)
      tpu.yield
    }) : () -> ()
    return
  }
}

module attributes {stable_mosaic.version = 14 : i64} {
  func.func @_fused_kernel(%arg0: i32, %arg1: i32, %arg2: memref<1x100x100xf32, #tpu.memory_space<vmem>>, %arg3: memref<1x100x112xf32, #tpu.memory_space<vmem>>, %arg4: memref<1x100x112xf32, #tpu.memory_space<vmem>>, %arg5: memref<1x100x2xf32, #tpu.memory_space<vmem>>, %arg6: memref<1x100x3xf32, #tpu.memory_space<vmem>>, %arg7: memref<128x2xf32, #tpu.memory_space<vmem>>, %arg8: memref<64x2xf32, #tpu.memory_space<vmem>>, %arg9: memref<64x3xf32, #tpu.memory_space<vmem>>, %arg10: memref<128x128xf32, #tpu.memory_space<vmem>>, %arg11: memref<128x128xf32, #tpu.memory_space<vmem>>, %arg12: memref<128x128xf32, #tpu.memory_space<vmem>>, %arg13: memref<128x128xf32, #tpu.memory_space<vmem>>, %arg14: memref<128x128xf32, #tpu.memory_space<vmem>>, %arg15: memref<128x128xf32, #tpu.memory_space<vmem>>, %arg16: memref<128x256xf32, #tpu.memory_space<vmem>>, %arg17: memref<128x128xf32, #tpu.memory_space<vmem>>, %arg18: memref<128x128xf32, #tpu.memory_space<vmem>>, %arg19: memref<128x128xf32, #tpu.memory_space<vmem>>, %arg20: memref<128x128xf32, #tpu.memory_space<vmem>>, %arg21: memref<128x128xf32, #tpu.memory_space<vmem>>, %arg22: memref<128x128xf32, #tpu.memory_space<vmem>>, %arg23: memref<128x128xf32, #tpu.memory_space<vmem>>, %arg24: memref<128x256xf32, #tpu.memory_space<vmem>>, %arg25: memref<128x128xf32, #tpu.memory_space<vmem>>, %arg26: memref<128x128xf32, #tpu.memory_space<vmem>>, %arg27: memref<128x128xf32, #tpu.memory_space<vmem>>, %arg28: memref<128x128xf32, #tpu.memory_space<vmem>>, %arg29: memref<128x128xf32, #tpu.memory_space<vmem>>, %arg30: memref<128x128xf32, #tpu.memory_space<vmem>>, %arg31: memref<128x256xf32, #tpu.memory_space<vmem>>, %arg32: memref<128x128xf32, #tpu.memory_space<vmem>>, %arg33: memref<128x128xf32, #tpu.memory_space<vmem>>, %arg34: memref<128x128xf32, #tpu.memory_space<vmem>>, %arg35: memref<128x256xf32, #tpu.memory_space<vmem>>, %arg36: memref<27x1x128xf32, #tpu.memory_space<vmem>>, %arg37: memref<18x1x128xf32, #tpu.memory_space<vmem>>, %arg38: memref<1x100x128xf32, #tpu.memory_space<vmem>>, %arg39: memref<1x20x100x128xf32, #tpu.memory_space<vmem>>, %arg40: memref<100x100xf32, #tpu.memory_space<vmem>>, %arg41: memref<100x128xf32, #tpu.memory_space<vmem>>, %arg42: memref<100x128xf32, #tpu.memory_space<vmem>>, %arg43: memref<100x128xf32, #tpu.memory_space<vmem>>, %arg44: memref<100x128xf32, #tpu.memory_space<vmem>>) attributes {dimension_semantics = [#tpu.dimension_semantics<arbitrary>, #tpu.dimension_semantics<arbitrary>], iteration_bounds = array<i64: 8, 5>, scalar_prefetch = 0 : i64, scratch_operands = 5 : i64, tpu.core_type = #tpu.core_type<tc>, window_params = [{transform_indices = @transform_0, window_bounds = array<i64: 1, 100, 100>}, {transform_indices = @transform_1, window_bounds = array<i64: 1, 100, 112>}, {transform_indices = @transform_2, window_bounds = array<i64: 1, 100, 112>}, {transform_indices = @transform_3, window_bounds = array<i64: 1, 100, 2>}, {transform_indices = @transform_4, window_bounds = array<i64: 1, 100, 3>}, {pipeline_mode = #tpu.pipeline_mode<synchronous>, transform_indices = @transform_5, window_bounds = array<i64: 128, 2>}, {pipeline_mode = #tpu.pipeline_mode<synchronous>, transform_indices = @transform_6, window_bounds = array<i64: 64, 2>}, {pipeline_mode = #tpu.pipeline_mode<synchronous>, transform_indices = @transform_7, window_bounds = array<i64: 64, 3>}, {pipeline_mode = #tpu.pipeline_mode<synchronous>, transform_indices = @transform_8, window_bounds = array<i64: 128, 128>}, {pipeline_mode = #tpu.pipeline_mode<synchronous>, transform_indices = @transform_9, window_bounds = array<i64: 128, 128>}, {pipeline_mode = #tpu.pipeline_mode<synchronous>, transform_indices = @transform_10, window_bounds = array<i64: 128, 128>}, {pipeline_mode = #tpu.pipeline_mode<synchronous>, transform_indices = @transform_11, window_bounds = array<i64: 128, 128>}, {pipeline_mode = #tpu.pipeline_mode<synchronous>, transform_indices = @transform_12, window_bounds = array<i64: 128, 128>}, {pipeline_mode = #tpu.pipeline_mode<synchronous>, transform_indices = @transform_13, window_bounds = array<i64: 128, 128>}, {pipeline_mode = #tpu.pipeline_mode<synchronous>, transform_indices = @transform_14, window_bounds = array<i64: 128, 256>}, {pipeline_mode = #tpu.pipeline_mode<synchronous>, transform_indices = @transform_15, window_bounds = array<i64: 128, 128>}, {pipeline_mode = #tpu.pipeline_mode<synchronous>, transform_indices = @transform_16, window_bounds = array<i64: 128, 128>}, {pipeline_mode = #tpu.pipeline_mode<synchronous>, transform_indices = @transform_17, window_bounds = array<i64: 128, 128>}, {pipeline_mode = #tpu.pipeline_mode<synchronous>, transform_indices = @transform_18, window_bounds = array<i64: 128, 128>}, {pipeline_mode = #tpu.pipeline_mode<synchronous>, transform_indices = @transform_19, window_bounds = array<i64: 128, 128>}, {pipeline_mode = #tpu.pipeline_mode<synchronous>, transform_indices = @transform_20, window_bounds = array<i64: 128, 128>}, {pipeline_mode = #tpu.pipeline_mode<synchronous>, transform_indices = @transform_21, window_bounds = array<i64: 128, 128>}, {pipeline_mode = #tpu.pipeline_mode<synchronous>, transform_indices = @transform_22, window_bounds = array<i64: 128, 256>}, {pipeline_mode = #tpu.pipeline_mode<synchronous>, transform_indices = @transform_23, window_bounds = array<i64: 128, 128>}, {pipeline_mode = #tpu.pipeline_mode<synchronous>, transform_indices = @transform_24, window_bounds = array<i64: 128, 128>}, {pipeline_mode = #tpu.pipeline_mode<synchronous>, transform_indices = @transform_25, window_bounds = array<i64: 128, 128>}, {pipeline_mode = #tpu.pipeline_mode<synchronous>, transform_indices = @transform_26, window_bounds = array<i64: 128, 128>}, {pipeline_mode = #tpu.pipeline_mode<synchronous>, transform_indices = @transform_27, window_bounds = array<i64: 128, 128>}, {pipeline_mode = #tpu.pipeline_mode<synchronous>, transform_indices = @transform_28, window_bounds = array<i64: 128, 128>}, {pipeline_mode = #tpu.pipeline_mode<synchronous>, transform_indices = @transform_29, window_bounds = array<i64: 128, 256>}, {pipeline_mode = #tpu.pipeline_mode<synchronous>, transform_indices = @transform_30, window_bounds = array<i64: 128, 128>}, {pipeline_mode = #tpu.pipeline_mode<synchronous>, transform_indices = @transform_31, window_bounds = array<i64: 128, 128>}, {pipeline_mode = #tpu.pipeline_mode<synchronous>, transform_indices = @transform_32, window_bounds = array<i64: 128, 128>}, {pipeline_mode = #tpu.pipeline_mode<synchronous>, transform_indices = @transform_33, window_bounds = array<i64: 128, 256>}, {pipeline_mode = #tpu.pipeline_mode<synchronous>, transform_indices = @transform_34, window_bounds = array<i64: 27, 1, 128>}, {pipeline_mode = #tpu.pipeline_mode<synchronous>, transform_indices = @transform_35, window_bounds = array<i64: 18, 1, 128>}, {transform_indices = @transform_36, window_bounds = array<i64: 1, 100, 128>}, {transform_indices = @transform_37, window_bounds = array<i64: 1, 20, 100, 128>}]} {
    %eq3A = arith.constant 0 : i32
    %eq3A_0 = arith.cmpi eq, %arg1, %eq3A : i32
    %convert_element_type3A = arith.extui %eq3A_0 : i1 to i32
    %cond3A = arith.constant 0 : i32
    %cond3A_1 = arith.cmpi ne, %convert_element_type3A, %cond3A : i32
    scf.if %cond3A_1 {
      %get3A_317 = arith.constant 0 : index
      %get3A_318 = arith.constant 0 : index
      %get3A_319 = arith.constant 0 : index
      %get3A_320 = vector.load %arg3[%get3A_317, %get3A_318, %get3A_319] : memref<1x100x112xf32, #tpu.memory_space<vmem>>, vector<1x100x112xf32>
      %get3A_321 = vector.shape_cast %get3A_320 : vector<1x100x112xf32> to vector<100x112xf32>
      %slice3A = vector.extract_strided_slice %get3A_321 {offsets = [0, 0], sizes = [100, 100], strides = [1, 1]} : vector<100x112xf32> to vector<100x100xf32>
      %swap3A_322 = arith.constant 0 : index
      %swap3A_323 = arith.constant 0 : index
      %swap3A_324 = vector.load %arg40[%swap3A_322, %swap3A_323] : memref<100x100xf32, #tpu.memory_space<vmem>>, vector<100x100xf32>
      tpu.vector_store %arg40[%swap3A_322, %swap3A_323], %slice3A {strides = array<i32>} : memref<100x100xf32, #tpu.memory_space<vmem>>, vector<100x100xf32>,
      %get3A_325 = arith.constant 0 : index
      %get3A_326 = arith.constant 0 : index
      %get3A_327 = arith.constant 0 : index
      %get3A_328 = vector.load %arg4[%get3A_325, %get3A_326, %get3A_327] : memref<1x100x112xf32, #tpu.memory_space<vmem>>, vector<1x100x112xf32>
      %get3A_329 = vector.shape_cast %get3A_328 : vector<1x100x112xf32> to vector<100x112xf32>
      %slice3A_330 = vector.extract_strided_slice %get3A_329 {offsets = [0, 0], sizes = [100, 100], strides = [1, 1]} : vector<100x112xf32> to vector<100x100xf32>
      %get3A_331 = arith.constant 0 : index
      %get3A_332 = arith.constant 0 : index
      %get3A_333 = arith.constant 0 : index
      %get3A_334 = vector.load %arg5[%get3A_331, %get3A_332, %get3A_333] : memref<1x100x2xf32, #tpu.memory_space<vmem>>, vector<1x100x2xf32>
      %get3A_335 = vector.shape_cast %get3A_334 : vector<1x100x2xf32> to vector<100x2xf32>
      %get3A_336 = arith.constant 0 : index
      %get3A_337 = arith.constant 0 : index
      %get3A_338 = arith.constant 0 : index
      %get3A_339 = vector.load %arg6[%get3A_336, %get3A_337, %get3A_338] : memref<1x100x3xf32, #tpu.memory_space<vmem>>, vector<1x100x3xf32>
      %get3A_340 = vector.shape_cast %get3A_339 : vector<1x100x3xf32> to vector<100x3xf32>
      %get3A_341 = arith.constant 0 : index
      %get3A_342 = arith.constant 0 : index
      %get3A_343 = vector.load %arg7[%get3A_341, %get3A_342] : memref<128x2xf32, #tpu.memory_space<vmem>>, vector<128x2xf32>
      %dot_general3A_344 = arith.constant dense<0.000000e+00> : vector<100x128xf32>
      %dot_general3A_345 = tpu.matmul %get3A_335, %get3A_343, %dot_general3A_344 {dimension_numbers = #tpu.dot_dimension_numbers<[1], [1], [0], [0], [0, 0, 1, 0], [], []>, transpose_lhs_hint = false} : vector<100x2xf32>, vector<128x2xf32>, vector<100x128xf32> -> vector<100x128xf32>
      %get3A_346 = arith.constant 0 : index
      %get3A_347 = arith.constant 0 : index
      %get3A_348 = arith.constant 0 : index
      %get3A_349 = vector.load %arg36[%get3A_346, %get3A_347, %get3A_348] : memref<27x1x128xf32, #tpu.memory_space<vmem>>, vector<1x1x128xf32>
      %get3A_350 = vector.shape_cast %get3A_349 : vector<1x1x128xf32> to vector<1x128xf32>
      %add3A_351 = vector.broadcast %get3A_350 : vector<1x128xf32> to vector<100x128xf32>
      %add3A_352 = arith.addf %dot_general3A_345, %add3A_351 : vector<100x128xf32>
      %max3A_353 = arith.constant 0.000000e+00 : f32
      %max3A_354 = vector.broadcast %max3A_353 : f32 to vector<100x128xf32>
      %max3A_355 = arith.maximumf %add3A_352, %max3A_354 : vector<100x128xf32>
      %get3A_356 = arith.constant 0 : index
      %get3A_357 = arith.constant 0 : index
      %get3A_358 = vector.load %arg8[%get3A_356, %get3A_357] : memref<64x2xf32, #tpu.memory_space<vmem>>, vector<64x2xf32>
      %dot_general3A_359 = arith.constant dense<0.000000e+00> : vector<100x64xf32>
      %dot_general3A_360 = tpu.matmul %get3A_335, %get3A_358, %dot_general3A_359 {dimension_numbers = #tpu.dot_dimension_numbers<[1], [1], [0], [0], [0, 0, 1, 0], [], []>, transpose_lhs_hint = false} : vector<100x2xf32>, vector<64x2xf32>, vector<100x64xf32> -> vector<100x64xf32>
      %get3A_361 = arith.constant 0 : index
      %get3A_362 = arith.constant 0 : index
      %get3A_363 = vector.load %arg9[%get3A_361, %get3A_362] : memref<64x3xf32, #tpu.memory_space<vmem>>, vector<64x3xf32>
      %dot_general3A_364 = arith.constant dense<0.000000e+00> : vector<100x64xf32>
      %dot_general3A_365 = tpu.matmul %get3A_340, %get3A_363, %dot_general3A_364 {dimension_numbers = #tpu.dot_dimension_numbers<[1], [1], [0], [0], [0, 0, 1, 0], [], []>, transpose_lhs_hint = false} : vector<100x3xf32>, vector<64x3xf32>, vector<100x64xf32> -> vector<100x64xf32>
      %concatenate3A = tpu.concatenate %dot_general3A_360, %dot_general3A_365 in 1 : vector<100x64xf32>, vector<100x64xf32> -> vector<100x128xf32>
      %get3A_366 = arith.constant 1 : index
      %get3A_367 = arith.constant 0 : index
      %get3A_368 = arith.constant 0 : index
      %get3A_369 = vector.load %arg36[%get3A_366, %get3A_367, %get3A_368] : memref<27x1x128xf32, #tpu.memory_space<vmem>>, vector<1x1x128xf32>
      %get3A_370 = vector.shape_cast %get3A_369 : vector<1x1x128xf32> to vector<1x128xf32>
      %add3A_371 = vector.broadcast %get3A_370 : vector<1x128xf32> to vector<100x128xf32>
      %add3A_372 = arith.addf %concatenate3A, %add3A_371 : vector<100x128xf32>
      %max3A_373 = arith.constant 0.000000e+00 : f32
      %max3A_374 = vector.broadcast %max3A_373 : f32 to vector<100x128xf32>
      %max3A_375 = arith.maximumf %add3A_372, %max3A_374 : vector<100x128xf32>
      %iota3A = tpu.iota {dimensions = array<i32: 0>} : vector<100x128xi32>
      %eq3A_376 = arith.constant 0 : i32
      %eq3A_377 = vector.broadcast %eq3A_376 : i32 to vector<100x128xi32>
      %eq3A_378 = arith.cmpi eq, %iota3A, %eq3A_377 : vector<100x128xi32>
      %select_n3A = arith.select %eq3A_378, %max3A_355, %max3A_375 : vector<100x128xi1>, vector<100x128xf32>
      %get3A_379 = arith.constant 0 : index
      %get3A_380 = arith.constant 0 : index
      %get3A_381 = vector.load %arg10[%get3A_379, %get3A_380] : memref<128x128xf32, #tpu.memory_space<vmem>>, vector<128x128xf32>
      %dot_general3A_382 = arith.constant dense<0.000000e+00> : vector<100x128xf32>
      %dot_general3A_383 = tpu.matmul %select_n3A, %get3A_381, %dot_general3A_382 {dimension_numbers = #tpu.dot_dimension_numbers<[1], [1], [0], [0], [0, 0, 1, 0], [], []>, transpose_lhs_hint = false} : vector<100x128xf32>, vector<128x128xf32>, vector<100x128xf32> -> vector<100x128xf32>
      %get3A_384 = arith.constant 2 : index
      %get3A_385 = arith.constant 0 : index
      %get3A_386 = arith.constant 0 : index
      %get3A_387 = vector.load %arg36[%get3A_384, %get3A_385, %get3A_386] : memref<27x1x128xf32, #tpu.memory_space<vmem>>, vector<1x1x128xf32>
      %get3A_388 = vector.shape_cast %get3A_387 : vector<1x1x128xf32> to vector<1x128xf32>
      %add3A_389 = vector.broadcast %get3A_388 : vector<1x128xf32> to vector<100x128xf32>
      %add3A_390 = arith.addf %dot_general3A_383, %add3A_389 : vector<100x128xf32>
      %get3A_391 = arith.constant 0 : index
      %get3A_392 = arith.constant 0 : index
      %get3A_393 = vector.load %arg11[%get3A_391, %get3A_392] : memref<128x128xf32, #tpu.memory_space<vmem>>, vector<128x128xf32>
      %dot_general3A_394 = arith.constant dense<0.000000e+00> : vector<100x128xf32>
      %dot_general3A_395 = tpu.matmul %add3A_390, %get3A_393, %dot_general3A_394 {dimension_numbers = #tpu.dot_dimension_numbers<[1], [1], [0], [0], [0, 0, 1, 0], [], []>, transpose_lhs_hint = false} : vector<100x128xf32>, vector<128x128xf32>, vector<100x128xf32> -> vector<100x128xf32>
      %get3A_396 = arith.constant 3 : index
      %get3A_397 = arith.constant 0 : index
      %get3A_398 = arith.constant 0 : index
      %get3A_399 = vector.load %arg36[%get3A_396, %get3A_397, %get3A_398] : memref<27x1x128xf32, #tpu.memory_space<vmem>>, vector<1x1x128xf32>
      %get3A_400 = vector.shape_cast %get3A_399 : vector<1x1x128xf32> to vector<1x128xf32>
      %add3A_401 = vector.broadcast %get3A_400 : vector<1x128xf32> to vector<100x128xf32>
      %add3A_402 = arith.addf %dot_general3A_395, %add3A_401 : vector<100x128xf32>
      %get3A_403 = arith.constant 0 : index
      %get3A_404 = arith.constant 0 : index
      %get3A_405 = vector.load %arg12[%get3A_403, %get3A_404] : memref<128x128xf32, #tpu.memory_space<vmem>>, vector<128x128xf32>
      %dot_general3A_406 = arith.constant dense<0.000000e+00> : vector<100x128xf32>
      %dot_general3A_407 = tpu.matmul %add3A_390, %get3A_405, %dot_general3A_406 {dimension_numbers = #tpu.dot_dimension_numbers<[1], [1], [0], [0], [0, 0, 1, 0], [], []>, transpose_lhs_hint = false} : vector<100x128xf32>, vector<128x128xf32>, vector<100x128xf32> -> vector<100x128xf32>
      %get3A_408 = arith.constant 4 : index
      %get3A_409 = arith.constant 0 : index
      %get3A_410 = arith.constant 0 : index
      %get3A_411 = vector.load %arg36[%get3A_408, %get3A_409, %get3A_410] : memref<27x1x128xf32, #tpu.memory_space<vmem>>, vector<1x1x128xf32>
      %get3A_412 = vector.shape_cast %get3A_411 : vector<1x1x128xf32> to vector<1x128xf32>
      %add3A_413 = vector.broadcast %get3A_412 : vector<1x128xf32> to vector<100x128xf32>
      %add3A_414 = arith.addf %dot_general3A_407, %add3A_413 : vector<100x128xf32>
      %dot_general3A_415 = arith.constant dense<0.000000e+00> : vector<100x100xf32>
      %dot_general3A_416 = tpu.matmul %add3A_402, %add3A_414, %dot_general3A_415 {dimension_numbers = #tpu.dot_dimension_numbers<[1], [1], [0], [0], [0, 0, 1, 0], [], []>, transpose_lhs_hint = false} : vector<100x128xf32>, vector<100x128xf32>, vector<100x100xf32> -> vector<100x100xf32>
      %mul3A_417 = arith.constant 0.0883883461 : f32
      %mul3A_418 = vector.broadcast %mul3A_417 : f32 to vector<100x100xf32>
      %mul3A_419 = arith.mulf %dot_general3A_416, %mul3A_418 : vector<100x100xf32>
      %gt3A = arith.constant 5.000000e-01 : f32
      %gt3A_420 = vector.broadcast %gt3A : f32 to vector<100x100xf32>
      %gt3A_421 = arith.cmpf ogt, %slice3A_330, %gt3A_420 : vector<100x100xf32>
      %jit3A = arith.constant -1.000000e+30 : f32
      %broadcast_in_dim3A_422 = vector.broadcast %jit3A : f32 to vector<100x100xf32>
      %select_n3A_423 = arith.select %gt3A_421, %mul3A_419, %broadcast_in_dim3A_422 : vector<100x100xi1>, vector<100x100xf32>
      %reduce_max3A = arith.constant dense<0xFF800000> : vector<100xf32>
      %reduce_max3A_424 = vector.multi_reduction <maximumf>, %select_n3A_423, %reduce_max3A [1] : vector<100x100xf32> to vector<100xf32>
      %broadcast_in_dim3A_425 = vector.shape_cast %reduce_max3A_424 : vector<100xf32> to vector<100x1xf32>
      %sub3A_426 = vector.broadcast %broadcast_in_dim3A_425 : vector<100x1xf32> to vector<100x100xf32>
      %sub3A_427 = arith.subf %select_n3A_423, %sub3A_426 : vector<100x100xf32>
      %exp3A = math.exp %sub3A_427 : vector<100x100xf32>
      %reduce_sum3A = arith.constant dense<0.000000e+00> : vector<100xf32>
      %reduce_sum3A_428 = vector.multi_reduction <add>, %exp3A, %reduce_sum3A [1] : vector<100x100xf32> to vector<100xf32>
      %broadcast_in_dim3A_429 = vector.shape_cast %reduce_sum3A_428 : vector<100xf32> to vector<100x1xf32>
      %div3A = vector.broadcast %broadcast_in_dim3A_429 : vector<100x1xf32> to vector<100x100xf32>
      %div3A_430 = arith.divf %exp3A, %div3A : vector<100x100xf32>
      %get3A_431 = arith.constant 0 : index
      %get3A_432 = arith.constant 0 : index
      %get3A_433 = vector.load %arg13[%get3A_431, %get3A_432] : memref<128x128xf32, #tpu.memory_space<vmem>>, vector<128x128xf32>
      %get3A_434 = arith.constant 0 : index
      %get3A_435 = arith.constant 0 : index
      %get3A_436 = vector.load %arg14[%get3A_434, %get3A_435] : memref<128x128xf32, #tpu.memory_space<vmem>>, vector<128x128xf32>
      %dot_general3A_437 = arith.constant dense<0.000000e+00> : vector<128x128xf32>
      %dot_general3A_438 = tpu.matmul %get3A_433, %get3A_436, %dot_general3A_437 {dimension_numbers = #tpu.dot_dimension_numbers<[1], [0], [0], [1], [0, 0, 1, 1], [], []>, transpose_lhs_hint = false} : vector<128x128xf32>, vector<128x128xf32>, vector<128x128xf32> -> vector<128x128xf32>
      %dot_general3A_439 = arith.constant dense<0.000000e+00> : vector<100x128xf32>
      %dot_general3A_440 = tpu.matmul %add3A_390, %dot_general3A_438, %dot_general3A_439 {dimension_numbers = #tpu.dot_dimension_numbers<[1], [1], [0], [0], [0, 0, 1, 0], [], []>, transpose_lhs_hint = false} : vector<100x128xf32>, vector<128x128xf32>, vector<100x128xf32> -> vector<100x128xf32>
      %get3A_441 = arith.constant 5 : index
      %get3A_442 = arith.constant 0 : index
      %get3A_443 = arith.constant 0 : index
      %get3A_444 = vector.load %arg36[%get3A_441, %get3A_442, %get3A_443] : memref<27x1x128xf32, #tpu.memory_space<vmem>>, vector<1x1x128xf32>
      %get3A_445 = vector.shape_cast %get3A_444 : vector<1x1x128xf32> to vector<1x128xf32>
      %get3A_446 = arith.constant 0 : index
      %get3A_447 = arith.constant 0 : index
      %get3A_448 = vector.load %arg13[%get3A_446, %get3A_447] : memref<128x128xf32, #tpu.memory_space<vmem>>, vector<128x128xf32>
      %dot_general3A_449 = arith.constant dense<0.000000e+00> : vector<1x128xf32>
      %dot_general3A_450 = tpu.matmul %get3A_445, %get3A_448, %dot_general3A_449 {dimension_numbers = #tpu.dot_dimension_numbers<[1], [1], [0], [0], [0, 0, 1, 0], [], []>, transpose_lhs_hint = false} : vector<1x128xf32>, vector<128x128xf32>, vector<1x128xf32> -> vector<1x128xf32>
      %get3A_451 = arith.constant 6 : index
      %get3A_452 = arith.constant 0 : index
      %get3A_453 = arith.constant 0 : index
      %get3A_454 = vector.load %arg36[%get3A_451, %get3A_452, %get3A_453] : memref<27x1x128xf32, #tpu.memory_space<vmem>>, vector<1x1x128xf32>
      %get3A_455 = vector.shape_cast %get3A_454 : vector<1x1x128xf32> to vector<1x128xf32>
      %add3A_456 = arith.addf %dot_general3A_450, %get3A_455 : vector<1x128xf32>
      %dot_general3A_457 = arith.constant dense<0.000000e+00> : vector<100x128xf32>
      %dot_general3A_458 = tpu.matmul %div3A_430, %dot_general3A_440, %dot_general3A_457 {dimension_numbers = #tpu.dot_dimension_numbers<[1], [0], [0], [1], [0, 0, 1, 1], [], []>, transpose_lhs_hint = false} : vector<100x100xf32>, vector<100x128xf32>, vector<100x128xf32> -> vector<100x128xf32>
      %add3A_459 = vector.broadcast %add3A_456 : vector<1x128xf32> to vector<100x128xf32>
      %add3A_460 = arith.addf %dot_general3A_458, %add3A_459 : vector<100x128xf32>
      %max3A_461 = arith.constant 0.000000e+00 : f32
      %max3A_462 = vector.broadcast %max3A_461 : f32 to vector<100x128xf32>
      %max3A_463 = arith.maximumf %add3A_460, %max3A_462 : vector<100x128xf32>
      %add3A_464 = arith.addf %add3A_390, %max3A_463 : vector<100x128xf32>
      %get3A_465 = arith.constant 7 : index
      %get3A_466 = arith.constant 0 : index
      %get3A_467 = arith.constant 0 : index
      %get3A_468 = vector.load %arg36[%get3A_465, %get3A_466, %get3A_467] : memref<27x1x128xf32, #tpu.memory_space<vmem>>, vector<1x1x128xf32>
      %get3A_469 = vector.shape_cast %get3A_468 : vector<1x1x128xf32> to vector<1x128xf32>
      %get3A_470 = arith.constant 8 : index
      %get3A_471 = arith.constant 0 : index
      %get3A_472 = arith.constant 0 : index
      %get3A_473 = vector.load %arg36[%get3A_470, %get3A_471, %get3A_472] : memref<27x1x128xf32, #tpu.memory_space<vmem>>, vector<1x1x128xf32>
      %get3A_474 = vector.shape_cast %get3A_473 : vector<1x1x128xf32> to vector<1x128xf32>
      %reduce_sum3A_475 = arith.constant dense<0.000000e+00> : vector<100xf32>
      %reduce_sum3A_476 = vector.multi_reduction <add>, %add3A_464, %reduce_sum3A_475 [1] : vector<100x128xf32> to vector<100xf32>
      %broadcast_in_dim3A_477 = vector.shape_cast %reduce_sum3A_476 : vector<100xf32> to vector<100x1xf32>
      %div3A_478 = arith.constant 1.280000e+02 : f32
      %div3A_479 = vector.broadcast %div3A_478 : f32 to vector<100x1xf32>
      %div3A_480 = arith.divf %broadcast_in_dim3A_477, %div3A_479 : vector<100x1xf32>
      %sub3A_481 = vector.broadcast %div3A_480 : vector<100x1xf32> to vector<100x128xf32>
      %sub3A_482 = arith.subf %add3A_464, %sub3A_481 : vector<100x128xf32>
      %mul3A_483 = arith.mulf %sub3A_482, %sub3A_482 : vector<100x128xf32>
      %reduce_sum3A_484 = arith.constant dense<0.000000e+00> : vector<100xf32>
      %reduce_sum3A_485 = vector.multi_reduction <add>, %mul3A_483, %reduce_sum3A_484 [1] : vector<100x128xf32> to vector<100xf32>
      %broadcast_in_dim3A_486 = vector.shape_cast %reduce_sum3A_485 : vector<100xf32> to vector<100x1xf32>
      %div3A_487 = arith.constant 1.280000e+02 : f32
      %div3A_488 = vector.broadcast %div3A_487 : f32 to vector<100x1xf32>
      %div3A_489 = arith.divf %broadcast_in_dim3A_486, %div3A_488 : vector<100x1xf32>
      %add3A_490 = arith.constant 9.99999974E-6 : f32
      %add3A_491 = vector.broadcast %add3A_490 : f32 to vector<100x1xf32>
      %add3A_492 = arith.addf %div3A_489, %add3A_491 : vector<100x1xf32>
      %sqrt3A = math.sqrt %add3A_492 : vector<100x1xf32>
      %div3A_493 = vector.broadcast %sqrt3A : vector<100x1xf32> to vector<100x128xf32>
      %div3A_494 = arith.divf %sub3A_482, %div3A_493 : vector<100x128xf32>
      %mul3A_495 = vector.broadcast %get3A_469 : vector<1x128xf32> to vector<100x128xf32>
      %mul3A_496 = arith.mulf %div3A_494, %mul3A_495 : vector<100x128xf32>
      %add3A_497 = vector.broadcast %get3A_474 : vector<1x128xf32> to vector<100x128xf32>
      %add3A_498 = arith.addf %mul3A_496, %add3A_497 : vector<100x128xf32>
      %get3A_499 = arith.constant 0 : index
      %get3A_500 = arith.constant 0 : index
      %get3A_501 = vector.load %arg16[%get3A_499, %get3A_500] : memref<128x256xf32, #tpu.memory_space<vmem>>, vector<128x128xf32>
      %get3A_502 = arith.constant 0 : index
      %get3A_503 = arith.constant 0 : index
      %get3A_504 = vector.load %arg15[%get3A_502, %get3A_503] : memref<128x128xf32, #tpu.memory_space<vmem>>, vector<128x128xf32>
      %dot_general3A_505 = arith.constant dense<0.000000e+00> : vector<128x128xf32>
      %dot_general3A_506 = tpu.matmul %get3A_501, %get3A_504, %dot_general3A_505 {dimension_numbers = #tpu.dot_dimension_numbers<[1], [0], [0], [1], [0, 0, 1, 1], [], []>, transpose_lhs_hint = false} : vector<128x128xf32>, vector<128x128xf32>, vector<128x128xf32> -> vector<128x128xf32>
      %get3A_507 = arith.constant 9 : index
      %get3A_508 = arith.constant 0 : index
      %get3A_509 = arith.constant 0 : index
      %get3A_510 = vector.load %arg36[%get3A_507, %get3A_508, %get3A_509] : memref<27x1x128xf32, #tpu.memory_space<vmem>>, vector<1x1x128xf32>
      %get3A_511 = vector.shape_cast %get3A_510 : vector<1x1x128xf32> to vector<1x128xf32>
      %get3A_512 = arith.constant 0 : index
      %get3A_513 = arith.constant 0 : index
      %get3A_514 = vector.load %arg16[%get3A_512, %get3A_513] : memref<128x256xf32, #tpu.memory_space<vmem>>, vector<128x128xf32>
      %dot_general3A_515 = arith.constant dense<0.000000e+00> : vector<1x128xf32>
      %dot_general3A_516 = tpu.matmul %get3A_511, %get3A_514, %dot_general3A_515 {dimension_numbers = #tpu.dot_dimension_numbers<[1], [1], [0], [0], [0, 0, 1, 0], [], []>, transpose_lhs_hint = false} : vector<1x128xf32>, vector<128x128xf32>, vector<1x128xf32> -> vector<1x128xf32>
      %get3A_517 = arith.constant 10 : index
      %get3A_518 = arith.constant 0 : index
      %get3A_519 = arith.constant 0 : index
      %get3A_520 = vector.load %arg36[%get3A_517, %get3A_518, %get3A_519] : memref<27x1x128xf32, #tpu.memory_space<vmem>>, vector<1x1x128xf32>
      %get3A_521 = vector.shape_cast %get3A_520 : vector<1x1x128xf32> to vector<1x128xf32>
      %add3A_522 = arith.addf %dot_general3A_516, %get3A_521 : vector<1x128xf32>
      %dot_general3A_523 = arith.constant dense<0.000000e+00> : vector<100x128xf32>
      %dot_general3A_524 = tpu.matmul %add3A_390, %dot_general3A_506, %dot_general3A_523 {dimension_numbers = #tpu.dot_dimension_numbers<[1], [1], [0], [0], [0, 0, 1, 0], [], []>, transpose_lhs_hint = false} : vector<100x128xf32>, vector<128x128xf32>, vector<100x128xf32> -> vector<100x128xf32>
      %get3A_525 = arith.constant 0 : index
      %get3A_526 = arith.constant 128 : index
      %get3A_527 = vector.load %arg16[%get3A_525, %get3A_526] : memref<128x256xf32, #tpu.memory_space<vmem>>, vector<128x128xf32>
      %dot_general3A_528 = arith.constant dense<0.000000e+00> : vector<100x128xf32>
      %dot_general3A_529 = tpu.matmul %add3A_498, %get3A_527, %dot_general3A_528 {dimension_numbers = #tpu.dot_dimension_numbers<[1], [1], [0], [0], [0, 0, 1, 0], [], []>, transpose_lhs_hint = false} : vector<100x128xf32>, vector<128x128xf32>, vector<100x128xf32> -> vector<100x128xf32>
      %add3A_530 = arith.addf %dot_general3A_524, %dot_general3A_529 : vector<100x128xf32>
      %add3A_531 = vector.broadcast %add3A_522 : vector<1x128xf32> to vector<100x128xf32>
      %add3A_532 = arith.addf %add3A_530, %add3A_531 : vector<100x128xf32>
      %max3A_533 = arith.constant 0.000000e+00 : f32
      %max3A_534 = vector.broadcast %max3A_533 : f32 to vector<100x128xf32>
      %max3A_535 = arith.maximumf %add3A_532, %max3A_534 : vector<100x128xf32>
      %add3A_536 = arith.addf %add3A_498, %max3A_535 : vector<100x128xf32>
      %get3A_537 = arith.constant 11 : index
      %get3A_538 = arith.constant 0 : index
      %get3A_539 = arith.constant 0 : index
      %get3A_540 = vector.load %arg36[%get3A_537, %get3A_538, %get3A_539] : memref<27x1x128xf32, #tpu.memory_space<vmem>>, vector<1x1x128xf32>
      %get3A_541 = vector.shape_cast %get3A_540 : vector<1x1x128xf32> to vector<1x128xf32>
      %get3A_542 = arith.constant 12 : index
      %get3A_543 = arith.constant 0 : index
      %get3A_544 = arith.constant 0 : index
      %get3A_545 = vector.load %arg36[%get3A_542, %get3A_543, %get3A_544] : memref<27x1x128xf32, #tpu.memory_space<vmem>>, vector<1x1x128xf32>
      %get3A_546 = vector.shape_cast %get3A_545 : vector<1x1x128xf32> to vector<1x128xf32>
      %reduce_sum3A_547 = arith.constant dense<0.000000e+00> : vector<100xf32>
      %reduce_sum3A_548 = vector.multi_reduction <add>, %add3A_536, %reduce_sum3A_547 [1] : vector<100x128xf32> to vector<100xf32>
      %broadcast_in_dim3A_549 = vector.shape_cast %reduce_sum3A_548 : vector<100xf32> to vector<100x1xf32>
      %div3A_550 = arith.constant 1.280000e+02 : f32
      %div3A_551 = vector.broadcast %div3A_550 : f32 to vector<100x1xf32>
      %div3A_552 = arith.divf %broadcast_in_dim3A_549, %div3A_551 : vector<100x1xf32>
      %sub3A_553 = vector.broadcast %div3A_552 : vector<100x1xf32> to vector<100x128xf32>
      %sub3A_554 = arith.subf %add3A_536, %sub3A_553 : vector<100x128xf32>
      %mul3A_555 = arith.mulf %sub3A_554, %sub3A_554 : vector<100x128xf32>
      %reduce_sum3A_556 = arith.constant dense<0.000000e+00> : vector<100xf32>
      %reduce_sum3A_557 = vector.multi_reduction <add>, %mul3A_555, %reduce_sum3A_556 [1] : vector<100x128xf32> to vector<100xf32>
      %broadcast_in_dim3A_558 = vector.shape_cast %reduce_sum3A_557 : vector<100xf32> to vector<100x1xf32>
      %div3A_559 = arith.constant 1.280000e+02 : f32
      %div3A_560 = vector.broadcast %div3A_559 : f32 to vector<100x1xf32>
      %div3A_561 = arith.divf %broadcast_in_dim3A_558, %div3A_560 : vector<100x1xf32>
      %add3A_562 = arith.constant 9.99999974E-6 : f32
      %add3A_563 = vector.broadcast %add3A_562 : f32 to vector<100x1xf32>
      %add3A_564 = arith.addf %div3A_561, %add3A_563 : vector<100x1xf32>
      %sqrt3A_565 = math.sqrt %add3A_564 : vector<100x1xf32>
      %div3A_566 = vector.broadcast %sqrt3A_565 : vector<100x1xf32> to vector<100x128xf32>
      %div3A_567 = arith.divf %sub3A_554, %div3A_566 : vector<100x128xf32>
      %mul3A_568 = vector.broadcast %get3A_541 : vector<1x128xf32> to vector<100x128xf32>
      %mul3A_569 = arith.mulf %div3A_567, %mul3A_568 : vector<100x128xf32>
      %add3A_570 = vector.broadcast %get3A_546 : vector<1x128xf32> to vector<100x128xf32>
      %add3A_571 = arith.addf %mul3A_569, %add3A_570 : vector<100x128xf32>
      %get3A_572 = arith.constant 0 : index
      %get3A_573 = arith.constant 0 : index
      %get3A_574 = vector.load %arg17[%get3A_572, %get3A_573] : memref<128x128xf32, #tpu.memory_space<vmem>>, vector<128x128xf32>
      %dot_general3A_575 = arith.constant dense<0.000000e+00> : vector<100x128xf32>
      %dot_general3A_576 = tpu.matmul %add3A_390, %get3A_574, %dot_general3A_575 {dimension_numbers = #tpu.dot_dimension_numbers<[1], [1], [0], [0], [0, 0, 1, 0], [], []>, transpose_lhs_hint = false} : vector<100x128xf32>, vector<128x128xf32>, vector<100x128xf32> -> vector<100x128xf32>
      %get3A_577 = arith.constant 13 : index
      %get3A_578 = arith.constant 0 : index
      %get3A_579 = arith.constant 0 : index
      %get3A_580 = vector.load %arg36[%get3A_577, %get3A_578, %get3A_579] : memref<27x1x128xf32, #tpu.memory_space<vmem>>, vector<1x1x128xf32>
      %get3A_581 = vector.shape_cast %get3A_580 : vector<1x1x128xf32> to vector<1x128xf32>
      %add3A_582 = vector.broadcast %get3A_581 : vector<1x128xf32> to vector<100x128xf32>
      %add3A_583 = arith.addf %dot_general3A_576, %add3A_582 : vector<100x128xf32>
      %swap3A_584 = arith.constant 0 : index
      %swap3A_585 = arith.constant 0 : index
      %swap3A_586 = vector.load %arg41[%swap3A_584, %swap3A_585] : memref<100x128xf32, #tpu.memory_space<vmem>>, vector<100x128xf32>
      tpu.vector_store %arg41[%swap3A_584, %swap3A_585], %add3A_583 {strides = array<i32>} : memref<100x128xf32, #tpu.memory_space<vmem>>, vector<100x128xf32>,
      %get3A_587 = arith.constant 0 : index
      %get3A_588 = arith.constant 0 : index
      %get3A_589 = vector.load %arg18[%get3A_587, %get3A_588] : memref<128x128xf32, #tpu.memory_space<vmem>>, vector<128x128xf32>
      %dot_general3A_590 = arith.constant dense<0.000000e+00> : vector<100x128xf32>
      %dot_general3A_591 = tpu.matmul %add3A_390, %get3A_589, %dot_general3A_590 {dimension_numbers = #tpu.dot_dimension_numbers<[1], [1], [0], [0], [0, 0, 1, 0], [], []>, transpose_lhs_hint = false} : vector<100x128xf32>, vector<128x128xf32>, vector<100x128xf32> -> vector<100x128xf32>
      %get3A_592 = arith.constant 14 : index
      %get3A_593 = arith.constant 0 : index
      %get3A_594 = arith.constant 0 : index
      %get3A_595 = vector.load %arg36[%get3A_592, %get3A_593, %get3A_594] : memref<27x1x128xf32, #tpu.memory_space<vmem>>, vector<1x1x128xf32>
      %get3A_596 = vector.shape_cast %get3A_595 : vector<1x1x128xf32> to vector<1x128xf32>
      %add3A_597 = vector.broadcast %get3A_596 : vector<1x128xf32> to vector<100x128xf32>
      %add3A_598 = arith.addf %dot_general3A_591, %add3A_597 : vector<100x128xf32>
      %swap3A_599 = arith.constant 0 : index
      %swap3A_600 = arith.constant 0 : index
      %swap3A_601 = vector.load %arg42[%swap3A_599, %swap3A_600] : memref<100x128xf32, #tpu.memory_space<vmem>>, vector<100x128xf32>
      tpu.vector_store %arg42[%swap3A_599, %swap3A_600], %add3A_598 {strides = array<i32>} : memref<100x128xf32, #tpu.memory_space<vmem>>, vector<100x128xf32>,
      %get3A_602 = arith.constant 0 : index
      %get3A_603 = arith.constant 0 : index
      %get3A_604 = vector.load %arg19[%get3A_602, %get3A_603] : memref<128x128xf32, #tpu.memory_space<vmem>>, vector<128x128xf32>
      %dot_general3A_605 = arith.constant dense<0.000000e+00> : vector<100x128xf32>
      %dot_general3A_606 = tpu.matmul %add3A_571, %get3A_604, %dot_general3A_605 {dimension_numbers = #tpu.dot_dimension_numbers<[1], [1], [0], [0], [0, 0, 1, 0], [], []>, transpose_lhs_hint = false} : vector<100x128xf32>, vector<128x128xf32>, vector<100x128xf32> -> vector<100x128xf32>
      %get3A_607 = arith.constant 15 : index
      %get3A_608 = arith.constant 0 : index
      %get3A_609 = arith.constant 0 : index
      %get3A_610 = vector.load %arg36[%get3A_607, %get3A_608, %get3A_609] : memref<27x1x128xf32, #tpu.memory_space<vmem>>, vector<1x1x128xf32>
      %get3A_611 = vector.shape_cast %get3A_610 : vector<1x1x128xf32> to vector<1x128xf32>
      %add3A_612 = vector.broadcast %get3A_611 : vector<1x128xf32> to vector<100x128xf32>
      %add3A_613 = arith.addf %dot_general3A_606, %add3A_612 : vector<100x128xf32>
      %get3A_614 = arith.constant 0 : index
      %get3A_615 = arith.constant 0 : index
      %get3A_616 = vector.load %arg20[%get3A_614, %get3A_615] : memref<128x128xf32, #tpu.memory_space<vmem>>, vector<128x128xf32>
      %dot_general3A_617 = arith.constant dense<0.000000e+00> : vector<100x128xf32>
      %dot_general3A_618 = tpu.matmul %add3A_571, %get3A_616, %dot_general3A_617 {dimension_numbers = #tpu.dot_dimension_numbers<[1], [1], [0], [0], [0, 0, 1, 0], [], []>, transpose_lhs_hint = false} : vector<100x128xf32>, vector<128x128xf32>, vector<100x128xf32> -> vector<100x128xf32>
      %get3A_619 = arith.constant 16 : index
      %get3A_620 = arith.constant 0 : index
      %get3A_621 = arith.constant 0 : index
      %get3A_622 = vector.load %arg36[%get3A_619, %get3A_620, %get3A_621] : memref<27x1x128xf32, #tpu.memory_space<vmem>>, vector<1x1x128xf32>
      %get3A_623 = vector.shape_cast %get3A_622 : vector<1x1x128xf32> to vector<1x128xf32>
      %add3A_624 = vector.broadcast %get3A_623 : vector<1x128xf32> to vector<100x128xf32>
      %add3A_625 = arith.addf %dot_general3A_618, %add3A_624 : vector<100x128xf32>
      %dot_general3A_626 = arith.constant dense<0.000000e+00> : vector<100x100xf32>
      %dot_general3A_627 = tpu.matmul %add3A_613, %add3A_625, %dot_general3A_626 {dimension_numbers = #tpu.dot_dimension_numbers<[1], [1], [0], [0], [0, 0, 1, 0], [], []>, transpose_lhs_hint = false} : vector<100x128xf32>, vector<100x128xf32>, vector<100x100xf32> -> vector<100x100xf32>
      %mul3A_628 = arith.constant 0.0883883461 : f32
      %mul3A_629 = vector.broadcast %mul3A_628 : f32 to vector<100x100xf32>
      %mul3A_630 = arith.mulf %dot_general3A_627, %mul3A_629 : vector<100x100xf32>
      %gt3A_631 = arith.constant 5.000000e-01 : f32
      %gt3A_632 = vector.broadcast %gt3A_631 : f32 to vector<100x100xf32>
      %gt3A_633 = arith.cmpf ogt, %slice3A_330, %gt3A_632 : vector<100x100xf32>
      %jit3A_634 = arith.constant -1.000000e+30 : f32
      %broadcast_in_dim3A_635 = vector.broadcast %jit3A_634 : f32 to vector<100x100xf32>
      %select_n3A_636 = arith.select %gt3A_633, %mul3A_630, %broadcast_in_dim3A_635 : vector<100x100xi1>, vector<100x100xf32>
      %reduce_max3A_637 = arith.constant dense<0xFF800000> : vector<100xf32>
      %reduce_max3A_638 = vector.multi_reduction <maximumf>, %select_n3A_636, %reduce_max3A_637 [1] : vector<100x100xf32> to vector<100xf32>
      %broadcast_in_dim3A_639 = vector.shape_cast %reduce_max3A_638 : vector<100xf32> to vector<100x1xf32>
      %sub3A_640 = vector.broadcast %broadcast_in_dim3A_639 : vector<100x1xf32> to vector<100x100xf32>
      %sub3A_641 = arith.subf %select_n3A_636, %sub3A_640 : vector<100x100xf32>
      %exp3A_642 = math.exp %sub3A_641 : vector<100x100xf32>
      %reduce_sum3A_643 = arith.constant dense<0.000000e+00> : vector<100xf32>
      %reduce_sum3A_644 = vector.multi_reduction <add>, %exp3A_642, %reduce_sum3A_643 [1] : vector<100x100xf32> to vector<100xf32>
      %broadcast_in_dim3A_645 = vector.shape_cast %reduce_sum3A_644 : vector<100xf32> to vector<100x1xf32>
      %div3A_646 = vector.broadcast %broadcast_in_dim3A_645 : vector<100x1xf32> to vector<100x100xf32>
      %div3A_647 = arith.divf %exp3A_642, %div3A_646 : vector<100x100xf32>
      %get3A_648 = arith.constant 0 : index
      %get3A_649 = arith.constant 0 : index
      %get3A_650 = vector.load %arg21[%get3A_648, %get3A_649] : memref<128x128xf32, #tpu.memory_space<vmem>>, vector<128x128xf32>
      %get3A_651 = arith.constant 0 : index
      %get3A_652 = arith.constant 0 : index
      %get3A_653 = vector.load %arg22[%get3A_651, %get3A_652] : memref<128x128xf32, #tpu.memory_space<vmem>>, vector<128x128xf32>
      %dot_general3A_654 = arith.constant dense<0.000000e+00> : vector<128x128xf32>
      %dot_general3A_655 = tpu.matmul %get3A_650, %get3A_653, %dot_general3A_654 {dimension_numbers = #tpu.dot_dimension_numbers<[1], [0], [0], [1], [0, 0, 1, 1], [], []>, transpose_lhs_hint = false} : vector<128x128xf32>, vector<128x128xf32>, vector<128x128xf32> -> vector<128x128xf32>
      %dot_general3A_656 = arith.constant dense<0.000000e+00> : vector<100x128xf32>
      %dot_general3A_657 = tpu.matmul %add3A_571, %dot_general3A_655, %dot_general3A_656 {dimension_numbers = #tpu.dot_dimension_numbers<[1], [1], [0], [0], [0, 0, 1, 0], [], []>, transpose_lhs_hint = false} : vector<100x128xf32>, vector<128x128xf32>, vector<100x128xf32> -> vector<100x128xf32>
      %get3A_658 = arith.constant 17 : index
      %get3A_659 = arith.constant 0 : index
      %get3A_660 = arith.constant 0 : index
      %get3A_661 = vector.load %arg36[%get3A_658, %get3A_659, %get3A_660] : memref<27x1x128xf32, #tpu.memory_space<vmem>>, vector<1x1x128xf32>
      %get3A_662 = vector.shape_cast %get3A_661 : vector<1x1x128xf32> to vector<1x128xf32>
      %get3A_663 = arith.constant 0 : index
      %get3A_664 = arith.constant 0 : index
      %get3A_665 = vector.load %arg21[%get3A_663, %get3A_664] : memref<128x128xf32, #tpu.memory_space<vmem>>, vector<128x128xf32>
      %dot_general3A_666 = arith.constant dense<0.000000e+00> : vector<1x128xf32>
      %dot_general3A_667 = tpu.matmul %get3A_662, %get3A_665, %dot_general3A_666 {dimension_numbers = #tpu.dot_dimension_numbers<[1], [1], [0], [0], [0, 0, 1, 0], [], []>, transpose_lhs_hint = false} : vector<1x128xf32>, vector<128x128xf32>, vector<1x128xf32> -> vector<1x128xf32>
      %get3A_668 = arith.constant 18 : index
      %get3A_669 = arith.constant 0 : index
      %get3A_670 = arith.constant 0 : index
      %get3A_671 = vector.load %arg36[%get3A_668, %get3A_669, %get3A_670] : memref<27x1x128xf32, #tpu.memory_space<vmem>>, vector<1x1x128xf32>
      %get3A_672 = vector.shape_cast %get3A_671 : vector<1x1x128xf32> to vector<1x128xf32>
      %add3A_673 = arith.addf %dot_general3A_667, %get3A_672 : vector<1x128xf32>
      %dot_general3A_674 = arith.constant dense<0.000000e+00> : vector<100x128xf32>
      %dot_general3A_675 = tpu.matmul %div3A_647, %dot_general3A_657, %dot_general3A_674 {dimension_numbers = #tpu.dot_dimension_numbers<[1], [0], [0], [1], [0, 0, 1, 1], [], []>, transpose_lhs_hint = false} : vector<100x100xf32>, vector<100x128xf32>, vector<100x128xf32> -> vector<100x128xf32>
      %add3A_676 = vector.broadcast %add3A_673 : vector<1x128xf32> to vector<100x128xf32>
      %add3A_677 = arith.addf %dot_general3A_675, %add3A_676 : vector<100x128xf32>
      %max3A_678 = arith.constant 0.000000e+00 : f32
      %max3A_679 = vector.broadcast %max3A_678 : f32 to vector<100x128xf32>
      %max3A_680 = arith.maximumf %add3A_677, %max3A_679 : vector<100x128xf32>
      %add3A_681 = arith.addf %add3A_571, %max3A_680 : vector<100x128xf32>
      %get3A_682 = arith.constant 19 : index
      %get3A_683 = arith.constant 0 : index
      %get3A_684 = arith.constant 0 : index
      %get3A_685 = vector.load %arg36[%get3A_682, %get3A_683, %get3A_684] : memref<27x1x128xf32, #tpu.memory_space<vmem>>, vector<1x1x128xf32>
      %get3A_686 = vector.shape_cast %get3A_685 : vector<1x1x128xf32> to vector<1x128xf32>
      %get3A_687 = arith.constant 20 : index
      %get3A_688 = arith.constant 0 : index
      %get3A_689 = arith.constant 0 : index
      %get3A_690 = vector.load %arg36[%get3A_687, %get3A_688, %get3A_689] : memref<27x1x128xf32, #tpu.memory_space<vmem>>, vector<1x1x128xf32>
      %get3A_691 = vector.shape_cast %get3A_690 : vector<1x1x128xf32> to vector<1x128xf32>
      %reduce_sum3A_692 = arith.constant dense<0.000000e+00> : vector<100xf32>
      %reduce_sum3A_693 = vector.multi_reduction <add>, %add3A_681, %reduce_sum3A_692 [1] : vector<100x128xf32> to vector<100xf32>
      %broadcast_in_dim3A_694 = vector.shape_cast %reduce_sum3A_693 : vector<100xf32> to vector<100x1xf32>
      %div3A_695 = arith.constant 1.280000e+02 : f32
      %div3A_696 = vector.broadcast %div3A_695 : f32 to vector<100x1xf32>
      %div3A_697 = arith.divf %broadcast_in_dim3A_694, %div3A_696 : vector<100x1xf32>
      %sub3A_698 = vector.broadcast %div3A_697 : vector<100x1xf32> to vector<100x128xf32>
      %sub3A_699 = arith.subf %add3A_681, %sub3A_698 : vector<100x128xf32>
      %mul3A_700 = arith.mulf %sub3A_699, %sub3A_699 : vector<100x128xf32>
      %reduce_sum3A_701 = arith.constant dense<0.000000e+00> : vector<100xf32>
      %reduce_sum3A_702 = vector.multi_reduction <add>, %mul3A_700, %reduce_sum3A_701 [1] : vector<100x128xf32> to vector<100xf32>
      %broadcast_in_dim3A_703 = vector.shape_cast %reduce_sum3A_702 : vector<100xf32> to vector<100x1xf32>
      %div3A_704 = arith.constant 1.280000e+02 : f32
      %div3A_705 = vector.broadcast %div3A_704 : f32 to vector<100x1xf32>
      %div3A_706 = arith.divf %broadcast_in_dim3A_703, %div3A_705 : vector<100x1xf32>
      %add3A_707 = arith.constant 9.99999974E-6 : f32
      %add3A_708 = vector.broadcast %add3A_707 : f32 to vector<100x1xf32>
      %add3A_709 = arith.addf %div3A_706, %add3A_708 : vector<100x1xf32>
      %sqrt3A_710 = math.sqrt %add3A_709 : vector<100x1xf32>
      %div3A_711 = vector.broadcast %sqrt3A_710 : vector<100x1xf32> to vector<100x128xf32>
      %div3A_712 = arith.divf %sub3A_699, %div3A_711 : vector<100x128xf32>
      %mul3A_713 = vector.broadcast %get3A_686 : vector<1x128xf32> to vector<100x128xf32>
      %mul3A_714 = arith.mulf %div3A_712, %mul3A_713 : vector<100x128xf32>
      %add3A_715 = vector.broadcast %get3A_691 : vector<1x128xf32> to vector<100x128xf32>
      %add3A_716 = arith.addf %mul3A_714, %add3A_715 : vector<100x128xf32>
      %get3A_717 = arith.constant 0 : index
      %get3A_718 = arith.constant 0 : index
      %get3A_719 = vector.load %arg24[%get3A_717, %get3A_718] : memref<128x256xf32, #tpu.memory_space<vmem>>, vector<128x128xf32>
      %get3A_720 = arith.constant 0 : index
      %get3A_721 = arith.constant 0 : index
      %get3A_722 = vector.load %arg23[%get3A_720, %get3A_721] : memref<128x128xf32, #tpu.memory_space<vmem>>, vector<128x128xf32>
      %dot_general3A_723 = arith.constant dense<0.000000e+00> : vector<128x128xf32>
      %dot_general3A_724 = tpu.matmul %get3A_719, %get3A_722, %dot_general3A_723 {dimension_numbers = #tpu.dot_dimension_numbers<[1], [0], [0], [1], [0, 0, 1, 1], [], []>, transpose_lhs_hint = false} : vector<128x128xf32>, vector<128x128xf32>, vector<128x128xf32> -> vector<128x128xf32>
      %get3A_725 = arith.constant 21 : index
      %get3A_726 = arith.constant 0 : index
      %get3A_727 = arith.constant 0 : index
      %get3A_728 = vector.load %arg36[%get3A_725, %get3A_726, %get3A_727] : memref<27x1x128xf32, #tpu.memory_space<vmem>>, vector<1x1x128xf32>
      %get3A_729 = vector.shape_cast %get3A_728 : vector<1x1x128xf32> to vector<1x128xf32>
      %get3A_730 = arith.constant 0 : index
      %get3A_731 = arith.constant 0 : index
      %get3A_732 = vector.load %arg24[%get3A_730, %get3A_731] : memref<128x256xf32, #tpu.memory_space<vmem>>, vector<128x128xf32>
      %dot_general3A_733 = arith.constant dense<0.000000e+00> : vector<1x128xf32>
      %dot_general3A_734 = tpu.matmul %get3A_729, %get3A_732, %dot_general3A_733 {dimension_numbers = #tpu.dot_dimension_numbers<[1], [1], [0], [0], [0, 0, 1, 0], [], []>, transpose_lhs_hint = false} : vector<1x128xf32>, vector<128x128xf32>, vector<1x128xf32> -> vector<1x128xf32>
      %get3A_735 = arith.constant 22 : index
      %get3A_736 = arith.constant 0 : index
      %get3A_737 = arith.constant 0 : index
      %get3A_738 = vector.load %arg36[%get3A_735, %get3A_736, %get3A_737] : memref<27x1x128xf32, #tpu.memory_space<vmem>>, vector<1x1x128xf32>
      %get3A_739 = vector.shape_cast %get3A_738 : vector<1x1x128xf32> to vector<1x128xf32>
      %add3A_740 = arith.addf %dot_general3A_734, %get3A_739 : vector<1x128xf32>
      %dot_general3A_741 = arith.constant dense<0.000000e+00> : vector<100x128xf32>
      %dot_general3A_742 = tpu.matmul %add3A_571, %dot_general3A_724, %dot_general3A_741 {dimension_numbers = #tpu.dot_dimension_numbers<[1], [1], [0], [0], [0, 0, 1, 0], [], []>, transpose_lhs_hint = false} : vector<100x128xf32>, vector<128x128xf32>, vector<100x128xf32> -> vector<100x128xf32>
      %get3A_743 = arith.constant 0 : index
      %get3A_744 = arith.constant 128 : index
      %get3A_745 = vector.load %arg24[%get3A_743, %get3A_744] : memref<128x256xf32, #tpu.memory_space<vmem>>, vector<128x128xf32>
      %dot_general3A_746 = arith.constant dense<0.000000e+00> : vector<100x128xf32>
      %dot_general3A_747 = tpu.matmul %add3A_716, %get3A_745, %dot_general3A_746 {dimension_numbers = #tpu.dot_dimension_numbers<[1], [1], [0], [0], [0, 0, 1, 0], [], []>, transpose_lhs_hint = false} : vector<100x128xf32>, vector<128x128xf32>, vector<100x128xf32> -> vector<100x128xf32>
      %add3A_748 = arith.addf %dot_general3A_742, %dot_general3A_747 : vector<100x128xf32>
      %add3A_749 = vector.broadcast %add3A_740 : vector<1x128xf32> to vector<100x128xf32>
      %add3A_750 = arith.addf %add3A_748, %add3A_749 : vector<100x128xf32>
      %max3A_751 = arith.constant 0.000000e+00 : f32
      %max3A_752 = vector.broadcast %max3A_751 : f32 to vector<100x128xf32>
      %max3A_753 = arith.maximumf %add3A_750, %max3A_752 : vector<100x128xf32>
      %add3A_754 = arith.addf %add3A_716, %max3A_753 : vector<100x128xf32>
      %get3A_755 = arith.constant 23 : index
      %get3A_756 = arith.constant 0 : index
      %get3A_757 = arith.constant 0 : index
      %get3A_758 = vector.load %arg36[%get3A_755, %get3A_756, %get3A_757] : memref<27x1x128xf32, #tpu.memory_space<vmem>>, vector<1x1x128xf32>
      %get3A_759 = vector.shape_cast %get3A_758 : vector<1x1x128xf32> to vector<1x128xf32>
      %get3A_760 = arith.constant 24 : index
      %get3A_761 = arith.constant 0 : index
      %get3A_762 = arith.constant 0 : index
      %get3A_763 = vector.load %arg36[%get3A_760, %get3A_761, %get3A_762] : memref<27x1x128xf32, #tpu.memory_space<vmem>>, vector<1x1x128xf32>
      %get3A_764 = vector.shape_cast %get3A_763 : vector<1x1x128xf32> to vector<1x128xf32>
      %reduce_sum3A_765 = arith.constant dense<0.000000e+00> : vector<100xf32>
      %reduce_sum3A_766 = vector.multi_reduction <add>, %add3A_754, %reduce_sum3A_765 [1] : vector<100x128xf32> to vector<100xf32>
      %broadcast_in_dim3A_767 = vector.shape_cast %reduce_sum3A_766 : vector<100xf32> to vector<100x1xf32>
      %div3A_768 = arith.constant 1.280000e+02 : f32
      %div3A_769 = vector.broadcast %div3A_768 : f32 to vector<100x1xf32>
      %div3A_770 = arith.divf %broadcast_in_dim3A_767, %div3A_769 : vector<100x1xf32>
      %sub3A_771 = vector.broadcast %div3A_770 : vector<100x1xf32> to vector<100x128xf32>
      %sub3A_772 = arith.subf %add3A_754, %sub3A_771 : vector<100x128xf32>
      %mul3A_773 = arith.mulf %sub3A_772, %sub3A_772 : vector<100x128xf32>
      %reduce_sum3A_774 = arith.constant dense<0.000000e+00> : vector<100xf32>
      %reduce_sum3A_775 = vector.multi_reduction <add>, %mul3A_773, %reduce_sum3A_774 [1] : vector<100x128xf32> to vector<100xf32>
      %broadcast_in_dim3A_776 = vector.shape_cast %reduce_sum3A_775 : vector<100xf32> to vector<100x1xf32>
      %div3A_777 = arith.constant 1.280000e+02 : f32
      %div3A_778 = vector.broadcast %div3A_777 : f32 to vector<100x1xf32>
      %div3A_779 = arith.divf %broadcast_in_dim3A_776, %div3A_778 : vector<100x1xf32>
      %add3A_780 = arith.constant 9.99999974E-6 : f32
      %add3A_781 = vector.broadcast %add3A_780 : f32 to vector<100x1xf32>
      %add3A_782 = arith.addf %div3A_779, %add3A_781 : vector<100x1xf32>
      %sqrt3A_783 = math.sqrt %add3A_782 : vector<100x1xf32>
      %div3A_784 = vector.broadcast %sqrt3A_783 : vector<100x1xf32> to vector<100x128xf32>
      %div3A_785 = arith.divf %sub3A_772, %div3A_784 : vector<100x128xf32>
      %mul3A_786 = vector.broadcast %get3A_759 : vector<1x128xf32> to vector<100x128xf32>
      %mul3A_787 = arith.mulf %div3A_785, %mul3A_786 : vector<100x128xf32>
      %add3A_788 = vector.broadcast %get3A_764 : vector<1x128xf32> to vector<100x128xf32>
      %add3A_789 = arith.addf %mul3A_787, %add3A_788 : vector<100x128xf32>
      %get3A_790 = arith.constant 0 : index
      %get3A_791 = arith.constant 0 : index
      %get3A_792 = vector.load %arg25[%get3A_790, %get3A_791] : memref<128x128xf32, #tpu.memory_space<vmem>>, vector<128x128xf32>
      %dot_general3A_793 = arith.constant dense<0.000000e+00> : vector<100x128xf32>
      %dot_general3A_794 = tpu.matmul %add3A_571, %get3A_792, %dot_general3A_793 {dimension_numbers = #tpu.dot_dimension_numbers<[1], [1], [0], [0], [0, 0, 1, 0], [], []>, transpose_lhs_hint = false} : vector<100x128xf32>, vector<128x128xf32>, vector<100x128xf32> -> vector<100x128xf32>
      %get3A_795 = arith.constant 25 : index
      %get3A_796 = arith.constant 0 : index
      %get3A_797 = arith.constant 0 : index
      %get3A_798 = vector.load %arg36[%get3A_795, %get3A_796, %get3A_797] : memref<27x1x128xf32, #tpu.memory_space<vmem>>, vector<1x1x128xf32>
      %get3A_799 = vector.shape_cast %get3A_798 : vector<1x1x128xf32> to vector<1x128xf32>
      %add3A_800 = vector.broadcast %get3A_799 : vector<1x128xf32> to vector<100x128xf32>
      %add3A_801 = arith.addf %dot_general3A_794, %add3A_800 : vector<100x128xf32>
      %swap3A_802 = arith.constant 0 : index
      %swap3A_803 = arith.constant 0 : index
      %swap3A_804 = vector.load %arg43[%swap3A_802, %swap3A_803] : memref<100x128xf32, #tpu.memory_space<vmem>>, vector<100x128xf32>
      tpu.vector_store %arg43[%swap3A_802, %swap3A_803], %add3A_801 {strides = array<i32>} : memref<100x128xf32, #tpu.memory_space<vmem>>, vector<100x128xf32>,
      %get3A_805 = arith.constant 0 : index
      %get3A_806 = arith.constant 0 : index
      %get3A_807 = vector.load %arg26[%get3A_805, %get3A_806] : memref<128x128xf32, #tpu.memory_space<vmem>>, vector<128x128xf32>
      %dot_general3A_808 = arith.constant dense<0.000000e+00> : vector<100x128xf32>
      %dot_general3A_809 = tpu.matmul %add3A_571, %get3A_807, %dot_general3A_808 {dimension_numbers = #tpu.dot_dimension_numbers<[1], [1], [0], [0], [0, 0, 1, 0], [], []>, transpose_lhs_hint = false} : vector<100x128xf32>, vector<128x128xf32>, vector<100x128xf32> -> vector<100x128xf32>
      %get3A_810 = arith.constant 26 : index
      %get3A_811 = arith.constant 0 : index
      %get3A_812 = arith.constant 0 : index
      %get3A_813 = vector.load %arg36[%get3A_810, %get3A_811, %get3A_812] : memref<27x1x128xf32, #tpu.memory_space<vmem>>, vector<1x1x128xf32>
      %get3A_814 = vector.shape_cast %get3A_813 : vector<1x1x128xf32> to vector<1x128xf32>
      %add3A_815 = vector.broadcast %get3A_814 : vector<1x128xf32> to vector<100x128xf32>
      %add3A_816 = arith.addf %dot_general3A_809, %add3A_815 : vector<100x128xf32>
      %swap3A_817 = arith.constant 0 : index
      %swap3A_818 = arith.constant 0 : index
      %swap3A_819 = vector.load %arg44[%swap3A_817, %swap3A_818] : memref<100x128xf32, #tpu.memory_space<vmem>>, vector<100x128xf32>
      tpu.vector_store %arg44[%swap3A_817, %swap3A_818], %add3A_816 {strides = array<i32>} : memref<100x128xf32, #tpu.memory_space<vmem>>, vector<100x128xf32>,
      %swap3A_820 = arith.constant 0 : index
      %swap3A_821 = arith.constant 0 : index
      %swap3A_822 = arith.constant 0 : index
      %swap3A_823 = vector.load %arg38[%swap3A_820, %swap3A_821, %swap3A_822] : memref<1x100x128xf32, #tpu.memory_space<vmem>>, vector<1x100x128xf32>
      %swap3A_824 = vector.shape_cast %swap3A_823 : vector<1x100x128xf32> to vector<100x128xf32>
      %swap3A_825 = vector.shape_cast %add3A_789 : vector<100x128xf32> to vector<1x100x128xf32>
      tpu.vector_store %arg38[%swap3A_820, %swap3A_821, %swap3A_822], %swap3A_825 {strides = array<i32>} : memref<1x100x128xf32, #tpu.memory_space<vmem>>, vector<1x100x128xf32>,
    } else {
    }
    %mul3A = arith.constant 20 : i32
    %mul3A_2 = arith.muli %arg1, %mul3A : i32
    %get3A = arith.constant 0 : index
    %get3A_3 = arith.index_cast %mul3A_2 : i32 to index
    %get3A_4 = arith.constant 0 : index
    %get3A_5 = vector.load %arg2[%get3A, %get3A_3, %get3A_4] : memref<1x100x100xf32, #tpu.memory_space<vmem>>, vector<1x20x100xf32>
    %get3A_6 = vector.shape_cast %get3A_5 : vector<1x20x100xf32> to vector<20x100xf32>
    %broadcast_in_dim3A = vector.shape_cast %get3A_6 : vector<20x100xf32> to vector<20x100x1xf32>
    %get3A_7 = arith.index_cast %mul3A_2 : i32 to index
    %get3A_8 = arith.constant 0 : index
    %get3A_9 = vector.load %arg40[%get3A_7, %get3A_8] : memref<100x100xf32, #tpu.memory_space<vmem>>, vector<20x100xf32>
    %broadcast_in_dim3A_10 = vector.shape_cast %get3A_9 : vector<20x100xf32> to vector<20x100x1xf32>
    %get3A_11 = arith.constant 0 : index
    %get3A_12 = arith.constant 0 : index
    %get3A_13 = arith.constant 0 : index
    %get3A_14 = vector.load %arg37[%get3A_11, %get3A_12, %get3A_13] : memref<18x1x128xf32, #tpu.memory_space<vmem>>, vector<1x1x128xf32>
    %get3A_15 = vector.shape_cast %get3A_14 : vector<1x1x128xf32> to vector<1x128xf32>
    %broadcast_in_dim3A_16 = vector.shape_cast %get3A_15 : vector<1x128xf32> to vector<1x1x128xf32>
    %get3A_17 = arith.constant 1 : index
    %get3A_18 = arith.constant 0 : index
    %get3A_19 = arith.constant 0 : index
    %get3A_20 = vector.load %arg37[%get3A_17, %get3A_18, %get3A_19] : memref<18x1x128xf32, #tpu.memory_space<vmem>>, vector<1x1x128xf32>
    %get3A_21 = vector.shape_cast %get3A_20 : vector<1x1x128xf32> to vector<1x128xf32>
    %broadcast_in_dim3A_22 = vector.shape_cast %get3A_21 : vector<1x128xf32> to vector<1x1x128xf32>
    %get3A_23 = arith.constant 2 : index
    %get3A_24 = arith.constant 0 : index
    %get3A_25 = arith.constant 0 : index
    %get3A_26 = vector.load %arg37[%get3A_23, %get3A_24, %get3A_25] : memref<18x1x128xf32, #tpu.memory_space<vmem>>, vector<1x1x128xf32>
    %get3A_27 = vector.shape_cast %get3A_26 : vector<1x1x128xf32> to vector<1x128xf32>
    %broadcast_in_dim3A_28 = vector.shape_cast %get3A_27 : vector<1x128xf32> to vector<1x1x128xf32>
    %mul3A_29 = vector.broadcast %broadcast_in_dim3A : vector<20x100x1xf32> to vector<20x100x128xf32>
    %mul3A_30 = vector.broadcast %broadcast_in_dim3A_16 : vector<1x1x128xf32> to vector<20x100x128xf32>
    %mul3A_31 = arith.mulf %mul3A_29, %mul3A_30 : vector<20x100x128xf32>
    %mul3A_32 = vector.broadcast %broadcast_in_dim3A_10 : vector<20x100x1xf32> to vector<20x100x128xf32>
    %mul3A_33 = vector.broadcast %broadcast_in_dim3A_22 : vector<1x1x128xf32> to vector<20x100x128xf32>
    %mul3A_34 = arith.mulf %mul3A_32, %mul3A_33 : vector<20x100x128xf32>
    %add3A = arith.addf %mul3A_31, %mul3A_34 : vector<20x100x128xf32>
    %add3A_35 = vector.broadcast %broadcast_in_dim3A_28 : vector<1x1x128xf32> to vector<20x100x128xf32>
    %add3A_36 = arith.addf %add3A, %add3A_35 : vector<20x100x128xf32>
    %max3A = arith.constant 0.000000e+00 : f32
    %max3A_37 = vector.broadcast %max3A : f32 to vector<20x100x128xf32>
    %max3A_38 = arith.maximumf %add3A_36, %max3A_37 : vector<20x100x128xf32>
    %reshape3A = vector.shape_cast %max3A_38 : vector<20x100x128xf32> to vector<2000x128xf32>
    %get3A_39 = arith.constant 0 : index
    %get3A_40 = arith.constant 0 : index
    %get3A_41 = vector.load %arg27[%get3A_39, %get3A_40] : memref<128x128xf32, #tpu.memory_space<vmem>>, vector<128x128xf32>
    %dot_general3A = arith.constant dense<0.000000e+00> : vector<2000x128xf32>
    %dot_general3A_42 = tpu.matmul %reshape3A, %get3A_41, %dot_general3A {dimension_numbers = #tpu.dot_dimension_numbers<[1], [1], [0], [0], [0, 0, 1, 0], [], []>, transpose_lhs_hint = false} : vector<2000x128xf32>, vector<128x128xf32>, vector<2000x128xf32> -> vector<2000x128xf32>
    %get3A_43 = arith.constant 3 : index
    %get3A_44 = arith.constant 0 : index
    %get3A_45 = arith.constant 0 : index
    %get3A_46 = vector.load %arg37[%get3A_43, %get3A_44, %get3A_45] : memref<18x1x128xf32, #tpu.memory_space<vmem>>, vector<1x1x128xf32>
    %get3A_47 = vector.shape_cast %get3A_46 : vector<1x1x128xf32> to vector<1x128xf32>
    %add3A_48 = vector.broadcast %get3A_47 : vector<1x128xf32> to vector<2000x128xf32>
    %add3A_49 = arith.addf %dot_general3A_42, %add3A_48 : vector<2000x128xf32>
    %get3A_50 = arith.constant 0 : index
    %get3A_51 = arith.constant 0 : index
    %get3A_52 = vector.load %arg28[%get3A_50, %get3A_51] : memref<128x128xf32, #tpu.memory_space<vmem>>, vector<128x128xf32>
    %dot_general3A_53 = arith.constant dense<0.000000e+00> : vector<2000x128xf32>
    %dot_general3A_54 = tpu.matmul %add3A_49, %get3A_52, %dot_general3A_53 {dimension_numbers = #tpu.dot_dimension_numbers<[1], [1], [0], [0], [0, 0, 1, 0], [], []>, transpose_lhs_hint = false} : vector<2000x128xf32>, vector<128x128xf32>, vector<2000x128xf32> -> vector<2000x128xf32>
    %get3A_55 = arith.index_cast %mul3A_2 : i32 to index
    %get3A_56 = arith.constant 0 : index
    %get3A_57 = vector.load %arg41[%get3A_55, %get3A_56] : memref<100x128xf32, #tpu.memory_space<vmem>>, vector<20x128xf32>
    %get3A_58 = arith.constant 0 : index
    %get3A_59 = arith.constant 0 : index
    %get3A_60 = vector.load %arg42[%get3A_58, %get3A_59] : memref<100x128xf32, #tpu.memory_space<vmem>>, vector<100x128xf32>
    %reshape3A_61 = vector.shape_cast %dot_general3A_54 : vector<2000x128xf32> to vector<20x100x128xf32>
    %broadcast_in_dim3A_62 = vector.shape_cast %get3A_57 : vector<20x128xf32> to vector<20x1x128xf32>
    %add3A_63 = vector.broadcast %broadcast_in_dim3A_62 : vector<20x1x128xf32> to vector<20x100x128xf32>
    %add3A_64 = arith.addf %reshape3A_61, %add3A_63 : vector<20x100x128xf32>
    %broadcast_in_dim3A_65 = vector.shape_cast %get3A_60 : vector<100x128xf32> to vector<1x100x128xf32>
    %add3A_66 = vector.broadcast %broadcast_in_dim3A_65 : vector<1x100x128xf32> to vector<20x100x128xf32>
    %add3A_67 = arith.addf %add3A_64, %add3A_66 : vector<20x100x128xf32>
    %reshape3A_68 = vector.shape_cast %add3A_67 : vector<20x100x128xf32> to vector<2000x128xf32>
    %get3A_69 = arith.constant 0 : index
    %get3A_70 = arith.constant 0 : index
    %get3A_71 = vector.load %arg29[%get3A_69, %get3A_70] : memref<128x128xf32, #tpu.memory_space<vmem>>, vector<128x128xf32>
    %dot_general3A_72 = arith.constant dense<0.000000e+00> : vector<2000x128xf32>
    %dot_general3A_73 = tpu.matmul %reshape3A_68, %get3A_71, %dot_general3A_72 {dimension_numbers = #tpu.dot_dimension_numbers<[1], [1], [0], [0], [0, 0, 1, 0], [], []>, transpose_lhs_hint = false} : vector<2000x128xf32>, vector<128x128xf32>, vector<2000x128xf32> -> vector<2000x128xf32>
    %get3A_74 = arith.constant 4 : index
    %get3A_75 = arith.constant 0 : index
    %get3A_76 = arith.constant 0 : index
    %get3A_77 = vector.load %arg37[%get3A_74, %get3A_75, %get3A_76] : memref<18x1x128xf32, #tpu.memory_space<vmem>>, vector<1x1x128xf32>
    %get3A_78 = vector.shape_cast %get3A_77 : vector<1x1x128xf32> to vector<1x128xf32>
    %add3A_79 = vector.broadcast %get3A_78 : vector<1x128xf32> to vector<2000x128xf32>
    %add3A_80 = arith.addf %dot_general3A_73, %add3A_79 : vector<2000x128xf32>
    %max3A_81 = arith.constant 0.000000e+00 : f32
    %max3A_82 = vector.broadcast %max3A_81 : f32 to vector<2000x128xf32>
    %max3A_83 = arith.maximumf %add3A_80, %max3A_82 : vector<2000x128xf32>
    %add3A_84 = arith.addf %add3A_49, %max3A_83 : vector<2000x128xf32>
    %get3A_85 = arith.constant 5 : index
    %get3A_86 = arith.constant 0 : index
    %get3A_87 = arith.constant 0 : index
    %get3A_88 = vector.load %arg37[%get3A_85, %get3A_86, %get3A_87] : memref<18x1x128xf32, #tpu.memory_space<vmem>>, vector<1x1x128xf32>
    %get3A_89 = vector.shape_cast %get3A_88 : vector<1x1x128xf32> to vector<1x128xf32>
    %get3A_90 = arith.constant 6 : index
    %get3A_91 = arith.constant 0 : index
    %get3A_92 = arith.constant 0 : index
    %get3A_93 = vector.load %arg37[%get3A_90, %get3A_91, %get3A_92] : memref<18x1x128xf32, #tpu.memory_space<vmem>>, vector<1x1x128xf32>
    %get3A_94 = vector.shape_cast %get3A_93 : vector<1x1x128xf32> to vector<1x128xf32>
    %broadcast_in_dim3A_95 = arith.constant 7.812500e-03 : f32
    %broadcast_in_dim3A_96 = vector.broadcast %broadcast_in_dim3A_95 : f32 to vector<128x128xf32>
    %dot_general3A_97 = arith.constant dense<0.000000e+00> : vector<2000x128xf32>
    %dot_general3A_98 = tpu.matmul %add3A_84, %broadcast_in_dim3A_96, %dot_general3A_97 {dimension_numbers = #tpu.dot_dimension_numbers<[1], [0], [0], [1], [0, 0, 1, 1], [], []>, transpose_lhs_hint = false} : vector<2000x128xf32>, vector<128x128xf32>, vector<2000x128xf32> -> vector<2000x128xf32>
    %mul3A_99 = arith.mulf %add3A_84, %add3A_84 : vector<2000x128xf32>
    %dot_general3A_100 = arith.constant dense<0.000000e+00> : vector<2000x128xf32>
    %dot_general3A_101 = tpu.matmul %mul3A_99, %broadcast_in_dim3A_96, %dot_general3A_100 {dimension_numbers = #tpu.dot_dimension_numbers<[1], [0], [0], [1], [0, 0, 1, 1], [], []>, transpose_lhs_hint = false} : vector<2000x128xf32>, vector<128x128xf32>, vector<2000x128xf32> -> vector<2000x128xf32>
    %sub3A = arith.subf %add3A_84, %dot_general3A_98 : vector<2000x128xf32>
    %mul3A_102 = arith.mulf %dot_general3A_98, %dot_general3A_98 : vector<2000x128xf32>
    %sub3A_103 = arith.subf %dot_general3A_101, %mul3A_102 : vector<2000x128xf32>
    %add3A_104 = arith.constant 9.99999974E-6 : f32
    %add3A_105 = vector.broadcast %add3A_104 : f32 to vector<2000x128xf32>
    %add3A_106 = arith.addf %sub3A_103, %add3A_105 : vector<2000x128xf32>
    %rsqrt3A = math.rsqrt %add3A_106 : vector<2000x128xf32>
    %mul3A_107 = arith.mulf %sub3A, %rsqrt3A : vector<2000x128xf32>
    %mul3A_108 = vector.broadcast %get3A_89 : vector<1x128xf32> to vector<2000x128xf32>
    %mul3A_109 = arith.mulf %mul3A_107, %mul3A_108 : vector<2000x128xf32>
    %add3A_110 = vector.broadcast %get3A_94 : vector<1x128xf32> to vector<2000x128xf32>
    %add3A_111 = arith.addf %mul3A_109, %add3A_110 : vector<2000x128xf32>
    %get3A_112 = arith.constant 0 : index
    %get3A_113 = arith.constant 0 : index
    %get3A_114 = vector.load %arg31[%get3A_112, %get3A_113] : memref<128x256xf32, #tpu.memory_space<vmem>>, vector<128x128xf32>
    %get3A_115 = arith.constant 0 : index
    %get3A_116 = arith.constant 0 : index
    %get3A_117 = vector.load %arg30[%get3A_115, %get3A_116] : memref<128x128xf32, #tpu.memory_space<vmem>>, vector<128x128xf32>
    %dot_general3A_118 = arith.constant dense<0.000000e+00> : vector<128x128xf32>
    %dot_general3A_119 = tpu.matmul %get3A_114, %get3A_117, %dot_general3A_118 {dimension_numbers = #tpu.dot_dimension_numbers<[1], [0], [0], [1], [0, 0, 1, 1], [], []>, transpose_lhs_hint = false} : vector<128x128xf32>, vector<128x128xf32>, vector<128x128xf32> -> vector<128x128xf32>
    %get3A_120 = arith.constant 7 : index
    %get3A_121 = arith.constant 0 : index
    %get3A_122 = arith.constant 0 : index
    %get3A_123 = vector.load %arg37[%get3A_120, %get3A_121, %get3A_122] : memref<18x1x128xf32, #tpu.memory_space<vmem>>, vector<1x1x128xf32>
    %get3A_124 = vector.shape_cast %get3A_123 : vector<1x1x128xf32> to vector<1x128xf32>
    %get3A_125 = arith.constant 0 : index
    %get3A_126 = arith.constant 0 : index
    %get3A_127 = vector.load %arg31[%get3A_125, %get3A_126] : memref<128x256xf32, #tpu.memory_space<vmem>>, vector<128x128xf32>
    %dot_general3A_128 = arith.constant dense<0.000000e+00> : vector<1x128xf32>
    %dot_general3A_129 = tpu.matmul %get3A_124, %get3A_127, %dot_general3A_128 {dimension_numbers = #tpu.dot_dimension_numbers<[1], [1], [0], [0], [0, 0, 1, 0], [], []>, transpose_lhs_hint = false} : vector<1x128xf32>, vector<128x128xf32>, vector<1x128xf32> -> vector<1x128xf32>
    %get3A_130 = arith.constant 8 : index
    %get3A_131 = arith.constant 0 : index
    %get3A_132 = arith.constant 0 : index
    %get3A_133 = vector.load %arg37[%get3A_130, %get3A_131, %get3A_132] : memref<18x1x128xf32, #tpu.memory_space<vmem>>, vector<1x1x128xf32>
    %get3A_134 = vector.shape_cast %get3A_133 : vector<1x1x128xf32> to vector<1x128xf32>
    %add3A_135 = arith.addf %dot_general3A_129, %get3A_134 : vector<1x128xf32>
    %dot_general3A_136 = arith.constant dense<0.000000e+00> : vector<2000x128xf32>
    %dot_general3A_137 = tpu.matmul %add3A_49, %dot_general3A_119, %dot_general3A_136 {dimension_numbers = #tpu.dot_dimension_numbers<[1], [1], [0], [0], [0, 0, 1, 0], [], []>, transpose_lhs_hint = false} : vector<2000x128xf32>, vector<128x128xf32>, vector<2000x128xf32> -> vector<2000x128xf32>
    %get3A_138 = arith.constant 0 : index
    %get3A_139 = arith.constant 128 : index
    %get3A_140 = vector.load %arg31[%get3A_138, %get3A_139] : memref<128x256xf32, #tpu.memory_space<vmem>>, vector<128x128xf32>
    %dot_general3A_141 = arith.constant dense<0.000000e+00> : vector<2000x128xf32>
    %dot_general3A_142 = tpu.matmul %add3A_111, %get3A_140, %dot_general3A_141 {dimension_numbers = #tpu.dot_dimension_numbers<[1], [1], [0], [0], [0, 0, 1, 0], [], []>, transpose_lhs_hint = false} : vector<2000x128xf32>, vector<128x128xf32>, vector<2000x128xf32> -> vector<2000x128xf32>
    %add3A_143 = arith.addf %dot_general3A_137, %dot_general3A_142 : vector<2000x128xf32>
    %add3A_144 = vector.broadcast %add3A_135 : vector<1x128xf32> to vector<2000x128xf32>
    %add3A_145 = arith.addf %add3A_143, %add3A_144 : vector<2000x128xf32>
    %max3A_146 = arith.constant 0.000000e+00 : f32
    %max3A_147 = vector.broadcast %max3A_146 : f32 to vector<2000x128xf32>
    %max3A_148 = arith.maximumf %add3A_145, %max3A_147 : vector<2000x128xf32>
    %add3A_149 = arith.addf %add3A_111, %max3A_148 : vector<2000x128xf32>
    %get3A_150 = arith.constant 9 : index
    %get3A_151 = arith.constant 0 : index
    %get3A_152 = arith.constant 0 : index
    %get3A_153 = vector.load %arg37[%get3A_150, %get3A_151, %get3A_152] : memref<18x1x128xf32, #tpu.memory_space<vmem>>, vector<1x1x128xf32>
    %get3A_154 = vector.shape_cast %get3A_153 : vector<1x1x128xf32> to vector<1x128xf32>
    %get3A_155 = arith.constant 10 : index
    %get3A_156 = arith.constant 0 : index
    %get3A_157 = arith.constant 0 : index
    %get3A_158 = vector.load %arg37[%get3A_155, %get3A_156, %get3A_157] : memref<18x1x128xf32, #tpu.memory_space<vmem>>, vector<1x1x128xf32>
    %get3A_159 = vector.shape_cast %get3A_158 : vector<1x1x128xf32> to vector<1x128xf32>
    %broadcast_in_dim3A_160 = arith.constant 7.812500e-03 : f32
    %broadcast_in_dim3A_161 = vector.broadcast %broadcast_in_dim3A_160 : f32 to vector<128x128xf32>
    %dot_general3A_162 = arith.constant dense<0.000000e+00> : vector<2000x128xf32>
    %dot_general3A_163 = tpu.matmul %add3A_149, %broadcast_in_dim3A_161, %dot_general3A_162 {dimension_numbers = #tpu.dot_dimension_numbers<[1], [0], [0], [1], [0, 0, 1, 1], [], []>, transpose_lhs_hint = false} : vector<2000x128xf32>, vector<128x128xf32>, vector<2000x128xf32> -> vector<2000x128xf32>
    %mul3A_164 = arith.mulf %add3A_149, %add3A_149 : vector<2000x128xf32>
    %dot_general3A_165 = arith.constant dense<0.000000e+00> : vector<2000x128xf32>
    %dot_general3A_166 = tpu.matmul %mul3A_164, %broadcast_in_dim3A_161, %dot_general3A_165 {dimension_numbers = #tpu.dot_dimension_numbers<[1], [0], [0], [1], [0, 0, 1, 1], [], []>, transpose_lhs_hint = false} : vector<2000x128xf32>, vector<128x128xf32>, vector<2000x128xf32> -> vector<2000x128xf32>
    %sub3A_167 = arith.subf %add3A_149, %dot_general3A_163 : vector<2000x128xf32>
    %mul3A_168 = arith.mulf %dot_general3A_163, %dot_general3A_163 : vector<2000x128xf32>
    %sub3A_169 = arith.subf %dot_general3A_166, %mul3A_168 : vector<2000x128xf32>
    %add3A_170 = arith.constant 9.99999974E-6 : f32
    %add3A_171 = vector.broadcast %add3A_170 : f32 to vector<2000x128xf32>
    %add3A_172 = arith.addf %sub3A_169, %add3A_171 : vector<2000x128xf32>
    %rsqrt3A_173 = math.rsqrt %add3A_172 : vector<2000x128xf32>
    %mul3A_174 = arith.mulf %sub3A_167, %rsqrt3A_173 : vector<2000x128xf32>
    %mul3A_175 = vector.broadcast %get3A_154 : vector<1x128xf32> to vector<2000x128xf32>
    %mul3A_176 = arith.mulf %mul3A_174, %mul3A_175 : vector<2000x128xf32>
    %add3A_177 = vector.broadcast %get3A_159 : vector<1x128xf32> to vector<2000x128xf32>
    %add3A_178 = arith.addf %mul3A_176, %add3A_177 : vector<2000x128xf32>
    %get3A_179 = arith.constant 0 : index
    %get3A_180 = arith.constant 0 : index
    %get3A_181 = vector.load %arg32[%get3A_179, %get3A_180] : memref<128x128xf32, #tpu.memory_space<vmem>>, vector<128x128xf32>
    %dot_general3A_182 = arith.constant dense<0.000000e+00> : vector<2000x128xf32>
    %dot_general3A_183 = tpu.matmul %add3A_178, %get3A_181, %dot_general3A_182 {dimension_numbers = #tpu.dot_dimension_numbers<[1], [1], [0], [0], [0, 0, 1, 0], [], []>, transpose_lhs_hint = false} : vector<2000x128xf32>, vector<128x128xf32>, vector<2000x128xf32> -> vector<2000x128xf32>
    %get3A_184 = arith.index_cast %mul3A_2 : i32 to index
    %get3A_185 = arith.constant 0 : index
    %get3A_186 = vector.load %arg43[%get3A_184, %get3A_185] : memref<100x128xf32, #tpu.memory_space<vmem>>, vector<20x128xf32>
    %get3A_187 = arith.constant 0 : index
    %get3A_188 = arith.constant 0 : index
    %get3A_189 = vector.load %arg44[%get3A_187, %get3A_188] : memref<100x128xf32, #tpu.memory_space<vmem>>, vector<100x128xf32>
    %reshape3A_190 = vector.shape_cast %dot_general3A_183 : vector<2000x128xf32> to vector<20x100x128xf32>
    %broadcast_in_dim3A_191 = vector.shape_cast %get3A_186 : vector<20x128xf32> to vector<20x1x128xf32>
    %add3A_192 = vector.broadcast %broadcast_in_dim3A_191 : vector<20x1x128xf32> to vector<20x100x128xf32>
    %add3A_193 = arith.addf %reshape3A_190, %add3A_192 : vector<20x100x128xf32>
    %broadcast_in_dim3A_194 = vector.shape_cast %get3A_189 : vector<100x128xf32> to vector<1x100x128xf32>
    %add3A_195 = vector.broadcast %broadcast_in_dim3A_194 : vector<1x100x128xf32> to vector<20x100x128xf32>
    %add3A_196 = arith.addf %add3A_193, %add3A_195 : vector<20x100x128xf32>
    %reshape3A_197 = vector.shape_cast %add3A_196 : vector<20x100x128xf32> to vector<2000x128xf32>
    %get3A_198 = arith.constant 0 : index
    %get3A_199 = arith.constant 0 : index
    %get3A_200 = vector.load %arg33[%get3A_198, %get3A_199] : memref<128x128xf32, #tpu.memory_space<vmem>>, vector<128x128xf32>
    %dot_general3A_201 = arith.constant dense<0.000000e+00> : vector<2000x128xf32>
    %dot_general3A_202 = tpu.matmul %reshape3A_197, %get3A_200, %dot_general3A_201 {dimension_numbers = #tpu.dot_dimension_numbers<[1], [1], [0], [0], [0, 0, 1, 0], [], []>, transpose_lhs_hint = false} : vector<2000x128xf32>, vector<128x128xf32>, vector<2000x128xf32> -> vector<2000x128xf32>
    %get3A_203 = arith.constant 11 : index
    %get3A_204 = arith.constant 0 : index
    %get3A_205 = arith.constant 0 : index
    %get3A_206 = vector.load %arg37[%get3A_203, %get3A_204, %get3A_205] : memref<18x1x128xf32, #tpu.memory_space<vmem>>, vector<1x1x128xf32>
    %get3A_207 = vector.shape_cast %get3A_206 : vector<1x1x128xf32> to vector<1x128xf32>
    %add3A_208 = vector.broadcast %get3A_207 : vector<1x128xf32> to vector<2000x128xf32>
    %add3A_209 = arith.addf %dot_general3A_202, %add3A_208 : vector<2000x128xf32>
    %max3A_210 = arith.constant 0.000000e+00 : f32
    %max3A_211 = vector.broadcast %max3A_210 : f32 to vector<2000x128xf32>
    %max3A_212 = arith.maximumf %add3A_209, %max3A_211 : vector<2000x128xf32>
    %add3A_213 = arith.addf %add3A_178, %max3A_212 : vector<2000x128xf32>
    %get3A_214 = arith.constant 12 : index
    %get3A_215 = arith.constant 0 : index
    %get3A_216 = arith.constant 0 : index
    %get3A_217 = vector.load %arg37[%get3A_214, %get3A_215, %get3A_216] : memref<18x1x128xf32, #tpu.memory_space<vmem>>, vector<1x1x128xf32>
    %get3A_218 = vector.shape_cast %get3A_217 : vector<1x1x128xf32> to vector<1x128xf32>
    %get3A_219 = arith.constant 13 : index
    %get3A_220 = arith.constant 0 : index
    %get3A_221 = arith.constant 0 : index
    %get3A_222 = vector.load %arg37[%get3A_219, %get3A_220, %get3A_221] : memref<18x1x128xf32, #tpu.memory_space<vmem>>, vector<1x1x128xf32>
    %get3A_223 = vector.shape_cast %get3A_222 : vector<1x1x128xf32> to vector<1x128xf32>
    %broadcast_in_dim3A_224 = arith.constant 7.812500e-03 : f32
    %broadcast_in_dim3A_225 = vector.broadcast %broadcast_in_dim3A_224 : f32 to vector<128x128xf32>
    %dot_general3A_226 = arith.constant dense<0.000000e+00> : vector<2000x128xf32>
    %dot_general3A_227 = tpu.matmul %add3A_213, %broadcast_in_dim3A_225, %dot_general3A_226 {dimension_numbers = #tpu.dot_dimension_numbers<[1], [0], [0], [1], [0, 0, 1, 1], [], []>, transpose_lhs_hint = false} : vector<2000x128xf32>, vector<128x128xf32>, vector<2000x128xf32> -> vector<2000x128xf32>
    %mul3A_228 = arith.mulf %add3A_213, %add3A_213 : vector<2000x128xf32>
    %dot_general3A_229 = arith.constant dense<0.000000e+00> : vector<2000x128xf32>
    %dot_general3A_230 = tpu.matmul %mul3A_228, %broadcast_in_dim3A_225, %dot_general3A_229 {dimension_numbers = #tpu.dot_dimension_numbers<[1], [0], [0], [1], [0, 0, 1, 1], [], []>, transpose_lhs_hint = false} : vector<2000x128xf32>, vector<128x128xf32>, vector<2000x128xf32> -> vector<2000x128xf32>
    %sub3A_231 = arith.subf %add3A_213, %dot_general3A_227 : vector<2000x128xf32>
    %mul3A_232 = arith.mulf %dot_general3A_227, %dot_general3A_227 : vector<2000x128xf32>
    %sub3A_233 = arith.subf %dot_general3A_230, %mul3A_232 : vector<2000x128xf32>
    %add3A_234 = arith.constant 9.99999974E-6 : f32
    %add3A_235 = vector.broadcast %add3A_234 : f32 to vector<2000x128xf32>
    %add3A_236 = arith.addf %sub3A_233, %add3A_235 : vector<2000x128xf32>
    %rsqrt3A_237 = math.rsqrt %add3A_236 : vector<2000x128xf32>
    %mul3A_238 = arith.mulf %sub3A_231, %rsqrt3A_237 : vector<2000x128xf32>
    %mul3A_239 = vector.broadcast %get3A_218 : vector<1x128xf32> to vector<2000x128xf32>
    %mul3A_240 = arith.mulf %mul3A_238, %mul3A_239 : vector<2000x128xf32>
    %add3A_241 = vector.broadcast %get3A_223 : vector<1x128xf32> to vector<2000x128xf32>
    %add3A_242 = arith.addf %mul3A_240, %add3A_241 : vector<2000x128xf32>
    %get3A_243 = arith.constant 0 : index
    %get3A_244 = arith.constant 0 : index
    %get3A_245 = vector.load %arg35[%get3A_243, %get3A_244] : memref<128x256xf32, #tpu.memory_space<vmem>>, vector<128x128xf32>
    %get3A_246 = arith.constant 0 : index
    %get3A_247 = arith.constant 0 : index
    %get3A_248 = vector.load %arg34[%get3A_246, %get3A_247] : memref<128x128xf32, #tpu.memory_space<vmem>>, vector<128x128xf32>
    %dot_general3A_249 = arith.constant dense<0.000000e+00> : vector<128x128xf32>
    %dot_general3A_250 = tpu.matmul %get3A_245, %get3A_248, %dot_general3A_249 {dimension_numbers = #tpu.dot_dimension_numbers<[1], [0], [0], [1], [0, 0, 1, 1], [], []>, transpose_lhs_hint = false} : vector<128x128xf32>, vector<128x128xf32>, vector<128x128xf32> -> vector<128x128xf32>
    %get3A_251 = arith.constant 14 : index
    %get3A_252 = arith.constant 0 : index
    %get3A_253 = arith.constant 0 : index
    %get3A_254 = vector.load %arg37[%get3A_251, %get3A_252, %get3A_253] : memref<18x1x128xf32, #tpu.memory_space<vmem>>, vector<1x1x128xf32>
    %get3A_255 = vector.shape_cast %get3A_254 : vector<1x1x128xf32> to vector<1x128xf32>
    %get3A_256 = arith.constant 0 : index
    %get3A_257 = arith.constant 0 : index
    %get3A_258 = vector.load %arg35[%get3A_256, %get3A_257] : memref<128x256xf32, #tpu.memory_space<vmem>>, vector<128x128xf32>
    %dot_general3A_259 = arith.constant dense<0.000000e+00> : vector<1x128xf32>
    %dot_general3A_260 = tpu.matmul %get3A_255, %get3A_258, %dot_general3A_259 {dimension_numbers = #tpu.dot_dimension_numbers<[1], [1], [0], [0], [0, 0, 1, 0], [], []>, transpose_lhs_hint = false} : vector<1x128xf32>, vector<128x128xf32>, vector<1x128xf32> -> vector<1x128xf32>
    %get3A_261 = arith.constant 15 : index
    %get3A_262 = arith.constant 0 : index
    %get3A_263 = arith.constant 0 : index
    %get3A_264 = vector.load %arg37[%get3A_261, %get3A_262, %get3A_263] : memref<18x1x128xf32, #tpu.memory_space<vmem>>, vector<1x1x128xf32>
    %get3A_265 = vector.shape_cast %get3A_264 : vector<1x1x128xf32> to vector<1x128xf32>
    %add3A_266 = arith.addf %dot_general3A_260, %get3A_265 : vector<1x128xf32>
    %dot_general3A_267 = arith.constant dense<0.000000e+00> : vector<2000x128xf32>
    %dot_general3A_268 = tpu.matmul %add3A_178, %dot_general3A_250, %dot_general3A_267 {dimension_numbers = #tpu.dot_dimension_numbers<[1], [1], [0], [0], [0, 0, 1, 0], [], []>, transpose_lhs_hint = false} : vector<2000x128xf32>, vector<128x128xf32>, vector<2000x128xf32> -> vector<2000x128xf32>
    %get3A_269 = arith.constant 0 : index
    %get3A_270 = arith.constant 128 : index
    %get3A_271 = vector.load %arg35[%get3A_269, %get3A_270] : memref<128x256xf32, #tpu.memory_space<vmem>>, vector<128x128xf32>
    %dot_general3A_272 = arith.constant dense<0.000000e+00> : vector<2000x128xf32>
    %dot_general3A_273 = tpu.matmul %add3A_242, %get3A_271, %dot_general3A_272 {dimension_numbers = #tpu.dot_dimension_numbers<[1], [1], [0], [0], [0, 0, 1, 0], [], []>, transpose_lhs_hint = false} : vector<2000x128xf32>, vector<128x128xf32>, vector<2000x128xf32> -> vector<2000x128xf32>
    %add3A_274 = arith.addf %dot_general3A_268, %dot_general3A_273 : vector<2000x128xf32>
    %add3A_275 = vector.broadcast %add3A_266 : vector<1x128xf32> to vector<2000x128xf32>
    %add3A_276 = arith.addf %add3A_274, %add3A_275 : vector<2000x128xf32>
    %max3A_277 = arith.constant 0.000000e+00 : f32
    %max3A_278 = vector.broadcast %max3A_277 : f32 to vector<2000x128xf32>
    %max3A_279 = arith.maximumf %add3A_276, %max3A_278 : vector<2000x128xf32>
    %add3A_280 = arith.addf %add3A_242, %max3A_279 : vector<2000x128xf32>
    %get3A_281 = arith.constant 16 : index
    %get3A_282 = arith.constant 0 : index
    %get3A_283 = arith.constant 0 : index
    %get3A_284 = vector.load %arg37[%get3A_281, %get3A_282, %get3A_283] : memref<18x1x128xf32, #tpu.memory_space<vmem>>, vector<1x1x128xf32>
    %get3A_285 = vector.shape_cast %get3A_284 : vector<1x1x128xf32> to vector<1x128xf32>
    %get3A_286 = arith.constant 17 : index
    %get3A_287 = arith.constant 0 : index
    %get3A_288 = arith.constant 0 : index
    %get3A_289 = vector.load %arg37[%get3A_286, %get3A_287, %get3A_288] : memref<18x1x128xf32, #tpu.memory_space<vmem>>, vector<1x1x128xf32>
    %get3A_290 = vector.shape_cast %get3A_289 : vector<1x1x128xf32> to vector<1x128xf32>
    %broadcast_in_dim3A_291 = arith.constant 7.812500e-03 : f32
    %broadcast_in_dim3A_292 = vector.broadcast %broadcast_in_dim3A_291 : f32 to vector<128x128xf32>
    %dot_general3A_293 = arith.constant dense<0.000000e+00> : vector<2000x128xf32>
    %dot_general3A_294 = tpu.matmul %add3A_280, %broadcast_in_dim3A_292, %dot_general3A_293 {dimension_numbers = #tpu.dot_dimension_numbers<[1], [0], [0], [1], [0, 0, 1, 1], [], []>, transpose_lhs_hint = false} : vector<2000x128xf32>, vector<128x128xf32>, vector<2000x128xf32> -> vector<2000x128xf32>
    %mul3A_295 = arith.mulf %add3A_280, %add3A_280 : vector<2000x128xf32>
    %dot_general3A_296 = arith.constant dense<0.000000e+00> : vector<2000x128xf32>
    %dot_general3A_297 = tpu.matmul %mul3A_295, %broadcast_in_dim3A_292, %dot_general3A_296 {dimension_numbers = #tpu.dot_dimension_numbers<[1], [0], [0], [1], [0, 0, 1, 1], [], []>, transpose_lhs_hint = false} : vector<2000x128xf32>, vector<128x128xf32>, vector<2000x128xf32> -> vector<2000x128xf32>
    %sub3A_298 = arith.subf %add3A_280, %dot_general3A_294 : vector<2000x128xf32>
    %mul3A_299 = arith.mulf %dot_general3A_294, %dot_general3A_294 : vector<2000x128xf32>
    %sub3A_300 = arith.subf %dot_general3A_297, %mul3A_299 : vector<2000x128xf32>
    %add3A_301 = arith.constant 9.99999974E-6 : f32
    %add3A_302 = vector.broadcast %add3A_301 : f32 to vector<2000x128xf32>
    %add3A_303 = arith.addf %sub3A_300, %add3A_302 : vector<2000x128xf32>
    %rsqrt3A_304 = math.rsqrt %add3A_303 : vector<2000x128xf32>
    %mul3A_305 = arith.mulf %sub3A_298, %rsqrt3A_304 : vector<2000x128xf32>
    %mul3A_306 = vector.broadcast %get3A_285 : vector<1x128xf32> to vector<2000x128xf32>
    %mul3A_307 = arith.mulf %mul3A_305, %mul3A_306 : vector<2000x128xf32>
    %add3A_308 = vector.broadcast %get3A_290 : vector<1x128xf32> to vector<2000x128xf32>
    %add3A_309 = arith.addf %mul3A_307, %add3A_308 : vector<2000x128xf32>
    %reshape3A_310 = vector.shape_cast %add3A_309 : vector<2000x128xf32> to vector<20x100x128xf32>
    %swap3A = arith.constant 0 : index
    %swap3A_311 = arith.constant 0 : index
    %swap3A_312 = arith.constant 0 : index
    %swap3A_313 = arith.constant 0 : index
    %swap3A_314 = vector.load %arg39[%swap3A, %swap3A_311, %swap3A_312, %swap3A_313] : memref<1x20x100x128xf32, #tpu.memory_space<vmem>>, vector<1x20x100x128xf32>
    %swap3A_315 = vector.shape_cast %swap3A_314 : vector<1x20x100x128xf32> to vector<20x100x128xf32>
    %swap3A_316 = vector.shape_cast %reshape3A_310 : vector<20x100x128xf32> to vector<1x20x100x128xf32>
    tpu.vector_store %arg39[%swap3A, %swap3A_311, %swap3A_312, %swap3A_313], %swap3A_316 {strides = array<i32>} : memref<1x20x100x128xf32, #tpu.memory_space<vmem>>, vector<1x20x100x128xf32>,
    return
  }
  func.func @transform_0(%arg0: i32, %arg1: i32) -> (i32, i32, i32) {
    %c0_i32 = arith.constant 0 : i32
    %c0_i32_0 = arith.constant 0 : i32
    %c0_i32_1 = arith.constant 0 : i32
    return %arg0, %c0_i32, %c0_i32_0 : i32, i32, i32
  }
  func.func @transform_1(%arg0: i32, %arg1: i32) -> (i32, i32, i32) {
    %c0_i32 = arith.constant 0 : i32
    %c0_i32_0 = arith.constant 0 : i32
    %c0_i32_1 = arith.constant 0 : i32
    return %arg0, %c0_i32, %c0_i32_0 : i32, i32, i32
  }
  func.func @transform_2(%arg0: i32, %arg1: i32) -> (i32, i32, i32) {
    %c0_i32 = arith.constant 0 : i32
    %c0_i32_0 = arith.constant 0 : i32
    %c0_i32_1 = arith.constant 0 : i32
    return %arg0, %c0_i32, %c0_i32_0 : i32, i32, i32
  }
  func.func @transform_3(%arg0: i32, %arg1: i32) -> (i32, i32, i32) {
    %c0_i32 = arith.constant 0 : i32
    %c0_i32_0 = arith.constant 0 : i32
    %c0_i32_1 = arith.constant 0 : i32
    return %arg0, %c0_i32, %c0_i32_0 : i32, i32, i32
  }
  func.func @transform_4(%arg0: i32, %arg1: i32) -> (i32, i32, i32) {
    %c0_i32 = arith.constant 0 : i32
    %c0_i32_0 = arith.constant 0 : i32
    %c0_i32_1 = arith.constant 0 : i32
    return %arg0, %c0_i32, %c0_i32_0 : i32, i32, i32
  }
  func.func @transform_5(%arg0: i32, %arg1: i32) -> (i32, i32) {
    %c0_i32 = arith.constant 0 : i32
    %c0_i32_0 = arith.constant 0 : i32
    %c0_i32_1 = arith.constant 0 : i32
    return %c0_i32, %c0_i32_0 : i32, i32
  }
  func.func @transform_6(%arg0: i32, %arg1: i32) -> (i32, i32) {
    %c0_i32 = arith.constant 0 : i32
    %c0_i32_0 = arith.constant 0 : i32
    %c0_i32_1 = arith.constant 0 : i32
    return %c0_i32, %c0_i32_0 : i32, i32
  }
  func.func @transform_7(%arg0: i32, %arg1: i32) -> (i32, i32) {
    %c0_i32 = arith.constant 0 : i32
    %c0_i32_0 = arith.constant 0 : i32
    %c0_i32_1 = arith.constant 0 : i32
    return %c0_i32, %c0_i32_0 : i32, i32
  }
  func.func @transform_8(%arg0: i32, %arg1: i32) -> (i32, i32) {
    %c0_i32 = arith.constant 0 : i32
    %c0_i32_0 = arith.constant 0 : i32
    %c0_i32_1 = arith.constant 0 : i32
    return %c0_i32, %c0_i32_0 : i32, i32
  }
  func.func @transform_9(%arg0: i32, %arg1: i32) -> (i32, i32) {
    %c0_i32 = arith.constant 0 : i32
    %c0_i32_0 = arith.constant 0 : i32
    %c0_i32_1 = arith.constant 0 : i32
    return %c0_i32, %c0_i32_0 : i32, i32
  }
  func.func @transform_10(%arg0: i32, %arg1: i32) -> (i32, i32) {
    %c0_i32 = arith.constant 0 : i32
    %c0_i32_0 = arith.constant 0 : i32
    %c0_i32_1 = arith.constant 0 : i32
    return %c0_i32, %c0_i32_0 : i32, i32
  }
  func.func @transform_11(%arg0: i32, %arg1: i32) -> (i32, i32) {
    %c0_i32 = arith.constant 0 : i32
    %c0_i32_0 = arith.constant 0 : i32
    %c0_i32_1 = arith.constant 0 : i32
    return %c0_i32, %c0_i32_0 : i32, i32
  }
  func.func @transform_12(%arg0: i32, %arg1: i32) -> (i32, i32) {
    %c0_i32 = arith.constant 0 : i32
    %c0_i32_0 = arith.constant 0 : i32
    %c0_i32_1 = arith.constant 0 : i32
    return %c0_i32, %c0_i32_0 : i32, i32
  }
  func.func @transform_13(%arg0: i32, %arg1: i32) -> (i32, i32) {
    %c0_i32 = arith.constant 0 : i32
    %c0_i32_0 = arith.constant 0 : i32
    %c0_i32_1 = arith.constant 0 : i32
    return %c0_i32, %c0_i32_0 : i32, i32
  }
  func.func @transform_14(%arg0: i32, %arg1: i32) -> (i32, i32) {
    %c0_i32 = arith.constant 0 : i32
    %c0_i32_0 = arith.constant 0 : i32
    %c0_i32_1 = arith.constant 0 : i32
    return %c0_i32, %c0_i32_0 : i32, i32
  }
  func.func @transform_15(%arg0: i32, %arg1: i32) -> (i32, i32) {
    %c0_i32 = arith.constant 0 : i32
    %c0_i32_0 = arith.constant 0 : i32
    %c0_i32_1 = arith.constant 0 : i32
    return %c0_i32, %c0_i32_0 : i32, i32
  }
  func.func @transform_16(%arg0: i32, %arg1: i32) -> (i32, i32) {
    %c0_i32 = arith.constant 0 : i32
    %c0_i32_0 = arith.constant 0 : i32
    %c0_i32_1 = arith.constant 0 : i32
    return %c0_i32, %c0_i32_0 : i32, i32
  }
  func.func @transform_17(%arg0: i32, %arg1: i32) -> (i32, i32) {
    %c0_i32 = arith.constant 0 : i32
    %c0_i32_0 = arith.constant 0 : i32
    %c0_i32_1 = arith.constant 0 : i32
    return %c0_i32, %c0_i32_0 : i32, i32
  }
  func.func @transform_18(%arg0: i32, %arg1: i32) -> (i32, i32) {
    %c0_i32 = arith.constant 0 : i32
    %c0_i32_0 = arith.constant 0 : i32
    %c0_i32_1 = arith.constant 0 : i32
    return %c0_i32, %c0_i32_0 : i32, i32
  }
  func.func @transform_19(%arg0: i32, %arg1: i32) -> (i32, i32) {
    %c0_i32 = arith.constant 0 : i32
    %c0_i32_0 = arith.constant 0 : i32
    %c0_i32_1 = arith.constant 0 : i32
    return %c0_i32, %c0_i32_0 : i32, i32
  }
  func.func @transform_20(%arg0: i32, %arg1: i32) -> (i32, i32) {
    %c0_i32 = arith.constant 0 : i32
    %c0_i32_0 = arith.constant 0 : i32
    %c0_i32_1 = arith.constant 0 : i32
    return %c0_i32, %c0_i32_0 : i32, i32
  }
  func.func @transform_21(%arg0: i32, %arg1: i32) -> (i32, i32) {
    %c0_i32 = arith.constant 0 : i32
    %c0_i32_0 = arith.constant 0 : i32
    %c0_i32_1 = arith.constant 0 : i32
    return %c0_i32, %c0_i32_0 : i32, i32
  }
  func.func @transform_22(%arg0: i32, %arg1: i32) -> (i32, i32) {
    %c0_i32 = arith.constant 0 : i32
    %c0_i32_0 = arith.constant 0 : i32
    %c0_i32_1 = arith.constant 0 : i32
    return %c0_i32, %c0_i32_0 : i32, i32
  }
  func.func @transform_23(%arg0: i32, %arg1: i32) -> (i32, i32) {
    %c0_i32 = arith.constant 0 : i32
    %c0_i32_0 = arith.constant 0 : i32
    %c0_i32_1 = arith.constant 0 : i32
    return %c0_i32, %c0_i32_0 : i32, i32
  }
  func.func @transform_24(%arg0: i32, %arg1: i32) -> (i32, i32) {
    %c0_i32 = arith.constant 0 : i32
    %c0_i32_0 = arith.constant 0 : i32
    %c0_i32_1 = arith.constant 0 : i32
    return %c0_i32, %c0_i32_0 : i32, i32
  }
  func.func @transform_25(%arg0: i32, %arg1: i32) -> (i32, i32) {
    %c0_i32 = arith.constant 0 : i32
    %c0_i32_0 = arith.constant 0 : i32
    %c0_i32_1 = arith.constant 0 : i32
    return %c0_i32, %c0_i32_0 : i32, i32
  }
  func.func @transform_26(%arg0: i32, %arg1: i32) -> (i32, i32) {
    %c0_i32 = arith.constant 0 : i32
    %c0_i32_0 = arith.constant 0 : i32
    %c0_i32_1 = arith.constant 0 : i32
    return %c0_i32, %c0_i32_0 : i32, i32
  }
  func.func @transform_27(%arg0: i32, %arg1: i32) -> (i32, i32) {
    %c0_i32 = arith.constant 0 : i32
    %c0_i32_0 = arith.constant 0 : i32
    %c0_i32_1 = arith.constant 0 : i32
    return %c0_i32, %c0_i32_0 : i32, i32
  }
  func.func @transform_28(%arg0: i32, %arg1: i32) -> (i32, i32) {
    %c0_i32 = arith.constant 0 : i32
    %c0_i32_0 = arith.constant 0 : i32
    %c0_i32_1 = arith.constant 0 : i32
    return %c0_i32, %c0_i32_0 : i32, i32
  }
  func.func @transform_29(%arg0: i32, %arg1: i32) -> (i32, i32) {
    %c0_i32 = arith.constant 0 : i32
    %c0_i32_0 = arith.constant 0 : i32
    %c0_i32_1 = arith.constant 0 : i32
    return %c0_i32, %c0_i32_0 : i32, i32
  }
  func.func @transform_30(%arg0: i32, %arg1: i32) -> (i32, i32) {
    %c0_i32 = arith.constant 0 : i32
    %c0_i32_0 = arith.constant 0 : i32
    %c0_i32_1 = arith.constant 0 : i32
    return %c0_i32, %c0_i32_0 : i32, i32
  }
  func.func @transform_31(%arg0: i32, %arg1: i32) -> (i32, i32) {
    %c0_i32 = arith.constant 0 : i32
    %c0_i32_0 = arith.constant 0 : i32
    %c0_i32_1 = arith.constant 0 : i32
    return %c0_i32, %c0_i32_0 : i32, i32
  }
  func.func @transform_32(%arg0: i32, %arg1: i32) -> (i32, i32) {
    %c0_i32 = arith.constant 0 : i32
    %c0_i32_0 = arith.constant 0 : i32
    %c0_i32_1 = arith.constant 0 : i32
    return %c0_i32, %c0_i32_0 : i32, i32
  }
  func.func @transform_33(%arg0: i32, %arg1: i32) -> (i32, i32) {
    %c0_i32 = arith.constant 0 : i32
    %c0_i32_0 = arith.constant 0 : i32
    %c0_i32_1 = arith.constant 0 : i32
    return %c0_i32, %c0_i32_0 : i32, i32
  }
  func.func @transform_34(%arg0: i32, %arg1: i32) -> (i32, i32, i32) {
    %c0_i32 = arith.constant 0 : i32
    %c0_i32_0 = arith.constant 0 : i32
    %c0_i32_1 = arith.constant 0 : i32
    %c0_i32_2 = arith.constant 0 : i32
    return %c0_i32, %c0_i32_0, %c0_i32_1 : i32, i32, i32
  }
  func.func @transform_35(%arg0: i32, %arg1: i32) -> (i32, i32, i32) {
    %c0_i32 = arith.constant 0 : i32
    %c0_i32_0 = arith.constant 0 : i32
    %c0_i32_1 = arith.constant 0 : i32
    %c0_i32_2 = arith.constant 0 : i32
    return %c0_i32, %c0_i32_0, %c0_i32_1 : i32, i32, i32
  }
  func.func @transform_36(%arg0: i32, %arg1: i32) -> (i32, i32, i32) {
    %c0_i32 = arith.constant 0 : i32
    %c0_i32_0 = arith.constant 0 : i32
    %c0_i32_1 = arith.constant 0 : i32
    return %arg0, %c0_i32, %c0_i32_0 : i32, i32, i32
  }
  func.func @transform_37(%arg0: i32, %arg1: i32) -> (i32, i32, i32, i32) {
    %c0_i32 = arith.constant 0 : i32
    %c0_i32_0 = arith.constant 0 : i32
    %c0_i32_1 = arith.constant 0 : i32
    return %arg0, %arg1, %c0_i32, %c0_i32_0 : i32, i32, i32, i32
  }
}

</mosaic_0001>

<sc_bundles>
// kernel: kernel.4.cloned.1.call-start
scs
__scs_entry_jumppad:
0x0: {  	(pc) =	sbr.rel $0x88, $3  }
0x1: {  	(tag) =	ssettag $0x0;
	lr =	simm.s32 $0x1  }
0x2: {  	[smem:$0x3F50] =	sst lr;
	_ =	strace $0xD0000000  }
0x3: {  	_ = 	snop  }
0x4: {  	_ = 	snop  }
0x5: {  	_ = 	snop  }
0x6: {  	_ = 	snop  }
0x7: {  	_ = 	snop  }
__scs_overlays_trampoline_lowered:
0x8: {  	[smem:$0x3F5F] =	sst s0  }
0x9: {  	[smem:$0x3F60] =	sst s1  }
0xa: {  	[smem:$0x3F61] =	sst s2  }
0xb: {  	[smem:$0x3F62] =	sst s3  }
0xc: {  	[smem:$0x3F63] =	sst s4  }
0xd: {  	[smem:$0x3F64] =	sst s5  }
0xe: {  	[smem:$0x3F65] =	sst s6  }
0xf: {  	[smem:$0x3F66] =	sst s7  }
0x10: {  	[smem:$0x3F67] =	sst s8  }
0x11: {  	[smem:$0x3F68] =	sst s9;
	s0 =	simm.s32 @!p0 $0x0  }
0x12: {  	s1 =	sld [smem:$0x3F4E];
	s0 =	simm.s32 @p0 $0x1  }
0x13: {  	[smem:$0x3F69] =	sst s0;
	s0 =	simm.s32 @!p1 $0x0  }
0x14: {  	s2 =	sld [smem:$0x3F4D];
	s0 =	simm.s32 @p1 $0x1  }
0x15: {  	[smem:$0x3F6A] =	sst s0;
	s0 =	simm.s32 @!p2 $0x0  }
0x16: {  	s3 =	sld [smem:$0x3FDB];
	s0 =	simm.s32 @p2 $0x1  }
0x17: {  	s4 =	simm.s32 $0x1BF5;
	[smem:$0x3F6C] =	sst s0  }
0x18: {  	s0 =	sld [smem:$0x3F4F];
	_ =	swait.ge [sflag:s4], $0x0  }
0x19: {  	s7 =	sld [smem:$0x3F50]  }
0x1a: {  	s8 =	sadd.s32 $0xFFFFE003, lr  }
0x1b: {  	s9 =	sadd.s32 $0xFFFFFEF7, lr;
	s5 =	simm.s32 $0xFFFFFFFF;
	p2 =	slt.u32 s8, $0xFFFFF086  }
0x1c: {  	p1 =	slt.u32 s9, $0xF7A;
	s5 =	simm.s32 @!p2 $0x0  }
0x1d: {  	s5 =	simm.s32 @p1 $0x1;
	p0 =	seq.s32 s7, s2  }
0x1e: {  	s7 =	smul.u32 @!p0 $0xF7A, s2;
	p2 =	seq.s32 @!p0 s5, $0x0  }
0x1f: {  	s9 =	smul.u32 $0xF7A, s1;
	s8 =	simm.s32 @!p0 $0x1BF5;
	p2 =	por !p2, p0  }
0x20: {  	[sflag:s8] =	ssyncset.s32 @!p0 $0xFFFFF086;
	s6 =	sadd.s32 @!p0 s3, s7;
	s7 =	simm.s32 @!p0 $0x108  }
0x21: {  	s3 =	sadd.s32 s3, s9;
	s6 =	sadd.s32 @!p0 $0x88, s6;
	s7 =	simm.s32 @p2 $0x1082  }
0x22: {  	[simem:s7], [sflag:s8] =	dma.local @!p0 [hbm:s6], $0xF7A  }
0x23: {  	s9 =	sor.u32 $0xD0000000, s2;
	s6 =	simm.s32 $0x108;
	_ =	swait.ge @!p0 [sflag:s8], $0x0  }
0x24: {  	s3 =	sadd.s32 $0x88, s3;
	s6 =	simm.s32 @!p1 $0x1082;
	[sflag:s4] =	ssyncset.s32 $0xFFFFF086  }
0x25: {  	[simem:s6], [sflag:s4] =	dma.local [hbm:s3], $0xF7A  }
0x26: {  	[smem:$0x3F50] =	sst s1;
	(tag) =	ssettag s2;
	_ =	strace s9  }
0x27: {  	s1 =	sld [smem:$0x3F60]  }
0x28: {  	s2 =	sld [smem:$0x3F61]  }
0x29: {  	s4 =	sld [smem:$0x3F63]  }
0x2a: {  	p0 =	seq.s32 s5, $0x0;
	s5 =	sld [smem:$0x3F64]  }
0x2b: {  	s6 =	sld [smem:$0x3F65]  }
0x2c: {  	s7 =	sld [smem:$0x3F66]  }
0x2d: {  	s3 =	simm.s32 $0x108;
	s8 =	sld [smem:$0x3F67]  }
0x2e: {  	s3 =	simm.s32 @!p0 $0x1082;
	s9 =	sld [smem:$0x3F68]  }
0x2f: {  	lr =	sadd.s32 s0, s3;
	s0 =	sld [smem:$0x3F5F]  }
0x30: {  	s3 =	sld [smem:$0x3F62]  }
0x31: {  	[smem:$0x3F6B] =	sst s10  }
0x32: {  	s10 =	sld [smem:$0x3F69];
	_ =	sdelay $0x3  }
0x33: {  	p0 =	seq.s32 s10, $0x1;
	s10 =	sld [smem:$0x3F6B];
	_ =	sdelay $0x3  }
0x34: {  	[smem:$0x3F6B] =	sst s10  }
0x35: {  	s10 =	sld [smem:$0x3F6A];
	_ =	sdelay $0x3  }
0x36: {  	p1 =	seq.s32 s10, $0x1;
	s10 =	sld [smem:$0x3F6B];
	_ =	sdelay $0x3  }
0x37: {  	[smem:$0x3F6B] =	sst s10  }
0x38: {  	s10 =	sld [smem:$0x3F6C]  }
0x39: {  	_ = 	snop;
	(pc) =	sbr.ind lr, $3  }
0x3a: {  	_ = 	snop  }
0x3b: {  	_ = 	snop  }
0x3c: {  	p2 =	seq.s32 s10, $0x1;
	s10 =	sld [smem:$0x3F6B]  }
0x3d: {  	_ =	shalt  }
0x3e: {  	_ =	shalt  }
0x3f: {  	_ =	shalt  }
0x40: {  	_ =	shalt  }
0x41: {  	_ =	shalt  }
0x42: {  	_ =	shalt  }
0x43: {  	_ =	shalt  }
0x44: {  	_ =	shalt  }
0x45: {  	_ =	shalt  }
0x46: {  	_ =	shalt  }
0x47: {  	_ =	shalt  }
0x48: {  	_ =	shalt  }
0x49: {  	_ =	shalt  }
0x4a: {  	_ =	shalt  }
0x4b: {  	_ =	shalt  }
0x4c: {  	_ =	shalt  }
0x4d: {  	_ =	shalt  }
0x4e: {  	_ =	shalt  }
0x4f: {  	_ =	shalt  }
0x50: {  	_ =	shalt  }
0x51: {  	_ =	shalt  }
0x52: {  	_ =	shalt  }
0x53: {  	_ =	shalt  }
0x54: {  	_ =	shalt  }
0x55: {  	_ =	shalt  }
0x56: {  	_ =	shalt  }
0x57: {  	_ =	shalt  }
0x58: {  	_ =	shalt  }
0x59: {  	_ =	shalt  }
0x5a: {  	_ =	shalt  }
0x5b: {  	_ =	shalt  }
0x5c: {  	_ =	shalt  }
0x5d: {  	_ =	shalt  }
0x5e: {  	_ =	shalt  }
0x5f: {  	_ =	shalt  }
0x60: {  	_ =	shalt  }
0x61: {  	_ =	shalt  }
0x62: {  	_ =	shalt  }
0x63: {  	_ =	shalt  }
0x64: {  	_ =	shalt  }
0x65: {  	_ =	shalt  }
0x66: {  	_ =	shalt  }
0x67: {  	_ =	shalt  }
0x68: {  	_ =	shalt  }
0x69: {  	_ =	shalt  }
0x6a: {  	_ =	shalt  }
0x6b: {  	_ =	shalt  }
0x6c: {  	_ =	shalt  }
0x6d: {  	_ =	shalt  }
0x6e: {  	_ =	shalt  }
0x6f: {  	_ =	shalt  }
0x70: {  	_ =	shalt  }
0x71: {  	_ =	shalt  }
0x72: {  	_ =	shalt  }
0x73: {  	_ =	shalt  }
0x74: {  	_ =	shalt  }
0x75: {  	_ =	shalt  }
0x76: {  	_ =	shalt  }
0x77: {  	_ =	shalt  }
0x78: {  	_ =	shalt  }
0x79: {  	_ =	shalt  }
0x7a: {  	_ =	shalt  }
0x7b: {  	_ =	shalt  }
0x7c: {  	_ =	shalt  }
0x7d: {  	_ =	shalt  }
0x7e: {  	_ =	shalt  }
0x7f: {  	_ =	shalt  }
0x80: {  	_ =	shalt  }
0x81: {  	_ =	shalt  }
0x82: {  	_ =	shalt  }
0x83: {  	_ =	shalt  }
0x84: {  	_ =	shalt  }
0x85: {  	_ =	shalt  }
0x86: {  	_ =	shalt  }
0x87: {  	_ =	shalt  }
.Lfunc_end0:
.L_simem_size_0:
called_computation_lowered:
.L_overlay_start_0:
0x88: {  	s2 =	sld [smem:$0x3FD9]  }
0x89: {  	s3 =	sld [smem:$0x3FFE];
	_ =	sdelay $0x1  }
0x8a: {  	s1 =	srdreg.scid  }
0x8b: {  	s0 =	sand.u32 $0x1, s1  }
0x8c: {  	s14 =	sshll.u32 s0, $0xA;
	s2 =	sadd.s32 s3, s2  }
0x8d: {  	s2 =	sadd.s32 s2, s14  }
0x8e: {  	[smem:$0x3F77] =	sst s2  }
0x8f: {  	_ = 	snop  }
0x90: {  	s2 =	sld [smem:$0x3FD0];
	_ =	sdelay $0x2  }
0x91: {  	s15 =	simm.s32 $0xA;
	s4 =	simm.s32 $0x10  }
0x92: {  	[smem:s4], [sflag:s15] =	dma.local [hbm:s2], $0x1  }
0x93: {  	_ =	swait.eq [sflag:s15], $0x1  }
0x94: {  	[sflag:s15] =	ssyncset.done $0x0  }
0x95: {  	[sflag:s15] =	ssyncadd.s32 $0xFFFFFFFF  }
0x96: {  	s16 =	sld [smem:$0x11];
	(tm) =	ssettm $0x1  }
0x97: {  	s17 =	sld [smem:$0x3FFB];
	_ =	sdelay $0x3  }
0x98: {  	_ =	strace s17  }
0x99: {  	s3 =	sld [smem:$0x3FFC];
	_ =	sdelay $0x3  }
0x9a: {  	_ =	strace s3  }
0x9b: {  	s3 =	sld [smem:$0x3FFD];
	_ =	sdelay $0x3  }
0x9c: {  	_ =	strace s3  }
0x9d: {  	_ =	strace $0x8FFFFFFF  }
0x9e: {  	s18 =	sld [smem:$0x3FDB];
	_ =	sdelay $0x1  }
0x9f: {  	s19 =	simm.s32 $_scs_section_size  }
0xa0: {  	s5 =	simm.s32 $_size__tile_overlayer_lowered;
	s6 =	simm.s32 $_tile_overlayer_lowered  }
0xa1: {  	s22 =	simm.s32 $0x1BFF;
	s21 =	sshll.u32 s6, $0x1;
	s3 =	sadd.s32 s19, s18  }
0xa2: {  	s7 =	simm.s32 $0x0;
	s20 =	sshll.u32 s5, $0x1;
	s5 =	sadd.s32 s21, s3  }
0xa3: {  	[timem:s7], [sflag:s22] =	dma.local [hbm:s5], s20  }
0xa4: {  	_ =	swait.ge [sflag:s22], s20  }
0xa5: {  	s4 =	ssub.s32 $0x0, s20;
	[sflag:s22] =	ssyncset.done $0x0  }
0xa6: {  	[sflag:s22] =	ssyncadd.s32 s4;
	_ =	sdelay $0x1  }
0xa7: {  	s23 =	simm.s32 $0x1B8B  }
0xa8: {  	_ =	swait.ge [sflag:s23], $0x1  }
0xa9: {  	[sflag:s23] =	ssyncset.done $0x0  }
0xaa: {  	s25 =	simm.s32 $0x1B8E;
	s24 =	sld [smem:$0x3FFE];
	[sflag:s23] =	ssyncadd.s32 $0xFFFFFFFF  }
0xab: {  	s26 =	simm.s32 $execute0_lowered;
	[smem:$0x3FD2] =	sst s25  }
0xac: {  	s5 =	sshll.u32 s26, $0x1;
	_ =	strace $0x80000046;
	[dreg:$0x1] =	wrdreg $0xFFFFFFFF  }
0xad: {  	s28 =	simm.s32 $_size_execute0_lowered;
	s3 =	sadd.s32 s3, s5;
	[dreg:$0x0] =	wrdreg $0x0  }
0xae: {  	s5 =	sshll.u32 s28, $0x1;
	[dreg:$0x2] =	wrdreg s3  }
0xaf: {  	[dreg:$0x3] =	wrdreg s5  }
0xb0: {  	[dreg:$0x4] =	wrdreg $0xC0  }
0xb1: {  	_ =	task [dreg:s7], $0x5FFFF  }
0xb2: {  	[dreg:$0x1] =	wrdreg $0xFFFFFFFF  }
0xb3: {  	[dreg:$0x0] =	wrdreg $0x60  }
0xb4: {  	[dreg:$0x2] =	wrdreg s16  }
0xb5: {  	[dreg:$0x3] =	wrdreg s24  }
0xb6: {  	[dreg:$0x4] =	wrdreg $0x9  }
0xb7: {  	_ =	task.clear_ibuf [dreg:s7], $0x5FFFF;
	_ =	strace $0x90000046  }
0xb8: {  	s29 =	simm.s32 $0x9;
	_ =	strace $0x80000048  }
0xb9: {  	_ =	swait.ge [sflag:s29], $0x1  }
0xba: {  	[sflag:s29] =	ssyncadd.s32 $0xFFFFFFFF  }
0xbb: {  	_ =	strace $0x90000048  }
0xbc: {  	_ =	sfence  }
0xbd: {  	s30 =	sld [smem:$0x0];
	_ =	sdelay $0x2  }
0xbe: {  	s31 =	sshll.u32 s1, $0xD;
	s1 =	sshrl.u32 s1, $0x2  }
0xbf: {  	s3 =	sand.u32 $0x4000, s31;
	s1 =	sadd.s32 s1, s30  }
0xc0: {  	s0 =	sor.u32 s3, s0;
	s1 =	sshll.u32 s1, $0x11  }
0xc1: {  	s0 =	sor.u32 s1, s0  }
0xc2: {  	s0 =	sadd.s32 $0x8F2B, s0  }
0xc3: {  	[sflag:s0] =	ssyncadd.remote.s32 $0x1  }
0xc4: {  	_ =	sfence.sel $0xFFFF  }
0xc5: {  	[dreg:$0x0] =	wrdreg $0xFFFFFFFF;
	(pc) =	sbr.abs _section_cstart, $3  }
0xc6: {  	[dreg:$0x1] =	wrdreg $0xFFFFFFFF  }
0xc7: {  	_ =	task.clear_ibuf [dreg:s7], $0x2FFFF;
	_ =	strace $0x9FFFFFFF  }
0xc8: {  	(tm) =	ssettm $0x7FFFFFFF  }
0xc9: {  	_ =	shalt  }
tec
execute0_lowered:
.L_overlay_start_1:
0x0: {  	(tag) =	ssettag $0x1  }
0x1: {  	v0 =	vimm.f32 $1.500000000e+01;
	vm14 =	vcmask $0x300  }
0x2: {  	vm13 =	vcmask $0x704;
	vm12 =	vcmask $0xB08;
	vm11 =	vcmask $0xF0C  }
0x3: {  	vm10 =	vcmask $0x1310;
	vm9 =	vcmask $0x1714;
	vm8 =	vcmask $0x1B18  }
0x4: {  	vm7 =	vcmask $0x1F1C;
	vm6 =	vcmask $0x2320;
	vm5 =	vcmask $0x2724  }
0x5: {  	vm4 =	vcmask $0x2B28;
	vm3 =	vcmask $0x2F2C;
	vm2 =	vcmask $0x3330  }
0x6: {  	vm0 =	vcmask $0x3734;
	vm1 =	vcmask $0x3B38;
	v1 =	vimm.f32 $3.100000000e+01  }
0x7: {  	v2 =	vimm.f32 $4.700000000e+01;
	v3 =	vimm.f32 $6.300000000e+01;
	v4 =	vimm.f32 $7.900000000e+01  }
0x8: {  	v5 =	vimm.f32 $9.500000000e+01;
	v6 =	vimm.f32 $1.110000000e+02;
	v7 =	vimm.f32 $0.0e+00  }
0x9: {  	v0 =	vsel vm14, $0x0, v0;
	v1 =	vsel vm14, $0x41800000, v1;
	v2 =	vsel vm14, $0x42000000, v2  }
0xa: {  	v3 =	vsel vm14, $0x42400000, v3;
	v4 =	vsel vm14, $0x42800000, v4;
	v5 =	vsel vm14, $0x42A00000, v5  }
0xb: {  	v6 =	vsel vm14, $0x42C00000, v6;
	v0 =	vsel vm13, $0x3F800000, v0;
	v1 =	vsel vm13, $0x41880000, v1  }
0xc: {  	v2 =	vsel vm13, $0x42040000, v2;
	v3 =	vsel vm13, $0x42440000, v3;
	v4 =	vsel vm13, $0x42820000, v4  }
0xd: {  	v5 =	vsel vm13, $0x42A20000, v5;
	v6 =	vsel vm13, $0x42C20000, v6;
	v0 =	vsel vm12, $0x40000000, v0  }
0xe: {  	v1 =	vsel vm12, $0x41900000, v1;
	v2 =	vsel vm12, $0x42080000, v2;
	v3 =	vsel vm12, $0x42480000, v3  }
0xf: {  	v4 =	vsel vm12, $0x42840000, v4;
	v5 =	vsel vm12, $0x42A40000, v5;
	v6 =	vsel vm12, $0x42C40000, v6  }
0x10: {  	v0 =	vsel vm11, $0x40400000, v0;
	v1 =	vsel vm11, $0x41980000, v1;
	v2 =	vsel vm11, $0x420C0000, v2  }
0x11: {  	v3 =	vsel vm11, $0x424C0000, v3;
	v4 =	vsel vm11, $0x42860000, v4;
	v5 =	vsel vm11, $0x42A60000, v5  }
0x12: {  	v6 =	vsel vm11, $0x42C60000, v6;
	v0 =	vsel vm10, $0x40800000, v0;
	v1 =	vsel vm10, $0x41A00000, v1  }
0x13: {  	v2 =	vsel vm10, $0x42100000, v2;
	v3 =	vsel vm10, $0x42500000, v3;
	v4 =	vsel vm10, $0x42880000, v4  }
0x14: {  	v5 =	vsel vm10, $0x42A80000, v5;
	v6 =	vsel vm10, $0x42C80000, v6;
	v0 =	vsel vm9, $0x40A00000, v0  }
0x15: {  	v1 =	vsel vm9, $0x41A80000, v1;
	v2 =	vsel vm9, $0x42140000, v2;
	v3 =	vsel vm9, $0x42540000, v3  }
0x16: {  	v4 =	vsel vm9, $0x428A0000, v4;
	v5 =	vsel vm9, $0x42AA0000, v5;
	v6 =	vsel vm9, $0x42CA0000, v6  }
0x17: {  	v0 =	vsel vm8, $0x40C00000, v0;
	v1 =	vsel vm8, $0x41B00000, v1;
	v2 =	vsel vm8, $0x42180000, v2  }
0x18: {  	v3 =	vsel vm8, $0x42580000, v3;
	v4 =	vsel vm8, $0x428C0000, v4;
	v5 =	vsel vm8, $0x42AC0000, v5  }
0x19: {  	v6 =	vsel vm8, $0x42CC0000, v6;
	v0 =	vsel vm7, $0x40E00000, v0;
	v1 =	vsel vm7, $0x41B80000, v1  }
0x1a: {  	v2 =	vsel vm7, $0x421C0000, v2;
	v3 =	vsel vm7, $0x425C0000, v3;
	v4 =	vsel vm7, $0x428E0000, v4  }
0x1b: {  	v5 =	vsel vm7, $0x42AE0000, v5;
	v6 =	vsel vm7, $0x42CE0000, v6;
	v0 =	vsel vm6, $0x41000000, v0  }
0x1c: {  	v1 =	vsel vm6, $0x41C00000, v1;
	v2 =	vsel vm6, $0x42200000, v2;
	v3 =	vsel vm6, $0x42600000, v3  }
0x1d: {  	v4 =	vsel vm6, $0x42900000, v4;
	v5 =	vsel vm6, $0x42B00000, v5;
	v6 =	vsel vm6, $0x42D00000, v6  }
0x1e: {  	v0 =	vsel vm5, $0x41100000, v0;
	v1 =	vsel vm5, $0x41C80000, v1;
	v2 =	vsel vm5, $0x42240000, v2  }
0x1f: {  	v3 =	vsel vm5, $0x42640000, v3;
	v4 =	vsel vm5, $0x42920000, v4;
	v5 =	vsel vm5, $0x42B20000, v5  }
0x20: {  	v6 =	vsel vm5, $0x42D20000, v6;
	v0 =	vsel vm4, $0x41200000, v0;
	v1 =	vsel vm4, $0x41D00000, v1  }
0x21: {  	v2 =	vsel vm4, $0x42280000, v2;
	v3 =	vsel vm4, $0x42680000, v3;
	v4 =	vsel vm4, $0x42940000, v4  }
0x22: {  	v5 =	vsel vm4, $0x42B40000, v5;
	v6 =	vsel vm4, $0x42D40000, v6;
	v0 =	vsel vm3, $0x41300000, v0  }
0x23: {  	s1 =	srdreg.scid;
	s4 =	rddreg [dreg:$0x0];
	v1 =	vsel vm3, $0x41D80000, v1;
	v2 =	vsel vm3, $0x422C0000, v2;
	v3 =	vsel vm3, $0x426C0000, v3  }
0x24: {  	s0 =	stileid.u32;
	s6 =	rddreg [dreg:$0x1];
	v4 =	vsel vm3, $0x42960000, v4;
	v5 =	vsel vm3, $0x42B60000, v5;
	v6 =	vsel vm3, $0x42D60000, v6  }
0x25: {  	s2 =	simm.s32 $0x0;
	s9 =	simm.s32 $0x1000;
	s10 =	simm.s32 $0x2000;
	v0 =	vsel vm2, $0x41400000, v0;
	v1 =	vsel vm2, $0x41E00000, v1;
	v2 =	vsel vm2, $0x42300000, v2  }
0x26: {  	s11 =	simm.s32 $0x0;
	s5 =	sand.u32 $0x1, s1;
	s3 =	sshll.u32 s0, $0x6;
	v3 =	vsel vm2, $0x42700000, v3;
	v4 =	vsel vm2, $0x42980000, v4;
	v5 =	vsel vm2, $0x42B80000, v5  }
0x27: {  	s1 =	rddreg [dreg:$0x2];
	s7 =	sshll.u32 s5, $0x5;
	s5 =	ssub.s32 $0x2, s5;
	v6 =	vsel vm2, $0x42D80000, v6;
	v0 =	vsel vm0, $0x41500000, v0;
	v1 =	vsel vm0, $0x41E80000, v1  }
0x28: {  	[smem:$0x7FF] =	sst s2;
	s3 =	sor.u32 s7, s3;
	s8 =	sshrl.u32 s5, $0x1;
	v2 =	vsel vm0, $0x42340000, v2;
	v3 =	vsel vm0, $0x42740000, v3;
	v4 =	vsel vm0, $0x429A0000, v4  }
0x29: {  	_ =	strace $0x80000047;
	s7 =	sshll.u32 s3, $0x4;
	s8 =	ssub.s32 s5, s8;
	v5 =	vsel vm0, $0x42BA0000, v5;
	v6 =	vsel vm0, $0x42DA0000, v6;
	v0 =	vsel vm1, $0x41600000, v0  }
0x2a: {  	s6 =	sadd.s32 s7, s6;
	s4 =	sadd.s32 s4, s7;
	s7 =	smax.u32 s8, $0x1;
	v1 =	vsel vm1, $0x41F00000, v1;
	v2 =	vsel vm1, $0x42380000, v2;
	v3 =	vsel vm1, $0x42780000, v3  }
0x2b: {  	s8 =	simm.s32 $0x1;
	s5 =	sadd.s32 $0x4400, s6;
	s6 =	sadd.s32 $0x8400, s6;
	v4 =	vsel vm1, $0x429C0000, v4;
	v5 =	vsel vm1, $0x42BC0000, v5;
	v6 =	vsel vm1, $0x42DC0000, v6  }
.LBB2_1:
0x2c: {  	[tilespmem:s2], [sflag:$0x1] =	stream.linear.gather [hbm4b:s4+s2], $0x1000, $0x38;
	[tilespmem:$0x3080] =	vst v63  }
0x2d: {  	_ =	swait.ge [sflag:s8], $0x1000  }
0x2e: {  	[sflag:s8] =	ssyncset.done $0x0  }
0x2f: {  	s12 =	smov.u32 s3;
	s13 =	simm.s32 $0x0;
	[sflag:s8] =	ssyncadd.s32 $0xFFFFF000  }
.LBB2_2:
0x30: {  	s14 =	sshra.s32 s13, $0x2  }
0x31: {  	v8 =	vld [tilespmem:s14+$0x0]  }
0x32: {  	v9 =	vld [tilespmem:s14+$0x10]  }
0x33: {  	v10 =	vld [tilespmem:s14+$0x20]  }
0x34: {  	v11 =	vld [tilespmem:s14+$0x30]  }
0x35: {  	v12 =	vld [tilespmem:s14+$0x40]  }
0x36: {  	v13 =	vld [tilespmem:s14+$0x50]  }
0x37: {  	v14 =	vld [tilespmem:s14+$0x60];
	v15 =	vmin.f32 v8, v9  }
0x38: {  	v15 =	vmin.f32 v15, v10  }
0x39: {  	v15 =	vmin.f32 v15, v11  }
0x3a: {  	v15 =	vmin.f32 v15, v12  }
0x3b: {  	v15 =	vmin.f32 v15, v13  }
0x3c: {  	v15 =	vmin.f32 v15, v14  }
0x3d: {  	[tilespmem:$0x3000] =	vst v15  }
0x3e: {  	[tilespmem:$0x3010] =	vst v15  }
0x3f: {  	v16 =	vld [tilespmem:$0x3008];
	_ =	sdelay $0x4  }
0x40: {  	v15 =	vmin.f32 v15, v16  }
0x41: {  	[tilespmem:$0x3000] =	vst v15  }
0x42: {  	[tilespmem:$0x3010] =	vst v15  }
0x43: {  	v37 =	vld [tilespmem:$0x3004];
	_ =	sdelay $0x4  }
0x44: {  	v15 =	vmin.f32 v15, v37  }
0x45: {  	[tilespmem:$0x3000] =	vst v15  }
0x46: {  	[tilespmem:$0x3010] =	vst v15  }
0x47: {  	v38 =	vld [tilespmem:$0x3002];
	_ =	sdelay $0x4  }
0x48: {  	v15 =	vmin.f32 v15, v38  }
0x49: {  	[tilespmem:$0x3000] =	vst v15  }
0x4a: {  	[tilespmem:$0x3010] =	vst v15  }
0x4b: {  	v39 =	vld [tilespmem:$0x3001];
	_ =	sdelay $0x4  }
0x4c: {  	v15 =	vmin.f32 v15, v39  }
0x4d: {  	vm0 =	veq.f32 v8, v15;
	vm1 =	veq.f32 v9, v15  }
0x4e: {  	vm10 =	veq.f32 v10, v15;
	v40 =	vnsel vm0, $0x4E6E6B28, v0;
	v17 =	vnsel vm1, $0x4E6E6B28, v1  }
0x4f: {  	vm11 =	veq.f32 v11, v15;
	v41 =	vnsel vm10, $0x4E6E6B28, v2;
	v16 =	vmin.f32 v40, v17  }
0x50: {  	vm12 =	veq.f32 v12, v15;
	v42 =	vnsel vm11, $0x4E6E6B28, v3;
	v16 =	vmin.f32 v16, v41  }
0x51: {  	vm13 =	veq.f32 v13, v15;
	v43 =	vnsel vm12, $0x4E6E6B28, v4;
	v16 =	vmin.f32 v16, v42  }
0x52: {  	vm14 =	veq.f32 v14, v15;
	v44 =	vnsel vm13, $0x4E6E6B28, v5;
	v16 =	vmin.f32 v16, v43  }
0x53: {  	v46 =	vnsel vm14, $0x4E6E6B28, v6;
	v45 =	vmin.f32 v16, v44  }
0x54: {  	v15 =	vmin.f32 v45, v46  }
0x55: {  	[tilespmem:$0x3000] =	vst v15  }
0x56: {  	[tilespmem:$0x3010] =	vst v15  }
0x57: {  	v47 =	vld [tilespmem:$0x3008];
	_ =	sdelay $0x4  }
0x58: {  	v15 =	vmin.f32 v15, v47  }
0x59: {  	[tilespmem:$0x3000] =	vst v15  }
0x5a: {  	[tilespmem:$0x3010] =	vst v15  }
0x5b: {  	v48 =	vld [tilespmem:$0x3004];
	_ =	sdelay $0x4  }
0x5c: {  	v15 =	vmin.f32 v15, v48  }
0x5d: {  	[tilespmem:$0x3000] =	vst v15  }
0x5e: {  	[tilespmem:$0x3010] =	vst v15  }
0x5f: {  	v49 =	vld [tilespmem:$0x3002];
	_ =	sdelay $0x4  }
0x60: {  	v15 =	vmin.f32 v15, v49  }
0x61: {  	[tilespmem:$0x3000] =	vst v15  }
0x62: {  	[tilespmem:$0x3010] =	vst v15  }
0x63: {  	v50 =	vld [tilespmem:$0x3001];
	_ =	sdelay $0x3  }
0x64: {  	v51 =	vimm.s32 $0x0  }
0x65: {  	v52 =	vimm.s32 $0x0;
	v53 =	vimm.s32 $0x0;
	v15 =	vmin.f32 v15, v50  }
0x66: {  	v54 =	vimm.s32 $0x0;
	v58 =	vimm.s32 $0x0;
	vm15 =	veq.f32 v15, v0  }
0x67: {  	vm4 =	veq.f32 v15, v1;
	vm5 =	veq.f32 v15, v2;
	v16 =	vsel vm15, $0xFFFFFFFF, v51  }
0x68: {  	vm6 =	veq.f32 v15, v3;
	vm7 =	veq.f32 v15, v4;
	[tilespmem:$0x1FD60] =	vst v16;
	v16 =	vsel vm4, $0xFFFFFFFF, v52  }
0x69: {  	v8 =	vsel vm15, $0x7F800000, v8;
	v9 =	vsel vm4, $0x7F800000, v9;
	[tilespmem:$0x1FD70] =	vst v16;
	v16 =	vsel vm5, $0xFFFFFFFF, v53  }
0x6a: {  	v10 =	vsel vm5, $0x7F800000, v10;
	v55 =	vmin.f32 v8, v9;
	[tilespmem:$0x1FEA0] =	vst v16;
	v16 =	vsel vm6, $0xFFFFFFFF, v54  }
0x6b: {  	vm8 =	veq.f32 v15, v5;
	v11 =	vsel vm6, $0x7F800000, v11;
	[tilespmem:$0x1FEE0] =	vst v16;
	v16 =	vmin.f32 v55, v10  }
0x6c: {  	vm9 =	veq.f32 v15, v6;
	v12 =	vsel vm7, $0x7F800000, v12;
	v16 =	vmin.f32 v16, v11  }
0x6d: {  	v13 =	vsel vm8, $0x7F800000, v13;
	v15 =	vsel vm9, $0xFFFFFFFF, v58;
	v59 =	vmin.f32 v16, v12  }
0x6e: {  	v14 =	vsel vm9, $0x7F800000, v14;
	[tilespmem:$0x1FFF0] =	vst v15;
	v15 =	vmin.f32 v59, v13  }
0x6f: {  	v15 =	vmin.f32 v15, v14  }
0x70: {  	[tilespmem:$0x3000] =	vst v15  }
0x71: {  	[tilespmem:$0x3010] =	vst v15  }
0x72: {  	v60 =	vld [tilespmem:$0x3008];
	_ =	sdelay $0x4  }
0x73: {  	v15 =	vmin.f32 v15, v60  }
0x74: {  	[tilespmem:$0x3000] =	vst v15  }
0x75: {  	[tilespmem:$0x3010] =	vst v15  }
0x76: {  	v61 =	vld [tilespmem:$0x3004];
	_ =	sdelay $0x4  }
0x77: {  	v15 =	vmin.f32 v15, v61  }
0x78: {  	[tilespmem:$0x3000] =	vst v15  }
0x79: {  	[tilespmem:$0x3010] =	vst v15  }
0x7a: {  	v62 =	vld [tilespmem:$0x3002];
	_ =	sdelay $0x4  }
0x7b: {  	v15 =	vmin.f32 v15, v62  }
0x7c: {  	[tilespmem:$0x3000] =	vst v15  }
0x7d: {  	[tilespmem:$0x3010] =	vst v15  }
0x7e: {  	v63 =	vld [tilespmem:$0x3001];
	_ =	sdelay $0x4  }
0x7f: {  	v15 =	vmin.f32 v15, v63  }
0x80: {  	vm10 =	veq.f32 v8, v15;
	vm11 =	veq.f32 v9, v15  }
0x81: {  	vm12 =	veq.f32 v10, v15;
	v20 =	vnsel vm10, $0x4E6E6B28, v0;
	v21 =	vnsel vm11, $0x4E6E6B28, v1  }
0x82: {  	vm13 =	veq.f32 v11, v15;
	v22 =	vnsel vm12, $0x4E6E6B28, v2;
	v16 =	vmin.f32 v20, v21  }
0x83: {  	vm14 =	veq.f32 v12, v15;
	v23 =	vnsel vm13, $0x4E6E6B28, v3;
	v16 =	vmin.f32 v16, v22  }
0x84: {  	vm15 =	veq.f32 v13, v15;
	v24 =	vnsel vm14, $0x4E6E6B28, v4;
	v16 =	vmin.f32 v16, v23  }
0x85: {  	vm4 =	veq.f32 v14, v15;
	v25 =	vnsel vm15, $0x4E6E6B28, v5;
	v16 =	vmin.f32 v16, v24  }
0x86: {  	v27 =	vnsel vm4, $0x4E6E6B28, v6;
	v26 =	vmin.f32 v16, v25  }
0x87: {  	v15 =	vmin.f32 v26, v27  }
0x88: {  	[tilespmem:$0x3000] =	vst v15  }
0x89: {  	[tilespmem:$0x3010] =	vst v15  }
0x8a: {  	v28 =	vld [tilespmem:$0x3008];
	_ =	sdelay $0x4  }
0x8b: {  	v15 =	vmin.f32 v15, v28  }
0x8c: {  	[tilespmem:$0x3000] =	vst v15  }
0x8d: {  	[tilespmem:$0x3010] =	vst v15  }
0x8e: {  	v29 =	vld [tilespmem:$0x3004];
	_ =	sdelay $0x4  }
0x8f: {  	v15 =	vmin.f32 v15, v29  }
0x90: {  	[tilespmem:$0x3000] =	vst v15  }
0x91: {  	[tilespmem:$0x3010] =	vst v15  }
0x92: {  	v30 =	vld [tilespmem:$0x3002];
	_ =	sdelay $0x4  }
0x93: {  	v15 =	vmin.f32 v15, v30  }
0x94: {  	[tilespmem:$0x3000] =	vst v15  }
0x95: {  	[tilespmem:$0x3010] =	vst v15  }
0x96: {  	v31 =	vld [tilespmem:$0x3001];
	_ =	sdelay $0x2  }
0x97: {  	v56 =	vimm.s32 $0x0;
	v57 =	vimm.s32 $0x0  }
0x98: {  	v32 =	vimm.s32 $0x0;
	v33 =	vimm.s32 $0x0;
	v34 =	vimm.s32 $0x0  }
0x99: {  	v35 =	vimm.s32 $0x0;
	v17 =	vsel vm7, $0xFFFFFFFF, v56;
	v15 =	vmin.f32 v15, v31  }
0x9a: {  	v39 =	vimm.s32 $0x0;
	[tilespmem:$0x1FEF0] =	vst v17;
	v17 =	vsel vm8, $0xFFFFFFFF, v57;
	vm5 =	veq.f32 v15, v0  }
0x9b: {  	vm6 =	veq.f32 v15, v1;
	vm7 =	veq.f32 v15, v2;
	v16 =	vsel vm5, $0xFFFFFFFF, v32  }
0x9c: {  	vm8 =	veq.f32 v15, v3;
	vm9 =	veq.f32 v15, v4;
	[tilespmem:$0x1FD30] =	vst v16;
	v16 =	vsel vm6, $0xFFFFFFFF, v33  }
0x9d: {  	v8 =	vsel vm5, $0x7F800000, v8;
	v9 =	vsel vm6, $0x7F800000, v9;
	[tilespmem:$0x1FD50] =	vst v16;
	v16 =	vsel vm7, $0xFFFFFFFF, v34  }
0x9e: {  	v10 =	vsel vm7, $0x7F800000, v10;
	v36 =	vmin.f32 v8, v9;
	[tilespmem:$0x1FE50] =	vst v16;
	v16 =	vsel vm8, $0xFFFFFFFF, v35  }
0x9f: {  	vm10 =	veq.f32 v15, v5;
	v11 =	vsel vm8, $0x7F800000, v11;
	[tilespmem:$0x1FEB0] =	vst v16;
	v16 =	vmin.f32 v36, v10  }
0xa0: {  	vm11 =	veq.f32 v15, v6;
	v12 =	vsel vm9, $0x7F800000, v12;
	v16 =	vmin.f32 v16, v11  }
0xa1: {  	v13 =	vsel vm10, $0x7F800000, v13;
	v15 =	vsel vm11, $0xFFFFFFFF, v39;
	v40 =	vmin.f32 v16, v12  }
0xa2: {  	v14 =	vsel vm11, $0x7F800000, v14;
	[tilespmem:$0x1FFE0] =	vst v15;
	v15 =	vmin.f32 v40, v13  }
0xa3: {  	v15 =	vmin.f32 v15, v14  }
0xa4: {  	[tilespmem:$0x3000] =	vst v15  }
0xa5: {  	[tilespmem:$0x3010] =	vst v15  }
0xa6: {  	v41 =	vld [tilespmem:$0x3008];
	_ =	sdelay $0x4  }
0xa7: {  	v15 =	vmin.f32 v15, v41  }
0xa8: {  	[tilespmem:$0x3000] =	vst v15  }
0xa9: {  	[tilespmem:$0x3010] =	vst v15  }
0xaa: {  	v42 =	vld [tilespmem:$0x3004];
	_ =	sdelay $0x4  }
0xab: {  	v15 =	vmin.f32 v15, v42  }
0xac: {  	[tilespmem:$0x3000] =	vst v15  }
0xad: {  	[tilespmem:$0x3010] =	vst v15  }
0xae: {  	v43 =	vld [tilespmem:$0x3002];
	_ =	sdelay $0x4  }
0xaf: {  	v15 =	vmin.f32 v15, v43  }
0xb0: {  	[tilespmem:$0x3000] =	vst v15  }
0xb1: {  	[tilespmem:$0x3010] =	vst v15  }
0xb2: {  	v44 =	vld [tilespmem:$0x3001];
	_ =	sdelay $0x4  }
0xb3: {  	v15 =	vmin.f32 v15, v44  }
0xb4: {  	vm12 =	veq.f32 v8, v15;
	vm13 =	veq.f32 v9, v15  }
0xb5: {  	vm14 =	veq.f32 v10, v15;
	v45 =	vnsel vm12, $0x4E6E6B28, v0;
	v46 =	vnsel vm13, $0x4E6E6B28, v1  }
0xb6: {  	vm15 =	veq.f32 v11, v15;
	v47 =	vnsel vm14, $0x4E6E6B28, v2;
	v16 =	vmin.f32 v45, v46  }
0xb7: {  	vm4 =	veq.f32 v12, v15;
	v48 =	vnsel vm15, $0x4E6E6B28, v3;
	v16 =	vmin.f32 v16, v47  }
0xb8: {  	vm5 =	veq.f32 v13, v15;
	v49 =	vnsel vm4, $0x4E6E6B28, v4;
	v16 =	vmin.f32 v16, v48  }
0xb9: {  	vm6 =	veq.f32 v14, v15;
	v50 =	vnsel vm5, $0x4E6E6B28, v5;
	v16 =	vmin.f32 v16, v49  }
0xba: {  	v52 =	vnsel vm6, $0x4E6E6B28, v6;
	v51 =	vmin.f32 v16, v50  }
0xbb: {  	v15 =	vmin.f32 v51, v52  }
0xbc: {  	[tilespmem:$0x3000] =	vst v15  }
0xbd: {  	[tilespmem:$0x3010] =	vst v15  }
0xbe: {  	v53 =	vld [tilespmem:$0x3008];
	_ =	sdelay $0x4  }
0xbf: {  	v15 =	vmin.f32 v15, v53  }
0xc0: {  	[tilespmem:$0x3000] =	vst v15  }
0xc1: {  	[tilespmem:$0x3010] =	vst v15  }
0xc2: {  	v54 =	vld [tilespmem:$0x3004];
	_ =	sdelay $0x4  }
0xc3: {  	v15 =	vmin.f32 v15, v54  }
0xc4: {  	[tilespmem:$0x3000] =	vst v15  }
0xc5: {  	[tilespmem:$0x3010] =	vst v15  }
0xc6: {  	v55 =	vld [tilespmem:$0x3002];
	_ =	sdelay $0x4  }
0xc7: {  	v15 =	vmin.f32 v15, v55  }
0xc8: {  	[tilespmem:$0x3000] =	vst v15  }
0xc9: {  	[tilespmem:$0x3010] =	vst v15  }
0xca: {  	v56 =	vld [tilespmem:$0x3001];
	_ =	sdelay $0x2  }
0xcb: {  	v19 =	vimm.s32 $0x0;
	v37 =	vimm.s32 $0x0  }
0xcc: {  	v38 =	vimm.s32 $0x0;
	v58 =	vimm.s32 $0x0;
	v57 =	vimm.s32 $0x0  }
0xcd: {  	[tilespmem:$0x1FFD0] =	vst v17;
	v59 =	vimm.s32 $0x0;
	v17 =	vsel vm9, $0xFFFFFFFF, v37;
	v15 =	vmin.f32 v15, v56  }
0xce: {  	[tilespmem:$0x1FED0] =	vst v17;
	v17 =	vsel vm10, $0xFFFFFFFF, v38;
	vm7 =	veq.f32 v15, v0;
	vm8 =	veq.f32 v15, v1  }
0xcf: {  	vm9 =	veq.f32 v15, v2;
	vm10 =	veq.f32 v15, v3;
	v16 =	vsel vm7, $0xFFFFFFFF, v57  }
0xd0: {  	v8 =	vsel vm7, $0x7F800000, v8;
	v9 =	vsel vm8, $0x7F800000, v9;
	[tilespmem:$0x1FD10] =	vst v16;
	v16 =	vsel vm8, $0xFFFFFFFF, v58  }
0xd1: {  	v10 =	vsel vm9, $0x7F800000, v10;
	v60 =	vmin.f32 v8, v9;
	[tilespmem:$0x1FD40] =	vst v16;
	v16 =	vsel vm9, $0xFFFFFFFF, v59  }
0xd2: {  	vm11 =	veq.f32 v15, v4;
	v11 =	vsel vm10, $0x7F800000, v11;
	[tilespmem:$0x1FE20] =	vst v16;
	v16 =	vmin.f32 v60, v10  }
0xd3: {  	vm12 =	veq.f32 v15, v5;
	v12 =	vsel vm11, $0x7F800000, v12;
	v16 =	vmin.f32 v16, v11  }
0xd4: {  	vm13 =	veq.f32 v15, v6;
	v13 =	vsel vm12, $0x7F800000, v13;
	v16 =	vmin.f32 v16, v12  }
0xd5: {  	v15 =	vsel vm13, $0xFFFFFFFF, v19;
	v14 =	vsel vm13, $0x7F800000, v14;
	v20 =	vmin.f32 v16, v13  }
0xd6: {  	[tilespmem:$0x1FFC0] =	vst v15;
	v15 =	vmin.f32 v20, v14  }
0xd7: {  	[tilespmem:$0x3000] =	vst v15  }
0xd8: {  	[tilespmem:$0x3010] =	vst v15  }
0xd9: {  	v21 =	vld [tilespmem:$0x3008];
	_ =	sdelay $0x4  }
0xda: {  	v15 =	vmin.f32 v15, v21  }
0xdb: {  	[tilespmem:$0x3000] =	vst v15  }
0xdc: {  	[tilespmem:$0x3010] =	vst v15  }
0xdd: {  	v22 =	vld [tilespmem:$0x3004];
	_ =	sdelay $0x4  }
0xde: {  	v15 =	vmin.f32 v15, v22  }
0xdf: {  	[tilespmem:$0x3000] =	vst v15  }
0xe0: {  	[tilespmem:$0x3010] =	vst v15  }
0xe1: {  	v23 =	vld [tilespmem:$0x3002];
	_ =	sdelay $0x4  }
0xe2: {  	v15 =	vmin.f32 v15, v23  }
0xe3: {  	[tilespmem:$0x3000] =	vst v15  }
0xe4: {  	[tilespmem:$0x3010] =	vst v15  }
0xe5: {  	v24 =	vld [tilespmem:$0x3001];
	_ =	sdelay $0x4  }
0xe6: {  	v15 =	vmin.f32 v15, v24  }
0xe7: {  	vm14 =	veq.f32 v8, v15;
	vm15 =	veq.f32 v9, v15  }
0xe8: {  	vm4 =	veq.f32 v10, v15;
	v25 =	vnsel vm14, $0x4E6E6B28, v0;
	v26 =	vnsel vm15, $0x4E6E6B28, v1  }
0xe9: {  	vm5 =	veq.f32 v11, v15;
	v18 =	vnsel vm4, $0x4E6E6B28, v2;
	v16 =	vmin.f32 v25, v26  }
0xea: {  	vm6 =	veq.f32 v12, v15;
	v27 =	vnsel vm5, $0x4E6E6B28, v3;
	v16 =	vmin.f32 v16, v18  }
0xeb: {  	vm7 =	veq.f32 v13, v15;
	v28 =	vnsel vm6, $0x4E6E6B28, v4;
	v16 =	vmin.f32 v16, v27  }
0xec: {  	vm8 =	veq.f32 v14, v15;
	v29 =	vnsel vm7, $0x4E6E6B28, v5;
	v16 =	vmin.f32 v16, v28  }
0xed: {  	v15 =	vnsel vm8, $0x4E6E6B28, v6;
	v16 =	vmin.f32 v16, v29  }
0xee: {  	v15 =	vmin.f32 v16, v15  }
0xef: {  	[tilespmem:$0x3000] =	vst v15  }
0xf0: {  	[tilespmem:$0x3010] =	vst v15  }
0xf1: {  	v30 =	vld [tilespmem:$0x3008];
	_ =	sdelay $0x4  }
0xf2: {  	v15 =	vmin.f32 v15, v30  }
0xf3: {  	[tilespmem:$0x3000] =	vst v15  }
0xf4: {  	[tilespmem:$0x3010] =	vst v15  }
0xf5: {  	v31 =	vld [tilespmem:$0x3004];
	_ =	sdelay $0x4  }
0xf6: {  	v15 =	vmin.f32 v15, v31  }
0xf7: {  	[tilespmem:$0x3000] =	vst v15  }
0xf8: {  	[tilespmem:$0x3010] =	vst v15  }
0xf9: {  	v32 =	vld [tilespmem:$0x3002];
	_ =	sdelay $0x4  }
0xfa: {  	v15 =	vmin.f32 v15, v32  }
0xfb: {  	[tilespmem:$0x3000] =	vst v15  }
0xfc: {  	[tilespmem:$0x3010] =	vst v15  }
0xfd: {  	v33 =	vld [tilespmem:$0x3001];
	_ =	sdelay $0x1  }
0xfe: {  	v61 =	vimm.s32 $0x0  }
0xff: {  	v62 =	vimm.s32 $0x0;
	v63 =	vimm.s32 $0x0;
	v34 =	vimm.s32 $0x0  }
0x100: {  	[tilespmem:$0x1FFA0] =	vst v17;
	v35 =	vimm.s32 $0x0;
	v36 =	vimm.s32 $0x0;
	v17 =	vsel vm10, $0xFFFFFFFF, v61  }
0x101: {  	v41 =	vimm.s32 $0x0;
	[tilespmem:$0x1FE80] =	vst v17;
	v17 =	vsel vm11, $0xFFFFFFFF, v62;
	v15 =	vmin.f32 v15, v33  }
0x102: {  	[tilespmem:$0x1FEC0] =	vst v17;
	v17 =	vsel vm12, $0xFFFFFFFF, v63;
	vm9 =	veq.f32 v15, v0;
	vm10 =	veq.f32 v15, v1  }
0x103: {  	vm11 =	veq.f32 v15, v2;
	vm12 =	veq.f32 v15, v3;
	v16 =	vsel vm9, $0xFFFFFFFF, v34  }
0x104: {  	v8 =	vsel vm9, $0x7F800000, v8;
	v9 =	vsel vm10, $0x7F800000, v9;
	[tilespmem:$0x1FCF0] =	vst v16;
	v16 =	vsel vm10, $0xFFFFFFFF, v35  }
0x105: {  	v10 =	vsel vm11, $0x7F800000, v10;
	v37 =	vmin.f32 v8, v9;
	[tilespmem:$0x1FD20] =	vst v16;
	v16 =	vsel vm11, $0xFFFFFFFF, v36  }
0x106: {  	vm13 =	veq.f32 v15, v4;
	v11 =	vsel vm12, $0x7F800000, v11;
	[tilespmem:$0x1FDF0] =	vst v16;
	v16 =	vmin.f32 v37, v10  }
0x107: {  	vm14 =	veq.f32 v15, v5;
	v12 =	vsel vm13, $0x7F800000, v12;
	v16 =	vmin.f32 v16, v11  }
0x108: {  	vm15 =	veq.f32 v15, v6;
	v13 =	vsel vm14, $0x7F800000, v13;
	v16 =	vmin.f32 v16, v12  }
0x109: {  	v15 =	vsel vm15, $0xFFFFFFFF, v41;
	v14 =	vsel vm15, $0x7F800000, v14;
	v42 =	vmin.f32 v16, v13  }
0x10a: {  	[tilespmem:$0x1FFB0] =	vst v15;
	v15 =	vmin.f32 v42, v14  }
0x10b: {  	[tilespmem:$0x3000] =	vst v15  }
0x10c: {  	[tilespmem:$0x3010] =	vst v15  }
0x10d: {  	v43 =	vld [tilespmem:$0x3008];
	_ =	sdelay $0x4  }
0x10e: {  	v15 =	vmin.f32 v15, v43  }
0x10f: {  	[tilespmem:$0x3000] =	vst v15  }
0x110: {  	[tilespmem:$0x3010] =	vst v15  }
0x111: {  	v44 =	vld [tilespmem:$0x3004];
	_ =	sdelay $0x4  }
0x112: {  	v15 =	vmin.f32 v15, v44  }
0x113: {  	[tilespmem:$0x3000] =	vst v15  }
0x114: {  	[tilespmem:$0x3010] =	vst v15  }
0x115: {  	v45 =	vld [tilespmem:$0x3002];
	_ =	sdelay $0x4  }
0x116: {  	v15 =	vmin.f32 v15, v45  }
0x117: {  	[tilespmem:$0x3000] =	vst v15  }
0x118: {  	[tilespmem:$0x3010] =	vst v15  }
0x119: {  	v46 =	vld [tilespmem:$0x3001];
	_ =	sdelay $0x4  }
0x11a: {  	v15 =	vmin.f32 v15, v46  }
0x11b: {  	vm4 =	veq.f32 v8, v15;
	vm5 =	veq.f32 v9, v15  }
0x11c: {  	vm6 =	veq.f32 v10, v15;
	v47 =	vnsel vm4, $0x4E6E6B28, v0;
	v48 =	vnsel vm5, $0x4E6E6B28, v1  }
0x11d: {  	vm7 =	veq.f32 v11, v15;
	v49 =	vnsel vm6, $0x4E6E6B28, v2;
	v16 =	vmin.f32 v47, v48  }
0x11e: {  	vm8 =	veq.f32 v12, v15;
	v50 =	vnsel vm7, $0x4E6E6B28, v3;
	v16 =	vmin.f32 v16, v49  }
0x11f: {  	vm9 =	veq.f32 v13, v15;
	v51 =	vnsel vm8, $0x4E6E6B28, v4;
	v16 =	vmin.f32 v16, v50  }
0x120: {  	vm10 =	veq.f32 v14, v15;
	v52 =	vnsel vm9, $0x4E6E6B28, v5;
	v16 =	vmin.f32 v16, v51  }
0x121: {  	v15 =	vnsel vm10, $0x4E6E6B28, v6;
	v16 =	vmin.f32 v16, v52  }
0x122: {  	v15 =	vmin.f32 v16, v15  }
0x123: {  	[tilespmem:$0x3000] =	vst v15  }
0x124: {  	[tilespmem:$0x3010] =	vst v15  }
0x125: {  	v53 =	vld [tilespmem:$0x3008];
	_ =	sdelay $0x4  }
0x126: {  	v15 =	vmin.f32 v15, v53  }
0x127: {  	[tilespmem:$0x3000] =	vst v15  }
0x128: {  	[tilespmem:$0x3010] =	vst v15  }
0x129: {  	v54 =	vld [tilespmem:$0x3004];
	_ =	sdelay $0x4  }
0x12a: {  	v15 =	vmin.f32 v15, v54  }
0x12b: {  	[tilespmem:$0x3000] =	vst v15  }
0x12c: {  	[tilespmem:$0x3010] =	vst v15  }
0x12d: {  	v55 =	vld [tilespmem:$0x3002];
	_ =	sdelay $0x4  }
0x12e: {  	v15 =	vmin.f32 v15, v55  }
0x12f: {  	[tilespmem:$0x3000] =	vst v15  }
0x130: {  	[tilespmem:$0x3010] =	vst v15  }
0x131: {  	v56 =	vld [tilespmem:$0x3001];
	_ =	sdelay $0x1  }
0x132: {  	v39 =	vimm.s32 $0x0  }
0x133: {  	v38 =	vimm.s32 $0x0;
	v40 =	vimm.s32 $0x0;
	v57 =	vimm.s32 $0x0  }
0x134: {  	v58 =	vimm.s32 $0x0;
	v59 =	vimm.s32 $0x0;
	[tilespmem:$0x1FF80] =	vst v17;
	v17 =	vsel vm12, $0xFFFFFFFF, v38  }
0x135: {  	v18 =	vimm.s32 $0x0;
	[tilespmem:$0x1FE60] =	vst v17;
	v17 =	vsel vm13, $0xFFFFFFFF, v39;
	v15 =	vmin.f32 v15, v56  }
0x136: {  	[tilespmem:$0x1FE90] =	vst v17;
	v17 =	vsel vm14, $0xFFFFFFFF, v40;
	vm11 =	veq.f32 v15, v0;
	vm12 =	veq.f32 v15, v1  }
0x137: {  	vm13 =	veq.f32 v15, v2;
	vm14 =	veq.f32 v15, v3;
	v16 =	vsel vm11, $0xFFFFFFFF, v57  }
0x138: {  	v8 =	vsel vm11, $0x7F800000, v8;
	v9 =	vsel vm12, $0x7F800000, v9;
	[tilespmem:$0x1FCD0] =	vst v16;
	v16 =	vsel vm12, $0xFFFFFFFF, v58  }
0x139: {  	v10 =	vsel vm13, $0x7F800000, v10;
	v60 =	vmin.f32 v8, v9;
	[tilespmem:$0x1FD00] =	vst v16;
	v16 =	vsel vm13, $0xFFFFFFFF, v59  }
0x13a: {  	vm15 =	veq.f32 v15, v4;
	v11 =	vsel vm14, $0x7F800000, v11;
	[tilespmem:$0x1FDC0] =	vst v16;
	v16 =	vmin.f32 v60, v10  }
0x13b: {  	vm4 =	veq.f32 v15, v5;
	v12 =	vsel vm15, $0x7F800000, v12;
	v16 =	vmin.f32 v16, v11  }
0x13c: {  	vm5 =	veq.f32 v15, v6;
	v13 =	vsel vm4, $0x7F800000, v13;
	v16 =	vmin.f32 v16, v12  }
0x13d: {  	v15 =	vsel vm5, $0xFFFFFFFF, v18;
	v14 =	vsel vm5, $0x7F800000, v14;
	v19 =	vmin.f32 v16, v13  }
0x13e: {  	[tilespmem:$0x1FF90] =	vst v15;
	v15 =	vmin.f32 v19, v14  }
0x13f: {  	[tilespmem:$0x3000] =	vst v15  }
0x140: {  	[tilespmem:$0x3010] =	vst v15  }
0x141: {  	v20 =	vld [tilespmem:$0x3008];
	_ =	sdelay $0x4  }
0x142: {  	v15 =	vmin.f32 v15, v20  }
0x143: {  	[tilespmem:$0x3000] =	vst v15  }
0x144: {  	[tilespmem:$0x3010] =	vst v15  }
0x145: {  	v21 =	vld [tilespmem:$0x3004];
	_ =	sdelay $0x4  }
0x146: {  	v15 =	vmin.f32 v15, v21  }
0x147: {  	[tilespmem:$0x3000] =	vst v15  }
0x148: {  	[tilespmem:$0x3010] =	vst v15  }
0x149: {  	v22 =	vld [tilespmem:$0x3002];
	_ =	sdelay $0x4  }
0x14a: {  	v15 =	vmin.f32 v15, v22  }
0x14b: {  	[tilespmem:$0x3000] =	vst v15  }
0x14c: {  	[tilespmem:$0x3010] =	vst v15  }
0x14d: {  	v23 =	vld [tilespmem:$0x3001];
	_ =	sdelay $0x4  }
0x14e: {  	v15 =	vmin.f32 v15, v23  }
0x14f: {  	vm6 =	veq.f32 v8, v15;
	vm7 =	veq.f32 v9, v15  }
0x150: {  	vm8 =	veq.f32 v10, v15;
	v24 =	vnsel vm6, $0x4E6E6B28, v0;
	v25 =	vnsel vm7, $0x4E6E6B28, v1  }
0x151: {  	vm9 =	veq.f32 v11, v15;
	v26 =	vnsel vm8, $0x4E6E6B28, v2;
	v16 =	vmin.f32 v24, v25  }
0x152: {  	vm10 =	veq.f32 v12, v15;
	v27 =	vnsel vm9, $0x4E6E6B28, v3;
	v16 =	vmin.f32 v16, v26  }
0x153: {  	vm11 =	veq.f32 v13, v15;
	v28 =	vnsel vm10, $0x4E6E6B28, v4;
	v16 =	vmin.f32 v16, v27  }
0x154: {  	vm12 =	veq.f32 v14, v15;
	v29 =	vnsel vm11, $0x4E6E6B28, v5;
	v16 =	vmin.f32 v16, v28  }
0x155: {  	v15 =	vnsel vm12, $0x4E6E6B28, v6;
	v16 =	vmin.f32 v16, v29  }
0x156: {  	v15 =	vmin.f32 v16, v15  }
0x157: {  	[tilespmem:$0x3000] =	vst v15  }
0x158: {  	[tilespmem:$0x3010] =	vst v15  }
0x159: {  	v30 =	vld [tilespmem:$0x3008];
	_ =	sdelay $0x4  }
0x15a: {  	v15 =	vmin.f32 v15, v30  }
0x15b: {  	[tilespmem:$0x3000] =	vst v15  }
0x15c: {  	[tilespmem:$0x3010] =	vst v15  }
0x15d: {  	v31 =	vld [tilespmem:$0x3004];
	_ =	sdelay $0x4  }
0x15e: {  	v15 =	vmin.f32 v15, v31  }
0x15f: {  	[tilespmem:$0x3000] =	vst v15  }
0x160: {  	[tilespmem:$0x3010] =	vst v15  }
0x161: {  	v32 =	vld [tilespmem:$0x3002];
	_ =	sdelay $0x4  }
0x162: {  	v15 =	vmin.f32 v15, v32  }
0x163: {  	[tilespmem:$0x3000] =	vst v15  }
0x164: {  	[tilespmem:$0x3010] =	vst v15  }
0x165: {  	v33 =	vld [tilespmem:$0x3001];
	_ =	sdelay $0x1  }
0x166: {  	v61 =	vimm.s32 $0x0  }
0x167: {  	v62 =	vimm.s32 $0x0;
	v63 =	vimm.s32 $0x0;
	v34 =	vimm.s32 $0x0  }
0x168: {  	v41 =	vimm.s32 $0x0;
	v35 =	vimm.s32 $0x0;
	[tilespmem:$0x1FF60] =	vst v17;
	v17 =	vsel vm14, $0xFFFFFFFF, v61  }
0x169: {  	v36 =	vimm.s32 $0x0;
	[tilespmem:$0x1FE30] =	vst v17;
	v17 =	vsel vm15, $0xFFFFFFFF, v62;
	v15 =	vmin.f32 v15, v33  }
0x16a: {  	[tilespmem:$0x1FE70] =	vst v17;
	v17 =	vsel vm4, $0xFFFFFFFF, v63;
	vm13 =	veq.f32 v15, v0;
	vm14 =	veq.f32 v15, v1  }
0x16b: {  	vm15 =	veq.f32 v15, v2;
	vm4 =	veq.f32 v15, v3;
	v16 =	vsel vm13, $0xFFFFFFFF, v34  }
0x16c: {  	v8 =	vsel vm13, $0x7F800000, v8;
	v9 =	vsel vm14, $0x7F800000, v9;
	[tilespmem:$0x1FCB0] =	vst v16;
	v16 =	vsel vm14, $0xFFFFFFFF, v35  }
0x16d: {  	v10 =	vsel vm15, $0x7F800000, v10;
	v37 =	vmin.f32 v8, v9;
	[tilespmem:$0x1FCE0] =	vst v16;
	v16 =	vsel vm15, $0xFFFFFFFF, v36  }
0x16e: {  	vm5 =	veq.f32 v15, v4;
	v11 =	vsel vm4, $0x7F800000, v11;
	[tilespmem:$0x1FDA0] =	vst v16;
	v16 =	vmin.f32 v37, v10  }
0x16f: {  	vm6 =	veq.f32 v15, v5;
	v12 =	vsel vm5, $0x7F800000, v12;
	v16 =	vmin.f32 v16, v11  }
0x170: {  	vm7 =	veq.f32 v15, v6;
	v13 =	vsel vm6, $0x7F800000, v13;
	v16 =	vmin.f32 v16, v12  }
0x171: {  	v15 =	vsel vm7, $0xFFFFFFFF, v41;
	v14 =	vsel vm7, $0x7F800000, v14;
	v42 =	vmin.f32 v16, v13  }
0x172: {  	[tilespmem:$0x1FF70] =	vst v15;
	v15 =	vmin.f32 v42, v14  }
0x173: {  	[tilespmem:$0x3000] =	vst v15  }
0x174: {  	[tilespmem:$0x3010] =	vst v15  }
0x175: {  	v43 =	vld [tilespmem:$0x3008];
	_ =	sdelay $0x4  }
0x176: {  	v15 =	vmin.f32 v15, v43  }
0x177: {  	[tilespmem:$0x3000] =	vst v15  }
0x178: {  	[tilespmem:$0x3010] =	vst v15  }
0x179: {  	v44 =	vld [tilespmem:$0x3004];
	_ =	sdelay $0x4  }
0x17a: {  	v15 =	vmin.f32 v15, v44  }
0x17b: {  	[tilespmem:$0x3000] =	vst v15  }
0x17c: {  	[tilespmem:$0x3010] =	vst v15  }
0x17d: {  	v45 =	vld [tilespmem:$0x3002];
	_ =	sdelay $0x4  }
0x17e: {  	v15 =	vmin.f32 v15, v45  }
0x17f: {  	[tilespmem:$0x3000] =	vst v15  }
0x180: {  	[tilespmem:$0x3010] =	vst v15  }
0x181: {  	v46 =	vld [tilespmem:$0x3001];
	_ =	sdelay $0x4  }
0x182: {  	v15 =	vmin.f32 v15, v46  }
0x183: {  	vm8 =	veq.f32 v8, v15;
	vm9 =	veq.f32 v9, v15  }
0x184: {  	vm10 =	veq.f32 v10, v15;
	v47 =	vnsel vm8, $0x4E6E6B28, v0;
	v48 =	vnsel vm9, $0x4E6E6B28, v1  }
0x185: {  	vm11 =	veq.f32 v11, v15;
	v49 =	vnsel vm10, $0x4E6E6B28, v2;
	v16 =	vmin.f32 v47, v48  }
0x186: {  	vm12 =	veq.f32 v12, v15;
	v50 =	vnsel vm11, $0x4E6E6B28, v3;
	v16 =	vmin.f32 v16, v49  }
0x187: {  	vm13 =	veq.f32 v13, v15;
	v51 =	vnsel vm12, $0x4E6E6B28, v4;
	v16 =	vmin.f32 v16, v50  }
0x188: {  	vm14 =	veq.f32 v14, v15;
	v52 =	vnsel vm13, $0x4E6E6B28, v5;
	v16 =	vmin.f32 v16, v51  }
0x189: {  	v15 =	vnsel vm14, $0x4E6E6B28, v6;
	v16 =	vmin.f32 v16, v52  }
0x18a: {  	v15 =	vmin.f32 v16, v15  }
0x18b: {  	[tilespmem:$0x3000] =	vst v15  }
0x18c: {  	[tilespmem:$0x3010] =	vst v15  }
0x18d: {  	v53 =	vld [tilespmem:$0x3008];
	_ =	sdelay $0x4  }
0x18e: {  	v15 =	vmin.f32 v15, v53  }
0x18f: {  	[tilespmem:$0x3000] =	vst v15  }
0x190: {  	[tilespmem:$0x3010] =	vst v15  }
0x191: {  	v54 =	vld [tilespmem:$0x3004];
	_ =	sdelay $0x4  }
0x192: {  	v15 =	vmin.f32 v15, v54  }
0x193: {  	[tilespmem:$0x3000] =	vst v15  }
0x194: {  	[tilespmem:$0x3010] =	vst v15  }
0x195: {  	v55 =	vld [tilespmem:$0x3002];
	_ =	sdelay $0x4  }
0x196: {  	v15 =	vmin.f32 v15, v55  }
0x197: {  	[tilespmem:$0x3000] =	vst v15  }
0x198: {  	[tilespmem:$0x3010] =	vst v15  }
0x199: {  	v56 =	vld [tilespmem:$0x3001];
	_ =	sdelay $0x1  }
0x19a: {  	v38 =	vimm.s32 $0x0  }
0x19b: {  	v39 =	vimm.s32 $0x0;
	v40 =	vimm.s32 $0x0;
	v57 =	vimm.s32 $0x0  }
0x19c: {  	v18 =	vimm.s32 $0x0;
	v58 =	vimm.s32 $0x0;
	[tilespmem:$0x1FF40] =	vst v17;
	v17 =	vsel vm4, $0xFFFFFFFF, v38  }
0x19d: {  	v59 =	vimm.s32 $0x0;
	[tilespmem:$0x1FE00] =	vst v17;
	v17 =	vsel vm5, $0xFFFFFFFF, v39;
	v15 =	vmin.f32 v15, v56  }
0x19e: {  	[tilespmem:$0x1FE40] =	vst v17;
	v17 =	vsel vm6, $0xFFFFFFFF, v40;
	vm15 =	veq.f32 v15, v0;
	vm4 =	veq.f32 v15, v1  }
0x19f: {  	vm5 =	veq.f32 v15, v2;
	vm6 =	veq.f32 v15, v3;
	v16 =	vsel vm15, $0xFFFFFFFF, v57  }
0x1a0: {  	v8 =	vsel vm15, $0x7F800000, v8;
	v9 =	vsel vm4, $0x7F800000, v9;
	[tilespmem:$0x1FC90] =	vst v16;
	v16 =	vsel vm4, $0xFFFFFFFF, v58  }
0x1a1: {  	v10 =	vsel vm5, $0x7F800000, v10;
	v60 =	vmin.f32 v8, v9;
	[tilespmem:$0x1FCC0] =	vst v16;
	v16 =	vsel vm5, $0xFFFFFFFF, v59  }
0x1a2: {  	vm7 =	veq.f32 v15, v4;
	v11 =	vsel vm6, $0x7F800000, v11;
	[tilespmem:$0x1FD90] =	vst v16;
	v16 =	vmin.f32 v60, v10  }
0x1a3: {  	vm8 =	veq.f32 v15, v5;
	v12 =	vsel vm7, $0x7F800000, v12;
	v16 =	vmin.f32 v16, v11  }
0x1a4: {  	vm9 =	veq.f32 v15, v6;
	v13 =	vsel vm8, $0x7F800000, v13;
	v16 =	vmin.f32 v16, v12  }
0x1a5: {  	v15 =	vsel vm9, $0xFFFFFFFF, v18;
	v14 =	vsel vm9, $0x7F800000, v14;
	v19 =	vmin.f32 v16, v13  }
0x1a6: {  	[tilespmem:$0x1FF50] =	vst v15;
	v15 =	vmin.f32 v19, v14  }
0x1a7: {  	[tilespmem:$0x3000] =	vst v15  }
0x1a8: {  	[tilespmem:$0x3010] =	vst v15  }
0x1a9: {  	v20 =	vld [tilespmem:$0x3008];
	_ =	sdelay $0x4  }
0x1aa: {  	v15 =	vmin.f32 v15, v20  }
0x1ab: {  	[tilespmem:$0x3000] =	vst v15  }
0x1ac: {  	[tilespmem:$0x3010] =	vst v15  }
0x1ad: {  	v21 =	vld [tilespmem:$0x3004];
	_ =	sdelay $0x4  }
0x1ae: {  	v15 =	vmin.f32 v15, v21  }
0x1af: {  	[tilespmem:$0x3000] =	vst v15  }
0x1b0: {  	[tilespmem:$0x3010] =	vst v15  }
0x1b1: {  	v22 =	vld [tilespmem:$0x3002];
	_ =	sdelay $0x4  }
0x1b2: {  	v15 =	vmin.f32 v15, v22  }
0x1b3: {  	[tilespmem:$0x3000] =	vst v15  }
0x1b4: {  	[tilespmem:$0x3010] =	vst v15  }
0x1b5: {  	v23 =	vld [tilespmem:$0x3001];
	_ =	sdelay $0x4  }
0x1b6: {  	v15 =	vmin.f32 v15, v23  }
0x1b7: {  	vm10 =	veq.f32 v8, v15;
	vm11 =	veq.f32 v9, v15  }
0x1b8: {  	vm12 =	veq.f32 v10, v15;
	v24 =	vnsel vm10, $0x4E6E6B28, v0;
	v25 =	vnsel vm11, $0x4E6E6B28, v1  }
0x1b9: {  	vm13 =	veq.f32 v11, v15;
	v26 =	vnsel vm12, $0x4E6E6B28, v2;
	v16 =	vmin.f32 v24, v25  }
0x1ba: {  	vm14 =	veq.f32 v12, v15;
	v27 =	vnsel vm13, $0x4E6E6B28, v3;
	v16 =	vmin.f32 v16, v26  }
0x1bb: {  	vm15 =	veq.f32 v13, v15;
	v28 =	vnsel vm14, $0x4E6E6B28, v4;
	v16 =	vmin.f32 v16, v27  }
0x1bc: {  	vm4 =	veq.f32 v14, v15;
	v29 =	vnsel vm15, $0x4E6E6B28, v5;
	v16 =	vmin.f32 v16, v28  }
0x1bd: {  	v15 =	vnsel vm4, $0x4E6E6B28, v6;
	v16 =	vmin.f32 v16, v29  }
0x1be: {  	v15 =	vmin.f32 v16, v15  }
0x1bf: {  	[tilespmem:$0x3000] =	vst v15  }
0x1c0: {  	[tilespmem:$0x3010] =	vst v15  }
0x1c1: {  	v30 =	vld [tilespmem:$0x3008];
	_ =	sdelay $0x4  }
0x1c2: {  	v15 =	vmin.f32 v15, v30  }
0x1c3: {  	[tilespmem:$0x3000] =	vst v15  }
0x1c4: {  	[tilespmem:$0x3010] =	vst v15  }
0x1c5: {  	v31 =	vld [tilespmem:$0x3004];
	_ =	sdelay $0x4  }
0x1c6: {  	v15 =	vmin.f32 v15, v31  }
0x1c7: {  	[tilespmem:$0x3000] =	vst v15  }
0x1c8: {  	[tilespmem:$0x3010] =	vst v15  }
0x1c9: {  	v32 =	vld [tilespmem:$0x3002];
	_ =	sdelay $0x4  }
0x1ca: {  	v15 =	vmin.f32 v15, v32  }
0x1cb: {  	[tilespmem:$0x3000] =	vst v15  }
0x1cc: {  	[tilespmem:$0x3010] =	vst v15  }
0x1cd: {  	v33 =	vld [tilespmem:$0x3001];
	_ =	sdelay $0x1  }
0x1ce: {  	v61 =	vimm.s32 $0x0  }
0x1cf: {  	v62 =	vimm.s32 $0x0;
	v63 =	vimm.s32 $0x0;
	v34 =	vimm.s32 $0x0  }
0x1d0: {  	v41 =	vimm.s32 $0x0;
	v35 =	vimm.s32 $0x0;
	[tilespmem:$0x1FF20] =	vst v17;
	v17 =	vsel vm6, $0xFFFFFFFF, v61  }
0x1d1: {  	v36 =	vimm.s32 $0x0;
	[tilespmem:$0x1FDD0] =	vst v17;
	v17 =	vsel vm7, $0xFFFFFFFF, v62;
	v15 =	vmin.f32 v15, v33  }
0x1d2: {  	[tilespmem:$0x1FE10] =	vst v17;
	v17 =	vsel vm8, $0xFFFFFFFF, v63;
	vm5 =	veq.f32 v15, v0;
	vm6 =	veq.f32 v15, v1  }
0x1d3: {  	vm7 =	veq.f32 v15, v2;
	vm8 =	veq.f32 v15, v3;
	v16 =	vsel vm5, $0xFFFFFFFF, v34  }
0x1d4: {  	v8 =	vsel vm5, $0x7F800000, v8;
	v9 =	vsel vm6, $0x7F800000, v9;
	[tilespmem:$0x1FC80] =	vst v16;
	v16 =	vsel vm6, $0xFFFFFFFF, v35  }
0x1d5: {  	v10 =	vsel vm7, $0x7F800000, v10;
	v37 =	vmin.f32 v8, v9;
	[tilespmem:$0x1FCA0] =	vst v16;
	v16 =	vsel vm7, $0xFFFFFFFF, v36  }
0x1d6: {  	vm9 =	veq.f32 v15, v4;
	v11 =	vsel vm8, $0x7F800000, v11;
	[tilespmem:$0x1FD80] =	vst v16;
	v16 =	vmin.f32 v37, v10  }
0x1d7: {  	vm10 =	veq.f32 v15, v5;
	v12 =	vsel vm9, $0x7F800000, v12;
	v16 =	vmin.f32 v16, v11  }
0x1d8: {  	vm11 =	veq.f32 v15, v6;
	v13 =	vsel vm10, $0x7F800000, v13;
	v16 =	vmin.f32 v16, v12  }
0x1d9: {  	v15 =	vsel vm11, $0xFFFFFFFF, v41;
	v14 =	vsel vm11, $0x7F800000, v14;
	v42 =	vmin.f32 v16, v13  }
0x1da: {  	[tilespmem:$0x1FF30] =	vst v15;
	v15 =	vmin.f32 v42, v14  }
0x1db: {  	[tilespmem:$0x3000] =	vst v15  }
0x1dc: {  	[tilespmem:$0x3010] =	vst v15  }
0x1dd: {  	v43 =	vld [tilespmem:$0x3008];
	_ =	sdelay $0x4  }
0x1de: {  	v15 =	vmin.f32 v15, v43  }
0x1df: {  	[tilespmem:$0x3000] =	vst v15  }
0x1e0: {  	[tilespmem:$0x3010] =	vst v15  }
0x1e1: {  	v44 =	vld [tilespmem:$0x3004];
	_ =	sdelay $0x4  }
0x1e2: {  	v15 =	vmin.f32 v15, v44  }
0x1e3: {  	[tilespmem:$0x3000] =	vst v15  }
0x1e4: {  	[tilespmem:$0x3010] =	vst v15  }
0x1e5: {  	v45 =	vld [tilespmem:$0x3002];
	_ =	sdelay $0x4  }
0x1e6: {  	v15 =	vmin.f32 v15, v45  }
0x1e7: {  	[tilespmem:$0x3000] =	vst v15  }
0x1e8: {  	[tilespmem:$0x3010] =	vst v15  }
0x1e9: {  	v46 =	vld [tilespmem:$0x3001];
	_ =	sdelay $0x4  }
0x1ea: {  	v15 =	vmin.f32 v15, v46  }
0x1eb: {  	vm12 =	veq.f32 v8, v15;
	vm13 =	veq.f32 v9, v15  }
0x1ec: {  	vm14 =	veq.f32 v10, v15;
	v47 =	vnsel vm12, $0x4E6E6B28, v0;
	v48 =	vnsel vm13, $0x4E6E6B28, v1  }
0x1ed: {  	vm15 =	veq.f32 v11, v15;
	v49 =	vnsel vm14, $0x4E6E6B28, v2;
	v16 =	vmin.f32 v47, v48  }
0x1ee: {  	vm4 =	veq.f32 v12, v15;
	v50 =	vnsel vm15, $0x4E6E6B28, v3;
	v16 =	vmin.f32 v16, v49  }
0x1ef: {  	vm5 =	veq.f32 v13, v15;
	v51 =	vnsel vm4, $0x4E6E6B28, v4;
	v16 =	vmin.f32 v16, v50  }
0x1f0: {  	vm6 =	veq.f32 v14, v15;
	v52 =	vnsel vm5, $0x4E6E6B28, v5;
	v16 =	vmin.f32 v16, v51  }
0x1f1: {  	v15 =	vnsel vm6, $0x4E6E6B28, v6;
	v16 =	vmin.f32 v16, v52  }
0x1f2: {  	v15 =	vmin.f32 v16, v15  }
0x1f3: {  	[tilespmem:$0x3000] =	vst v15  }
0x1f4: {  	[tilespmem:$0x3010] =	vst v15  }
0x1f5: {  	v53 =	vld [tilespmem:$0x3008];
	_ =	sdelay $0x4  }
0x1f6: {  	v15 =	vmin.f32 v15, v53  }
0x1f7: {  	[tilespmem:$0x3000] =	vst v15  }
0x1f8: {  	[tilespmem:$0x3010] =	vst v15  }
0x1f9: {  	v54 =	vld [tilespmem:$0x3004];
	_ =	sdelay $0x4  }
0x1fa: {  	v15 =	vmin.f32 v15, v54  }
0x1fb: {  	[tilespmem:$0x3000] =	vst v15  }
0x1fc: {  	[tilespmem:$0x3010] =	vst v15  }
0x1fd: {  	v55 =	vld [tilespmem:$0x3002];
	_ =	sdelay $0x4  }
0x1fe: {  	v15 =	vmin.f32 v15, v55  }
0x1ff: {  	[tilespmem:$0x3000] =	vst v15  }
0x200: {  	[tilespmem:$0x3010] =	vst v15  }
0x201: {  	v56 =	vld [tilespmem:$0x3001];
	_ =	sdelay $0x2  }
0x202: {  	v38 =	vimm.s32 $0x0  }
0x203: {  	v39 =	vimm.s32 $0x0;
	[tilespmem:$0x1FF10] =	vst v17;
	v17 =	vsel vm8, $0xFFFFFFFF, v38  }
0x204: {  	v40 =	vimm.s32 $0x0;
	[tilespmem:$0x1FDB0] =	vst v17;
	v17 =	vsel vm9, $0xFFFFFFFF, v39;
	v15 =	vmin.f32 v15, v56  }
0x205: {  	[tilespmem:$0x1FDE0] =	vst v17;
	v17 =	vsel vm10, $0xFFFFFFFF, v40;
	vm9 =	veq.f32 v15, v0;
	vm10 =	veq.f32 v15, v1  }
0x206: {  	vm11 =	veq.f32 v15, v2;
	v8 =	vsel vm9, $0x7F800000, v8;
	v9 =	vsel vm10, $0x7F800000, v9  }
0x207: {  	vm12 =	veq.f32 v15, v3;
	v10 =	vsel vm11, $0x7F800000, v10;
	v57 =	vmin.f32 v8, v9  }
0x208: {  	vm13 =	veq.f32 v15, v4;
	v11 =	vsel vm12, $0x7F800000, v11;
	v16 =	vmin.f32 v57, v10  }
0x209: {  	vm14 =	veq.f32 v15, v5;
	v12 =	vsel vm13, $0x7F800000, v12;
	v16 =	vmin.f32 v16, v11  }
0x20a: {  	vm15 =	veq.f32 v15, v6;
	v13 =	vsel vm14, $0x7F800000, v13;
	v16 =	vmin.f32 v16, v12  }
0x20b: {  	v14 =	vsel vm15, $0x7F800000, v14;
	v58 =	vmin.f32 v16, v13  }
0x20c: {  	v15 =	vmin.f32 v58, v14  }
0x20d: {  	[tilespmem:$0x3000] =	vst v15  }
0x20e: {  	[tilespmem:$0x3010] =	vst v15  }
0x20f: {  	v59 =	vld [tilespmem:$0x3008];
	_ =	sdelay $0x4  }
0x210: {  	v15 =	vmin.f32 v15, v59  }
0x211: {  	[tilespmem:$0x3000] =	vst v15  }
0x212: {  	[tilespmem:$0x3010] =	vst v15  }
0x213: {  	v60 =	vld [tilespmem:$0x3004];
	_ =	sdelay $0x4  }
0x214: {  	v15 =	vmin.f32 v15, v60  }
0x215: {  	[tilespmem:$0x3000] =	vst v15  }
0x216: {  	[tilespmem:$0x3010] =	vst v15  }
0x217: {  	v61 =	vld [tilespmem:$0x3002];
	_ =	sdelay $0x4  }
0x218: {  	v15 =	vmin.f32 v15, v61  }
0x219: {  	[tilespmem:$0x3000] =	vst v15  }
0x21a: {  	[tilespmem:$0x3010] =	vst v15  }
0x21b: {  	v62 =	vld [tilespmem:$0x3001];
	_ =	sdelay $0x4  }
0x21c: {  	v15 =	vmin.f32 v15, v62  }
0x21d: {  	vm7 =	veq.f32 v8, v15;
	vm8 =	veq.f32 v9, v15  }
0x21e: {  	vm4 =	veq.f32 v10, v15;
	v63 =	vnsel vm7, $0x4E6E6B28, v0;
	v21 =	vnsel vm8, $0x4E6E6B28, v1  }
0x21f: {  	vm5 =	veq.f32 v11, v15;
	v22 =	vnsel vm4, $0x4E6E6B28, v2;
	v16 =	vmin.f32 v63, v21  }
0x220: {  	vm6 =	veq.f32 v12, v15;
	v23 =	vnsel vm5, $0x4E6E6B28, v3;
	v16 =	vmin.f32 v16, v22  }
0x221: {  	v24 =	vnsel vm6, $0x4E6E6B28, v4;
	vm7 =	veq.f32 v13, v15;
	v16 =	vmin.f32 v16, v23  }
0x222: {  	vm8 =	veq.f32 v14, v15;
	v25 =	vnsel vm7, $0x4E6E6B28, v5;
	v16 =	vmin.f32 v16, v24  }
0x223: {  	v15 =	vnsel vm8, $0x4E6E6B28, v6;
	v16 =	vmin.f32 v16, v25  }
0x224: {  	v15 =	vmin.f32 v16, v15  }
0x225: {  	[tilespmem:$0x3000] =	vst v15  }
0x226: {  	[tilespmem:$0x3010] =	vst v15  }
0x227: {  	v26 =	vld [tilespmem:$0x3008];
	_ =	sdelay $0x4  }
0x228: {  	v15 =	vmin.f32 v15, v26  }
0x229: {  	[tilespmem:$0x3000] =	vst v15  }
0x22a: {  	[tilespmem:$0x3010] =	vst v15  }
0x22b: {  	v27 =	vld [tilespmem:$0x3004];
	_ =	sdelay $0x4  }
0x22c: {  	v15 =	vmin.f32 v15, v27  }
0x22d: {  	[tilespmem:$0x3000] =	vst v15  }
0x22e: {  	[tilespmem:$0x3010] =	vst v15  }
0x22f: {  	v28 =	vld [tilespmem:$0x3002];
	_ =	sdelay $0x4  }
0x230: {  	v15 =	vmin.f32 v15, v28  }
0x231: {  	[tilespmem:$0x3000] =	vst v15  }
0x232: {  	[tilespmem:$0x3010] =	vst v15  }
0x233: {  	v29 =	vld [tilespmem:$0x3001];
	_ =	sdelay $0x4  }
0x234: {  	v15 =	vmin.f32 v15, v29  }
0x235: {  	vm2 =	veq.f32 v15, v0;
	vm3 =	veq.f32 v15, v1  }
0x236: {  	vm4 =	veq.f32 v15, v2;
	v8 =	vsel vm2, $0x7F800000, v8;
	v9 =	vsel vm3, $0x7F800000, v9  }
0x237: {  	vm5 =	veq.f32 v15, v3;
	v10 =	vsel vm4, $0x7F800000, v10;
	v30 =	vmin.f32 v8, v9  }
0x238: {  	vm6 =	veq.f32 v15, v4;
	v11 =	vsel vm5, $0x7F800000, v11;
	v16 =	vmin.f32 v30, v10  }
0x239: {  	vm7 =	veq.f32 v15, v5;
	v12 =	vsel vm6, $0x7F800000, v12;
	v16 =	vmin.f32 v16, v11  }
0x23a: {  	vm8 =	veq.f32 v15, v6;
	v13 =	vsel vm7, $0x7F800000, v13;
	v16 =	vmin.f32 v16, v12  }
0x23b: {  	v14 =	vsel vm8, $0x7F800000, v14;
	v31 =	vmin.f32 v16, v13  }
0x23c: {  	v15 =	vmin.f32 v31, v14  }
0x23d: {  	[tilespmem:$0x3000] =	vst v15  }
0x23e: {  	[tilespmem:$0x3010] =	vst v15  }
0x23f: {  	v32 =	vld [tilespmem:$0x3008];
	_ =	sdelay $0x4  }
0x240: {  	v15 =	vmin.f32 v15, v32  }
0x241: {  	[tilespmem:$0x3000] =	vst v15  }
0x242: {  	[tilespmem:$0x3010] =	vst v15  }
0x243: {  	v33 =	vld [tilespmem:$0x3004];
	_ =	sdelay $0x4  }
0x244: {  	v15 =	vmin.f32 v15, v33  }
0x245: {  	[tilespmem:$0x3000] =	vst v15  }
0x246: {  	[tilespmem:$0x3010] =	vst v15  }
0x247: {  	v34 =	vld [tilespmem:$0x3002];
	_ =	sdelay $0x4  }
0x248: {  	v15 =	vmin.f32 v15, v34  }
0x249: {  	[tilespmem:$0x3000] =	vst v15  }
0x24a: {  	[tilespmem:$0x3010] =	vst v15  }
0x24b: {  	v35 =	vld [tilespmem:$0x3001];
	_ =	sdelay $0x4  }
0x24c: {  	v15 =	vmin.f32 v15, v35  }
0x24d: {  	vm0 =	veq.f32 v8, v15;
	vm1 =	veq.f32 v9, v15  }
0x24e: {  	v8 =	vnsel vm0, $0x4E6E6B28, v0;
	v9 =	vnsel vm1, $0x4E6E6B28, v1;
	vm0 =	veq.f32 v10, v15  }
0x24f: {  	v10 =	vnsel vm0, $0x4E6E6B28, v2;
	v8 =	vmin.f32 v8, v9;
	vm0 =	veq.f32 v11, v15  }
0x250: {  	v36 =	vnsel vm0, $0x4E6E6B28, v3;
	v8 =	vmin.f32 v8, v10;
	vm0 =	veq.f32 v12, v15  }
0x251: {  	v37 =	vnsel vm0, $0x4E6E6B28, v4;
	v8 =	vmin.f32 v8, v36;
	vm0 =	veq.f32 v13, v15  }
0x252: {  	v38 =	vnsel vm0, $0x4E6E6B28, v5;
	v8 =	vmin.f32 v8, v37;
	vm0 =	veq.f32 v14, v15  }
0x253: {  	v39 =	vnsel vm0, $0x4E6E6B28, v6;
	v8 =	vmin.f32 v8, v38  }
0x254: {  	v8 =	vmin.f32 v8, v39  }
0x255: {  	[tilespmem:$0x3000] =	vst v8  }
0x256: {  	[tilespmem:$0x3010] =	vst v8  }
0x257: {  	v40 =	vld [tilespmem:$0x3008];
	_ =	sdelay $0x4  }
0x258: {  	v8 =	vmin.f32 v8, v40  }
0x259: {  	[tilespmem:$0x3000] =	vst v8  }
0x25a: {  	[tilespmem:$0x3010] =	vst v8  }
0x25b: {  	v41 =	vld [tilespmem:$0x3004];
	_ =	sdelay $0x4  }
0x25c: {  	v8 =	vmin.f32 v8, v41  }
0x25d: {  	[tilespmem:$0x3000] =	vst v8  }
0x25e: {  	[tilespmem:$0x3010] =	vst v8  }
0x25f: {  	v42 =	vld [tilespmem:$0x3002];
	_ =	sdelay $0x1  }
0x260: {  	v44 =	vld [tilespmem:$0x1FC80]  }
0x261: {  	v45 =	vld [tilespmem:$0x1FC90]  }
0x262: {  	v46 =	vld [tilespmem:$0x1FCA0]  }
0x263: {  	v47 =	vld [tilespmem:$0x1FCB0];
	v8 =	vmin.f32 v8, v42  }
0x264: {  	v48 =	vld [tilespmem:$0x1FCC0];
	[tilespmem:$0x3000] =	vst v8  }
0x265: {  	v49 =	vld [tilespmem:$0x1FCD0];
	[tilespmem:$0x3010] =	vst v8  }
0x266: {  	v43 =	vld [tilespmem:$0x3001]  }
0x267: {  	v50 =	vld [tilespmem:$0x1FCE0]  }
0x268: {  	v51 =	vld [tilespmem:$0x1FCF0]  }
0x269: {  	v52 =	vld [tilespmem:$0x1FD00]  }
0x26a: {  	v53 =	vld [tilespmem:$0x1FD10]  }
0x26b: {  	v54 =	vld [tilespmem:$0x1FD20];
	v8 =	vmin.f32 v8, v43  }
0x26c: {  	v55 =	vld [tilespmem:$0x1FD30];
	vm0 =	veq.f32 v8, v0;
	vm1 =	veq.f32 v8, v1  }
0x26d: {  	v56 =	vld [tilespmem:$0x1FD40];
	vm0 =	vmor vm0, vm2;
	vm1 =	vmor vm1, vm3  }
0x26e: {  	v57 =	vld [tilespmem:$0x1FD50];
	vm0 =	vmor vm0, vm9;
	vm9 =	vnez.u8 v44;
	vm1 =	vmor vm1, vm10  }
0x26f: {  	v58 =	vld [tilespmem:$0x1FD60];
	vm10 =	vnez.u8 v45;
	vm0 =	vmor vm0, vm9;
	vm9 =	vnez.u8 v46  }
0x270: {  	v60 =	vld [tilespmem:$0x1FD70];
	vm0 =	vmor vm0, vm10;
	vm1 =	vmor vm1, vm9;
	vm10 =	vnez.u8 v47  }
0x271: {  	v21 =	vld [tilespmem:$0x1FD80];
	vm9 =	vnez.u8 v48;
	vm0 =	vmor vm0, vm10;
	vm10 =	vnez.u8 v49  }
0x272: {  	v22 =	vld [tilespmem:$0x1FD90];
	vm1 =	vmor vm1, vm9;
	vm9 =	vnez.u8 v50;
	vm0 =	vmor vm0, vm10  }
0x273: {  	v23 =	vld [tilespmem:$0x1FDA0];
	vm1 =	vmor vm1, vm9;
	vm10 =	vnez.u8 v51;
	vm9 =	vnez.u8 v52  }
0x274: {  	v24 =	vld [tilespmem:$0x1FDB0];
	vm0 =	vmor vm0, vm10;
	vm1 =	vmor vm1, vm9;
	vm10 =	vnez.u8 v53  }
0x275: {  	v25 =	vld [tilespmem:$0x1FDC0];
	vm9 =	vnez.u8 v54;
	vm0 =	vmor vm0, vm10;
	vm10 =	vnez.u8 v55  }
0x276: {  	v26 =	vld [tilespmem:$0x1FDD0];
	vm1 =	vmor vm1, vm9;
	vm9 =	vnez.u8 v56;
	vm0 =	vmor vm0, vm10  }
0x277: {  	v27 =	vld [tilespmem:$0x1FDE0];
	vm1 =	vmor vm1, vm9;
	vm10 =	vnez.u8 v57;
	vm9 =	vnez.u8 v58  }
0x278: {  	v28 =	vld [tilespmem:$0x1FDF0];
	vm1 =	vmor vm1, vm10;
	vm2 =	vmor vm0, vm9  }
0x279: {  	v29 =	vld [tilespmem:$0x1FE00];
	vm10 =	vnez.u8 v60;
	vm9 =	veq.f32 v8, v2;
	v61 =	vsel vm0, $0x3F800000, v7  }
0x27a: {  	v30 =	vld [tilespmem:$0x1FE10];
	v59 =	vsel vm2, $0x3F800000, v7;
	vm2 =	vmor vm1, vm10;
	vm10 =	vmor vm9, vm4  }
0x27b: {  	v31 =	vld [tilespmem:$0x1FE20];
	v63 =	vsel vm1, $0x3F800000, v7;
	vm4 =	veq.f32 v8, v3;
	vm9 =	vnez.u8 v21  }
0x27c: {  	v32 =	vld [tilespmem:$0x1FE30];
	v62 =	vsel vm2, $0x3F800000, v7;
	vm0 =	vmor vm10, vm11;
	vm1 =	vmor vm4, vm5  }
0x27d: {  	v33 =	vld [tilespmem:$0x1FE40];
	vm10 =	veq.f32 v8, v4;
	vm11 =	vnez.u8 v22;
	vm0 =	vmor vm0, vm9  }
0x27e: {  	v34 =	vld [tilespmem:$0x1FE50];
	vm1 =	vmor vm1, vm12;
	vm2 =	vmor vm10, vm6;
	vm12 =	vnez.u8 v23  }
0x27f: {  	v35 =	vld [tilespmem:$0x1FE60];
	vm6 =	vnez.u8 v24;
	vm9 =	vnez.u8 v25;
	vm10 =	vnez.u8 v26  }
0x280: {  	v36 =	vld [tilespmem:$0x1FE70];
	vm0 =	vmor vm0, vm11;
	vm1 =	vmor vm1, vm6;
	vm2 =	vmor vm2, vm13  }
0x281: {  	v37 =	vld [tilespmem:$0x1FE80];
	vm11 =	vnez.u8 v27;
	vm13 =	vnez.u8 v29;
	vm6 =	vnez.u8 v30  }
0x282: {  	v41 =	vld [tilespmem:$0x1FEB0];
	vm0 =	vmor vm0, vm12;
	vm1 =	vmor vm1, vm10;
	vm2 =	vmor vm2, vm11  }
0x283: {  	s15 =	smulhi.u32 $0x51EB851F, s12;
	v38 =	vld [tilespmem:$0x1FE90];
	vm12 =	vnez.u8 v28;
	vm10 =	vnez.u8 v32;
	vm0 =	vmor vm0, vm9  }
0x284: {  	v39 =	vld [tilespmem:$0x1FEA0];
	vm1 =	vmor vm1, vm13;
	vm9 =	vnez.u8 v31;
	vm13 =	vnez.u8 v35  }
0x285: {  	s15 =	sshrl.u32 s15, $0x5;
	v42 =	vld [tilespmem:$0x1FEC0];
	vm0 =	vmor vm0, vm12;
	vm1 =	vmor vm1, vm10;
	vm12 =	vnez.u8 v34  }
0x286: {  	s15 =	smul.u32 $0x64, s15;
	v44 =	vld [tilespmem:$0x1FED0];
	vm0 =	vmor vm0, vm9;
	vm1 =	vmor vm1, vm13;
	vm9 =	vnez.u8 v37  }
0x287: {  	[tilespmem:$0x1FF00] =	vst v17;
	v45 =	vld [tilespmem:$0x1FEE0];
	vm0 =	vmor vm0, vm12;
	vm1 =	vmor vm1, vm9;
	vm12 =	vnez.u8 v41  }
0x288: {  	s15 =	ssub.s32 s12, s15;
	vm9 =	veq.f32 v8, v5;
	vm1 =	vmor vm1, vm12;
	vm12 =	veq.f32 v8, v6;
	v8 =	vld [tilespmem:$0x1FF00]  }
0x289: {  	s15 =	scvt.s32.f32 s15;
	v48 =	vld [tilespmem:$0x1FEF0];
	vm11 =	vnez.u8 v33;
	vm2 =	vmor vm2, vm6  }
0x28a: {  	vm6 =	vnez.u8 v36;
	vm2 =	vmor vm2, vm11  }
0x28b: {  	v50 =	vmov s15;
	vm10 =	vnez.u8 v38;
	vm2 =	vmor vm2, vm6  }
0x28c: {  	vm4 =	vnez.u8 v44;
	vm13 =	vnez.u8 v42;
	vm2 =	vmor vm2, vm10  }
0x28d: {  	vm11 =	vnez.u8 v39;
	vm2 =	vmor vm2, vm13;
	vm13 =	vnez.u8 v8;
	v8 =	vld [tilespmem:$0x1FF10]  }
0x28e: {  	vm5 =	vnez.u8 v45;
	vm6 =	vnez.u8 v48;
	vm3 =	vmor vm0, vm11  }
0x28f: {  	v43 =	vsel vm0, $0x3F800000, v7;
	vm10 =	vmor vm9, vm7;
	vm0 =	vmor vm2, vm4  }
0x290: {  	vm2 =	vmor vm1, vm5;
	v47 =	vsel vm1, $0x3F800000, v7;
	vm1 =	vmor vm0, vm6  }
0x291: {  	v19 =	vsel vm0, $0x3F800000, v7;
	vm0 =	vmor vm10, vm14;
	vm14 =	veq.f32 v50, v1  }
0x292: {  	vm6 =	vnez.u8 v8;
	v8 =	vsel vm14, $0xBF800000, v62  }
0x293: {  	[tilespmem:s14+$0x1010] =	vst v8;
	v8 =	vld [tilespmem:$0x1FF40];
	_ =	sdelay $0x4  }
0x294: {  	vm10 =	vnez.u8 v8;
	v8 =	vld [tilespmem:$0x1FF50];
	_ =	sdelay $0x3  }
0x295: {  	vm11 =	veq.f32 v50, v0;
	vm9 =	veq.f32 v50, v2;
	v40 =	vsel vm3, $0x3F800000, v7  }
0x296: {  	v9 =	vsel vm11, $0xBF800000, v59;
	vm11 =	vnez.u8 v8;
	v8 =	vsel vm9, $0xBF800000, v40  }
0x297: {  	[tilespmem:s14+$0x1020] =	vst v8;
	v8 =	vld [tilespmem:$0x1FF80]  }
0x298: {  	v51 =	vld [tilespmem:$0x1FF20]  }
0x299: {  	v52 =	vld [tilespmem:$0x1FF30]  }
0x29a: {  	v53 =	vld [tilespmem:$0x1FF60]  }
0x29b: {  	v54 =	vld [tilespmem:$0x1FF70];
	v49 =	vsel vm1, $0x3F800000, v7;
	vm1 =	vmor vm12, vm8  }
0x29c: {  	vm1 =	vmor vm1, vm15;
	vm15 =	vnez.u8 v8;
	v8 =	vld [tilespmem:$0x1FF90]  }
0x29d: {  	v56 =	vld [tilespmem:$0x1FFB0]  }
0x29e: {  	v55 =	vld [tilespmem:$0x1FFA0];
	vm7 =	vnez.u8 v51  }
0x29f: {  	v59 =	vld [tilespmem:$0x1FFE0];
	v46 =	vsel vm2, $0x3F800000, v7;
	vm8 =	vnez.u8 v52;
	vm0 =	vmor vm0, vm13  }
0x2a0: {  	v57 =	vld [tilespmem:$0x1FFD0];
	vm12 =	vnez.u8 v53;
	vm14 =	veq.f32 v50, v3;
	vm0 =	vmor vm0, vm6  }
0x2a1: {  	vm0 =	vmor vm0, vm7;
	vm6 =	vnez.u8 v8;
	v8 =	vsel vm14, $0xBF800000, v46  }
0x2a2: {  	vm1 =	vmor vm1, vm8;
	vm8 =	vnez.u8 v56;
	vm0 =	vmor vm0, vm10;
	[tilespmem:s14+$0x1030] =	vst v8;
	v8 =	vld [tilespmem:$0x1FFC0]  }
0x2a3: {  	[tilespmem:s14+$0x2000] =	vst v61;
	vm13 =	vnez.u8 v54;
	vm7 =	vnez.u8 v55;
	vm0 =	vmor vm0, vm12  }
0x2a4: {  	v60 =	vld [tilespmem:$0x1FFF0];
	[tilespmem:s14+$0x2010] =	vst v63;
	vm12 =	vnez.u8 v59;
	vm9 =	veq.f32 v50, v4;
	vm1 =	vmor vm1, vm11  }
0x2a5: {  	[tilespmem:s14+$0x2020] =	vst v43;
	vm11 =	vnez.u8 v57;
	vm1 =	vmor vm1, vm13;
	vm0 =	vmor vm0, vm15  }
0x2a6: {  	[tilespmem:s14+$0x1000] =	vst v9;
	vm13 =	veq.f32 v50, v5;
	vm0 =	vmor vm0, vm7;
	vm1 =	vmor vm1, vm6  }
0x2a7: {  	[tilespmem:s14+$0x2030] =	vst v47;
	vm2 =	vmor vm0, vm11;
	vm1 =	vmor vm1, vm8;
	vm10 =	vnez.u8 v8  }
0x2a8: {  	p0 =	sne.s32 s13, $0x3E00;
	[tilespmem:s14+$0x2040] =	vst v19;
	v61 =	vsel vm0, $0x3F800000, v7;
	v58 =	vsel vm2, $0x3F800000, v7;
	vm1 =	vmor vm1, vm10  }
.Ltmp0:
0x2a9: {  	[tilespmem:s14+$0x2050] =	vst v61;
	vm14 =	vnez.u8 v60;
	v8 =	vsel vm9, $0xBF800000, v49;
	vm1 =	vmor vm1, vm12;
	(pc) =	sbr.rel @p0 .LBB2_2-.Ltmp0, $4  }
0x2aa: {  	[tilespmem:s14+$0x1040] =	vst v8;
	v8 =	vsel vm13, $0xBF800000, v58;
	vm2 =	vmor vm1, vm14  }
0x2ab: {  	vm15 =	veq.f32 v50, v6;
	[tilespmem:s14+$0x1050] =	vst v8;
	v63 =	vsel vm1, $0x3F800000, v7;
	v62 =	vsel vm2, $0x3F800000, v7  }
0x2ac: {  	[tilespmem:s14+$0x2060] =	vst v63;
	v8 =	vsel vm15, $0xBF800000, v62  }
0x2ad: {  	s13 =	sadd.s32 $0x200, s13;
	s12 =	sadd.s32 $0x1, s12;
	[tilespmem:s14+$0x1060] =	vst v8  }
0x2ae: {  	[hbm4b:s5+s2] =	stream.linear.scatter [tilespmem:s9], [sflag:$0x1], $0x1000, $0x38;
	[tilespmem:$0x3080] =	vst v63  }
0x2af: {  	s11 =	sadd.s32 $0x1, s11;
	_ =	swait.ge [sflag:s8], $0x1000  }
0x2b0: {  	p0 =	sne.s32 s11, s7;
	[sflag:s8] =	ssyncset.done $0x0  }
.Ltmp1:
0x2b1: {  	[sflag:s8] =	ssyncadd.s32 $0xFFFFF000;
	(pc) =	sbr.rel @p0 .LBB2_1-.Ltmp1, $4  }
0x2b2: {  	[hbm4b:s6+s2] =	stream.linear.scatter [tilespmem:s10], [sflag:$0x1], $0x1000, $0x38;
	[tilespmem:$0x3080] =	vst v63  }
0x2b3: {  	_ =	swait.ge [sflag:s8], $0x1000  }
0x2b4: {  	[sflag:s8] =	ssyncset.done $0x0  }
0x2b5: {  	[sflag:s8] =	ssyncadd.s32 $0xFFFFF000  }
0x2b6: {  	_ =	sfence.sel $0x180000  }
0x2b7: {  	[bflag:$0x0] =	sbarrier.arrive $0xFFFF  }
0x2b8: {  	p0 =	sne.s32 s0, $0x0;
	_ =	strace $0x90000047  }
0x2b9: {  	s0 =	sadd.s32 @!p0 $0x100000, s1;
	[bflag:$0x2] =	sbarrier.arrive $0xFFFF  }
0x2ba: {  	[sflag:s0] =	ssyncadd.tile.s32 @!p0 $0x1;
	_ =	shalt  }
.Lfunc_end2:
_tile_overlayer_lowered:
.L_overlay_start_2:
0x2bb: {  	(tag) =	ssettag $0x2  }
0x2bc: {  	s0 =	rddreg [dreg:$0x0];
	s2 =	stileid.u32  }
0x2bd: {  	s1 =	rddreg [dreg:$0x1];
	p0 =	sne.s32 s2, $0x0  }
0x2be: {  	s3 =	rddreg [dreg:$0x2];
	[bflag:$0x3] =	sbarrier.arrive $0xFFFF;
	s2 =	simm.s32 @!p0 $0x1C01  }
0x2bf: {  	[timem:s3], [sflag:s2] =	dma.local @!p0 [hbm:s0], s1  }
0x2c0: {  	s0 =	simm.s32 @!p0 $0x1  }
0x2c1: {  	_ =	swait.ge @!p0 [sflag:s0], s1  }
0x2c2: {  	s1 =	ssub.s32 @!p0 $0x0, s1;
	[sflag:s0] =	ssyncset.done @!p0 $0x0  }
0x2c3: {  	[sflag:s0] =	ssyncadd.s32 @!p0 s1  }
0x2c4: {  	[bflag:$0x3] =	sbarrier.arrive $0xFFFF  }
0x2c5: {  	_ =	shalt  }

</sc_bundles>
